<compile_context>
chip_gen: v7x
topology: tpu7x:2x2x1
jax: 0.10.2.dev20260603
libtpu: 0.0.44.dev20260713+nightly
codegen_flags: <defaults>
</compile_context>

<pallas_src>
import functools

import jax
import jax.numpy as jnp
from jax import lax
from jax.experimental import pallas as pl
from jax.experimental.pallas import tpu as pltpu
from jax.experimental.pallas import tpu_sc as plsc

N = 10000
E = 320000
K = 3

NC = 2
NS = 16
LANES = 16

CHUNK = 128
ACC_ROWS = N + 16
ZROWS = 312
WRITE_ROWS = 624

EPC_F = 20096
E_PAD_F = EPC_F * NS
NCH_F = EPC_F // CHUNK

EPC_E = 10112
E_PAD_E = EPC_E * NC * NS
NCH_E = EPC_E // CHUNK


def _mesh():
  return plsc.VectorSubcoreMesh(core_axis_name="c", subcore_axis_name="s")


def _zero_acc(zero_hbm, acc, s):
  base = s * WRITE_ROWS
  pltpu.sync_copy(zero_hbm, acc.at[pl.ds(base, ZROWS), :])
  pltpu.sync_copy(zero_hbm, acc.at[pl.ds(base + ZROWS, ZROWS), :])

  @pl.when(s == NS - 1)
  def _():
    pltpu.sync_copy(zero_hbm.at[pl.ds(0, 32), :],
                    acc.at[pl.ds(NS * WRITE_ROWS, 32), :])


def _write_out(acc, out_ref, s):
  n0 = s * WRITE_ROWS
  pltpu.sync_copy(acc.at[pl.ds(n0, WRITE_ROWS), :],
                  out_ref.at[pl.ds(n0, WRITE_ROWS), :])

  @pl.when(s == NS - 1)
  def _():
    tail = NS * WRITE_ROWS
    pltpu.sync_copy(acc.at[pl.ds(tail, N - tail), :],
                    out_ref.at[pl.ds(tail, N - tail), :])


def _propagate_fsplit(u2, srcs, dsts):
  fh = 128
  zeros_hbm = jnp.zeros((ZROWS, fh), jnp.float32)

  @functools.partial(
      pl.kernel,
      out_type=jax.ShapeDtypeStruct((2 * N, fh), jnp.float32),
      mesh=_mesh(),
      scratch_types=[
          pltpu.VMEM((CHUNK,), jnp.int32),
          pltpu.VMEM((CHUNK,), jnp.int32),
          pltpu.VMEM((CHUNK,), jnp.int32),
          pltpu.VMEM((CHUNK, fh), jnp.float32),
          pltpu.VMEM_SHARED((ACC_ROWS, fh), jnp.float32),
          pltpu.SemaphoreType.DMA,
      ],
  )
  def prop_kernel(u_hbm, src_hbm, dst_hbm, zero_hbm, out_hbm,
                  sidx, didx, gidx, gbuf, acc, sem):
    c = lax.axis_index("c")
    s = lax.axis_index("s")
    _zero_acc(zero_hbm, acc, s)
    plsc.subcore_barrier()

    row_base = c * N

    def chunk_body(ch, _):
      e0 = s * EPC_F + ch * CHUNK
      pltpu.sync_copy(src_hbm.at[pl.ds(e0, CHUNK)], sidx)
      pltpu.sync_copy(dst_hbm.at[pl.ds(e0, CHUNK)], didx)
      for j in range(CHUNK // LANES):
        sl = pl.ds(j * LANES, LANES)
        gidx[sl] = sidx[sl] + row_base
      pltpu.async_copy(u_hbm.at[gidx], gbuf, sem).wait()
      pltpu.sync_copy(gbuf, acc.at[didx], add=True)
      return 0

    lax.fori_loop(0, NCH_F, chunk_body, 0)
    plsc.subcore_barrier()
    _write_out(acc, out_hbm.at[pl.ds(row_base, N), :], s)

  return prop_kernel(u2, srcs, dsts, zeros_hbm)


def _propagate_esplit(u, srcs, dsts):
  fh = 128
  zeros_hbm = jnp.zeros((ZROWS, fh), jnp.float32)

  @functools.partial(
      pl.kernel,
      out_type=jax.ShapeDtypeStruct((NC, N, fh), jnp.float32),
      mesh=_mesh(),
      scratch_types=[
          pltpu.VMEM((CHUNK,), jnp.int32),
          pltpu.VMEM((CHUNK,), jnp.int32),
          pltpu.VMEM((CHUNK, fh), jnp.float32),
          pltpu.VMEM_SHARED((ACC_ROWS, fh), jnp.float32),
          pltpu.SemaphoreType.DMA,
      ],
  )
  def prop_kernel(u_hbm, src_hbm, dst_hbm, zero_hbm, out_hbm,
                  sidx, didx, gbuf, acc, sem):
    c = lax.axis_index("c")
    s = lax.axis_index("s")
    _zero_acc(zero_hbm, acc, s)
    plsc.subcore_barrier()

    def chunk_body(ch, _):
      e0 = (c * NS + s) * EPC_E + ch * CHUNK
      pltpu.sync_copy(src_hbm.at[pl.ds(e0, CHUNK)], sidx)
      pltpu.sync_copy(dst_hbm.at[pl.ds(e0, CHUNK)], didx)
      pltpu.async_copy(u_hbm.at[sidx], gbuf, sem).wait()
      pltpu.sync_copy(gbuf, acc.at[didx], add=True)
      return 0

    lax.fori_loop(0, NCH_E, chunk_body, 0)
    plsc.subcore_barrier()
    _write_out(acc, out_hbm.at[c], s)

  return prop_kernel(u, srcs, dsts, zeros_hbm)


def _degrees(dsts):
  fh = 128
  zeros_hbm = jnp.zeros((ZROWS, fh), jnp.float32)
  ones_hbm = jnp.ones((CHUNK, fh), jnp.float32)

  @functools.partial(
      pl.kernel,
      out_type=jax.ShapeDtypeStruct((NC, N, fh), jnp.float32),
      mesh=_mesh(),
      scratch_types=[
          pltpu.VMEM((CHUNK,), jnp.int32),
          pltpu.VMEM((CHUNK, fh), jnp.float32),
          pltpu.VMEM_SHARED((ACC_ROWS, fh), jnp.float32),
      ],
  )
  def deg_kernel(dst_hbm, zero_hbm, one_hbm, out_hbm, didx, gbuf, acc):
    c = lax.axis_index("c")
    s = lax.axis_index("s")
    _zero_acc(zero_hbm, acc, s)
    pltpu.sync_copy(one_hbm, gbuf)
    plsc.subcore_barrier()

    def chunk_body(ch, _):
      e0 = (c * NS + s) * EPC_E + ch * CHUNK
      pltpu.sync_copy(dst_hbm.at[pl.ds(e0, CHUNK)], didx)
      pltpu.sync_copy(gbuf, acc.at[didx], add=True)
      return 0

    lax.fori_loop(0, NCH_E, chunk_body, 0)
    plsc.subcore_barrier()
    _write_out(acc, out_hbm.at[c], s)

  return deg_kernel(dsts, zeros_hbm, ones_hbm)


def _matmul(a, w, b, relu):
  m, kd = a.shape
  fout = w.shape[1]
  bm = 1024

  def body(a_ref, w_ref, b_ref, o_ref):
    acc = jnp.dot(a_ref[...], w_ref[...],
                  preferred_element_type=jnp.float32) + b_ref[...]
    if relu:
      acc = jnp.maximum(acc, 0.0)
    o_ref[...] = acc

  return pl.pallas_call(
      body,
      grid=(pl.cdiv(m, bm),),
      in_specs=[
          pl.BlockSpec((bm, kd), lambda i: (i, 0)),
          pl.BlockSpec((kd, fout), lambda i: (0, 0)),
          pl.BlockSpec((1, fout), lambda i: (0, 0)),
      ],
      out_specs=pl.BlockSpec((bm, fout), lambda i: (i, 0)),
      out_shape=jax.ShapeDtypeStruct((m, fout), jnp.float32),
  )(a, w, b.reshape(1, fout))


def _to_split(t):
  n, f = t.shape
  return t.reshape(n, 2, f // 2).transpose(1, 0, 2).reshape(2 * n, f // 2)


def _from_split(t2):
  n2, fh = t2.shape
  n = n2 // 2
  return t2.reshape(2, n, fh).transpose(1, 0, 2).reshape(n, 2 * fh)


def _pad_edges(src, dst, e_pad):
  pad = e_pad - E
  srcs = jnp.concatenate([src, jnp.zeros((pad,), jnp.int32)])
  dsts = jnp.concatenate([dst, jnp.full((pad,), N, jnp.int32)])
  return srcs, dsts


def kernel(x, edge_index, W1, b1, W2, b2, Wmu, bmu, Wls, bls):
  src = edge_index[0].astype(jnp.int32)
  dst = edge_index[1].astype(jnp.int32)
  srcs_f, dsts_f = _pad_edges(src, dst, E_PAD_F)
  srcs_e, dsts_e = _pad_edges(src, dst, E_PAD_E)

  deg = _degrees(dsts_e).sum(axis=0)[:, 0]
  dinv = jnp.where(deg > 0, lax.rsqrt(jnp.maximum(deg, 1e-12)), 0.0)
  dcol = dinv[:, None]
  dsc = dinv[None, :, None]

  def S128(t):
    p = _propagate_esplit(dcol * t, srcs_e, dsts_e).sum(axis=0)
    return dcol * p

  def S256(t2):
    u = (t2.reshape(2, N, 128) * dsc).reshape(2 * N, 128)
    p = _propagate_fsplit(u, srcs_f, dsts_f)
    return (p.reshape(2, N, 128) * dsc).reshape(2 * N, 128)

  h1 = S128(x)
  h2 = S128(h1)
  h3 = S128(h2)
  a1 = jnp.concatenate([x, h1, h2, h3], axis=1)
  w1cat = W1.reshape((K + 1) * 128, 512)
  g1 = _matmul(a1, w1cat, b1, relu=True)

  w2cat = jnp.concatenate([W2[k] for k in range(K + 1)], axis=1)
  y = _matmul(g1, w2cat, jnp.zeros((1024,), jnp.float32), relu=False)
  y0, y1, y2_, y3 = (y[:, 256 * k:256 * (k + 1)] for k in range(4))
  t = S256(_to_split(y3))
  t = S256(_to_split(y2_) + t)
  t = S256(_to_split(y1) + t)
  g2 = jax.nn.relu(y0 + _from_split(t) + b2)

  whcat = jnp.concatenate(
      [jnp.concatenate([Wmu[k], Wls[k]], axis=1) for k in range(K + 1)],
      axis=1)
  z = _matmul(g2, whcat, jnp.zeros((512,), jnp.float32), relu=False)
  z0, z1, z2, z3 = (z[:, 128 * k:128 * (k + 1)] for k in range(4))
  t = S128(z3)
  t = S128(z2 + t)
  t = S128(z1 + t)
  out = z0 + t
  mu = out[:, :64] + bmu
  logstd = out[:, 64:] + bls

  std = jnp.exp(logstd)
  eps = jax.random.normal(jax.random.key(42), std.shape, dtype=std.dtype)
  zlat = eps * std + mu
  return (mu, logstd, zlat)

# --- scband reference (transcript-rebuilt; emitter-appended) ---
"""Pipeline reference for scband-vgaeencoder-atac-pro-59081570123789 (READ-ONLY COPY).

The authoritative reference and input builder live on the scoring server;
editing this copy changes nothing except your own understanding.
"""

import jax, jax.numpy as jnp
import numpy as np

N = 10000
E = 320000
IN_CH = 128
HID = 256
LAT = 64
K = 3


def _init_tag(key, fin, fout):
    k1, _ = jax.random.split(key)
    W = jax.random.normal(k1, (K + 1, fin, fout), dtype=jnp.float32) * 0.05
    b = jnp.zeros((fout,), dtype=jnp.float32)
    return W, b


def setup_inputs(seed: int = 0) -> dict:
    key = jax.random.key(seed)
    ks = jax.random.split(key, 8)
    x = jax.random.normal(ks[0], (N, IN_CH), dtype=jnp.float32)
    edge_index = jax.random.randint(ks[1], (2, E), 0, N, dtype=jnp.int32)
    W1, b1 = _init_tag(ks[2], IN_CH, 512)
    W2, b2 = _init_tag(ks[3], 512, HID)
    Wmu, bmu = _init_tag(ks[4], HID, LAT)
    Wls, bls = _init_tag(ks[5], HID, LAT)
    return {"x": x, "edge_index": edge_index, "W1": W1, "b1": b1, "W2": W2, "b2": b2,
            "Wmu": Wmu, "bmu": bmu, "Wls": Wls, "bls": bls}


def _tag_conv(x, src, dst, W, b):
    # TAGConv (PyG default K=3, sym gcn_norm without self loops):
    # out = sum_{k=0..K} (D^{-1/2} A D^{-1/2})^k x @ W_k + b
    deg = jax.ops.segment_sum(jnp.ones_like(dst, dtype=x.dtype), dst, num_segments=N)
    dinv = jnp.where(deg > 0, jax.lax.rsqrt(jnp.maximum(deg, 1e-12)), 0.0)
    norm = dinv[src] * dinv[dst]
    out = x @ W[0]
    h = x
    for k in range(1, K + 1):
        h = jax.ops.segment_sum(norm[:, None] * h[src], dst, num_segments=N)
        out = out + h @ W[k]
    return out + b


def reference(x, edge_index, W1, b1, W2, b2, Wmu, bmu, Wls, bls):
    src = edge_index[0]
    dst = edge_index[1]
    h = jax.nn.relu(_tag_conv(x, src, dst, W1, b1))
    h = jax.nn.relu(_tag_conv(h, src, dst, W2, b2))
    mu = _tag_conv(h, src, dst, Wmu, bmu)
    logstd = _tag_conv(h, src, dst, Wls, bls)
    std = jnp.exp(logstd)
    eps = jax.random.normal(jax.random.key(42), std.shape, dtype=std.dtype)
    z = eps * std + mu
    return (mu, logstd, z)

if __name__ == "__main__":
    import jax
    _d = setup_inputs()
    print(jax.jit(kernel)(*tuple(_d.values())))

</pallas_src>

<mosaic_0001>
#map = affine_map<(d0, d1) -> (0, 0)>
#map1 = affine_map<(d0, d1) -> (0)>
#map2 = affine_map<(d0, d1) -> (0, 0, 0)>
module attributes {stable_mosaic.version = 14 : i64} {
  func.func @prop_kernel(%arg0: i32, %arg1: i32, %arg2: memref<10000x128xf32, #tpu.memory_space<hbm>>, %arg3: memref<323584xi32, #tpu.memory_space<hbm>>, %arg4: memref<323584xi32, #tpu.memory_space<hbm>>, %arg5: memref<312x128xf32, #tpu.memory_space<hbm>>, %arg6: memref<2x10000x128xf32, #tpu.memory_space<hbm>>, %arg7: memref<128xi32, #tpu.memory_space<vmem>>, %arg8: memref<128xi32, #tpu.memory_space<vmem>>, %arg9: memref<128x128xf32, #tpu.memory_space<vmem>>, %arg10: memref<10016x128xf32, #tpu.memory_space<vmem_shared>>, %arg11: memref<!tpu.dma_semaphore, #tpu.memory_space<semaphore_mem>>) attributes {dimension_semantics = [#tpu.dimension_semantics<core_parallel>, #tpu.dimension_semantics<subcore_parallel>], iteration_bounds = array<i64: 2, 16>, scalar_prefetch = 0 : i64, scratch_operands = 5 : i64, tpu.core_type = #tpu.core_type<sc_vector_subcore>, window_params = [{transform_indices = #map}, {transform_indices = #map1}, {transform_indices = #map1}, {transform_indices = #map}, {transform_indices = #map2}]} {
    %mul3A = arith.constant 624 : i32
    %mul3A_0 = arith.muli %arg1, %mul3A : i32
    "tpu.region"() ({
      %run_scoped3A = tpu.sem_alloc : memref<!tpu.dma_semaphore, #tpu.memory_space<semaphore_mem>>
      %dma_start3A = arith.constant 0 : i32
      %dma_start3A_18 = tpu.memref_slice %arg10[%mul3A_0, %dma_start3A] : memref<10016x128xf32, #tpu.memory_space<vmem_shared>> -> memref<312x128xf32, #tpu.memory_space<vmem_shared>>
      tpu.enqueue_dma source(%arg5 : memref<312x128xf32, #tpu.memory_space<hbm>>) target(%dma_start3A_18 : memref<312x128xf32, #tpu.memory_space<vmem_shared>>) target_semaphore(%run_scoped3A : memref<!tpu.dma_semaphore, #tpu.memory_space<semaphore_mem>>)
      %dma_wait3A = arith.constant 0 : i32
      %dma_wait3A_19 = tpu.memref_slice %arg10[%mul3A_0, %dma_wait3A] : memref<10016x128xf32, #tpu.memory_space<vmem_shared>> -> memref<312x128xf32, #tpu.memory_space<vmem_shared>>
      tpu.wait_dma2 semaphore(%run_scoped3A : memref<!tpu.dma_semaphore, #tpu.memory_space<semaphore_mem>>) src(%arg5 : memref<312x128xf32, #tpu.memory_space<hbm>>) dst(%dma_wait3A_19 : memref<312x128xf32, #tpu.memory_space<vmem_shared>>)
      tpu.yield
    }) : () -> ()
    %add3A = arith.constant 312 : i32
    %add3A_1 = arith.addi %mul3A_0, %add3A : i32
    "tpu.region"() ({
      %run_scoped3A = tpu.sem_alloc : memref<!tpu.dma_semaphore, #tpu.memory_space<semaphore_mem>>
      %dma_start3A = arith.constant 0 : i32
      %dma_start3A_18 = tpu.memref_slice %arg10[%add3A_1, %dma_start3A] : memref<10016x128xf32, #tpu.memory_space<vmem_shared>> -> memref<312x128xf32, #tpu.memory_space<vmem_shared>>
      tpu.enqueue_dma source(%arg5 : memref<312x128xf32, #tpu.memory_space<hbm>>) target(%dma_start3A_18 : memref<312x128xf32, #tpu.memory_space<vmem_shared>>) target_semaphore(%run_scoped3A : memref<!tpu.dma_semaphore, #tpu.memory_space<semaphore_mem>>)
      %dma_wait3A = arith.constant 0 : i32
      %dma_wait3A_19 = tpu.memref_slice %arg10[%add3A_1, %dma_wait3A] : memref<10016x128xf32, #tpu.memory_space<vmem_shared>> -> memref<312x128xf32, #tpu.memory_space<vmem_shared>>
      tpu.wait_dma2 semaphore(%run_scoped3A : memref<!tpu.dma_semaphore, #tpu.memory_space<semaphore_mem>>) src(%arg5 : memref<312x128xf32, #tpu.memory_space<hbm>>) dst(%dma_wait3A_19 : memref<312x128xf32, #tpu.memory_space<vmem_shared>>)
      tpu.yield
    }) : () -> ()
    %eq3A = arith.constant 15 : i32
    %eq3A_2 = arith.cmpi eq, %arg1, %eq3A : i32
    %convert_element_type3A = arith.extui %eq3A_2 : i1 to i32
    %cond3A = arith.constant 0 : i32
    %cond3A_3 = arith.cmpi ne, %convert_element_type3A, %cond3A : i32
    scf.if %cond3A_3 {
      "tpu.region"() ({
        %run_scoped3A = tpu.sem_alloc : memref<!tpu.dma_semaphore, #tpu.memory_space<semaphore_mem>>
        %dma_start3A = arith.constant 9984 : i32
        %dma_start3A_18 = arith.constant 0 : i32
        %dma_start3A_19 = tpu.memref_slice %arg10[%dma_start3A, %dma_start3A_18] : memref<10016x128xf32, #tpu.memory_space<vmem_shared>> -> memref<32x128xf32, #tpu.memory_space<vmem_shared>>
        %dma_start3A_20 = arith.constant 0 : i32
        %dma_start3A_21 = arith.constant 0 : i32
        %dma_start3A_22 = tpu.memref_slice %arg5[%dma_start3A_20, %dma_start3A_21] : memref<312x128xf32, #tpu.memory_space<hbm>> -> memref<32x128xf32, #tpu.memory_space<hbm>>
        tpu.enqueue_dma source(%dma_start3A_22 : memref<32x128xf32, #tpu.memory_space<hbm>>) target(%dma_start3A_19 : memref<32x128xf32, #tpu.memory_space<vmem_shared>>) target_semaphore(%run_scoped3A : memref<!tpu.dma_semaphore, #tpu.memory_space<semaphore_mem>>)
        %dma_wait3A = arith.constant 9984 : i32
        %dma_wait3A_23 = arith.constant 0 : i32
        %dma_wait3A_24 = tpu.memref_slice %arg10[%dma_wait3A, %dma_wait3A_23] : memref<10016x128xf32, #tpu.memory_space<vmem_shared>> -> memref<32x128xf32, #tpu.memory_space<vmem_shared>>
        %dma_wait3A_25 = arith.constant 0 : i32
        %dma_wait3A_26 = arith.constant 0 : i32
        %dma_wait3A_27 = tpu.memref_slice %arg5[%dma_wait3A_25, %dma_wait3A_26] : memref<312x128xf32, #tpu.memory_space<hbm>> -> memref<32x128xf32, #tpu.memory_space<hbm>>
        tpu.wait_dma2 semaphore(%run_scoped3A : memref<!tpu.dma_semaphore, #tpu.memory_space<semaphore_mem>>) src(%dma_wait3A_27 : memref<32x128xf32, #tpu.memory_space<hbm>>) dst(%dma_wait3A_24 : memref<32x128xf32, #tpu.memory_space<vmem_shared>>)
        tpu.yield
      }) : () -> ()
    } else {
    }
    %barrier3A = arith.constant 0 : index
    tpu.barrier barrier_id(%barrier3A)
    %scan3A = arith.constant 0 : i32
    %scan3A_4 = arith.constant 0 : i32
    %scan3A_5 = arith.constant 79 : i32
    %scan3A_6 = arith.addi %scan3A_4, %scan3A_5 : i32
    %scan3A_7 = arith.constant 1 : i32
    %scan3A_8 = scf.for %scan3A_18 = %scan3A_4 to %scan3A_6 step %scan3A_7 iter_args(%scan3A_19 = %scan3A) -> (i32)  : i32 {
      %mul3A_20 = arith.constant 16 : i32
      %mul3A_21 = arith.muli %arg0, %mul3A_20 : i32
      %add3A_22 = arith.addi %mul3A_21, %arg1 : i32
      %mul3A_23 = arith.constant 10112 : i32
      %mul3A_24 = arith.muli %add3A_22, %mul3A_23 : i32
      %mul3A_25 = arith.constant 128 : i32
      %mul3A_26 = arith.muli %scan3A_18, %mul3A_25 : i32
      %add3A_27 = arith.addi %mul3A_24, %mul3A_26 : i32
      "tpu.region"() ({
        %run_scoped3A = tpu.sem_alloc : memref<!tpu.dma_semaphore, #tpu.memory_space<semaphore_mem>>
        %dma_start3A_33 = tpu.memref_slice %arg3[%add3A_27] : memref<323584xi32, #tpu.memory_space<hbm>> -> memref<128xi32, #tpu.memory_space<hbm>>
        %dma_start3A_34 = tpu.memref_slice %arg3[%add3A_27] : memref<323584xi32, #tpu.memory_space<hbm>> -> memref<128xi32, #tpu.memory_space<hbm>>
        tpu.enqueue_dma source(%dma_start3A_34 : memref<128xi32, #tpu.memory_space<hbm>>) target(%arg7 : memref<128xi32, #tpu.memory_space<vmem>>) target_semaphore(%run_scoped3A : memref<!tpu.dma_semaphore, #tpu.memory_space<semaphore_mem>>)
        %dma_wait3A_35 = tpu.memref_slice %arg3[%add3A_27] : memref<323584xi32, #tpu.memory_space<hbm>> -> memref<128xi32, #tpu.memory_space<hbm>>
        %dma_wait3A_36 = tpu.memref_slice %arg3[%add3A_27] : memref<323584xi32, #tpu.memory_space<hbm>> -> memref<128xi32, #tpu.memory_space<hbm>>
        tpu.wait_dma2 semaphore(%run_scoped3A : memref<!tpu.dma_semaphore, #tpu.memory_space<semaphore_mem>>) src(%dma_wait3A_36 : memref<128xi32, #tpu.memory_space<hbm>>) dst(%arg7 : memref<128xi32, #tpu.memory_space<vmem>>)
        tpu.yield
      }) : () -> ()
      "tpu.region"() ({
        %run_scoped3A = tpu.sem_alloc : memref<!tpu.dma_semaphore, #tpu.memory_space<semaphore_mem>>
        %dma_start3A_33 = tpu.memref_slice %arg4[%add3A_27] : memref<323584xi32, #tpu.memory_space<hbm>> -> memref<128xi32, #tpu.memory_space<hbm>>
        %dma_start3A_34 = tpu.memref_slice %arg4[%add3A_27] : memref<323584xi32, #tpu.memory_space<hbm>> -> memref<128xi32, #tpu.memory_space<hbm>>
        tpu.enqueue_dma source(%dma_start3A_34 : memref<128xi32, #tpu.memory_space<hbm>>) target(%arg8 : memref<128xi32, #tpu.memory_space<vmem>>) target_semaphore(%run_scoped3A : memref<!tpu.dma_semaphore, #tpu.memory_space<semaphore_mem>>)
        %dma_wait3A_35 = tpu.memref_slice %arg4[%add3A_27] : memref<323584xi32, #tpu.memory_space<hbm>> -> memref<128xi32, #tpu.memory_space<hbm>>
        %dma_wait3A_36 = tpu.memref_slice %arg4[%add3A_27] : memref<323584xi32, #tpu.memory_space<hbm>> -> memref<128xi32, #tpu.memory_space<hbm>>
        tpu.wait_dma2 semaphore(%run_scoped3A : memref<!tpu.dma_semaphore, #tpu.memory_space<semaphore_mem>>) src(%dma_wait3A_36 : memref<128xi32, #tpu.memory_space<hbm>>) dst(%arg8 : memref<128xi32, #tpu.memory_space<vmem>>)
        tpu.yield
      }) : () -> ()
      %dma_start3A = arith.constant 0 : i32
      %dma_start3A_28 = arith.constant 0 : i32
      %dma_start3A_29 = tpu.memref_slice %arg2[%dma_start3A, %dma_start3A_28] : memref<10000x128xf32, #tpu.memory_space<hbm>> -> memref<10000x128xf32, #tpu.memory_space<hbm>>
      tpu.enqueue_indirect_dma source(%dma_start3A_29 : memref<10000x128xf32, #tpu.memory_space<hbm>>) target(%arg9 : memref<128x128xf32, #tpu.memory_space<vmem>>) offsets(%arg7 : memref<128xi32, #tpu.memory_space<vmem>>) semaphore(%arg11 : memref<!tpu.dma_semaphore, #tpu.memory_space<semaphore_mem>>)
      %dma_wait3A = arith.constant 0 : i32
      %dma_wait3A_30 = arith.constant 0 : i32
      %dma_wait3A_31 = tpu.memref_slice %arg2[%dma_wait3A, %dma_wait3A_30] : memref<10000x128xf32, #tpu.memory_space<hbm>> -> memref<10000x128xf32, #tpu.memory_space<hbm>>
      tpu.wait_indirect_dma semaphore(%arg11 : memref<!tpu.dma_semaphore, #tpu.memory_space<semaphore_mem>>) src(%dma_wait3A_31 : memref<10000x128xf32, #tpu.memory_space<hbm>>) dst(%arg9 : memref<128x128xf32, #tpu.memory_space<vmem>>)
      "tpu.region"() ({
        %run_scoped3A = tpu.sem_alloc : memref<!tpu.dma_semaphore, #tpu.memory_space<semaphore_mem>>
        %dma_start3A_33 = arith.constant 0 : i32
        %dma_start3A_34 = arith.constant 0 : i32
        %dma_start3A_35 = tpu.memref_slice %arg10[%dma_start3A_33, %dma_start3A_34] : memref<10016x128xf32, #tpu.memory_space<vmem_shared>> -> memref<10016x128xf32, #tpu.memory_space<vmem_shared>>
        tpu.enqueue_indirect_dma source(%arg9 : memref<128x128xf32, #tpu.memory_space<vmem>>) target(%dma_start3A_35 : memref<10016x128xf32, #tpu.memory_space<vmem_shared>>) offsets(%arg8 : memref<128xi32, #tpu.memory_space<vmem>>) semaphore(%run_scoped3A : memref<!tpu.dma_semaphore, #tpu.memory_space<semaphore_mem>>) {add = true}
        %dma_wait3A_36 = arith.constant 0 : i32
        %dma_wait3A_37 = arith.constant 0 : i32
        %dma_wait3A_38 = tpu.memref_slice %arg10[%dma_wait3A_36, %dma_wait3A_37] : memref<10016x128xf32, #tpu.memory_space<vmem_shared>> -> memref<10016x128xf32, #tpu.memory_space<vmem_shared>>
        tpu.wait_indirect_dma semaphore(%run_scoped3A : memref<!tpu.dma_semaphore, #tpu.memory_space<semaphore_mem>>) src(%arg9 : memref<128x128xf32, #tpu.memory_space<vmem>>) dst(%dma_wait3A_38 : memref<10016x128xf32, #tpu.memory_space<vmem_shared>>)
        tpu.yield
      }) : () -> ()
      %scan3A_32 = arith.constant 0 : i32
      scf.yield %scan3A_32 : i32
    }
    %scan3A_9 = arith.constant 79 : i32
    %barrier3A_10 = arith.constant 0 : index
    tpu.barrier barrier_id(%barrier3A_10)
    %mul3A_11 = arith.constant 624 : i32
    %mul3A_12 = arith.muli %arg1, %mul3A_11 : i32
    "tpu.region"() ({
      %run_scoped3A = tpu.sem_alloc : memref<!tpu.dma_semaphore, #tpu.memory_space<semaphore_mem>>
      %dma_start3A = arith.constant 0 : i32
      %dma_start3A_18 = arith.constant 0 : i32
      %dma_start3A_19 = tpu.memref_slice %arg6[%arg0, %dma_start3A, %dma_start3A_18] : memref<2x10000x128xf32, #tpu.memory_space<hbm>> -> memref<1x10000x128xf32, #tpu.memory_space<hbm>>
      %dma_start3A_20 = tpu.memref_squeeze %dma_start3A_19 : memref<1x10000x128xf32, #tpu.memory_space<hbm>> -> memref<10000x128xf32, #tpu.memory_space<hbm>>
      %dma_start3A_21 = arith.constant 0 : i32
      %dma_start3A_22 = tpu.memref_slice %dma_start3A_20[%mul3A_12, %dma_start3A_21] : memref<10000x128xf32, #tpu.memory_space<hbm>> -> memref<624x128xf32, #tpu.memory_space<hbm>>
      %dma_start3A_23 = arith.constant 0 : i32
      %dma_start3A_24 = tpu.memref_slice %arg10[%mul3A_12, %dma_start3A_23] : memref<10016x128xf32, #tpu.memory_space<vmem_shared>> -> memref<624x128xf32, #tpu.memory_space<vmem_shared>>
      tpu.enqueue_dma source(%dma_start3A_24 : memref<624x128xf32, #tpu.memory_space<vmem_shared>>) target(%dma_start3A_22 : memref<624x128xf32, #tpu.memory_space<hbm>>) target_semaphore(%run_scoped3A : memref<!tpu.dma_semaphore, #tpu.memory_space<semaphore_mem>>)
      %dma_wait3A = arith.constant 0 : i32
      %dma_wait3A_25 = arith.constant 0 : i32
      %dma_wait3A_26 = tpu.memref_slice %arg6[%arg0, %dma_wait3A, %dma_wait3A_25] : memref<2x10000x128xf32, #tpu.memory_space<hbm>> -> memref<1x10000x128xf32, #tpu.memory_space<hbm>>
      %dma_wait3A_27 = tpu.memref_squeeze %dma_wait3A_26 : memref<1x10000x128xf32, #tpu.memory_space<hbm>> -> memref<10000x128xf32, #tpu.memory_space<hbm>>
      %dma_wait3A_28 = arith.constant 0 : i32
      %dma_wait3A_29 = tpu.memref_slice %dma_wait3A_27[%mul3A_12, %dma_wait3A_28] : memref<10000x128xf32, #tpu.memory_space<hbm>> -> memref<624x128xf32, #tpu.memory_space<hbm>>
      %dma_wait3A_30 = arith.constant 0 : i32
      %dma_wait3A_31 = tpu.memref_slice %arg10[%mul3A_12, %dma_wait3A_30] : memref<10016x128xf32, #tpu.memory_space<vmem_shared>> -> memref<624x128xf32, #tpu.memory_space<vmem_shared>>
      tpu.wait_dma2 semaphore(%run_scoped3A : memref<!tpu.dma_semaphore, #tpu.memory_space<semaphore_mem>>) src(%dma_wait3A_31 : memref<624x128xf32, #tpu.memory_space<vmem_shared>>) dst(%dma_wait3A_29 : memref<624x128xf32, #tpu.memory_space<hbm>>)
      tpu.yield
    }) : () -> ()
    %eq3A_13 = arith.constant 15 : i32
    %eq3A_14 = arith.cmpi eq, %arg1, %eq3A_13 : i32
    %convert_element_type3A_15 = arith.extui %eq3A_14 : i1 to i32
    %cond3A_16 = arith.constant 0 : i32
    %cond3A_17 = arith.cmpi ne, %convert_element_type3A_15, %cond3A_16 : i32
    scf.if %cond3A_17 {
      "tpu.region"() ({
        %run_scoped3A = tpu.sem_alloc : memref<!tpu.dma_semaphore, #tpu.memory_space<semaphore_mem>>
        %dma_start3A = arith.constant 0 : i32
        %dma_start3A_18 = arith.constant 0 : i32
        %dma_start3A_19 = tpu.memref_slice %arg6[%arg0, %dma_start3A, %dma_start3A_18] : memref<2x10000x128xf32, #tpu.memory_space<hbm>> -> memref<1x10000x128xf32, #tpu.memory_space<hbm>>
        %dma_start3A_20 = tpu.memref_squeeze %dma_start3A_19 : memref<1x10000x128xf32, #tpu.memory_space<hbm>> -> memref<10000x128xf32, #tpu.memory_space<hbm>>
        %dma_start3A_21 = arith.constant 9984 : i32
        %dma_start3A_22 = arith.constant 0 : i32
        %dma_start3A_23 = tpu.memref_slice %dma_start3A_20[%dma_start3A_21, %dma_start3A_22] : memref<10000x128xf32, #tpu.memory_space<hbm>> -> memref<16x128xf32, #tpu.memory_space<hbm>>
        %dma_start3A_24 = arith.constant 9984 : i32
        %dma_start3A_25 = arith.constant 0 : i32
        %dma_start3A_26 = tpu.memref_slice %arg10[%dma_start3A_24, %dma_start3A_25] : memref<10016x128xf32, #tpu.memory_space<vmem_shared>> -> memref<16x128xf32, #tpu.memory_space<vmem_shared>>
        tpu.enqueue_dma source(%dma_start3A_26 : memref<16x128xf32, #tpu.memory_space<vmem_shared>>) target(%dma_start3A_23 : memref<16x128xf32, #tpu.memory_space<hbm>>) target_semaphore(%run_scoped3A : memref<!tpu.dma_semaphore, #tpu.memory_space<semaphore_mem>>)
        %dma_wait3A = arith.constant 0 : i32
        %dma_wait3A_27 = arith.constant 0 : i32
        %dma_wait3A_28 = tpu.memref_slice %arg6[%arg0, %dma_wait3A, %dma_wait3A_27] : memref<2x10000x128xf32, #tpu.memory_space<hbm>> -> memref<1x10000x128xf32, #tpu.memory_space<hbm>>
        %dma_wait3A_29 = tpu.memref_squeeze %dma_wait3A_28 : memref<1x10000x128xf32, #tpu.memory_space<hbm>> -> memref<10000x128xf32, #tpu.memory_space<hbm>>
        %dma_wait3A_30 = arith.constant 9984 : i32
        %dma_wait3A_31 = arith.constant 0 : i32
        %dma_wait3A_32 = tpu.memref_slice %dma_wait3A_29[%dma_wait3A_30, %dma_wait3A_31] : memref<10000x128xf32, #tpu.memory_space<hbm>> -> memref<16x128xf32, #tpu.memory_space<hbm>>
        %dma_wait3A_33 = arith.constant 9984 : i32
        %dma_wait3A_34 = arith.constant 0 : i32
        %dma_wait3A_35 = tpu.memref_slice %arg10[%dma_wait3A_33, %dma_wait3A_34] : memref<10016x128xf32, #tpu.memory_space<vmem_shared>> -> memref<16x128xf32, #tpu.memory_space<vmem_shared>>
        tpu.wait_dma2 semaphore(%run_scoped3A : memref<!tpu.dma_semaphore, #tpu.memory_space<semaphore_mem>>) src(%dma_wait3A_35 : memref<16x128xf32, #tpu.memory_space<vmem_shared>>) dst(%dma_wait3A_32 : memref<16x128xf32, #tpu.memory_space<hbm>>)
        tpu.yield
      }) : () -> ()
    } else {
    }
    return
  }
}

#map = affine_map<(d0, d1) -> (0)>
#map1 = affine_map<(d0, d1) -> (0, 0)>
#map2 = affine_map<(d0, d1) -> (0, 0, 0)>
module attributes {stable_mosaic.version = 14 : i64} {
  func.func @deg_kernel(%arg0: i32, %arg1: i32, %arg2: memref<323584xi32, #tpu.memory_space<hbm>>, %arg3: memref<312x128xf32, #tpu.memory_space<hbm>>, %arg4: memref<128x128xf32, #tpu.memory_space<hbm>>, %arg5: memref<2x10000x128xf32, #tpu.memory_space<hbm>>, %arg6: memref<128xi32, #tpu.memory_space<vmem>>, %arg7: memref<128x128xf32, #tpu.memory_space<vmem>>, %arg8: memref<10016x128xf32, #tpu.memory_space<vmem_shared>>) attributes {dimension_semantics = [#tpu.dimension_semantics<core_parallel>, #tpu.dimension_semantics<subcore_parallel>], iteration_bounds = array<i64: 2, 16>, scalar_prefetch = 0 : i64, scratch_operands = 3 : i64, tpu.core_type = #tpu.core_type<sc_vector_subcore>, window_params = [{transform_indices = #map}, {transform_indices = #map1}, {transform_indices = #map1}, {transform_indices = #map2}]} {
    %mul3A = arith.constant 624 : i32
    %mul3A_0 = arith.muli %arg1, %mul3A : i32
    "tpu.region"() ({
      %run_scoped3A = tpu.sem_alloc : memref<!tpu.dma_semaphore, #tpu.memory_space<semaphore_mem>>
      %dma_start3A = arith.constant 0 : i32
      %dma_start3A_18 = tpu.memref_slice %arg8[%mul3A_0, %dma_start3A] : memref<10016x128xf32, #tpu.memory_space<vmem_shared>> -> memref<312x128xf32, #tpu.memory_space<vmem_shared>>
      tpu.enqueue_dma source(%arg3 : memref<312x128xf32, #tpu.memory_space<hbm>>) target(%dma_start3A_18 : memref<312x128xf32, #tpu.memory_space<vmem_shared>>) target_semaphore(%run_scoped3A : memref<!tpu.dma_semaphore, #tpu.memory_space<semaphore_mem>>)
      %dma_wait3A = arith.constant 0 : i32
      %dma_wait3A_19 = tpu.memref_slice %arg8[%mul3A_0, %dma_wait3A] : memref<10016x128xf32, #tpu.memory_space<vmem_shared>> -> memref<312x128xf32, #tpu.memory_space<vmem_shared>>
      tpu.wait_dma2 semaphore(%run_scoped3A : memref<!tpu.dma_semaphore, #tpu.memory_space<semaphore_mem>>) src(%arg3 : memref<312x128xf32, #tpu.memory_space<hbm>>) dst(%dma_wait3A_19 : memref<312x128xf32, #tpu.memory_space<vmem_shared>>)
      tpu.yield
    }) : () -> ()
    %add3A = arith.constant 312 : i32
    %add3A_1 = arith.addi %mul3A_0, %add3A : i32
    "tpu.region"() ({
      %run_scoped3A = tpu.sem_alloc : memref<!tpu.dma_semaphore, #tpu.memory_space<semaphore_mem>>
      %dma_start3A = arith.constant 0 : i32
      %dma_start3A_18 = tpu.memref_slice %arg8[%add3A_1, %dma_start3A] : memref<10016x128xf32, #tpu.memory_space<vmem_shared>> -> memref<312x128xf32, #tpu.memory_space<vmem_shared>>
      tpu.enqueue_dma source(%arg3 : memref<312x128xf32, #tpu.memory_space<hbm>>) target(%dma_start3A_18 : memref<312x128xf32, #tpu.memory_space<vmem_shared>>) target_semaphore(%run_scoped3A : memref<!tpu.dma_semaphore, #tpu.memory_space<semaphore_mem>>)
      %dma_wait3A = arith.constant 0 : i32
      %dma_wait3A_19 = tpu.memref_slice %arg8[%add3A_1, %dma_wait3A] : memref<10016x128xf32, #tpu.memory_space<vmem_shared>> -> memref<312x128xf32, #tpu.memory_space<vmem_shared>>
      tpu.wait_dma2 semaphore(%run_scoped3A : memref<!tpu.dma_semaphore, #tpu.memory_space<semaphore_mem>>) src(%arg3 : memref<312x128xf32, #tpu.memory_space<hbm>>) dst(%dma_wait3A_19 : memref<312x128xf32, #tpu.memory_space<vmem_shared>>)
      tpu.yield
    }) : () -> ()
    %eq3A = arith.constant 15 : i32
    %eq3A_2 = arith.cmpi eq, %arg1, %eq3A : i32
    %convert_element_type3A = arith.extui %eq3A_2 : i1 to i32
    %cond3A = arith.constant 0 : i32
    %cond3A_3 = arith.cmpi ne, %convert_element_type3A, %cond3A : i32
    scf.if %cond3A_3 {
      "tpu.region"() ({
        %run_scoped3A = tpu.sem_alloc : memref<!tpu.dma_semaphore, #tpu.memory_space<semaphore_mem>>
        %dma_start3A = arith.constant 9984 : i32
        %dma_start3A_18 = arith.constant 0 : i32
        %dma_start3A_19 = tpu.memref_slice %arg8[%dma_start3A, %dma_start3A_18] : memref<10016x128xf32, #tpu.memory_space<vmem_shared>> -> memref<32x128xf32, #tpu.memory_space<vmem_shared>>
        %dma_start3A_20 = arith.constant 0 : i32
        %dma_start3A_21 = arith.constant 0 : i32
        %dma_start3A_22 = tpu.memref_slice %arg3[%dma_start3A_20, %dma_start3A_21] : memref<312x128xf32, #tpu.memory_space<hbm>> -> memref<32x128xf32, #tpu.memory_space<hbm>>
        tpu.enqueue_dma source(%dma_start3A_22 : memref<32x128xf32, #tpu.memory_space<hbm>>) target(%dma_start3A_19 : memref<32x128xf32, #tpu.memory_space<vmem_shared>>) target_semaphore(%run_scoped3A : memref<!tpu.dma_semaphore, #tpu.memory_space<semaphore_mem>>)
        %dma_wait3A = arith.constant 9984 : i32
        %dma_wait3A_23 = arith.constant 0 : i32
        %dma_wait3A_24 = tpu.memref_slice %arg8[%dma_wait3A, %dma_wait3A_23] : memref<10016x128xf32, #tpu.memory_space<vmem_shared>> -> memref<32x128xf32, #tpu.memory_space<vmem_shared>>
        %dma_wait3A_25 = arith.constant 0 : i32
        %dma_wait3A_26 = arith.constant 0 : i32
        %dma_wait3A_27 = tpu.memref_slice %arg3[%dma_wait3A_25, %dma_wait3A_26] : memref<312x128xf32, #tpu.memory_space<hbm>> -> memref<32x128xf32, #tpu.memory_space<hbm>>
        tpu.wait_dma2 semaphore(%run_scoped3A : memref<!tpu.dma_semaphore, #tpu.memory_space<semaphore_mem>>) src(%dma_wait3A_27 : memref<32x128xf32, #tpu.memory_space<hbm>>) dst(%dma_wait3A_24 : memref<32x128xf32, #tpu.memory_space<vmem_shared>>)
        tpu.yield
      }) : () -> ()
    } else {
    }
    "tpu.region"() ({
      %run_scoped3A = tpu.sem_alloc : memref<!tpu.dma_semaphore, #tpu.memory_space<semaphore_mem>>
      tpu.enqueue_dma source(%arg4 : memref<128x128xf32, #tpu.memory_space<hbm>>) target(%arg7 : memref<128x128xf32, #tpu.memory_space<vmem>>) target_semaphore(%run_scoped3A : memref<!tpu.dma_semaphore, #tpu.memory_space<semaphore_mem>>)
      tpu.wait_dma2 semaphore(%run_scoped3A : memref<!tpu.dma_semaphore, #tpu.memory_space<semaphore_mem>>) src(%arg4 : memref<128x128xf32, #tpu.memory_space<hbm>>) dst(%arg7 : memref<128x128xf32, #tpu.memory_space<vmem>>)
      tpu.yield
    }) : () -> ()
    %barrier3A = arith.constant 0 : index
    tpu.barrier barrier_id(%barrier3A)
    %scan3A = arith.constant 0 : i32
    %scan3A_4 = arith.constant 0 : i32
    %scan3A_5 = arith.constant 79 : i32
    %scan3A_6 = arith.addi %scan3A_4, %scan3A_5 : i32
    %scan3A_7 = arith.constant 1 : i32
    %scan3A_8 = scf.for %scan3A_18 = %scan3A_4 to %scan3A_6 step %scan3A_7 iter_args(%scan3A_19 = %scan3A) -> (i32)  : i32 {
      %mul3A_20 = arith.constant 16 : i32
      %mul3A_21 = arith.muli %arg0, %mul3A_20 : i32
      %add3A_22 = arith.addi %mul3A_21, %arg1 : i32
      %mul3A_23 = arith.constant 10112 : i32
      %mul3A_24 = arith.muli %add3A_22, %mul3A_23 : i32
      %mul3A_25 = arith.constant 128 : i32
      %mul3A_26 = arith.muli %scan3A_18, %mul3A_25 : i32
      %add3A_27 = arith.addi %mul3A_24, %mul3A_26 : i32
      "tpu.region"() ({
        %run_scoped3A = tpu.sem_alloc : memref<!tpu.dma_semaphore, #tpu.memory_space<semaphore_mem>>
        %dma_start3A = tpu.memref_slice %arg2[%add3A_27] : memref<323584xi32, #tpu.memory_space<hbm>> -> memref<128xi32, #tpu.memory_space<hbm>>
        %dma_start3A_29 = tpu.memref_slice %arg2[%add3A_27] : memref<323584xi32, #tpu.memory_space<hbm>> -> memref<128xi32, #tpu.memory_space<hbm>>
        tpu.enqueue_dma source(%dma_start3A_29 : memref<128xi32, #tpu.memory_space<hbm>>) target(%arg6 : memref<128xi32, #tpu.memory_space<vmem>>) target_semaphore(%run_scoped3A : memref<!tpu.dma_semaphore, #tpu.memory_space<semaphore_mem>>)
        %dma_wait3A = tpu.memref_slice %arg2[%add3A_27] : memref<323584xi32, #tpu.memory_space<hbm>> -> memref<128xi32, #tpu.memory_space<hbm>>
        %dma_wait3A_30 = tpu.memref_slice %arg2[%add3A_27] : memref<323584xi32, #tpu.memory_space<hbm>> -> memref<128xi32, #tpu.memory_space<hbm>>
        tpu.wait_dma2 semaphore(%run_scoped3A : memref<!tpu.dma_semaphore, #tpu.memory_space<semaphore_mem>>) src(%dma_wait3A_30 : memref<128xi32, #tpu.memory_space<hbm>>) dst(%arg6 : memref<128xi32, #tpu.memory_space<vmem>>)
        tpu.yield
      }) : () -> ()
      "tpu.region"() ({
        %run_scoped3A = tpu.sem_alloc : memref<!tpu.dma_semaphore, #tpu.memory_space<semaphore_mem>>
        %dma_start3A = arith.constant 0 : i32
        %dma_start3A_29 = arith.constant 0 : i32
        %dma_start3A_30 = tpu.memref_slice %arg8[%dma_start3A, %dma_start3A_29] : memref<10016x128xf32, #tpu.memory_space<vmem_shared>> -> memref<10016x128xf32, #tpu.memory_space<vmem_shared>>
        tpu.enqueue_indirect_dma source(%arg7 : memref<128x128xf32, #tpu.memory_space<vmem>>) target(%dma_start3A_30 : memref<10016x128xf32, #tpu.memory_space<vmem_shared>>) offsets(%arg6 : memref<128xi32, #tpu.memory_space<vmem>>) semaphore(%run_scoped3A : memref<!tpu.dma_semaphore, #tpu.memory_space<semaphore_mem>>) {add = true}
        %dma_wait3A = arith.constant 0 : i32
        %dma_wait3A_31 = arith.constant 0 : i32
        %dma_wait3A_32 = tpu.memref_slice %arg8[%dma_wait3A, %dma_wait3A_31] : memref<10016x128xf32, #tpu.memory_space<vmem_shared>> -> memref<10016x128xf32, #tpu.memory_space<vmem_shared>>
        tpu.wait_indirect_dma semaphore(%run_scoped3A : memref<!tpu.dma_semaphore, #tpu.memory_space<semaphore_mem>>) src(%arg7 : memref<128x128xf32, #tpu.memory_space<vmem>>) dst(%dma_wait3A_32 : memref<10016x128xf32, #tpu.memory_space<vmem_shared>>)
        tpu.yield
      }) : () -> ()
      %scan3A_28 = arith.constant 0 : i32
      scf.yield %scan3A_28 : i32
    }
    %scan3A_9 = arith.constant 79 : i32
    %barrier3A_10 = arith.constant 0 : index
    tpu.barrier barrier_id(%barrier3A_10)
    %mul3A_11 = arith.constant 624 : i32
    %mul3A_12 = arith.muli %arg1, %mul3A_11 : i32
    "tpu.region"() ({
      %run_scoped3A = tpu.sem_alloc : memref<!tpu.dma_semaphore, #tpu.memory_space<semaphore_mem>>
      %dma_start3A = arith.constant 0 : i32
      %dma_start3A_18 = arith.constant 0 : i32
      %dma_start3A_19 = tpu.memref_slice %arg5[%arg0, %dma_start3A, %dma_start3A_18] : memref<2x10000x128xf32, #tpu.memory_space<hbm>> -> memref<1x10000x128xf32, #tpu.memory_space<hbm>>
      %dma_start3A_20 = tpu.memref_squeeze %dma_start3A_19 : memref<1x10000x128xf32, #tpu.memory_space<hbm>> -> memref<10000x128xf32, #tpu.memory_space<hbm>>
      %dma_start3A_21 = arith.constant 0 : i32
      %dma_start3A_22 = tpu.memref_slice %dma_start3A_20[%mul3A_12, %dma_start3A_21] : memref<10000x128xf32, #tpu.memory_space<hbm>> -> memref<624x128xf32, #tpu.memory_space<hbm>>
      %dma_start3A_23 = arith.constant 0 : i32
      %dma_start3A_24 = tpu.memref_slice %arg8[%mul3A_12, %dma_start3A_23] : memref<10016x128xf32, #tpu.memory_space<vmem_shared>> -> memref<624x128xf32, #tpu.memory_space<vmem_shared>>
      tpu.enqueue_dma source(%dma_start3A_24 : memref<624x128xf32, #tpu.memory_space<vmem_shared>>) target(%dma_start3A_22 : memref<624x128xf32, #tpu.memory_space<hbm>>) target_semaphore(%run_scoped3A : memref<!tpu.dma_semaphore, #tpu.memory_space<semaphore_mem>>)
      %dma_wait3A = arith.constant 0 : i32
      %dma_wait3A_25 = arith.constant 0 : i32
      %dma_wait3A_26 = tpu.memref_slice %arg5[%arg0, %dma_wait3A, %dma_wait3A_25] : memref<2x10000x128xf32, #tpu.memory_space<hbm>> -> memref<1x10000x128xf32, #tpu.memory_space<hbm>>
      %dma_wait3A_27 = tpu.memref_squeeze %dma_wait3A_26 : memref<1x10000x128xf32, #tpu.memory_space<hbm>> -> memref<10000x128xf32, #tpu.memory_space<hbm>>
      %dma_wait3A_28 = arith.constant 0 : i32
      %dma_wait3A_29 = tpu.memref_slice %dma_wait3A_27[%mul3A_12, %dma_wait3A_28] : memref<10000x128xf32, #tpu.memory_space<hbm>> -> memref<624x128xf32, #tpu.memory_space<hbm>>
      %dma_wait3A_30 = arith.constant 0 : i32
      %dma_wait3A_31 = tpu.memref_slice %arg8[%mul3A_12, %dma_wait3A_30] : memref<10016x128xf32, #tpu.memory_space<vmem_shared>> -> memref<624x128xf32, #tpu.memory_space<vmem_shared>>
      tpu.wait_dma2 semaphore(%run_scoped3A : memref<!tpu.dma_semaphore, #tpu.memory_space<semaphore_mem>>) src(%dma_wait3A_31 : memref<624x128xf32, #tpu.memory_space<vmem_shared>>) dst(%dma_wait3A_29 : memref<624x128xf32, #tpu.memory_space<hbm>>)
      tpu.yield
    }) : () -> ()
    %eq3A_13 = arith.constant 15 : i32
    %eq3A_14 = arith.cmpi eq, %arg1, %eq3A_13 : i32
    %convert_element_type3A_15 = arith.extui %eq3A_14 : i1 to i32
    %cond3A_16 = arith.constant 0 : i32
    %cond3A_17 = arith.cmpi ne, %convert_element_type3A_15, %cond3A_16 : i32
    scf.if %cond3A_17 {
      "tpu.region"() ({
        %run_scoped3A = tpu.sem_alloc : memref<!tpu.dma_semaphore, #tpu.memory_space<semaphore_mem>>
        %dma_start3A = arith.constant 0 : i32
        %dma_start3A_18 = arith.constant 0 : i32
        %dma_start3A_19 = tpu.memref_slice %arg5[%arg0, %dma_start3A, %dma_start3A_18] : memref<2x10000x128xf32, #tpu.memory_space<hbm>> -> memref<1x10000x128xf32, #tpu.memory_space<hbm>>
        %dma_start3A_20 = tpu.memref_squeeze %dma_start3A_19 : memref<1x10000x128xf32, #tpu.memory_space<hbm>> -> memref<10000x128xf32, #tpu.memory_space<hbm>>
        %dma_start3A_21 = arith.constant 9984 : i32
        %dma_start3A_22 = arith.constant 0 : i32
        %dma_start3A_23 = tpu.memref_slice %dma_start3A_20[%dma_start3A_21, %dma_start3A_22] : memref<10000x128xf32, #tpu.memory_space<hbm>> -> memref<16x128xf32, #tpu.memory_space<hbm>>
        %dma_start3A_24 = arith.constant 9984 : i32
        %dma_start3A_25 = arith.constant 0 : i32
        %dma_start3A_26 = tpu.memref_slice %arg8[%dma_start3A_24, %dma_start3A_25] : memref<10016x128xf32, #tpu.memory_space<vmem_shared>> -> memref<16x128xf32, #tpu.memory_space<vmem_shared>>
        tpu.enqueue_dma source(%dma_start3A_26 : memref<16x128xf32, #tpu.memory_space<vmem_shared>>) target(%dma_start3A_23 : memref<16x128xf32, #tpu.memory_space<hbm>>) target_semaphore(%run_scoped3A : memref<!tpu.dma_semaphore, #tpu.memory_space<semaphore_mem>>)
        %dma_wait3A = arith.constant 0 : i32
        %dma_wait3A_27 = arith.constant 0 : i32
        %dma_wait3A_28 = tpu.memref_slice %arg5[%arg0, %dma_wait3A, %dma_wait3A_27] : memref<2x10000x128xf32, #tpu.memory_space<hbm>> -> memref<1x10000x128xf32, #tpu.memory_space<hbm>>
        %dma_wait3A_29 = tpu.memref_squeeze %dma_wait3A_28 : memref<1x10000x128xf32, #tpu.memory_space<hbm>> -> memref<10000x128xf32, #tpu.memory_space<hbm>>
        %dma_wait3A_30 = arith.constant 9984 : i32
        %dma_wait3A_31 = arith.constant 0 : i32
        %dma_wait3A_32 = tpu.memref_slice %dma_wait3A_29[%dma_wait3A_30, %dma_wait3A_31] : memref<10000x128xf32, #tpu.memory_space<hbm>> -> memref<16x128xf32, #tpu.memory_space<hbm>>
        %dma_wait3A_33 = arith.constant 9984 : i32
        %dma_wait3A_34 = arith.constant 0 : i32
        %dma_wait3A_35 = tpu.memref_slice %arg8[%dma_wait3A_33, %dma_wait3A_34] : memref<10016x128xf32, #tpu.memory_space<vmem_shared>> -> memref<16x128xf32, #tpu.memory_space<vmem_shared>>
        tpu.wait_dma2 semaphore(%run_scoped3A : memref<!tpu.dma_semaphore, #tpu.memory_space<semaphore_mem>>) src(%dma_wait3A_35 : memref<16x128xf32, #tpu.memory_space<vmem_shared>>) dst(%dma_wait3A_32 : memref<16x128xf32, #tpu.memory_space<hbm>>)
        tpu.yield
      }) : () -> ()
    } else {
    }
    return
  }
}

#map = affine_map<(d0, d1) -> (0, 0)>
#map1 = affine_map<(d0, d1) -> (0)>
#map2 = affine_map<(d0, d1) -> (0, 0, 0)>
module attributes {stable_mosaic.version = 14 : i64} {
  func.func @prop_kernel(%arg0: i32, %arg1: i32, %arg2: memref<10000x128xf32, #tpu.memory_space<hbm>>, %arg3: memref<323584xi32, #tpu.memory_space<hbm>>, %arg4: memref<323584xi32, #tpu.memory_space<hbm>>, %arg5: memref<312x128xf32, #tpu.memory_space<hbm>>, %arg6: memref<2x10000x128xf32, #tpu.memory_space<hbm>>, %arg7: memref<128xi32, #tpu.memory_space<vmem>>, %arg8: memref<128xi32, #tpu.memory_space<vmem>>, %arg9: memref<128x128xf32, #tpu.memory_space<vmem>>, %arg10: memref<10016x128xf32, #tpu.memory_space<vmem_shared>>, %arg11: memref<!tpu.dma_semaphore, #tpu.memory_space<semaphore_mem>>) attributes {dimension_semantics = [#tpu.dimension_semantics<core_parallel>, #tpu.dimension_semantics<subcore_parallel>], iteration_bounds = array<i64: 2, 16>, scalar_prefetch = 0 : i64, scratch_operands = 5 : i64, tpu.core_type = #tpu.core_type<sc_vector_subcore>, window_params = [{transform_indices = #map}, {transform_indices = #map1}, {transform_indices = #map1}, {transform_indices = #map}, {transform_indices = #map2}]} {
    %mul3A = arith.constant 624 : i32
    %mul3A_0 = arith.muli %arg1, %mul3A : i32
    "tpu.region"() ({
      %run_scoped3A = tpu.sem_alloc : memref<!tpu.dma_semaphore, #tpu.memory_space<semaphore_mem>>
      %dma_start3A = arith.constant 0 : i32
      %dma_start3A_18 = tpu.memref_slice %arg10[%mul3A_0, %dma_start3A] : memref<10016x128xf32, #tpu.memory_space<vmem_shared>> -> memref<312x128xf32, #tpu.memory_space<vmem_shared>>
      tpu.enqueue_dma source(%arg5 : memref<312x128xf32, #tpu.memory_space<hbm>>) target(%dma_start3A_18 : memref<312x128xf32, #tpu.memory_space<vmem_shared>>) target_semaphore(%run_scoped3A : memref<!tpu.dma_semaphore, #tpu.memory_space<semaphore_mem>>)
      %dma_wait3A = arith.constant 0 : i32
      %dma_wait3A_19 = tpu.memref_slice %arg10[%mul3A_0, %dma_wait3A] : memref<10016x128xf32, #tpu.memory_space<vmem_shared>> -> memref<312x128xf32, #tpu.memory_space<vmem_shared>>
      tpu.wait_dma2 semaphore(%run_scoped3A : memref<!tpu.dma_semaphore, #tpu.memory_space<semaphore_mem>>) src(%arg5 : memref<312x128xf32, #tpu.memory_space<hbm>>) dst(%dma_wait3A_19 : memref<312x128xf32, #tpu.memory_space<vmem_shared>>)
      tpu.yield
    }) : () -> ()
    %add3A = arith.constant 312 : i32
    %add3A_1 = arith.addi %mul3A_0, %add3A : i32
    "tpu.region"() ({
      %run_scoped3A = tpu.sem_alloc : memref<!tpu.dma_semaphore, #tpu.memory_space<semaphore_mem>>
      %dma_start3A = arith.constant 0 : i32
      %dma_start3A_18 = tpu.memref_slice %arg10[%add3A_1, %dma_start3A] : memref<10016x128xf32, #tpu.memory_space<vmem_shared>> -> memref<312x128xf32, #tpu.memory_space<vmem_shared>>
      tpu.enqueue_dma source(%arg5 : memref<312x128xf32, #tpu.memory_space<hbm>>) target(%dma_start3A_18 : memref<312x128xf32, #tpu.memory_space<vmem_shared>>) target_semaphore(%run_scoped3A : memref<!tpu.dma_semaphore, #tpu.memory_space<semaphore_mem>>)
      %dma_wait3A = arith.constant 0 : i32
      %dma_wait3A_19 = tpu.memref_slice %arg10[%add3A_1, %dma_wait3A] : memref<10016x128xf32, #tpu.memory_space<vmem_shared>> -> memref<312x128xf32, #tpu.memory_space<vmem_shared>>
      tpu.wait_dma2 semaphore(%run_scoped3A : memref<!tpu.dma_semaphore, #tpu.memory_space<semaphore_mem>>) src(%arg5 : memref<312x128xf32, #tpu.memory_space<hbm>>) dst(%dma_wait3A_19 : memref<312x128xf32, #tpu.memory_space<vmem_shared>>)
      tpu.yield
    }) : () -> ()
    %eq3A = arith.constant 15 : i32
    %eq3A_2 = arith.cmpi eq, %arg1, %eq3A : i32
    %convert_element_type3A = arith.extui %eq3A_2 : i1 to i32
    %cond3A = arith.constant 0 : i32
    %cond3A_3 = arith.cmpi ne, %convert_element_type3A, %cond3A : i32
    scf.if %cond3A_3 {
      "tpu.region"() ({
        %run_scoped3A = tpu.sem_alloc : memref<!tpu.dma_semaphore, #tpu.memory_space<semaphore_mem>>
        %dma_start3A = arith.constant 9984 : i32
        %dma_start3A_18 = arith.constant 0 : i32
        %dma_start3A_19 = tpu.memref_slice %arg10[%dma_start3A, %dma_start3A_18] : memref<10016x128xf32, #tpu.memory_space<vmem_shared>> -> memref<32x128xf32, #tpu.memory_space<vmem_shared>>
        %dma_start3A_20 = arith.constant 0 : i32
        %dma_start3A_21 = arith.constant 0 : i32
        %dma_start3A_22 = tpu.memref_slice %arg5[%dma_start3A_20, %dma_start3A_21] : memref<312x128xf32, #tpu.memory_space<hbm>> -> memref<32x128xf32, #tpu.memory_space<hbm>>
        tpu.enqueue_dma source(%dma_start3A_22 : memref<32x128xf32, #tpu.memory_space<hbm>>) target(%dma_start3A_19 : memref<32x128xf32, #tpu.memory_space<vmem_shared>>) target_semaphore(%run_scoped3A : memref<!tpu.dma_semaphore, #tpu.memory_space<semaphore_mem>>)
        %dma_wait3A = arith.constant 9984 : i32
        %dma_wait3A_23 = arith.constant 0 : i32
        %dma_wait3A_24 = tpu.memref_slice %arg10[%dma_wait3A, %dma_wait3A_23] : memref<10016x128xf32, #tpu.memory_space<vmem_shared>> -> memref<32x128xf32, #tpu.memory_space<vmem_shared>>
        %dma_wait3A_25 = arith.constant 0 : i32
        %dma_wait3A_26 = arith.constant 0 : i32
        %dma_wait3A_27 = tpu.memref_slice %arg5[%dma_wait3A_25, %dma_wait3A_26] : memref<312x128xf32, #tpu.memory_space<hbm>> -> memref<32x128xf32, #tpu.memory_space<hbm>>
        tpu.wait_dma2 semaphore(%run_scoped3A : memref<!tpu.dma_semaphore, #tpu.memory_space<semaphore_mem>>) src(%dma_wait3A_27 : memref<32x128xf32, #tpu.memory_space<hbm>>) dst(%dma_wait3A_24 : memref<32x128xf32, #tpu.memory_space<vmem_shared>>)
        tpu.yield
      }) : () -> ()
    } else {
    }
    %barrier3A = arith.constant 0 : index
    tpu.barrier barrier_id(%barrier3A)
    %scan3A = arith.constant 0 : i32
    %scan3A_4 = arith.constant 0 : i32
    %scan3A_5 = arith.constant 79 : i32
    %scan3A_6 = arith.addi %scan3A_4, %scan3A_5 : i32
    %scan3A_7 = arith.constant 1 : i32
    %scan3A_8 = scf.for %scan3A_18 = %scan3A_4 to %scan3A_6 step %scan3A_7 iter_args(%scan3A_19 = %scan3A) -> (i32)  : i32 {
      %mul3A_20 = arith.constant 16 : i32
      %mul3A_21 = arith.muli %arg0, %mul3A_20 : i32
      %add3A_22 = arith.addi %mul3A_21, %arg1 : i32
      %mul3A_23 = arith.constant 10112 : i32
      %mul3A_24 = arith.muli %add3A_22, %mul3A_23 : i32
      %mul3A_25 = arith.constant 128 : i32
      %mul3A_26 = arith.muli %scan3A_18, %mul3A_25 : i32
      %add3A_27 = arith.addi %mul3A_24, %mul3A_26 : i32
      "tpu.region"() ({
        %run_scoped3A = tpu.sem_alloc : memref<!tpu.dma_semaphore, #tpu.memory_space<semaphore_mem>>
        %dma_start3A_33 = tpu.memref_slice %arg3[%add3A_27] : memref<323584xi32, #tpu.memory_space<hbm>> -> memref<128xi32, #tpu.memory_space<hbm>>
        %dma_start3A_34 = tpu.memref_slice %arg3[%add3A_27] : memref<323584xi32, #tpu.memory_space<hbm>> -> memref<128xi32, #tpu.memory_space<hbm>>
        tpu.enqueue_dma source(%dma_start3A_34 : memref<128xi32, #tpu.memory_space<hbm>>) target(%arg7 : memref<128xi32, #tpu.memory_space<vmem>>) target_semaphore(%run_scoped3A : memref<!tpu.dma_semaphore, #tpu.memory_space<semaphore_mem>>)
        %dma_wait3A_35 = tpu.memref_slice %arg3[%add3A_27] : memref<323584xi32, #tpu.memory_space<hbm>> -> memref<128xi32, #tpu.memory_space<hbm>>
        %dma_wait3A_36 = tpu.memref_slice %arg3[%add3A_27] : memref<323584xi32, #tpu.memory_space<hbm>> -> memref<128xi32, #tpu.memory_space<hbm>>
        tpu.wait_dma2 semaphore(%run_scoped3A : memref<!tpu.dma_semaphore, #tpu.memory_space<semaphore_mem>>) src(%dma_wait3A_36 : memref<128xi32, #tpu.memory_space<hbm>>) dst(%arg7 : memref<128xi32, #tpu.memory_space<vmem>>)
        tpu.yield
      }) : () -> ()
      "tpu.region"() ({
        %run_scoped3A = tpu.sem_alloc : memref<!tpu.dma_semaphore, #tpu.memory_space<semaphore_mem>>
        %dma_start3A_33 = tpu.memref_slice %arg4[%add3A_27] : memref<323584xi32, #tpu.memory_space<hbm>> -> memref<128xi32, #tpu.memory_space<hbm>>
        %dma_start3A_34 = tpu.memref_slice %arg4[%add3A_27] : memref<323584xi32, #tpu.memory_space<hbm>> -> memref<128xi32, #tpu.memory_space<hbm>>
        tpu.enqueue_dma source(%dma_start3A_34 : memref<128xi32, #tpu.memory_space<hbm>>) target(%arg8 : memref<128xi32, #tpu.memory_space<vmem>>) target_semaphore(%run_scoped3A : memref<!tpu.dma_semaphore, #tpu.memory_space<semaphore_mem>>)
        %dma_wait3A_35 = tpu.memref_slice %arg4[%add3A_27] : memref<323584xi32, #tpu.memory_space<hbm>> -> memref<128xi32, #tpu.memory_space<hbm>>
        %dma_wait3A_36 = tpu.memref_slice %arg4[%add3A_27] : memref<323584xi32, #tpu.memory_space<hbm>> -> memref<128xi32, #tpu.memory_space<hbm>>
        tpu.wait_dma2 semaphore(%run_scoped3A : memref<!tpu.dma_semaphore, #tpu.memory_space<semaphore_mem>>) src(%dma_wait3A_36 : memref<128xi32, #tpu.memory_space<hbm>>) dst(%arg8 : memref<128xi32, #tpu.memory_space<vmem>>)
        tpu.yield
      }) : () -> ()
      %dma_start3A = arith.constant 0 : i32
      %dma_start3A_28 = arith.constant 0 : i32
      %dma_start3A_29 = tpu.memref_slice %arg2[%dma_start3A, %dma_start3A_28] : memref<10000x128xf32, #tpu.memory_space<hbm>> -> memref<10000x128xf32, #tpu.memory_space<hbm>>
      tpu.enqueue_indirect_dma source(%dma_start3A_29 : memref<10000x128xf32, #tpu.memory_space<hbm>>) target(%arg9 : memref<128x128xf32, #tpu.memory_space<vmem>>) offsets(%arg7 : memref<128xi32, #tpu.memory_space<vmem>>) semaphore(%arg11 : memref<!tpu.dma_semaphore, #tpu.memory_space<semaphore_mem>>)
      %dma_wait3A = arith.constant 0 : i32
      %dma_wait3A_30 = arith.constant 0 : i32
      %dma_wait3A_31 = tpu.memref_slice %arg2[%dma_wait3A, %dma_wait3A_30] : memref<10000x128xf32, #tpu.memory_space<hbm>> -> memref<10000x128xf32, #tpu.memory_space<hbm>>
      tpu.wait_indirect_dma semaphore(%arg11 : memref<!tpu.dma_semaphore, #tpu.memory_space<semaphore_mem>>) src(%dma_wait3A_31 : memref<10000x128xf32, #tpu.memory_space<hbm>>) dst(%arg9 : memref<128x128xf32, #tpu.memory_space<vmem>>)
      "tpu.region"() ({
        %run_scoped3A = tpu.sem_alloc : memref<!tpu.dma_semaphore, #tpu.memory_space<semaphore_mem>>
        %dma_start3A_33 = arith.constant 0 : i32
        %dma_start3A_34 = arith.constant 0 : i32
        %dma_start3A_35 = tpu.memref_slice %arg10[%dma_start3A_33, %dma_start3A_34] : memref<10016x128xf32, #tpu.memory_space<vmem_shared>> -> memref<10016x128xf32, #tpu.memory_space<vmem_shared>>
        tpu.enqueue_indirect_dma source(%arg9 : memref<128x128xf32, #tpu.memory_space<vmem>>) target(%dma_start3A_35 : memref<10016x128xf32, #tpu.memory_space<vmem_shared>>) offsets(%arg8 : memref<128xi32, #tpu.memory_space<vmem>>) semaphore(%run_scoped3A : memref<!tpu.dma_semaphore, #tpu.memory_space<semaphore_mem>>) {add = true}
        %dma_wait3A_36 = arith.constant 0 : i32
        %dma_wait3A_37 = arith.constant 0 : i32
        %dma_wait3A_38 = tpu.memref_slice %arg10[%dma_wait3A_36, %dma_wait3A_37] : memref<10016x128xf32, #tpu.memory_space<vmem_shared>> -> memref<10016x128xf32, #tpu.memory_space<vmem_shared>>
        tpu.wait_indirect_dma semaphore(%run_scoped3A : memref<!tpu.dma_semaphore, #tpu.memory_space<semaphore_mem>>) src(%arg9 : memref<128x128xf32, #tpu.memory_space<vmem>>) dst(%dma_wait3A_38 : memref<10016x128xf32, #tpu.memory_space<vmem_shared>>)
        tpu.yield
      }) : () -> ()
      %scan3A_32 = arith.constant 0 : i32
      scf.yield %scan3A_32 : i32
    }
    %scan3A_9 = arith.constant 79 : i32
    %barrier3A_10 = arith.constant 0 : index
    tpu.barrier barrier_id(%barrier3A_10)
    %mul3A_11 = arith.constant 624 : i32
    %mul3A_12 = arith.muli %arg1, %mul3A_11 : i32
    "tpu.region"() ({
      %run_scoped3A = tpu.sem_alloc : memref<!tpu.dma_semaphore, #tpu.memory_space<semaphore_mem>>
      %dma_start3A = arith.constant 0 : i32
      %dma_start3A_18 = arith.constant 0 : i32
      %dma_start3A_19 = tpu.memref_slice %arg6[%arg0, %dma_start3A, %dma_start3A_18] : memref<2x10000x128xf32, #tpu.memory_space<hbm>> -> memref<1x10000x128xf32, #tpu.memory_space<hbm>>
      %dma_start3A_20 = tpu.memref_squeeze %dma_start3A_19 : memref<1x10000x128xf32, #tpu.memory_space<hbm>> -> memref<10000x128xf32, #tpu.memory_space<hbm>>
      %dma_start3A_21 = arith.constant 0 : i32
      %dma_start3A_22 = tpu.memref_slice %dma_start3A_20[%mul3A_12, %dma_start3A_21] : memref<10000x128xf32, #tpu.memory_space<hbm>> -> memref<624x128xf32, #tpu.memory_space<hbm>>
      %dma_start3A_23 = arith.constant 0 : i32
      %dma_start3A_24 = tpu.memref_slice %arg10[%mul3A_12, %dma_start3A_23] : memref<10016x128xf32, #tpu.memory_space<vmem_shared>> -> memref<624x128xf32, #tpu.memory_space<vmem_shared>>
      tpu.enqueue_dma source(%dma_start3A_24 : memref<624x128xf32, #tpu.memory_space<vmem_shared>>) target(%dma_start3A_22 : memref<624x128xf32, #tpu.memory_space<hbm>>) target_semaphore(%run_scoped3A : memref<!tpu.dma_semaphore, #tpu.memory_space<semaphore_mem>>)
      %dma_wait3A = arith.constant 0 : i32
      %dma_wait3A_25 = arith.constant 0 : i32
      %dma_wait3A_26 = tpu.memref_slice %arg6[%arg0, %dma_wait3A, %dma_wait3A_25] : memref<2x10000x128xf32, #tpu.memory_space<hbm>> -> memref<1x10000x128xf32, #tpu.memory_space<hbm>>
      %dma_wait3A_27 = tpu.memref_squeeze %dma_wait3A_26 : memref<1x10000x128xf32, #tpu.memory_space<hbm>> -> memref<10000x128xf32, #tpu.memory_space<hbm>>
      %dma_wait3A_28 = arith.constant 0 : i32
      %dma_wait3A_29 = tpu.memref_slice %dma_wait3A_27[%mul3A_12, %dma_wait3A_28] : memref<10000x128xf32, #tpu.memory_space<hbm>> -> memref<624x128xf32, #tpu.memory_space<hbm>>
      %dma_wait3A_30 = arith.constant 0 : i32
      %dma_wait3A_31 = tpu.memref_slice %arg10[%mul3A_12, %dma_wait3A_30] : memref<10016x128xf32, #tpu.memory_space<vmem_shared>> -> memref<624x128xf32, #tpu.memory_space<vmem_shared>>
      tpu.wait_dma2 semaphore(%run_scoped3A : memref<!tpu.dma_semaphore, #tpu.memory_space<semaphore_mem>>) src(%dma_wait3A_31 : memref<624x128xf32, #tpu.memory_space<vmem_shared>>) dst(%dma_wait3A_29 : memref<624x128xf32, #tpu.memory_space<hbm>>)
      tpu.yield
    }) : () -> ()
    %eq3A_13 = arith.constant 15 : i32
    %eq3A_14 = arith.cmpi eq, %arg1, %eq3A_13 : i32
    %convert_element_type3A_15 = arith.extui %eq3A_14 : i1 to i32
    %cond3A_16 = arith.constant 0 : i32
    %cond3A_17 = arith.cmpi ne, %convert_element_type3A_15, %cond3A_16 : i32
    scf.if %cond3A_17 {
      "tpu.region"() ({
        %run_scoped3A = tpu.sem_alloc : memref<!tpu.dma_semaphore, #tpu.memory_space<semaphore_mem>>
        %dma_start3A = arith.constant 0 : i32
        %dma_start3A_18 = arith.constant 0 : i32
        %dma_start3A_19 = tpu.memref_slice %arg6[%arg0, %dma_start3A, %dma_start3A_18] : memref<2x10000x128xf32, #tpu.memory_space<hbm>> -> memref<1x10000x128xf32, #tpu.memory_space<hbm>>
        %dma_start3A_20 = tpu.memref_squeeze %dma_start3A_19 : memref<1x10000x128xf32, #tpu.memory_space<hbm>> -> memref<10000x128xf32, #tpu.memory_space<hbm>>
        %dma_start3A_21 = arith.constant 9984 : i32
        %dma_start3A_22 = arith.constant 0 : i32
        %dma_start3A_23 = tpu.memref_slice %dma_start3A_20[%dma_start3A_21, %dma_start3A_22] : memref<10000x128xf32, #tpu.memory_space<hbm>> -> memref<16x128xf32, #tpu.memory_space<hbm>>
        %dma_start3A_24 = arith.constant 9984 : i32
        %dma_start3A_25 = arith.constant 0 : i32
        %dma_start3A_26 = tpu.memref_slice %arg10[%dma_start3A_24, %dma_start3A_25] : memref<10016x128xf32, #tpu.memory_space<vmem_shared>> -> memref<16x128xf32, #tpu.memory_space<vmem_shared>>
        tpu.enqueue_dma source(%dma_start3A_26 : memref<16x128xf32, #tpu.memory_space<vmem_shared>>) target(%dma_start3A_23 : memref<16x128xf32, #tpu.memory_space<hbm>>) target_semaphore(%run_scoped3A : memref<!tpu.dma_semaphore, #tpu.memory_space<semaphore_mem>>)
        %dma_wait3A = arith.constant 0 : i32
        %dma_wait3A_27 = arith.constant 0 : i32
        %dma_wait3A_28 = tpu.memref_slice %arg6[%arg0, %dma_wait3A, %dma_wait3A_27] : memref<2x10000x128xf32, #tpu.memory_space<hbm>> -> memref<1x10000x128xf32, #tpu.memory_space<hbm>>
        %dma_wait3A_29 = tpu.memref_squeeze %dma_wait3A_28 : memref<1x10000x128xf32, #tpu.memory_space<hbm>> -> memref<10000x128xf32, #tpu.memory_space<hbm>>
        %dma_wait3A_30 = arith.constant 9984 : i32
        %dma_wait3A_31 = arith.constant 0 : i32
        %dma_wait3A_32 = tpu.memref_slice %dma_wait3A_29[%dma_wait3A_30, %dma_wait3A_31] : memref<10000x128xf32, #tpu.memory_space<hbm>> -> memref<16x128xf32, #tpu.memory_space<hbm>>
        %dma_wait3A_33 = arith.constant 9984 : i32
        %dma_wait3A_34 = arith.constant 0 : i32
        %dma_wait3A_35 = tpu.memref_slice %arg10[%dma_wait3A_33, %dma_wait3A_34] : memref<10016x128xf32, #tpu.memory_space<vmem_shared>> -> memref<16x128xf32, #tpu.memory_space<vmem_shared>>
        tpu.wait_dma2 semaphore(%run_scoped3A : memref<!tpu.dma_semaphore, #tpu.memory_space<semaphore_mem>>) src(%dma_wait3A_35 : memref<16x128xf32, #tpu.memory_space<vmem_shared>>) dst(%dma_wait3A_32 : memref<16x128xf32, #tpu.memory_space<hbm>>)
        tpu.yield
      }) : () -> ()
    } else {
    }
    return
  }
}

#map = affine_map<(d0, d1) -> (0, 0)>
#map1 = affine_map<(d0, d1) -> (0)>
#map2 = affine_map<(d0, d1) -> (0, 0, 0)>
module attributes {stable_mosaic.version = 14 : i64} {
  func.func @prop_kernel(%arg0: i32, %arg1: i32, %arg2: memref<10000x128xf32, #tpu.memory_space<hbm>>, %arg3: memref<323584xi32, #tpu.memory_space<hbm>>, %arg4: memref<323584xi32, #tpu.memory_space<hbm>>, %arg5: memref<312x128xf32, #tpu.memory_space<hbm>>, %arg6: memref<2x10000x128xf32, #tpu.memory_space<hbm>>, %arg7: memref<128xi32, #tpu.memory_space<vmem>>, %arg8: memref<128xi32, #tpu.memory_space<vmem>>, %arg9: memref<128x128xf32, #tpu.memory_space<vmem>>, %arg10: memref<10016x128xf32, #tpu.memory_space<vmem_shared>>, %arg11: memref<!tpu.dma_semaphore, #tpu.memory_space<semaphore_mem>>) attributes {dimension_semantics = [#tpu.dimension_semantics<core_parallel>, #tpu.dimension_semantics<subcore_parallel>], iteration_bounds = array<i64: 2, 16>, scalar_prefetch = 0 : i64, scratch_operands = 5 : i64, tpu.core_type = #tpu.core_type<sc_vector_subcore>, window_params = [{transform_indices = #map}, {transform_indices = #map1}, {transform_indices = #map1}, {transform_indices = #map}, {transform_indices = #map2}]} {
    %mul3A = arith.constant 624 : i32
    %mul3A_0 = arith.muli %arg1, %mul3A : i32
    "tpu.region"() ({
      %run_scoped3A = tpu.sem_alloc : memref<!tpu.dma_semaphore, #tpu.memory_space<semaphore_mem>>
      %dma_start3A = arith.constant 0 : i32
      %dma_start3A_18 = tpu.memref_slice %arg10[%mul3A_0, %dma_start3A] : memref<10016x128xf32, #tpu.memory_space<vmem_shared>> -> memref<312x128xf32, #tpu.memory_space<vmem_shared>>
      tpu.enqueue_dma source(%arg5 : memref<312x128xf32, #tpu.memory_space<hbm>>) target(%dma_start3A_18 : memref<312x128xf32, #tpu.memory_space<vmem_shared>>) target_semaphore(%run_scoped3A : memref<!tpu.dma_semaphore, #tpu.memory_space<semaphore_mem>>)
      %dma_wait3A = arith.constant 0 : i32
      %dma_wait3A_19 = tpu.memref_slice %arg10[%mul3A_0, %dma_wait3A] : memref<10016x128xf32, #tpu.memory_space<vmem_shared>> -> memref<312x128xf32, #tpu.memory_space<vmem_shared>>
      tpu.wait_dma2 semaphore(%run_scoped3A : memref<!tpu.dma_semaphore, #tpu.memory_space<semaphore_mem>>) src(%arg5 : memref<312x128xf32, #tpu.memory_space<hbm>>) dst(%dma_wait3A_19 : memref<312x128xf32, #tpu.memory_space<vmem_shared>>)
      tpu.yield
    }) : () -> ()
    %add3A = arith.constant 312 : i32
    %add3A_1 = arith.addi %mul3A_0, %add3A : i32
    "tpu.region"() ({
      %run_scoped3A = tpu.sem_alloc : memref<!tpu.dma_semaphore, #tpu.memory_space<semaphore_mem>>
      %dma_start3A = arith.constant 0 : i32
      %dma_start3A_18 = tpu.memref_slice %arg10[%add3A_1, %dma_start3A] : memref<10016x128xf32, #tpu.memory_space<vmem_shared>> -> memref<312x128xf32, #tpu.memory_space<vmem_shared>>
      tpu.enqueue_dma source(%arg5 : memref<312x128xf32, #tpu.memory_space<hbm>>) target(%dma_start3A_18 : memref<312x128xf32, #tpu.memory_space<vmem_shared>>) target_semaphore(%run_scoped3A : memref<!tpu.dma_semaphore, #tpu.memory_space<semaphore_mem>>)
      %dma_wait3A = arith.constant 0 : i32
      %dma_wait3A_19 = tpu.memref_slice %arg10[%add3A_1, %dma_wait3A] : memref<10016x128xf32, #tpu.memory_space<vmem_shared>> -> memref<312x128xf32, #tpu.memory_space<vmem_shared>>
      tpu.wait_dma2 semaphore(%run_scoped3A : memref<!tpu.dma_semaphore, #tpu.memory_space<semaphore_mem>>) src(%arg5 : memref<312x128xf32, #tpu.memory_space<hbm>>) dst(%dma_wait3A_19 : memref<312x128xf32, #tpu.memory_space<vmem_shared>>)
      tpu.yield
    }) : () -> ()
    %eq3A = arith.constant 15 : i32
    %eq3A_2 = arith.cmpi eq, %arg1, %eq3A : i32
    %convert_element_type3A = arith.extui %eq3A_2 : i1 to i32
    %cond3A = arith.constant 0 : i32
    %cond3A_3 = arith.cmpi ne, %convert_element_type3A, %cond3A : i32
    scf.if %cond3A_3 {
      "tpu.region"() ({
        %run_scoped3A = tpu.sem_alloc : memref<!tpu.dma_semaphore, #tpu.memory_space<semaphore_mem>>
        %dma_start3A = arith.constant 9984 : i32
        %dma_start3A_18 = arith.constant 0 : i32
        %dma_start3A_19 = tpu.memref_slice %arg10[%dma_start3A, %dma_start3A_18] : memref<10016x128xf32, #tpu.memory_space<vmem_shared>> -> memref<32x128xf32, #tpu.memory_space<vmem_shared>>
        %dma_start3A_20 = arith.constant 0 : i32
        %dma_start3A_21 = arith.constant 0 : i32
        %dma_start3A_22 = tpu.memref_slice %arg5[%dma_start3A_20, %dma_start3A_21] : memref<312x128xf32, #tpu.memory_space<hbm>> -> memref<32x128xf32, #tpu.memory_space<hbm>>
        tpu.enqueue_dma source(%dma_start3A_22 : memref<32x128xf32, #tpu.memory_space<hbm>>) target(%dma_start3A_19 : memref<32x128xf32, #tpu.memory_space<vmem_shared>>) target_semaphore(%run_scoped3A : memref<!tpu.dma_semaphore, #tpu.memory_space<semaphore_mem>>)
        %dma_wait3A = arith.constant 9984 : i32
        %dma_wait3A_23 = arith.constant 0 : i32
        %dma_wait3A_24 = tpu.memref_slice %arg10[%dma_wait3A, %dma_wait3A_23] : memref<10016x128xf32, #tpu.memory_space<vmem_shared>> -> memref<32x128xf32, #tpu.memory_space<vmem_shared>>
        %dma_wait3A_25 = arith.constant 0 : i32
        %dma_wait3A_26 = arith.constant 0 : i32
        %dma_wait3A_27 = tpu.memref_slice %arg5[%dma_wait3A_25, %dma_wait3A_26] : memref<312x128xf32, #tpu.memory_space<hbm>> -> memref<32x128xf32, #tpu.memory_space<hbm>>
        tpu.wait_dma2 semaphore(%run_scoped3A : memref<!tpu.dma_semaphore, #tpu.memory_space<semaphore_mem>>) src(%dma_wait3A_27 : memref<32x128xf32, #tpu.memory_space<hbm>>) dst(%dma_wait3A_24 : memref<32x128xf32, #tpu.memory_space<vmem_shared>>)
        tpu.yield
      }) : () -> ()
    } else {
    }
    %barrier3A = arith.constant 0 : index
    tpu.barrier barrier_id(%barrier3A)
    %scan3A = arith.constant 0 : i32
    %scan3A_4 = arith.constant 0 : i32
    %scan3A_5 = arith.constant 79 : i32
    %scan3A_6 = arith.addi %scan3A_4, %scan3A_5 : i32
    %scan3A_7 = arith.constant 1 : i32
    %scan3A_8 = scf.for %scan3A_18 = %scan3A_4 to %scan3A_6 step %scan3A_7 iter_args(%scan3A_19 = %scan3A) -> (i32)  : i32 {
      %mul3A_20 = arith.constant 16 : i32
      %mul3A_21 = arith.muli %arg0, %mul3A_20 : i32
      %add3A_22 = arith.addi %mul3A_21, %arg1 : i32
      %mul3A_23 = arith.constant 10112 : i32
      %mul3A_24 = arith.muli %add3A_22, %mul3A_23 : i32
      %mul3A_25 = arith.constant 128 : i32
      %mul3A_26 = arith.muli %scan3A_18, %mul3A_25 : i32
      %add3A_27 = arith.addi %mul3A_24, %mul3A_26 : i32
      "tpu.region"() ({
        %run_scoped3A = tpu.sem_alloc : memref<!tpu.dma_semaphore, #tpu.memory_space<semaphore_mem>>
        %dma_start3A_33 = tpu.memref_slice %arg3[%add3A_27] : memref<323584xi32, #tpu.memory_space<hbm>> -> memref<128xi32, #tpu.memory_space<hbm>>
        %dma_start3A_34 = tpu.memref_slice %arg3[%add3A_27] : memref<323584xi32, #tpu.memory_space<hbm>> -> memref<128xi32, #tpu.memory_space<hbm>>
        tpu.enqueue_dma source(%dma_start3A_34 : memref<128xi32, #tpu.memory_space<hbm>>) target(%arg7 : memref<128xi32, #tpu.memory_space<vmem>>) target_semaphore(%run_scoped3A : memref<!tpu.dma_semaphore, #tpu.memory_space<semaphore_mem>>)
        %dma_wait3A_35 = tpu.memref_slice %arg3[%add3A_27] : memref<323584xi32, #tpu.memory_space<hbm>> -> memref<128xi32, #tpu.memory_space<hbm>>
        %dma_wait3A_36 = tpu.memref_slice %arg3[%add3A_27] : memref<323584xi32, #tpu.memory_space<hbm>> -> memref<128xi32, #tpu.memory_space<hbm>>
        tpu.wait_dma2 semaphore(%run_scoped3A : memref<!tpu.dma_semaphore, #tpu.memory_space<semaphore_mem>>) src(%dma_wait3A_36 : memref<128xi32, #tpu.memory_space<hbm>>) dst(%arg7 : memref<128xi32, #tpu.memory_space<vmem>>)
        tpu.yield
      }) : () -> ()
      "tpu.region"() ({
        %run_scoped3A = tpu.sem_alloc : memref<!tpu.dma_semaphore, #tpu.memory_space<semaphore_mem>>
        %dma_start3A_33 = tpu.memref_slice %arg4[%add3A_27] : memref<323584xi32, #tpu.memory_space<hbm>> -> memref<128xi32, #tpu.memory_space<hbm>>
        %dma_start3A_34 = tpu.memref_slice %arg4[%add3A_27] : memref<323584xi32, #tpu.memory_space<hbm>> -> memref<128xi32, #tpu.memory_space<hbm>>
        tpu.enqueue_dma source(%dma_start3A_34 : memref<128xi32, #tpu.memory_space<hbm>>) target(%arg8 : memref<128xi32, #tpu.memory_space<vmem>>) target_semaphore(%run_scoped3A : memref<!tpu.dma_semaphore, #tpu.memory_space<semaphore_mem>>)
        %dma_wait3A_35 = tpu.memref_slice %arg4[%add3A_27] : memref<323584xi32, #tpu.memory_space<hbm>> -> memref<128xi32, #tpu.memory_space<hbm>>
        %dma_wait3A_36 = tpu.memref_slice %arg4[%add3A_27] : memref<323584xi32, #tpu.memory_space<hbm>> -> memref<128xi32, #tpu.memory_space<hbm>>
        tpu.wait_dma2 semaphore(%run_scoped3A : memref<!tpu.dma_semaphore, #tpu.memory_space<semaphore_mem>>) src(%dma_wait3A_36 : memref<128xi32, #tpu.memory_space<hbm>>) dst(%arg8 : memref<128xi32, #tpu.memory_space<vmem>>)
        tpu.yield
      }) : () -> ()
      %dma_start3A = arith.constant 0 : i32
      %dma_start3A_28 = arith.constant 0 : i32
      %dma_start3A_29 = tpu.memref_slice %arg2[%dma_start3A, %dma_start3A_28] : memref<10000x128xf32, #tpu.memory_space<hbm>> -> memref<10000x128xf32, #tpu.memory_space<hbm>>
      tpu.enqueue_indirect_dma source(%dma_start3A_29 : memref<10000x128xf32, #tpu.memory_space<hbm>>) target(%arg9 : memref<128x128xf32, #tpu.memory_space<vmem>>) offsets(%arg7 : memref<128xi32, #tpu.memory_space<vmem>>) semaphore(%arg11 : memref<!tpu.dma_semaphore, #tpu.memory_space<semaphore_mem>>)
      %dma_wait3A = arith.constant 0 : i32
      %dma_wait3A_30 = arith.constant 0 : i32
      %dma_wait3A_31 = tpu.memref_slice %arg2[%dma_wait3A, %dma_wait3A_30] : memref<10000x128xf32, #tpu.memory_space<hbm>> -> memref<10000x128xf32, #tpu.memory_space<hbm>>
      tpu.wait_indirect_dma semaphore(%arg11 : memref<!tpu.dma_semaphore, #tpu.memory_space<semaphore_mem>>) src(%dma_wait3A_31 : memref<10000x128xf32, #tpu.memory_space<hbm>>) dst(%arg9 : memref<128x128xf32, #tpu.memory_space<vmem>>)
      "tpu.region"() ({
        %run_scoped3A = tpu.sem_alloc : memref<!tpu.dma_semaphore, #tpu.memory_space<semaphore_mem>>
        %dma_start3A_33 = arith.constant 0 : i32
        %dma_start3A_34 = arith.constant 0 : i32
        %dma_start3A_35 = tpu.memref_slice %arg10[%dma_start3A_33, %dma_start3A_34] : memref<10016x128xf32, #tpu.memory_space<vmem_shared>> -> memref<10016x128xf32, #tpu.memory_space<vmem_shared>>
        tpu.enqueue_indirect_dma source(%arg9 : memref<128x128xf32, #tpu.memory_space<vmem>>) target(%dma_start3A_35 : memref<10016x128xf32, #tpu.memory_space<vmem_shared>>) offsets(%arg8 : memref<128xi32, #tpu.memory_space<vmem>>) semaphore(%run_scoped3A : memref<!tpu.dma_semaphore, #tpu.memory_space<semaphore_mem>>) {add = true}
        %dma_wait3A_36 = arith.constant 0 : i32
        %dma_wait3A_37 = arith.constant 0 : i32
        %dma_wait3A_38 = tpu.memref_slice %arg10[%dma_wait3A_36, %dma_wait3A_37] : memref<10016x128xf32, #tpu.memory_space<vmem_shared>> -> memref<10016x128xf32, #tpu.memory_space<vmem_shared>>
        tpu.wait_indirect_dma semaphore(%run_scoped3A : memref<!tpu.dma_semaphore, #tpu.memory_space<semaphore_mem>>) src(%arg9 : memref<128x128xf32, #tpu.memory_space<vmem>>) dst(%dma_wait3A_38 : memref<10016x128xf32, #tpu.memory_space<vmem_shared>>)
        tpu.yield
      }) : () -> ()
      %scan3A_32 = arith.constant 0 : i32
      scf.yield %scan3A_32 : i32
    }
    %scan3A_9 = arith.constant 79 : i32
    %barrier3A_10 = arith.constant 0 : index
    tpu.barrier barrier_id(%barrier3A_10)
    %mul3A_11 = arith.constant 624 : i32
    %mul3A_12 = arith.muli %arg1, %mul3A_11 : i32
    "tpu.region"() ({
      %run_scoped3A = tpu.sem_alloc : memref<!tpu.dma_semaphore, #tpu.memory_space<semaphore_mem>>
      %dma_start3A = arith.constant 0 : i32
      %dma_start3A_18 = arith.constant 0 : i32
      %dma_start3A_19 = tpu.memref_slice %arg6[%arg0, %dma_start3A, %dma_start3A_18] : memref<2x10000x128xf32, #tpu.memory_space<hbm>> -> memref<1x10000x128xf32, #tpu.memory_space<hbm>>
      %dma_start3A_20 = tpu.memref_squeeze %dma_start3A_19 : memref<1x10000x128xf32, #tpu.memory_space<hbm>> -> memref<10000x128xf32, #tpu.memory_space<hbm>>
      %dma_start3A_21 = arith.constant 0 : i32
      %dma_start3A_22 = tpu.memref_slice %dma_start3A_20[%mul3A_12, %dma_start3A_21] : memref<10000x128xf32, #tpu.memory_space<hbm>> -> memref<624x128xf32, #tpu.memory_space<hbm>>
      %dma_start3A_23 = arith.constant 0 : i32
      %dma_start3A_24 = tpu.memref_slice %arg10[%mul3A_12, %dma_start3A_23] : memref<10016x128xf32, #tpu.memory_space<vmem_shared>> -> memref<624x128xf32, #tpu.memory_space<vmem_shared>>
      tpu.enqueue_dma source(%dma_start3A_24 : memref<624x128xf32, #tpu.memory_space<vmem_shared>>) target(%dma_start3A_22 : memref<624x128xf32, #tpu.memory_space<hbm>>) target_semaphore(%run_scoped3A : memref<!tpu.dma_semaphore, #tpu.memory_space<semaphore_mem>>)
      %dma_wait3A = arith.constant 0 : i32
      %dma_wait3A_25 = arith.constant 0 : i32
      %dma_wait3A_26 = tpu.memref_slice %arg6[%arg0, %dma_wait3A, %dma_wait3A_25] : memref<2x10000x128xf32, #tpu.memory_space<hbm>> -> memref<1x10000x128xf32, #tpu.memory_space<hbm>>
      %dma_wait3A_27 = tpu.memref_squeeze %dma_wait3A_26 : memref<1x10000x128xf32, #tpu.memory_space<hbm>> -> memref<10000x128xf32, #tpu.memory_space<hbm>>
      %dma_wait3A_28 = arith.constant 0 : i32
      %dma_wait3A_29 = tpu.memref_slice %dma_wait3A_27[%mul3A_12, %dma_wait3A_28] : memref<10000x128xf32, #tpu.memory_space<hbm>> -> memref<624x128xf32, #tpu.memory_space<hbm>>
      %dma_wait3A_30 = arith.constant 0 : i32
      %dma_wait3A_31 = tpu.memref_slice %arg10[%mul3A_12, %dma_wait3A_30] : memref<10016x128xf32, #tpu.memory_space<vmem_shared>> -> memref<624x128xf32, #tpu.memory_space<vmem_shared>>
      tpu.wait_dma2 semaphore(%run_scoped3A : memref<!tpu.dma_semaphore, #tpu.memory_space<semaphore_mem>>) src(%dma_wait3A_31 : memref<624x128xf32, #tpu.memory_space<vmem_shared>>) dst(%dma_wait3A_29 : memref<624x128xf32, #tpu.memory_space<hbm>>)
      tpu.yield
    }) : () -> ()
    %eq3A_13 = arith.constant 15 : i32
    %eq3A_14 = arith.cmpi eq, %arg1, %eq3A_13 : i32
    %convert_element_type3A_15 = arith.extui %eq3A_14 : i1 to i32
    %cond3A_16 = arith.constant 0 : i32
    %cond3A_17 = arith.cmpi ne, %convert_element_type3A_15, %cond3A_16 : i32
    scf.if %cond3A_17 {
      "tpu.region"() ({
        %run_scoped3A = tpu.sem_alloc : memref<!tpu.dma_semaphore, #tpu.memory_space<semaphore_mem>>
        %dma_start3A = arith.constant 0 : i32
        %dma_start3A_18 = arith.constant 0 : i32
        %dma_start3A_19 = tpu.memref_slice %arg6[%arg0, %dma_start3A, %dma_start3A_18] : memref<2x10000x128xf32, #tpu.memory_space<hbm>> -> memref<1x10000x128xf32, #tpu.memory_space<hbm>>
        %dma_start3A_20 = tpu.memref_squeeze %dma_start3A_19 : memref<1x10000x128xf32, #tpu.memory_space<hbm>> -> memref<10000x128xf32, #tpu.memory_space<hbm>>
        %dma_start3A_21 = arith.constant 9984 : i32
        %dma_start3A_22 = arith.constant 0 : i32
        %dma_start3A_23 = tpu.memref_slice %dma_start3A_20[%dma_start3A_21, %dma_start3A_22] : memref<10000x128xf32, #tpu.memory_space<hbm>> -> memref<16x128xf32, #tpu.memory_space<hbm>>
        %dma_start3A_24 = arith.constant 9984 : i32
        %dma_start3A_25 = arith.constant 0 : i32
        %dma_start3A_26 = tpu.memref_slice %arg10[%dma_start3A_24, %dma_start3A_25] : memref<10016x128xf32, #tpu.memory_space<vmem_shared>> -> memref<16x128xf32, #tpu.memory_space<vmem_shared>>
        tpu.enqueue_dma source(%dma_start3A_26 : memref<16x128xf32, #tpu.memory_space<vmem_shared>>) target(%dma_start3A_23 : memref<16x128xf32, #tpu.memory_space<hbm>>) target_semaphore(%run_scoped3A : memref<!tpu.dma_semaphore, #tpu.memory_space<semaphore_mem>>)
        %dma_wait3A = arith.constant 0 : i32
        %dma_wait3A_27 = arith.constant 0 : i32
        %dma_wait3A_28 = tpu.memref_slice %arg6[%arg0, %dma_wait3A, %dma_wait3A_27] : memref<2x10000x128xf32, #tpu.memory_space<hbm>> -> memref<1x10000x128xf32, #tpu.memory_space<hbm>>
        %dma_wait3A_29 = tpu.memref_squeeze %dma_wait3A_28 : memref<1x10000x128xf32, #tpu.memory_space<hbm>> -> memref<10000x128xf32, #tpu.memory_space<hbm>>
        %dma_wait3A_30 = arith.constant 9984 : i32
        %dma_wait3A_31 = arith.constant 0 : i32
        %dma_wait3A_32 = tpu.memref_slice %dma_wait3A_29[%dma_wait3A_30, %dma_wait3A_31] : memref<10000x128xf32, #tpu.memory_space<hbm>> -> memref<16x128xf32, #tpu.memory_space<hbm>>
        %dma_wait3A_33 = arith.constant 9984 : i32
        %dma_wait3A_34 = arith.constant 0 : i32
        %dma_wait3A_35 = tpu.memref_slice %arg10[%dma_wait3A_33, %dma_wait3A_34] : memref<10016x128xf32, #tpu.memory_space<vmem_shared>> -> memref<16x128xf32, #tpu.memory_space<vmem_shared>>
        tpu.wait_dma2 semaphore(%run_scoped3A : memref<!tpu.dma_semaphore, #tpu.memory_space<semaphore_mem>>) src(%dma_wait3A_35 : memref<16x128xf32, #tpu.memory_space<vmem_shared>>) dst(%dma_wait3A_32 : memref<16x128xf32, #tpu.memory_space<hbm>>)
        tpu.yield
      }) : () -> ()
    } else {
    }
    return
  }
}

#map = affine_map<(d0, d1) -> (0, 0)>
#map1 = affine_map<(d0, d1) -> (0)>
module attributes {stable_mosaic.version = 14 : i64} {
  func.func @prop_kernel(%arg0: i32, %arg1: i32, %arg2: memref<20000x128xf32, #tpu.memory_space<hbm>>, %arg3: memref<321536xi32, #tpu.memory_space<hbm>>, %arg4: memref<321536xi32, #tpu.memory_space<hbm>>, %arg5: memref<312x128xf32, #tpu.memory_space<hbm>>, %arg6: memref<20000x128xf32, #tpu.memory_space<hbm>>, %arg7: memref<128xi32, #tpu.memory_space<vmem>>, %arg8: memref<128xi32, #tpu.memory_space<vmem>>, %arg9: memref<128xi32, #tpu.memory_space<vmem>>, %arg10: memref<128x128xf32, #tpu.memory_space<vmem>>, %arg11: memref<10016x128xf32, #tpu.memory_space<vmem_shared>>, %arg12: memref<!tpu.dma_semaphore, #tpu.memory_space<semaphore_mem>>) attributes {dimension_semantics = [#tpu.dimension_semantics<core_parallel>, #tpu.dimension_semantics<subcore_parallel>], iteration_bounds = array<i64: 2, 16>, scalar_prefetch = 0 : i64, scratch_operands = 6 : i64, tpu.core_type = #tpu.core_type<sc_vector_subcore>, window_params = [{transform_indices = #map}, {transform_indices = #map1}, {transform_indices = #map1}, {transform_indices = #map}, {transform_indices = #map}]} {
    %mul3A = arith.constant 624 : i32
    %mul3A_0 = arith.muli %arg1, %mul3A : i32
    "tpu.region"() ({
      %run_scoped3A = tpu.sem_alloc : memref<!tpu.dma_semaphore, #tpu.memory_space<semaphore_mem>>
      %dma_start3A = arith.constant 0 : i32
      %dma_start3A_20 = tpu.memref_slice %arg11[%mul3A_0, %dma_start3A] : memref<10016x128xf32, #tpu.memory_space<vmem_shared>> -> memref<312x128xf32, #tpu.memory_space<vmem_shared>>
      tpu.enqueue_dma source(%arg5 : memref<312x128xf32, #tpu.memory_space<hbm>>) target(%dma_start3A_20 : memref<312x128xf32, #tpu.memory_space<vmem_shared>>) target_semaphore(%run_scoped3A : memref<!tpu.dma_semaphore, #tpu.memory_space<semaphore_mem>>)
      %dma_wait3A = arith.constant 0 : i32
      %dma_wait3A_21 = tpu.memref_slice %arg11[%mul3A_0, %dma_wait3A] : memref<10016x128xf32, #tpu.memory_space<vmem_shared>> -> memref<312x128xf32, #tpu.memory_space<vmem_shared>>
      tpu.wait_dma2 semaphore(%run_scoped3A : memref<!tpu.dma_semaphore, #tpu.memory_space<semaphore_mem>>) src(%arg5 : memref<312x128xf32, #tpu.memory_space<hbm>>) dst(%dma_wait3A_21 : memref<312x128xf32, #tpu.memory_space<vmem_shared>>)
      tpu.yield
    }) : () -> ()
    %add3A = arith.constant 312 : i32
    %add3A_1 = arith.addi %mul3A_0, %add3A : i32
    "tpu.region"() ({
      %run_scoped3A = tpu.sem_alloc : memref<!tpu.dma_semaphore, #tpu.memory_space<semaphore_mem>>
      %dma_start3A = arith.constant 0 : i32
      %dma_start3A_20 = tpu.memref_slice %arg11[%add3A_1, %dma_start3A] : memref<10016x128xf32, #tpu.memory_space<vmem_shared>> -> memref<312x128xf32, #tpu.memory_space<vmem_shared>>
      tpu.enqueue_dma source(%arg5 : memref<312x128xf32, #tpu.memory_space<hbm>>) target(%dma_start3A_20 : memref<312x128xf32, #tpu.memory_space<vmem_shared>>) target_semaphore(%run_scoped3A : memref<!tpu.dma_semaphore, #tpu.memory_space<semaphore_mem>>)
      %dma_wait3A = arith.constant 0 : i32
      %dma_wait3A_21 = tpu.memref_slice %arg11[%add3A_1, %dma_wait3A] : memref<10016x128xf32, #tpu.memory_space<vmem_shared>> -> memref<312x128xf32, #tpu.memory_space<vmem_shared>>
      tpu.wait_dma2 semaphore(%run_scoped3A : memref<!tpu.dma_semaphore, #tpu.memory_space<semaphore_mem>>) src(%arg5 : memref<312x128xf32, #tpu.memory_space<hbm>>) dst(%dma_wait3A_21 : memref<312x128xf32, #tpu.memory_space<vmem_shared>>)
      tpu.yield
    }) : () -> ()
    %eq3A = arith.constant 15 : i32
    %eq3A_2 = arith.cmpi eq, %arg1, %eq3A : i32
    %convert_element_type3A = arith.extui %eq3A_2 : i1 to i32
    %cond3A = arith.constant 0 : i32
    %cond3A_3 = arith.cmpi ne, %convert_element_type3A, %cond3A : i32
    scf.if %cond3A_3 {
      "tpu.region"() ({
        %run_scoped3A = tpu.sem_alloc : memref<!tpu.dma_semaphore, #tpu.memory_space<semaphore_mem>>
        %dma_start3A = arith.constant 9984 : i32
        %dma_start3A_20 = arith.constant 0 : i32
        %dma_start3A_21 = tpu.memref_slice %arg11[%dma_start3A, %dma_start3A_20] : memref<10016x128xf32, #tpu.memory_space<vmem_shared>> -> memref<32x128xf32, #tpu.memory_space<vmem_shared>>
        %dma_start3A_22 = arith.constant 0 : i32
        %dma_start3A_23 = arith.constant 0 : i32
        %dma_start3A_24 = tpu.memref_slice %arg5[%dma_start3A_22, %dma_start3A_23] : memref<312x128xf32, #tpu.memory_space<hbm>> -> memref<32x128xf32, #tpu.memory_space<hbm>>
        tpu.enqueue_dma source(%dma_start3A_24 : memref<32x128xf32, #tpu.memory_space<hbm>>) target(%dma_start3A_21 : memref<32x128xf32, #tpu.memory_space<vmem_shared>>) target_semaphore(%run_scoped3A : memref<!tpu.dma_semaphore, #tpu.memory_space<semaphore_mem>>)
        %dma_wait3A = arith.constant 9984 : i32
        %dma_wait3A_25 = arith.constant 0 : i32
        %dma_wait3A_26 = tpu.memref_slice %arg11[%dma_wait3A, %dma_wait3A_25] : memref<10016x128xf32, #tpu.memory_space<vmem_shared>> -> memref<32x128xf32, #tpu.memory_space<vmem_shared>>
        %dma_wait3A_27 = arith.constant 0 : i32
        %dma_wait3A_28 = arith.constant 0 : i32
        %dma_wait3A_29 = tpu.memref_slice %arg5[%dma_wait3A_27, %dma_wait3A_28] : memref<312x128xf32, #tpu.memory_space<hbm>> -> memref<32x128xf32, #tpu.memory_space<hbm>>
        tpu.wait_dma2 semaphore(%run_scoped3A : memref<!tpu.dma_semaphore, #tpu.memory_space<semaphore_mem>>) src(%dma_wait3A_29 : memref<32x128xf32, #tpu.memory_space<hbm>>) dst(%dma_wait3A_26 : memref<32x128xf32, #tpu.memory_space<vmem_shared>>)
        tpu.yield
      }) : () -> ()
    } else {
    }
    %barrier3A = arith.constant 0 : index
    tpu.barrier barrier_id(%barrier3A)
    %mul3A_4 = arith.constant 10000 : i32
    %mul3A_5 = arith.muli %arg0, %mul3A_4 : i32
    %scan3A = arith.constant 0 : i32
    %scan3A_6 = arith.constant 0 : i32
    %scan3A_7 = arith.constant 157 : i32
    %scan3A_8 = arith.addi %scan3A_6, %scan3A_7 : i32
    %scan3A_9 = arith.constant 1 : i32
    %scan3A_10 = scf.for %scan3A_20 = %scan3A_6 to %scan3A_8 step %scan3A_9 iter_args(%scan3A_21 = %scan3A) -> (i32)  : i32 {
      %mul3A_22 = arith.constant 20096 : i32
      %mul3A_23 = arith.muli %arg1, %mul3A_22 : i32
      %mul3A_24 = arith.constant 128 : i32
      %mul3A_25 = arith.muli %scan3A_20, %mul3A_24 : i32
      %add3A_26 = arith.addi %mul3A_23, %mul3A_25 : i32
      "tpu.region"() ({
        %run_scoped3A = tpu.sem_alloc : memref<!tpu.dma_semaphore, #tpu.memory_space<semaphore_mem>>
        %dma_start3A_102 = tpu.memref_slice %arg3[%add3A_26] : memref<321536xi32, #tpu.memory_space<hbm>> -> memref<128xi32, #tpu.memory_space<hbm>>
        %dma_start3A_103 = tpu.memref_slice %arg3[%add3A_26] : memref<321536xi32, #tpu.memory_space<hbm>> -> memref<128xi32, #tpu.memory_space<hbm>>
        tpu.enqueue_dma source(%dma_start3A_103 : memref<128xi32, #tpu.memory_space<hbm>>) target(%arg7 : memref<128xi32, #tpu.memory_space<vmem>>) target_semaphore(%run_scoped3A : memref<!tpu.dma_semaphore, #tpu.memory_space<semaphore_mem>>)
        %dma_wait3A_104 = tpu.memref_slice %arg3[%add3A_26] : memref<321536xi32, #tpu.memory_space<hbm>> -> memref<128xi32, #tpu.memory_space<hbm>>
        %dma_wait3A_105 = tpu.memref_slice %arg3[%add3A_26] : memref<321536xi32, #tpu.memory_space<hbm>> -> memref<128xi32, #tpu.memory_space<hbm>>
        tpu.wait_dma2 semaphore(%run_scoped3A : memref<!tpu.dma_semaphore, #tpu.memory_space<semaphore_mem>>) src(%dma_wait3A_105 : memref<128xi32, #tpu.memory_space<hbm>>) dst(%arg7 : memref<128xi32, #tpu.memory_space<vmem>>)
        tpu.yield
      }) : () -> ()
      "tpu.region"() ({
        %run_scoped3A = tpu.sem_alloc : memref<!tpu.dma_semaphore, #tpu.memory_space<semaphore_mem>>
        %dma_start3A_102 = tpu.memref_slice %arg4[%add3A_26] : memref<321536xi32, #tpu.memory_space<hbm>> -> memref<128xi32, #tpu.memory_space<hbm>>
        %dma_start3A_103 = tpu.memref_slice %arg4[%add3A_26] : memref<321536xi32, #tpu.memory_space<hbm>> -> memref<128xi32, #tpu.memory_space<hbm>>
        tpu.enqueue_dma source(%dma_start3A_103 : memref<128xi32, #tpu.memory_space<hbm>>) target(%arg8 : memref<128xi32, #tpu.memory_space<vmem>>) target_semaphore(%run_scoped3A : memref<!tpu.dma_semaphore, #tpu.memory_space<semaphore_mem>>)
        %dma_wait3A_104 = tpu.memref_slice %arg4[%add3A_26] : memref<321536xi32, #tpu.memory_space<hbm>> -> memref<128xi32, #tpu.memory_space<hbm>>
        %dma_wait3A_105 = tpu.memref_slice %arg4[%add3A_26] : memref<321536xi32, #tpu.memory_space<hbm>> -> memref<128xi32, #tpu.memory_space<hbm>>
        tpu.wait_dma2 semaphore(%run_scoped3A : memref<!tpu.dma_semaphore, #tpu.memory_space<semaphore_mem>>) src(%dma_wait3A_105 : memref<128xi32, #tpu.memory_space<hbm>>) dst(%arg8 : memref<128xi32, #tpu.memory_space<vmem>>)
        tpu.yield
      }) : () -> ()
      %get3A = arith.constant 0 : index
      %get3A_27 = tpu.vector_load %arg7[%get3A] {strides = array<i32>} : memref<128xi32, #tpu.memory_space<vmem>>, vector<16xi32>,
      %get3A_28 = vector.shape_cast %get3A_27 : vector<16xi32> to vector<16xi32>
      %add3A_29 = vector.broadcast %mul3A_5 : i32 to vector<16xi32>
      %add3A_30 = arith.addi %get3A_28, %add3A_29 : vector<16xi32>
      %swap3A = arith.constant 0 : index
      %swap3A_31 = tpu.vector_load %arg9[%swap3A] {strides = array<i32>} : memref<128xi32, #tpu.memory_space<vmem>>, vector<16xi32>,
      %swap3A_32 = vector.shape_cast %swap3A_31 : vector<16xi32> to vector<16xi32>
      %swap3A_33 = vector.shape_cast %add3A_30 : vector<16xi32> to vector<16xi32>
      tpu.vector_store %arg9[%swap3A], %swap3A_33 {strides = array<i32>} : memref<128xi32, #tpu.memory_space<vmem>>, vector<16xi32>,
      %get3A_34 = arith.constant 16 : index
      %get3A_35 = tpu.vector_load %arg7[%get3A_34] {strides = array<i32>} : memref<128xi32, #tpu.memory_space<vmem>>, vector<16xi32>,
      %get3A_36 = vector.shape_cast %get3A_35 : vector<16xi32> to vector<16xi32>
      %add3A_37 = vector.broadcast %mul3A_5 : i32 to vector<16xi32>
      %add3A_38 = arith.addi %get3A_36, %add3A_37 : vector<16xi32>
      %swap3A_39 = arith.constant 16 : index
      %swap3A_40 = tpu.vector_load %arg9[%swap3A_39] {strides = array<i32>} : memref<128xi32, #tpu.memory_space<vmem>>, vector<16xi32>,
      %swap3A_41 = vector.shape_cast %swap3A_40 : vector<16xi32> to vector<16xi32>
      %swap3A_42 = vector.shape_cast %add3A_38 : vector<16xi32> to vector<16xi32>
      tpu.vector_store %arg9[%swap3A_39], %swap3A_42 {strides = array<i32>} : memref<128xi32, #tpu.memory_space<vmem>>, vector<16xi32>,
      %get3A_43 = arith.constant 32 : index
      %get3A_44 = tpu.vector_load %arg7[%get3A_43] {strides = array<i32>} : memref<128xi32, #tpu.memory_space<vmem>>, vector<16xi32>,
      %get3A_45 = vector.shape_cast %get3A_44 : vector<16xi32> to vector<16xi32>
      %add3A_46 = vector.broadcast %mul3A_5 : i32 to vector<16xi32>
      %add3A_47 = arith.addi %get3A_45, %add3A_46 : vector<16xi32>
      %swap3A_48 = arith.constant 32 : index
      %swap3A_49 = tpu.vector_load %arg9[%swap3A_48] {strides = array<i32>} : memref<128xi32, #tpu.memory_space<vmem>>, vector<16xi32>,
      %swap3A_50 = vector.shape_cast %swap3A_49 : vector<16xi32> to vector<16xi32>
      %swap3A_51 = vector.shape_cast %add3A_47 : vector<16xi32> to vector<16xi32>
      tpu.vector_store %arg9[%swap3A_48], %swap3A_51 {strides = array<i32>} : memref<128xi32, #tpu.memory_space<vmem>>, vector<16xi32>,
      %get3A_52 = arith.constant 48 : index
      %get3A_53 = tpu.vector_load %arg7[%get3A_52] {strides = array<i32>} : memref<128xi32, #tpu.memory_space<vmem>>, vector<16xi32>,
      %get3A_54 = vector.shape_cast %get3A_53 : vector<16xi32> to vector<16xi32>
      %add3A_55 = vector.broadcast %mul3A_5 : i32 to vector<16xi32>
      %add3A_56 = arith.addi %get3A_54, %add3A_55 : vector<16xi32>
      %swap3A_57 = arith.constant 48 : index
      %swap3A_58 = tpu.vector_load %arg9[%swap3A_57] {strides = array<i32>} : memref<128xi32, #tpu.memory_space<vmem>>, vector<16xi32>,
      %swap3A_59 = vector.shape_cast %swap3A_58 : vector<16xi32> to vector<16xi32>
      %swap3A_60 = vector.shape_cast %add3A_56 : vector<16xi32> to vector<16xi32>
      tpu.vector_store %arg9[%swap3A_57], %swap3A_60 {strides = array<i32>} : memref<128xi32, #tpu.memory_space<vmem>>, vector<16xi32>,
      %get3A_61 = arith.constant 64 : index
      %get3A_62 = tpu.vector_load %arg7[%get3A_61] {strides = array<i32>} : memref<128xi32, #tpu.memory_space<vmem>>, vector<16xi32>,
      %get3A_63 = vector.shape_cast %get3A_62 : vector<16xi32> to vector<16xi32>
      %add3A_64 = vector.broadcast %mul3A_5 : i32 to vector<16xi32>
      %add3A_65 = arith.addi %get3A_63, %add3A_64 : vector<16xi32>
      %swap3A_66 = arith.constant 64 : index
      %swap3A_67 = tpu.vector_load %arg9[%swap3A_66] {strides = array<i32>} : memref<128xi32, #tpu.memory_space<vmem>>, vector<16xi32>,
      %swap3A_68 = vector.shape_cast %swap3A_67 : vector<16xi32> to vector<16xi32>
      %swap3A_69 = vector.shape_cast %add3A_65 : vector<16xi32> to vector<16xi32>
      tpu.vector_store %arg9[%swap3A_66], %swap3A_69 {strides = array<i32>} : memref<128xi32, #tpu.memory_space<vmem>>, vector<16xi32>,
      %get3A_70 = arith.constant 80 : index
      %get3A_71 = tpu.vector_load %arg7[%get3A_70] {strides = array<i32>} : memref<128xi32, #tpu.memory_space<vmem>>, vector<16xi32>,
      %get3A_72 = vector.shape_cast %get3A_71 : vector<16xi32> to vector<16xi32>
      %add3A_73 = vector.broadcast %mul3A_5 : i32 to vector<16xi32>
      %add3A_74 = arith.addi %get3A_72, %add3A_73 : vector<16xi32>
      %swap3A_75 = arith.constant 80 : index
      %swap3A_76 = tpu.vector_load %arg9[%swap3A_75] {strides = array<i32>} : memref<128xi32, #tpu.memory_space<vmem>>, vector<16xi32>,
      %swap3A_77 = vector.shape_cast %swap3A_76 : vector<16xi32> to vector<16xi32>
      %swap3A_78 = vector.shape_cast %add3A_74 : vector<16xi32> to vector<16xi32>
      tpu.vector_store %arg9[%swap3A_75], %swap3A_78 {strides = array<i32>} : memref<128xi32, #tpu.memory_space<vmem>>, vector<16xi32>,
      %get3A_79 = arith.constant 96 : index
      %get3A_80 = tpu.vector_load %arg7[%get3A_79] {strides = array<i32>} : memref<128xi32, #tpu.memory_space<vmem>>, vector<16xi32>,
      %get3A_81 = vector.shape_cast %get3A_80 : vector<16xi32> to vector<16xi32>
      %add3A_82 = vector.broadcast %mul3A_5 : i32 to vector<16xi32>
      %add3A_83 = arith.addi %get3A_81, %add3A_82 : vector<16xi32>
      %swap3A_84 = arith.constant 96 : index
      %swap3A_85 = tpu.vector_load %arg9[%swap3A_84] {strides = array<i32>} : memref<128xi32, #tpu.memory_space<vmem>>, vector<16xi32>,
      %swap3A_86 = vector.shape_cast %swap3A_85 : vector<16xi32> to vector<16xi32>
      %swap3A_87 = vector.shape_cast %add3A_83 : vector<16xi32> to vector<16xi32>
      tpu.vector_store %arg9[%swap3A_84], %swap3A_87 {strides = array<i32>} : memref<128xi32, #tpu.memory_space<vmem>>, vector<16xi32>,
      %get3A_88 = arith.constant 112 : index
      %get3A_89 = tpu.vector_load %arg7[%get3A_88] {strides = array<i32>} : memref<128xi32, #tpu.memory_space<vmem>>, vector<16xi32>,
      %get3A_90 = vector.shape_cast %get3A_89 : vector<16xi32> to vector<16xi32>
      %add3A_91 = vector.broadcast %mul3A_5 : i32 to vector<16xi32>
      %add3A_92 = arith.addi %get3A_90, %add3A_91 : vector<16xi32>
      %swap3A_93 = arith.constant 112 : index
      %swap3A_94 = tpu.vector_load %arg9[%swap3A_93] {strides = array<i32>} : memref<128xi32, #tpu.memory_space<vmem>>, vector<16xi32>,
      %swap3A_95 = vector.shape_cast %swap3A_94 : vector<16xi32> to vector<16xi32>
      %swap3A_96 = vector.shape_cast %add3A_92 : vector<16xi32> to vector<16xi32>
      tpu.vector_store %arg9[%swap3A_93], %swap3A_96 {strides = array<i32>} : memref<128xi32, #tpu.memory_space<vmem>>, vector<16xi32>,
      %dma_start3A = arith.constant 0 : i32
      %dma_start3A_97 = arith.constant 0 : i32
      %dma_start3A_98 = tpu.memref_slice %arg2[%dma_start3A, %dma_start3A_97] : memref<20000x128xf32, #tpu.memory_space<hbm>> -> memref<20000x128xf32, #tpu.memory_space<hbm>>
      tpu.enqueue_indirect_dma source(%dma_start3A_98 : memref<20000x128xf32, #tpu.memory_space<hbm>>) target(%arg10 : memref<128x128xf32, #tpu.memory_space<vmem>>) offsets(%arg9 : memref<128xi32, #tpu.memory_space<vmem>>) semaphore(%arg12 : memref<!tpu.dma_semaphore, #tpu.memory_space<semaphore_mem>>)
      %dma_wait3A = arith.constant 0 : i32
      %dma_wait3A_99 = arith.constant 0 : i32
      %dma_wait3A_100 = tpu.memref_slice %arg2[%dma_wait3A, %dma_wait3A_99] : memref<20000x128xf32, #tpu.memory_space<hbm>> -> memref<20000x128xf32, #tpu.memory_space<hbm>>
      tpu.wait_indirect_dma semaphore(%arg12 : memref<!tpu.dma_semaphore, #tpu.memory_space<semaphore_mem>>) src(%dma_wait3A_100 : memref<20000x128xf32, #tpu.memory_space<hbm>>) dst(%arg10 : memref<128x128xf32, #tpu.memory_space<vmem>>)
      "tpu.region"() ({
        %run_scoped3A = tpu.sem_alloc : memref<!tpu.dma_semaphore, #tpu.memory_space<semaphore_mem>>
        %dma_start3A_102 = arith.constant 0 : i32
        %dma_start3A_103 = arith.constant 0 : i32
        %dma_start3A_104 = tpu.memref_slice %arg11[%dma_start3A_102, %dma_start3A_103] : memref<10016x128xf32, #tpu.memory_space<vmem_shared>> -> memref<10016x128xf32, #tpu.memory_space<vmem_shared>>
        tpu.enqueue_indirect_dma source(%arg10 : memref<128x128xf32, #tpu.memory_space<vmem>>) target(%dma_start3A_104 : memref<10016x128xf32, #tpu.memory_space<vmem_shared>>) offsets(%arg8 : memref<128xi32, #tpu.memory_space<vmem>>) semaphore(%run_scoped3A : memref<!tpu.dma_semaphore, #tpu.memory_space<semaphore_mem>>) {add = true}
        %dma_wait3A_105 = arith.constant 0 : i32
        %dma_wait3A_106 = arith.constant 0 : i32
        %dma_wait3A_107 = tpu.memref_slice %arg11[%dma_wait3A_105, %dma_wait3A_106] : memref<10016x128xf32, #tpu.memory_space<vmem_shared>> -> memref<10016x128xf32, #tpu.memory_space<vmem_shared>>
        tpu.wait_indirect_dma semaphore(%run_scoped3A : memref<!tpu.dma_semaphore, #tpu.memory_space<semaphore_mem>>) src(%arg10 : memref<128x128xf32, #tpu.memory_space<vmem>>) dst(%dma_wait3A_107 : memref<10016x128xf32, #tpu.memory_space<vmem_shared>>)
        tpu.yield
      }) : () -> ()
      %scan3A_101 = arith.constant 0 : i32
      scf.yield %scan3A_101 : i32
    }
    %scan3A_11 = arith.constant 157 : i32
    %barrier3A_12 = arith.constant 0 : index
    tpu.barrier barrier_id(%barrier3A_12)
    %mul3A_13 = arith.constant 624 : i32
    %mul3A_14 = arith.muli %arg1, %mul3A_13 : i32
    "tpu.region"() ({
      %run_scoped3A = tpu.sem_alloc : memref<!tpu.dma_semaphore, #tpu.memory_space<semaphore_mem>>
      %dma_start3A = arith.constant 0 : i32
      %dma_start3A_20 = tpu.memref_slice %arg6[%mul3A_5, %dma_start3A] : memref<20000x128xf32, #tpu.memory_space<hbm>> -> memref<10000x128xf32, #tpu.memory_space<hbm>>
      %dma_start3A_21 = arith.constant 0 : i32
      %dma_start3A_22 = tpu.memref_slice %dma_start3A_20[%mul3A_14, %dma_start3A_21] : memref<10000x128xf32, #tpu.memory_space<hbm>> -> memref<624x128xf32, #tpu.memory_space<hbm>>
      %dma_start3A_23 = arith.constant 0 : i32
      %dma_start3A_24 = tpu.memref_slice %arg11[%mul3A_14, %dma_start3A_23] : memref<10016x128xf32, #tpu.memory_space<vmem_shared>> -> memref<624x128xf32, #tpu.memory_space<vmem_shared>>
      tpu.enqueue_dma source(%dma_start3A_24 : memref<624x128xf32, #tpu.memory_space<vmem_shared>>) target(%dma_start3A_22 : memref<624x128xf32, #tpu.memory_space<hbm>>) target_semaphore(%run_scoped3A : memref<!tpu.dma_semaphore, #tpu.memory_space<semaphore_mem>>)
      %dma_wait3A = arith.constant 0 : i32
      %dma_wait3A_25 = tpu.memref_slice %arg6[%mul3A_5, %dma_wait3A] : memref<20000x128xf32, #tpu.memory_space<hbm>> -> memref<10000x128xf32, #tpu.memory_space<hbm>>
      %dma_wait3A_26 = arith.constant 0 : i32
      %dma_wait3A_27 = tpu.memref_slice %dma_wait3A_25[%mul3A_14, %dma_wait3A_26] : memref<10000x128xf32, #tpu.memory_space<hbm>> -> memref<624x128xf32, #tpu.memory_space<hbm>>
      %dma_wait3A_28 = arith.constant 0 : i32
      %dma_wait3A_29 = tpu.memref_slice %arg11[%mul3A_14, %dma_wait3A_28] : memref<10016x128xf32, #tpu.memory_space<vmem_shared>> -> memref<624x128xf32, #tpu.memory_space<vmem_shared>>
      tpu.wait_dma2 semaphore(%run_scoped3A : memref<!tpu.dma_semaphore, #tpu.memory_space<semaphore_mem>>) src(%dma_wait3A_29 : memref<624x128xf32, #tpu.memory_space<vmem_shared>>) dst(%dma_wait3A_27 : memref<624x128xf32, #tpu.memory_space<hbm>>)
      tpu.yield
    }) : () -> ()
    %eq3A_15 = arith.constant 15 : i32
    %eq3A_16 = arith.cmpi eq, %arg1, %eq3A_15 : i32
    %convert_element_type3A_17 = arith.extui %eq3A_16 : i1 to i32
    %cond3A_18 = arith.constant 0 : i32
    %cond3A_19 = arith.cmpi ne, %convert_element_type3A_17, %cond3A_18 : i32
    scf.if %cond3A_19 {
      "tpu.region"() ({
        %run_scoped3A = tpu.sem_alloc : memref<!tpu.dma_semaphore, #tpu.memory_space<semaphore_mem>>
        %dma_start3A = arith.constant 0 : i32
        %dma_start3A_20 = tpu.memref_slice %arg6[%mul3A_5, %dma_start3A] : memref<20000x128xf32, #tpu.memory_space<hbm>> -> memref<10000x128xf32, #tpu.memory_space<hbm>>
        %dma_start3A_21 = arith.constant 9984 : i32
        %dma_start3A_22 = arith.constant 0 : i32
        %dma_start3A_23 = tpu.memref_slice %dma_start3A_20[%dma_start3A_21, %dma_start3A_22] : memref<10000x128xf32, #tpu.memory_space<hbm>> -> memref<16x128xf32, #tpu.memory_space<hbm>>
        %dma_start3A_24 = arith.constant 9984 : i32
        %dma_start3A_25 = arith.constant 0 : i32
        %dma_start3A_26 = tpu.memref_slice %arg11[%dma_start3A_24, %dma_start3A_25] : memref<10016x128xf32, #tpu.memory_space<vmem_shared>> -> memref<16x128xf32, #tpu.memory_space<vmem_shared>>
        tpu.enqueue_dma source(%dma_start3A_26 : memref<16x128xf32, #tpu.memory_space<vmem_shared>>) target(%dma_start3A_23 : memref<16x128xf32, #tpu.memory_space<hbm>>) target_semaphore(%run_scoped3A : memref<!tpu.dma_semaphore, #tpu.memory_space<semaphore_mem>>)
        %dma_wait3A = arith.constant 0 : i32
        %dma_wait3A_27 = tpu.memref_slice %arg6[%mul3A_5, %dma_wait3A] : memref<20000x128xf32, #tpu.memory_space<hbm>> -> memref<10000x128xf32, #tpu.memory_space<hbm>>
        %dma_wait3A_28 = arith.constant 9984 : i32
        %dma_wait3A_29 = arith.constant 0 : i32
        %dma_wait3A_30 = tpu.memref_slice %dma_wait3A_27[%dma_wait3A_28, %dma_wait3A_29] : memref<10000x128xf32, #tpu.memory_space<hbm>> -> memref<16x128xf32, #tpu.memory_space<hbm>>
        %dma_wait3A_31 = arith.constant 9984 : i32
        %dma_wait3A_32 = arith.constant 0 : i32
        %dma_wait3A_33 = tpu.memref_slice %arg11[%dma_wait3A_31, %dma_wait3A_32] : memref<10016x128xf32, #tpu.memory_space<vmem_shared>> -> memref<16x128xf32, #tpu.memory_space<vmem_shared>>
        tpu.wait_dma2 semaphore(%run_scoped3A : memref<!tpu.dma_semaphore, #tpu.memory_space<semaphore_mem>>) src(%dma_wait3A_33 : memref<16x128xf32, #tpu.memory_space<vmem_shared>>) dst(%dma_wait3A_30 : memref<16x128xf32, #tpu.memory_space<hbm>>)
        tpu.yield
      }) : () -> ()
    } else {
    }
    return
  }
}

#map = affine_map<(d0, d1) -> (0, 0)>
#map1 = affine_map<(d0, d1) -> (0)>
module attributes {stable_mosaic.version = 14 : i64} {
  func.func @prop_kernel(%arg0: i32, %arg1: i32, %arg2: memref<20000x128xf32, #tpu.memory_space<hbm>>, %arg3: memref<321536xi32, #tpu.memory_space<hbm>>, %arg4: memref<321536xi32, #tpu.memory_space<hbm>>, %arg5: memref<312x128xf32, #tpu.memory_space<hbm>>, %arg6: memref<20000x128xf32, #tpu.memory_space<hbm>>, %arg7: memref<128xi32, #tpu.memory_space<vmem>>, %arg8: memref<128xi32, #tpu.memory_space<vmem>>, %arg9: memref<128xi32, #tpu.memory_space<vmem>>, %arg10: memref<128x128xf32, #tpu.memory_space<vmem>>, %arg11: memref<10016x128xf32, #tpu.memory_space<vmem_shared>>, %arg12: memref<!tpu.dma_semaphore, #tpu.memory_space<semaphore_mem>>) attributes {dimension_semantics = [#tpu.dimension_semantics<core_parallel>, #tpu.dimension_semantics<subcore_parallel>], iteration_bounds = array<i64: 2, 16>, scalar_prefetch = 0 : i64, scratch_operands = 6 : i64, tpu.core_type = #tpu.core_type<sc_vector_subcore>, window_params = [{transform_indices = #map}, {transform_indices = #map1}, {transform_indices = #map1}, {transform_indices = #map}, {transform_indices = #map}]} {
    %mul3A = arith.constant 624 : i32
    %mul3A_0 = arith.muli %arg1, %mul3A : i32
    "tpu.region"() ({
      %run_scoped3A = tpu.sem_alloc : memref<!tpu.dma_semaphore, #tpu.memory_space<semaphore_mem>>
      %dma_start3A = arith.constant 0 : i32
      %dma_start3A_20 = tpu.memref_slice %arg11[%mul3A_0, %dma_start3A] : memref<10016x128xf32, #tpu.memory_space<vmem_shared>> -> memref<312x128xf32, #tpu.memory_space<vmem_shared>>
      tpu.enqueue_dma source(%arg5 : memref<312x128xf32, #tpu.memory_space<hbm>>) target(%dma_start3A_20 : memref<312x128xf32, #tpu.memory_space<vmem_shared>>) target_semaphore(%run_scoped3A : memref<!tpu.dma_semaphore, #tpu.memory_space<semaphore_mem>>)
      %dma_wait3A = arith.constant 0 : i32
      %dma_wait3A_21 = tpu.memref_slice %arg11[%mul3A_0, %dma_wait3A] : memref<10016x128xf32, #tpu.memory_space<vmem_shared>> -> memref<312x128xf32, #tpu.memory_space<vmem_shared>>
      tpu.wait_dma2 semaphore(%run_scoped3A : memref<!tpu.dma_semaphore, #tpu.memory_space<semaphore_mem>>) src(%arg5 : memref<312x128xf32, #tpu.memory_space<hbm>>) dst(%dma_wait3A_21 : memref<312x128xf32, #tpu.memory_space<vmem_shared>>)
      tpu.yield
    }) : () -> ()
    %add3A = arith.constant 312 : i32
    %add3A_1 = arith.addi %mul3A_0, %add3A : i32
    "tpu.region"() ({
      %run_scoped3A = tpu.sem_alloc : memref<!tpu.dma_semaphore, #tpu.memory_space<semaphore_mem>>
      %dma_start3A = arith.constant 0 : i32
      %dma_start3A_20 = tpu.memref_slice %arg11[%add3A_1, %dma_start3A] : memref<10016x128xf32, #tpu.memory_space<vmem_shared>> -> memref<312x128xf32, #tpu.memory_space<vmem_shared>>
      tpu.enqueue_dma source(%arg5 : memref<312x128xf32, #tpu.memory_space<hbm>>) target(%dma_start3A_20 : memref<312x128xf32, #tpu.memory_space<vmem_shared>>) target_semaphore(%run_scoped3A : memref<!tpu.dma_semaphore, #tpu.memory_space<semaphore_mem>>)
      %dma_wait3A = arith.constant 0 : i32
      %dma_wait3A_21 = tpu.memref_slice %arg11[%add3A_1, %dma_wait3A] : memref<10016x128xf32, #tpu.memory_space<vmem_shared>> -> memref<312x128xf32, #tpu.memory_space<vmem_shared>>
      tpu.wait_dma2 semaphore(%run_scoped3A : memref<!tpu.dma_semaphore, #tpu.memory_space<semaphore_mem>>) src(%arg5 : memref<312x128xf32, #tpu.memory_space<hbm>>) dst(%dma_wait3A_21 : memref<312x128xf32, #tpu.memory_space<vmem_shared>>)
      tpu.yield
    }) : () -> ()
    %eq3A = arith.constant 15 : i32
    %eq3A_2 = arith.cmpi eq, %arg1, %eq3A : i32
    %convert_element_type3A = arith.extui %eq3A_2 : i1 to i32
    %cond3A = arith.constant 0 : i32
    %cond3A_3 = arith.cmpi ne, %convert_element_type3A, %cond3A : i32
    scf.if %cond3A_3 {
      "tpu.region"() ({
        %run_scoped3A = tpu.sem_alloc : memref<!tpu.dma_semaphore, #tpu.memory_space<semaphore_mem>>
        %dma_start3A = arith.constant 9984 : i32
        %dma_start3A_20 = arith.constant 0 : i32
        %dma_start3A_21 = tpu.memref_slice %arg11[%dma_start3A, %dma_start3A_20] : memref<10016x128xf32, #tpu.memory_space<vmem_shared>> -> memref<32x128xf32, #tpu.memory_space<vmem_shared>>
        %dma_start3A_22 = arith.constant 0 : i32
        %dma_start3A_23 = arith.constant 0 : i32
        %dma_start3A_24 = tpu.memref_slice %arg5[%dma_start3A_22, %dma_start3A_23] : memref<312x128xf32, #tpu.memory_space<hbm>> -> memref<32x128xf32, #tpu.memory_space<hbm>>
        tpu.enqueue_dma source(%dma_start3A_24 : memref<32x128xf32, #tpu.memory_space<hbm>>) target(%dma_start3A_21 : memref<32x128xf32, #tpu.memory_space<vmem_shared>>) target_semaphore(%run_scoped3A : memref<!tpu.dma_semaphore, #tpu.memory_space<semaphore_mem>>)
        %dma_wait3A = arith.constant 9984 : i32
        %dma_wait3A_25 = arith.constant 0 : i32
        %dma_wait3A_26 = tpu.memref_slice %arg11[%dma_wait3A, %dma_wait3A_25] : memref<10016x128xf32, #tpu.memory_space<vmem_shared>> -> memref<32x128xf32, #tpu.memory_space<vmem_shared>>
        %dma_wait3A_27 = arith.constant 0 : i32
        %dma_wait3A_28 = arith.constant 0 : i32
        %dma_wait3A_29 = tpu.memref_slice %arg5[%dma_wait3A_27, %dma_wait3A_28] : memref<312x128xf32, #tpu.memory_space<hbm>> -> memref<32x128xf32, #tpu.memory_space<hbm>>
        tpu.wait_dma2 semaphore(%run_scoped3A : memref<!tpu.dma_semaphore, #tpu.memory_space<semaphore_mem>>) src(%dma_wait3A_29 : memref<32x128xf32, #tpu.memory_space<hbm>>) dst(%dma_wait3A_26 : memref<32x128xf32, #tpu.memory_space<vmem_shared>>)
        tpu.yield
      }) : () -> ()
    } else {
    }
    %barrier3A = arith.constant 0 : index
    tpu.barrier barrier_id(%barrier3A)
    %mul3A_4 = arith.constant 10000 : i32
    %mul3A_5 = arith.muli %arg0, %mul3A_4 : i32
    %scan3A = arith.constant 0 : i32
    %scan3A_6 = arith.constant 0 : i32
    %scan3A_7 = arith.constant 157 : i32
    %scan3A_8 = arith.addi %scan3A_6, %scan3A_7 : i32
    %scan3A_9 = arith.constant 1 : i32
    %scan3A_10 = scf.for %scan3A_20 = %scan3A_6 to %scan3A_8 step %scan3A_9 iter_args(%scan3A_21 = %scan3A) -> (i32)  : i32 {
      %mul3A_22 = arith.constant 20096 : i32
      %mul3A_23 = arith.muli %arg1, %mul3A_22 : i32
      %mul3A_24 = arith.constant 128 : i32
      %mul3A_25 = arith.muli %scan3A_20, %mul3A_24 : i32
      %add3A_26 = arith.addi %mul3A_23, %mul3A_25 : i32
      "tpu.region"() ({
        %run_scoped3A = tpu.sem_alloc : memref<!tpu.dma_semaphore, #tpu.memory_space<semaphore_mem>>
        %dma_start3A_102 = tpu.memref_slice %arg3[%add3A_26] : memref<321536xi32, #tpu.memory_space<hbm>> -> memref<128xi32, #tpu.memory_space<hbm>>
        %dma_start3A_103 = tpu.memref_slice %arg3[%add3A_26] : memref<321536xi32, #tpu.memory_space<hbm>> -> memref<128xi32, #tpu.memory_space<hbm>>
        tpu.enqueue_dma source(%dma_start3A_103 : memref<128xi32, #tpu.memory_space<hbm>>) target(%arg7 : memref<128xi32, #tpu.memory_space<vmem>>) target_semaphore(%run_scoped3A : memref<!tpu.dma_semaphore, #tpu.memory_space<semaphore_mem>>)
        %dma_wait3A_104 = tpu.memref_slice %arg3[%add3A_26] : memref<321536xi32, #tpu.memory_space<hbm>> -> memref<128xi32, #tpu.memory_space<hbm>>
        %dma_wait3A_105 = tpu.memref_slice %arg3[%add3A_26] : memref<321536xi32, #tpu.memory_space<hbm>> -> memref<128xi32, #tpu.memory_space<hbm>>
        tpu.wait_dma2 semaphore(%run_scoped3A : memref<!tpu.dma_semaphore, #tpu.memory_space<semaphore_mem>>) src(%dma_wait3A_105 : memref<128xi32, #tpu.memory_space<hbm>>) dst(%arg7 : memref<128xi32, #tpu.memory_space<vmem>>)
        tpu.yield
      }) : () -> ()
      "tpu.region"() ({
        %run_scoped3A = tpu.sem_alloc : memref<!tpu.dma_semaphore, #tpu.memory_space<semaphore_mem>>
        %dma_start3A_102 = tpu.memref_slice %arg4[%add3A_26] : memref<321536xi32, #tpu.memory_space<hbm>> -> memref<128xi32, #tpu.memory_space<hbm>>
        %dma_start3A_103 = tpu.memref_slice %arg4[%add3A_26] : memref<321536xi32, #tpu.memory_space<hbm>> -> memref<128xi32, #tpu.memory_space<hbm>>
        tpu.enqueue_dma source(%dma_start3A_103 : memref<128xi32, #tpu.memory_space<hbm>>) target(%arg8 : memref<128xi32, #tpu.memory_space<vmem>>) target_semaphore(%run_scoped3A : memref<!tpu.dma_semaphore, #tpu.memory_space<semaphore_mem>>)
        %dma_wait3A_104 = tpu.memref_slice %arg4[%add3A_26] : memref<321536xi32, #tpu.memory_space<hbm>> -> memref<128xi32, #tpu.memory_space<hbm>>
        %dma_wait3A_105 = tpu.memref_slice %arg4[%add3A_26] : memref<321536xi32, #tpu.memory_space<hbm>> -> memref<128xi32, #tpu.memory_space<hbm>>
        tpu.wait_dma2 semaphore(%run_scoped3A : memref<!tpu.dma_semaphore, #tpu.memory_space<semaphore_mem>>) src(%dma_wait3A_105 : memref<128xi32, #tpu.memory_space<hbm>>) dst(%arg8 : memref<128xi32, #tpu.memory_space<vmem>>)
        tpu.yield
      }) : () -> ()
      %get3A = arith.constant 0 : index
      %get3A_27 = tpu.vector_load %arg7[%get3A] {strides = array<i32>} : memref<128xi32, #tpu.memory_space<vmem>>, vector<16xi32>,
      %get3A_28 = vector.shape_cast %get3A_27 : vector<16xi32> to vector<16xi32>
      %add3A_29 = vector.broadcast %mul3A_5 : i32 to vector<16xi32>
      %add3A_30 = arith.addi %get3A_28, %add3A_29 : vector<16xi32>
      %swap3A = arith.constant 0 : index
      %swap3A_31 = tpu.vector_load %arg9[%swap3A] {strides = array<i32>} : memref<128xi32, #tpu.memory_space<vmem>>, vector<16xi32>,
      %swap3A_32 = vector.shape_cast %swap3A_31 : vector<16xi32> to vector<16xi32>
      %swap3A_33 = vector.shape_cast %add3A_30 : vector<16xi32> to vector<16xi32>
      tpu.vector_store %arg9[%swap3A], %swap3A_33 {strides = array<i32>} : memref<128xi32, #tpu.memory_space<vmem>>, vector<16xi32>,
      %get3A_34 = arith.constant 16 : index
      %get3A_35 = tpu.vector_load %arg7[%get3A_34] {strides = array<i32>} : memref<128xi32, #tpu.memory_space<vmem>>, vector<16xi32>,
      %get3A_36 = vector.shape_cast %get3A_35 : vector<16xi32> to vector<16xi32>
      %add3A_37 = vector.broadcast %mul3A_5 : i32 to vector<16xi32>
      %add3A_38 = arith.addi %get3A_36, %add3A_37 : vector<16xi32>
      %swap3A_39 = arith.constant 16 : index
      %swap3A_40 = tpu.vector_load %arg9[%swap3A_39] {strides = array<i32>} : memref<128xi32, #tpu.memory_space<vmem>>, vector<16xi32>,
      %swap3A_41 = vector.shape_cast %swap3A_40 : vector<16xi32> to vector<16xi32>
      %swap3A_42 = vector.shape_cast %add3A_38 : vector<16xi32> to vector<16xi32>
      tpu.vector_store %arg9[%swap3A_39], %swap3A_42 {strides = array<i32>} : memref<128xi32, #tpu.memory_space<vmem>>, vector<16xi32>,
      %get3A_43 = arith.constant 32 : index
      %get3A_44 = tpu.vector_load %arg7[%get3A_43] {strides = array<i32>} : memref<128xi32, #tpu.memory_space<vmem>>, vector<16xi32>,
      %get3A_45 = vector.shape_cast %get3A_44 : vector<16xi32> to vector<16xi32>
      %add3A_46 = vector.broadcast %mul3A_5 : i32 to vector<16xi32>
      %add3A_47 = arith.addi %get3A_45, %add3A_46 : vector<16xi32>
      %swap3A_48 = arith.constant 32 : index
      %swap3A_49 = tpu.vector_load %arg9[%swap3A_48] {strides = array<i32>} : memref<128xi32, #tpu.memory_space<vmem>>, vector<16xi32>,
      %swap3A_50 = vector.shape_cast %swap3A_49 : vector<16xi32> to vector<16xi32>
      %swap3A_51 = vector.shape_cast %add3A_47 : vector<16xi32> to vector<16xi32>
      tpu.vector_store %arg9[%swap3A_48], %swap3A_51 {strides = array<i32>} : memref<128xi32, #tpu.memory_space<vmem>>, vector<16xi32>,
      %get3A_52 = arith.constant 48 : index
      %get3A_53 = tpu.vector_load %arg7[%get3A_52] {strides = array<i32>} : memref<128xi32, #tpu.memory_space<vmem>>, vector<16xi32>,
      %get3A_54 = vector.shape_cast %get3A_53 : vector<16xi32> to vector<16xi32>
      %add3A_55 = vector.broadcast %mul3A_5 : i32 to vector<16xi32>
      %add3A_56 = arith.addi %get3A_54, %add3A_55 : vector<16xi32>
      %swap3A_57 = arith.constant 48 : index
      %swap3A_58 = tpu.vector_load %arg9[%swap3A_57] {strides = array<i32>} : memref<128xi32, #tpu.memory_space<vmem>>, vector<16xi32>,
      %swap3A_59 = vector.shape_cast %swap3A_58 : vector<16xi32> to vector<16xi32>
      %swap3A_60 = vector.shape_cast %add3A_56 : vector<16xi32> to vector<16xi32>
      tpu.vector_store %arg9[%swap3A_57], %swap3A_60 {strides = array<i32>} : memref<128xi32, #tpu.memory_space<vmem>>, vector<16xi32>,
      %get3A_61 = arith.constant 64 : index
      %get3A_62 = tpu.vector_load %arg7[%get3A_61] {strides = array<i32>} : memref<128xi32, #tpu.memory_space<vmem>>, vector<16xi32>,
      %get3A_63 = vector.shape_cast %get3A_62 : vector<16xi32> to vector<16xi32>
      %add3A_64 = vector.broadcast %mul3A_5 : i32 to vector<16xi32>
      %add3A_65 = arith.addi %get3A_63, %add3A_64 : vector<16xi32>
      %swap3A_66 = arith.constant 64 : index
      %swap3A_67 = tpu.vector_load %arg9[%swap3A_66] {strides = array<i32>} : memref<128xi32, #tpu.memory_space<vmem>>, vector<16xi32>,
      %swap3A_68 = vector.shape_cast %swap3A_67 : vector<16xi32> to vector<16xi32>
      %swap3A_69 = vector.shape_cast %add3A_65 : vector<16xi32> to vector<16xi32>
      tpu.vector_store %arg9[%swap3A_66], %swap3A_69 {strides = array<i32>} : memref<128xi32, #tpu.memory_space<vmem>>, vector<16xi32>,
      %get3A_70 = arith.constant 80 : index
      %get3A_71 = tpu.vector_load %arg7[%get3A_70] {strides = array<i32>} : memref<128xi32, #tpu.memory_space<vmem>>, vector<16xi32>,
      %get3A_72 = vector.shape_cast %get3A_71 : vector<16xi32> to vector<16xi32>
      %add3A_73 = vector.broadcast %mul3A_5 : i32 to vector<16xi32>
      %add3A_74 = arith.addi %get3A_72, %add3A_73 : vector<16xi32>
      %swap3A_75 = arith.constant 80 : index
      %swap3A_76 = tpu.vector_load %arg9[%swap3A_75] {strides = array<i32>} : memref<128xi32, #tpu.memory_space<vmem>>, vector<16xi32>,
      %swap3A_77 = vector.shape_cast %swap3A_76 : vector<16xi32> to vector<16xi32>
      %swap3A_78 = vector.shape_cast %add3A_74 : vector<16xi32> to vector<16xi32>
      tpu.vector_store %arg9[%swap3A_75], %swap3A_78 {strides = array<i32>} : memref<128xi32, #tpu.memory_space<vmem>>, vector<16xi32>,
      %get3A_79 = arith.constant 96 : index
      %get3A_80 = tpu.vector_load %arg7[%get3A_79] {strides = array<i32>} : memref<128xi32, #tpu.memory_space<vmem>>, vector<16xi32>,
      %get3A_81 = vector.shape_cast %get3A_80 : vector<16xi32> to vector<16xi32>
      %add3A_82 = vector.broadcast %mul3A_5 : i32 to vector<16xi32>
      %add3A_83 = arith.addi %get3A_81, %add3A_82 : vector<16xi32>
      %swap3A_84 = arith.constant 96 : index
      %swap3A_85 = tpu.vector_load %arg9[%swap3A_84] {strides = array<i32>} : memref<128xi32, #tpu.memory_space<vmem>>, vector<16xi32>,
      %swap3A_86 = vector.shape_cast %swap3A_85 : vector<16xi32> to vector<16xi32>
      %swap3A_87 = vector.shape_cast %add3A_83 : vector<16xi32> to vector<16xi32>
      tpu.vector_store %arg9[%swap3A_84], %swap3A_87 {strides = array<i32>} : memref<128xi32, #tpu.memory_space<vmem>>, vector<16xi32>,
      %get3A_88 = arith.constant 112 : index
      %get3A_89 = tpu.vector_load %arg7[%get3A_88] {strides = array<i32>} : memref<128xi32, #tpu.memory_space<vmem>>, vector<16xi32>,
      %get3A_90 = vector.shape_cast %get3A_89 : vector<16xi32> to vector<16xi32>
      %add3A_91 = vector.broadcast %mul3A_5 : i32 to vector<16xi32>
      %add3A_92 = arith.addi %get3A_90, %add3A_91 : vector<16xi32>
      %swap3A_93 = arith.constant 112 : index
      %swap3A_94 = tpu.vector_load %arg9[%swap3A_93] {strides = array<i32>} : memref<128xi32, #tpu.memory_space<vmem>>, vector<16xi32>,
      %swap3A_95 = vector.shape_cast %swap3A_94 : vector<16xi32> to vector<16xi32>
      %swap3A_96 = vector.shape_cast %add3A_92 : vector<16xi32> to vector<16xi32>
      tpu.vector_store %arg9[%swap3A_93], %swap3A_96 {strides = array<i32>} : memref<128xi32, #tpu.memory_space<vmem>>, vector<16xi32>,
      %dma_start3A = arith.constant 0 : i32
      %dma_start3A_97 = arith.constant 0 : i32
      %dma_start3A_98 = tpu.memref_slice %arg2[%dma_start3A, %dma_start3A_97] : memref<20000x128xf32, #tpu.memory_space<hbm>> -> memref<20000x128xf32, #tpu.memory_space<hbm>>
      tpu.enqueue_indirect_dma source(%dma_start3A_98 : memref<20000x128xf32, #tpu.memory_space<hbm>>) target(%arg10 : memref<128x128xf32, #tpu.memory_space<vmem>>) offsets(%arg9 : memref<128xi32, #tpu.memory_space<vmem>>) semaphore(%arg12 : memref<!tpu.dma_semaphore, #tpu.memory_space<semaphore_mem>>)
      %dma_wait3A = arith.constant 0 : i32
      %dma_wait3A_99 = arith.constant 0 : i32
      %dma_wait3A_100 = tpu.memref_slice %arg2[%dma_wait3A, %dma_wait3A_99] : memref<20000x128xf32, #tpu.memory_space<hbm>> -> memref<20000x128xf32, #tpu.memory_space<hbm>>
      tpu.wait_indirect_dma semaphore(%arg12 : memref<!tpu.dma_semaphore, #tpu.memory_space<semaphore_mem>>) src(%dma_wait3A_100 : memref<20000x128xf32, #tpu.memory_space<hbm>>) dst(%arg10 : memref<128x128xf32, #tpu.memory_space<vmem>>)
      "tpu.region"() ({
        %run_scoped3A = tpu.sem_alloc : memref<!tpu.dma_semaphore, #tpu.memory_space<semaphore_mem>>
        %dma_start3A_102 = arith.constant 0 : i32
        %dma_start3A_103 = arith.constant 0 : i32
        %dma_start3A_104 = tpu.memref_slice %arg11[%dma_start3A_102, %dma_start3A_103] : memref<10016x128xf32, #tpu.memory_space<vmem_shared>> -> memref<10016x128xf32, #tpu.memory_space<vmem_shared>>
        tpu.enqueue_indirect_dma source(%arg10 : memref<128x128xf32, #tpu.memory_space<vmem>>) target(%dma_start3A_104 : memref<10016x128xf32, #tpu.memory_space<vmem_shared>>) offsets(%arg8 : memref<128xi32, #tpu.memory_space<vmem>>) semaphore(%run_scoped3A : memref<!tpu.dma_semaphore, #tpu.memory_space<semaphore_mem>>) {add = true}
        %dma_wait3A_105 = arith.constant 0 : i32
        %dma_wait3A_106 = arith.constant 0 : i32
        %dma_wait3A_107 = tpu.memref_slice %arg11[%dma_wait3A_105, %dma_wait3A_106] : memref<10016x128xf32, #tpu.memory_space<vmem_shared>> -> memref<10016x128xf32, #tpu.memory_space<vmem_shared>>
        tpu.wait_indirect_dma semaphore(%run_scoped3A : memref<!tpu.dma_semaphore, #tpu.memory_space<semaphore_mem>>) src(%arg10 : memref<128x128xf32, #tpu.memory_space<vmem>>) dst(%dma_wait3A_107 : memref<10016x128xf32, #tpu.memory_space<vmem_shared>>)
        tpu.yield
      }) : () -> ()
      %scan3A_101 = arith.constant 0 : i32
      scf.yield %scan3A_101 : i32
    }
    %scan3A_11 = arith.constant 157 : i32
    %barrier3A_12 = arith.constant 0 : index
    tpu.barrier barrier_id(%barrier3A_12)
    %mul3A_13 = arith.constant 624 : i32
    %mul3A_14 = arith.muli %arg1, %mul3A_13 : i32
    "tpu.region"() ({
      %run_scoped3A = tpu.sem_alloc : memref<!tpu.dma_semaphore, #tpu.memory_space<semaphore_mem>>
      %dma_start3A = arith.constant 0 : i32
      %dma_start3A_20 = tpu.memref_slice %arg6[%mul3A_5, %dma_start3A] : memref<20000x128xf32, #tpu.memory_space<hbm>> -> memref<10000x128xf32, #tpu.memory_space<hbm>>
      %dma_start3A_21 = arith.constant 0 : i32
      %dma_start3A_22 = tpu.memref_slice %dma_start3A_20[%mul3A_14, %dma_start3A_21] : memref<10000x128xf32, #tpu.memory_space<hbm>> -> memref<624x128xf32, #tpu.memory_space<hbm>>
      %dma_start3A_23 = arith.constant 0 : i32
      %dma_start3A_24 = tpu.memref_slice %arg11[%mul3A_14, %dma_start3A_23] : memref<10016x128xf32, #tpu.memory_space<vmem_shared>> -> memref<624x128xf32, #tpu.memory_space<vmem_shared>>
      tpu.enqueue_dma source(%dma_start3A_24 : memref<624x128xf32, #tpu.memory_space<vmem_shared>>) target(%dma_start3A_22 : memref<624x128xf32, #tpu.memory_space<hbm>>) target_semaphore(%run_scoped3A : memref<!tpu.dma_semaphore, #tpu.memory_space<semaphore_mem>>)
      %dma_wait3A = arith.constant 0 : i32
      %dma_wait3A_25 = tpu.memref_slice %arg6[%mul3A_5, %dma_wait3A] : memref<20000x128xf32, #tpu.memory_space<hbm>> -> memref<10000x128xf32, #tpu.memory_space<hbm>>
      %dma_wait3A_26 = arith.constant 0 : i32
      %dma_wait3A_27 = tpu.memref_slice %dma_wait3A_25[%mul3A_14, %dma_wait3A_26] : memref<10000x128xf32, #tpu.memory_space<hbm>> -> memref<624x128xf32, #tpu.memory_space<hbm>>
      %dma_wait3A_28 = arith.constant 0 : i32
      %dma_wait3A_29 = tpu.memref_slice %arg11[%mul3A_14, %dma_wait3A_28] : memref<10016x128xf32, #tpu.memory_space<vmem_shared>> -> memref<624x128xf32, #tpu.memory_space<vmem_shared>>
      tpu.wait_dma2 semaphore(%run_scoped3A : memref<!tpu.dma_semaphore, #tpu.memory_space<semaphore_mem>>) src(%dma_wait3A_29 : memref<624x128xf32, #tpu.memory_space<vmem_shared>>) dst(%dma_wait3A_27 : memref<624x128xf32, #tpu.memory_space<hbm>>)
      tpu.yield
    }) : () -> ()
    %eq3A_15 = arith.constant 15 : i32
    %eq3A_16 = arith.cmpi eq, %arg1, %eq3A_15 : i32
    %convert_element_type3A_17 = arith.extui %eq3A_16 : i1 to i32
    %cond3A_18 = arith.constant 0 : i32
    %cond3A_19 = arith.cmpi ne, %convert_element_type3A_17, %cond3A_18 : i32
    scf.if %cond3A_19 {
      "tpu.region"() ({
        %run_scoped3A = tpu.sem_alloc : memref<!tpu.dma_semaphore, #tpu.memory_space<semaphore_mem>>
        %dma_start3A = arith.constant 0 : i32
        %dma_start3A_20 = tpu.memref_slice %arg6[%mul3A_5, %dma_start3A] : memref<20000x128xf32, #tpu.memory_space<hbm>> -> memref<10000x128xf32, #tpu.memory_space<hbm>>
        %dma_start3A_21 = arith.constant 9984 : i32
        %dma_start3A_22 = arith.constant 0 : i32
        %dma_start3A_23 = tpu.memref_slice %dma_start3A_20[%dma_start3A_21, %dma_start3A_22] : memref<10000x128xf32, #tpu.memory_space<hbm>> -> memref<16x128xf32, #tpu.memory_space<hbm>>
        %dma_start3A_24 = arith.constant 9984 : i32
        %dma_start3A_25 = arith.constant 0 : i32
        %dma_start3A_26 = tpu.memref_slice %arg11[%dma_start3A_24, %dma_start3A_25] : memref<10016x128xf32, #tpu.memory_space<vmem_shared>> -> memref<16x128xf32, #tpu.memory_space<vmem_shared>>
        tpu.enqueue_dma source(%dma_start3A_26 : memref<16x128xf32, #tpu.memory_space<vmem_shared>>) target(%dma_start3A_23 : memref<16x128xf32, #tpu.memory_space<hbm>>) target_semaphore(%run_scoped3A : memref<!tpu.dma_semaphore, #tpu.memory_space<semaphore_mem>>)
        %dma_wait3A = arith.constant 0 : i32
        %dma_wait3A_27 = tpu.memref_slice %arg6[%mul3A_5, %dma_wait3A] : memref<20000x128xf32, #tpu.memory_space<hbm>> -> memref<10000x128xf32, #tpu.memory_space<hbm>>
        %dma_wait3A_28 = arith.constant 9984 : i32
        %dma_wait3A_29 = arith.constant 0 : i32
        %dma_wait3A_30 = tpu.memref_slice %dma_wait3A_27[%dma_wait3A_28, %dma_wait3A_29] : memref<10000x128xf32, #tpu.memory_space<hbm>> -> memref<16x128xf32, #tpu.memory_space<hbm>>
        %dma_wait3A_31 = arith.constant 9984 : i32
        %dma_wait3A_32 = arith.constant 0 : i32
        %dma_wait3A_33 = tpu.memref_slice %arg11[%dma_wait3A_31, %dma_wait3A_32] : memref<10016x128xf32, #tpu.memory_space<vmem_shared>> -> memref<16x128xf32, #tpu.memory_space<vmem_shared>>
        tpu.wait_dma2 semaphore(%run_scoped3A : memref<!tpu.dma_semaphore, #tpu.memory_space<semaphore_mem>>) src(%dma_wait3A_33 : memref<16x128xf32, #tpu.memory_space<vmem_shared>>) dst(%dma_wait3A_30 : memref<16x128xf32, #tpu.memory_space<hbm>>)
        tpu.yield
      }) : () -> ()
    } else {
    }
    return
  }
}

#map = affine_map<(d0, d1) -> (0, 0)>
#map1 = affine_map<(d0, d1) -> (0)>
module attributes {stable_mosaic.version = 14 : i64} {
  func.func @prop_kernel(%arg0: i32, %arg1: i32, %arg2: memref<20000x128xf32, #tpu.memory_space<hbm>>, %arg3: memref<321536xi32, #tpu.memory_space<hbm>>, %arg4: memref<321536xi32, #tpu.memory_space<hbm>>, %arg5: memref<312x128xf32, #tpu.memory_space<hbm>>, %arg6: memref<20000x128xf32, #tpu.memory_space<hbm>>, %arg7: memref<128xi32, #tpu.memory_space<vmem>>, %arg8: memref<128xi32, #tpu.memory_space<vmem>>, %arg9: memref<128xi32, #tpu.memory_space<vmem>>, %arg10: memref<128x128xf32, #tpu.memory_space<vmem>>, %arg11: memref<10016x128xf32, #tpu.memory_space<vmem_shared>>, %arg12: memref<!tpu.dma_semaphore, #tpu.memory_space<semaphore_mem>>) attributes {dimension_semantics = [#tpu.dimension_semantics<core_parallel>, #tpu.dimension_semantics<subcore_parallel>], iteration_bounds = array<i64: 2, 16>, scalar_prefetch = 0 : i64, scratch_operands = 6 : i64, tpu.core_type = #tpu.core_type<sc_vector_subcore>, window_params = [{transform_indices = #map}, {transform_indices = #map1}, {transform_indices = #map1}, {transform_indices = #map}, {transform_indices = #map}]} {
    %mul3A = arith.constant 624 : i32
    %mul3A_0 = arith.muli %arg1, %mul3A : i32
    "tpu.region"() ({
      %run_scoped3A = tpu.sem_alloc : memref<!tpu.dma_semaphore, #tpu.memory_space<semaphore_mem>>
      %dma_start3A = arith.constant 0 : i32
      %dma_start3A_20 = tpu.memref_slice %arg11[%mul3A_0, %dma_start3A] : memref<10016x128xf32, #tpu.memory_space<vmem_shared>> -> memref<312x128xf32, #tpu.memory_space<vmem_shared>>
      tpu.enqueue_dma source(%arg5 : memref<312x128xf32, #tpu.memory_space<hbm>>) target(%dma_start3A_20 : memref<312x128xf32, #tpu.memory_space<vmem_shared>>) target_semaphore(%run_scoped3A : memref<!tpu.dma_semaphore, #tpu.memory_space<semaphore_mem>>)
      %dma_wait3A = arith.constant 0 : i32
      %dma_wait3A_21 = tpu.memref_slice %arg11[%mul3A_0, %dma_wait3A] : memref<10016x128xf32, #tpu.memory_space<vmem_shared>> -> memref<312x128xf32, #tpu.memory_space<vmem_shared>>
      tpu.wait_dma2 semaphore(%run_scoped3A : memref<!tpu.dma_semaphore, #tpu.memory_space<semaphore_mem>>) src(%arg5 : memref<312x128xf32, #tpu.memory_space<hbm>>) dst(%dma_wait3A_21 : memref<312x128xf32, #tpu.memory_space<vmem_shared>>)
      tpu.yield
    }) : () -> ()
    %add3A = arith.constant 312 : i32
    %add3A_1 = arith.addi %mul3A_0, %add3A : i32
    "tpu.region"() ({
      %run_scoped3A = tpu.sem_alloc : memref<!tpu.dma_semaphore, #tpu.memory_space<semaphore_mem>>
      %dma_start3A = arith.constant 0 : i32
      %dma_start3A_20 = tpu.memref_slice %arg11[%add3A_1, %dma_start3A] : memref<10016x128xf32, #tpu.memory_space<vmem_shared>> -> memref<312x128xf32, #tpu.memory_space<vmem_shared>>
      tpu.enqueue_dma source(%arg5 : memref<312x128xf32, #tpu.memory_space<hbm>>) target(%dma_start3A_20 : memref<312x128xf32, #tpu.memory_space<vmem_shared>>) target_semaphore(%run_scoped3A : memref<!tpu.dma_semaphore, #tpu.memory_space<semaphore_mem>>)
      %dma_wait3A = arith.constant 0 : i32
      %dma_wait3A_21 = tpu.memref_slice %arg11[%add3A_1, %dma_wait3A] : memref<10016x128xf32, #tpu.memory_space<vmem_shared>> -> memref<312x128xf32, #tpu.memory_space<vmem_shared>>
      tpu.wait_dma2 semaphore(%run_scoped3A : memref<!tpu.dma_semaphore, #tpu.memory_space<semaphore_mem>>) src(%arg5 : memref<312x128xf32, #tpu.memory_space<hbm>>) dst(%dma_wait3A_21 : memref<312x128xf32, #tpu.memory_space<vmem_shared>>)
      tpu.yield
    }) : () -> ()
    %eq3A = arith.constant 15 : i32
    %eq3A_2 = arith.cmpi eq, %arg1, %eq3A : i32
    %convert_element_type3A = arith.extui %eq3A_2 : i1 to i32
    %cond3A = arith.constant 0 : i32
    %cond3A_3 = arith.cmpi ne, %convert_element_type3A, %cond3A : i32
    scf.if %cond3A_3 {
      "tpu.region"() ({
        %run_scoped3A = tpu.sem_alloc : memref<!tpu.dma_semaphore, #tpu.memory_space<semaphore_mem>>
        %dma_start3A = arith.constant 9984 : i32
        %dma_start3A_20 = arith.constant 0 : i32
        %dma_start3A_21 = tpu.memref_slice %arg11[%dma_start3A, %dma_start3A_20] : memref<10016x128xf32, #tpu.memory_space<vmem_shared>> -> memref<32x128xf32, #tpu.memory_space<vmem_shared>>
        %dma_start3A_22 = arith.constant 0 : i32
        %dma_start3A_23 = arith.constant 0 : i32
        %dma_start3A_24 = tpu.memref_slice %arg5[%dma_start3A_22, %dma_start3A_23] : memref<312x128xf32, #tpu.memory_space<hbm>> -> memref<32x128xf32, #tpu.memory_space<hbm>>
        tpu.enqueue_dma source(%dma_start3A_24 : memref<32x128xf32, #tpu.memory_space<hbm>>) target(%dma_start3A_21 : memref<32x128xf32, #tpu.memory_space<vmem_shared>>) target_semaphore(%run_scoped3A : memref<!tpu.dma_semaphore, #tpu.memory_space<semaphore_mem>>)
        %dma_wait3A = arith.constant 9984 : i32
        %dma_wait3A_25 = arith.constant 0 : i32
        %dma_wait3A_26 = tpu.memref_slice %arg11[%dma_wait3A, %dma_wait3A_25] : memref<10016x128xf32, #tpu.memory_space<vmem_shared>> -> memref<32x128xf32, #tpu.memory_space<vmem_shared>>
        %dma_wait3A_27 = arith.constant 0 : i32
        %dma_wait3A_28 = arith.constant 0 : i32
        %dma_wait3A_29 = tpu.memref_slice %arg5[%dma_wait3A_27, %dma_wait3A_28] : memref<312x128xf32, #tpu.memory_space<hbm>> -> memref<32x128xf32, #tpu.memory_space<hbm>>
        tpu.wait_dma2 semaphore(%run_scoped3A : memref<!tpu.dma_semaphore, #tpu.memory_space<semaphore_mem>>) src(%dma_wait3A_29 : memref<32x128xf32, #tpu.memory_space<hbm>>) dst(%dma_wait3A_26 : memref<32x128xf32, #tpu.memory_space<vmem_shared>>)
        tpu.yield
      }) : () -> ()
    } else {
    }
    %barrier3A = arith.constant 0 : index
    tpu.barrier barrier_id(%barrier3A)
    %mul3A_4 = arith.constant 10000 : i32
    %mul3A_5 = arith.muli %arg0, %mul3A_4 : i32
    %scan3A = arith.constant 0 : i32
    %scan3A_6 = arith.constant 0 : i32
    %scan3A_7 = arith.constant 157 : i32
    %scan3A_8 = arith.addi %scan3A_6, %scan3A_7 : i32
    %scan3A_9 = arith.constant 1 : i32
    %scan3A_10 = scf.for %scan3A_20 = %scan3A_6 to %scan3A_8 step %scan3A_9 iter_args(%scan3A_21 = %scan3A) -> (i32)  : i32 {
      %mul3A_22 = arith.constant 20096 : i32
      %mul3A_23 = arith.muli %arg1, %mul3A_22 : i32
      %mul3A_24 = arith.constant 128 : i32
      %mul3A_25 = arith.muli %scan3A_20, %mul3A_24 : i32
      %add3A_26 = arith.addi %mul3A_23, %mul3A_25 : i32
      "tpu.region"() ({
        %run_scoped3A = tpu.sem_alloc : memref<!tpu.dma_semaphore, #tpu.memory_space<semaphore_mem>>
        %dma_start3A_102 = tpu.memref_slice %arg3[%add3A_26] : memref<321536xi32, #tpu.memory_space<hbm>> -> memref<128xi32, #tpu.memory_space<hbm>>
        %dma_start3A_103 = tpu.memref_slice %arg3[%add3A_26] : memref<321536xi32, #tpu.memory_space<hbm>> -> memref<128xi32, #tpu.memory_space<hbm>>
        tpu.enqueue_dma source(%dma_start3A_103 : memref<128xi32, #tpu.memory_space<hbm>>) target(%arg7 : memref<128xi32, #tpu.memory_space<vmem>>) target_semaphore(%run_scoped3A : memref<!tpu.dma_semaphore, #tpu.memory_space<semaphore_mem>>)
        %dma_wait3A_104 = tpu.memref_slice %arg3[%add3A_26] : memref<321536xi32, #tpu.memory_space<hbm>> -> memref<128xi32, #tpu.memory_space<hbm>>
        %dma_wait3A_105 = tpu.memref_slice %arg3[%add3A_26] : memref<321536xi32, #tpu.memory_space<hbm>> -> memref<128xi32, #tpu.memory_space<hbm>>
        tpu.wait_dma2 semaphore(%run_scoped3A : memref<!tpu.dma_semaphore, #tpu.memory_space<semaphore_mem>>) src(%dma_wait3A_105 : memref<128xi32, #tpu.memory_space<hbm>>) dst(%arg7 : memref<128xi32, #tpu.memory_space<vmem>>)
        tpu.yield
      }) : () -> ()
      "tpu.region"() ({
        %run_scoped3A = tpu.sem_alloc : memref<!tpu.dma_semaphore, #tpu.memory_space<semaphore_mem>>
        %dma_start3A_102 = tpu.memref_slice %arg4[%add3A_26] : memref<321536xi32, #tpu.memory_space<hbm>> -> memref<128xi32, #tpu.memory_space<hbm>>
        %dma_start3A_103 = tpu.memref_slice %arg4[%add3A_26] : memref<321536xi32, #tpu.memory_space<hbm>> -> memref<128xi32, #tpu.memory_space<hbm>>
        tpu.enqueue_dma source(%dma_start3A_103 : memref<128xi32, #tpu.memory_space<hbm>>) target(%arg8 : memref<128xi32, #tpu.memory_space<vmem>>) target_semaphore(%run_scoped3A : memref<!tpu.dma_semaphore, #tpu.memory_space<semaphore_mem>>)
        %dma_wait3A_104 = tpu.memref_slice %arg4[%add3A_26] : memref<321536xi32, #tpu.memory_space<hbm>> -> memref<128xi32, #tpu.memory_space<hbm>>
        %dma_wait3A_105 = tpu.memref_slice %arg4[%add3A_26] : memref<321536xi32, #tpu.memory_space<hbm>> -> memref<128xi32, #tpu.memory_space<hbm>>
        tpu.wait_dma2 semaphore(%run_scoped3A : memref<!tpu.dma_semaphore, #tpu.memory_space<semaphore_mem>>) src(%dma_wait3A_105 : memref<128xi32, #tpu.memory_space<hbm>>) dst(%arg8 : memref<128xi32, #tpu.memory_space<vmem>>)
        tpu.yield
      }) : () -> ()
      %get3A = arith.constant 0 : index
      %get3A_27 = tpu.vector_load %arg7[%get3A] {strides = array<i32>} : memref<128xi32, #tpu.memory_space<vmem>>, vector<16xi32>,
      %get3A_28 = vector.shape_cast %get3A_27 : vector<16xi32> to vector<16xi32>
      %add3A_29 = vector.broadcast %mul3A_5 : i32 to vector<16xi32>
      %add3A_30 = arith.addi %get3A_28, %add3A_29 : vector<16xi32>
      %swap3A = arith.constant 0 : index
      %swap3A_31 = tpu.vector_load %arg9[%swap3A] {strides = array<i32>} : memref<128xi32, #tpu.memory_space<vmem>>, vector<16xi32>,
      %swap3A_32 = vector.shape_cast %swap3A_31 : vector<16xi32> to vector<16xi32>
      %swap3A_33 = vector.shape_cast %add3A_30 : vector<16xi32> to vector<16xi32>
      tpu.vector_store %arg9[%swap3A], %swap3A_33 {strides = array<i32>} : memref<128xi32, #tpu.memory_space<vmem>>, vector<16xi32>,
      %get3A_34 = arith.constant 16 : index
      %get3A_35 = tpu.vector_load %arg7[%get3A_34] {strides = array<i32>} : memref<128xi32, #tpu.memory_space<vmem>>, vector<16xi32>,
      %get3A_36 = vector.shape_cast %get3A_35 : vector<16xi32> to vector<16xi32>
      %add3A_37 = vector.broadcast %mul3A_5 : i32 to vector<16xi32>
      %add3A_38 = arith.addi %get3A_36, %add3A_37 : vector<16xi32>
      %swap3A_39 = arith.constant 16 : index
      %swap3A_40 = tpu.vector_load %arg9[%swap3A_39] {strides = array<i32>} : memref<128xi32, #tpu.memory_space<vmem>>, vector<16xi32>,
      %swap3A_41 = vector.shape_cast %swap3A_40 : vector<16xi32> to vector<16xi32>
      %swap3A_42 = vector.shape_cast %add3A_38 : vector<16xi32> to vector<16xi32>
      tpu.vector_store %arg9[%swap3A_39], %swap3A_42 {strides = array<i32>} : memref<128xi32, #tpu.memory_space<vmem>>, vector<16xi32>,
      %get3A_43 = arith.constant 32 : index
      %get3A_44 = tpu.vector_load %arg7[%get3A_43] {strides = array<i32>} : memref<128xi32, #tpu.memory_space<vmem>>, vector<16xi32>,
      %get3A_45 = vector.shape_cast %get3A_44 : vector<16xi32> to vector<16xi32>
      %add3A_46 = vector.broadcast %mul3A_5 : i32 to vector<16xi32>
      %add3A_47 = arith.addi %get3A_45, %add3A_46 : vector<16xi32>
      %swap3A_48 = arith.constant 32 : index
      %swap3A_49 = tpu.vector_load %arg9[%swap3A_48] {strides = array<i32>} : memref<128xi32, #tpu.memory_space<vmem>>, vector<16xi32>,
      %swap3A_50 = vector.shape_cast %swap3A_49 : vector<16xi32> to vector<16xi32>
      %swap3A_51 = vector.shape_cast %add3A_47 : vector<16xi32> to vector<16xi32>
      tpu.vector_store %arg9[%swap3A_48], %swap3A_51 {strides = array<i32>} : memref<128xi32, #tpu.memory_space<vmem>>, vector<16xi32>,
      %get3A_52 = arith.constant 48 : index
      %get3A_53 = tpu.vector_load %arg7[%get3A_52] {strides = array<i32>} : memref<128xi32, #tpu.memory_space<vmem>>, vector<16xi32>,
      %get3A_54 = vector.shape_cast %get3A_53 : vector<16xi32> to vector<16xi32>
      %add3A_55 = vector.broadcast %mul3A_5 : i32 to vector<16xi32>
      %add3A_56 = arith.addi %get3A_54, %add3A_55 : vector<16xi32>
      %swap3A_57 = arith.constant 48 : index
      %swap3A_58 = tpu.vector_load %arg9[%swap3A_57] {strides = array<i32>} : memref<128xi32, #tpu.memory_space<vmem>>, vector<16xi32>,
      %swap3A_59 = vector.shape_cast %swap3A_58 : vector<16xi32> to vector<16xi32>
      %swap3A_60 = vector.shape_cast %add3A_56 : vector<16xi32> to vector<16xi32>
      tpu.vector_store %arg9[%swap3A_57], %swap3A_60 {strides = array<i32>} : memref<128xi32, #tpu.memory_space<vmem>>, vector<16xi32>,
      %get3A_61 = arith.constant 64 : index
      %get3A_62 = tpu.vector_load %arg7[%get3A_61] {strides = array<i32>} : memref<128xi32, #tpu.memory_space<vmem>>, vector<16xi32>,
      %get3A_63 = vector.shape_cast %get3A_62 : vector<16xi32> to vector<16xi32>
      %add3A_64 = vector.broadcast %mul3A_5 : i32 to vector<16xi32>
      %add3A_65 = arith.addi %get3A_63, %add3A_64 : vector<16xi32>
      %swap3A_66 = arith.constant 64 : index
      %swap3A_67 = tpu.vector_load %arg9[%swap3A_66] {strides = array<i32>} : memref<128xi32, #tpu.memory_space<vmem>>, vector<16xi32>,
      %swap3A_68 = vector.shape_cast %swap3A_67 : vector<16xi32> to vector<16xi32>
      %swap3A_69 = vector.shape_cast %add3A_65 : vector<16xi32> to vector<16xi32>
      tpu.vector_store %arg9[%swap3A_66], %swap3A_69 {strides = array<i32>} : memref<128xi32, #tpu.memory_space<vmem>>, vector<16xi32>,
      %get3A_70 = arith.constant 80 : index
      %get3A_71 = tpu.vector_load %arg7[%get3A_70] {strides = array<i32>} : memref<128xi32, #tpu.memory_space<vmem>>, vector<16xi32>,
      %get3A_72 = vector.shape_cast %get3A_71 : vector<16xi32> to vector<16xi32>
      %add3A_73 = vector.broadcast %mul3A_5 : i32 to vector<16xi32>
      %add3A_74 = arith.addi %get3A_72, %add3A_73 : vector<16xi32>
      %swap3A_75 = arith.constant 80 : index
      %swap3A_76 = tpu.vector_load %arg9[%swap3A_75] {strides = array<i32>} : memref<128xi32, #tpu.memory_space<vmem>>, vector<16xi32>,
      %swap3A_77 = vector.shape_cast %swap3A_76 : vector<16xi32> to vector<16xi32>
      %swap3A_78 = vector.shape_cast %add3A_74 : vector<16xi32> to vector<16xi32>
      tpu.vector_store %arg9[%swap3A_75], %swap3A_78 {strides = array<i32>} : memref<128xi32, #tpu.memory_space<vmem>>, vector<16xi32>,
      %get3A_79 = arith.constant 96 : index
      %get3A_80 = tpu.vector_load %arg7[%get3A_79] {strides = array<i32>} : memref<128xi32, #tpu.memory_space<vmem>>, vector<16xi32>,
      %get3A_81 = vector.shape_cast %get3A_80 : vector<16xi32> to vector<16xi32>
      %add3A_82 = vector.broadcast %mul3A_5 : i32 to vector<16xi32>
      %add3A_83 = arith.addi %get3A_81, %add3A_82 : vector<16xi32>
      %swap3A_84 = arith.constant 96 : index
      %swap3A_85 = tpu.vector_load %arg9[%swap3A_84] {strides = array<i32>} : memref<128xi32, #tpu.memory_space<vmem>>, vector<16xi32>,
      %swap3A_86 = vector.shape_cast %swap3A_85 : vector<16xi32> to vector<16xi32>
      %swap3A_87 = vector.shape_cast %add3A_83 : vector<16xi32> to vector<16xi32>
      tpu.vector_store %arg9[%swap3A_84], %swap3A_87 {strides = array<i32>} : memref<128xi32, #tpu.memory_space<vmem>>, vector<16xi32>,
      %get3A_88 = arith.constant 112 : index
      %get3A_89 = tpu.vector_load %arg7[%get3A_88] {strides = array<i32>} : memref<128xi32, #tpu.memory_space<vmem>>, vector<16xi32>,
      %get3A_90 = vector.shape_cast %get3A_89 : vector<16xi32> to vector<16xi32>
      %add3A_91 = vector.broadcast %mul3A_5 : i32 to vector<16xi32>
      %add3A_92 = arith.addi %get3A_90, %add3A_91 : vector<16xi32>
      %swap3A_93 = arith.constant 112 : index
      %swap3A_94 = tpu.vector_load %arg9[%swap3A_93] {strides = array<i32>} : memref<128xi32, #tpu.memory_space<vmem>>, vector<16xi32>,
      %swap3A_95 = vector.shape_cast %swap3A_94 : vector<16xi32> to vector<16xi32>
      %swap3A_96 = vector.shape_cast %add3A_92 : vector<16xi32> to vector<16xi32>
      tpu.vector_store %arg9[%swap3A_93], %swap3A_96 {strides = array<i32>} : memref<128xi32, #tpu.memory_space<vmem>>, vector<16xi32>,
      %dma_start3A = arith.constant 0 : i32
      %dma_start3A_97 = arith.constant 0 : i32
      %dma_start3A_98 = tpu.memref_slice %arg2[%dma_start3A, %dma_start3A_97] : memref<20000x128xf32, #tpu.memory_space<hbm>> -> memref<20000x128xf32, #tpu.memory_space<hbm>>
      tpu.enqueue_indirect_dma source(%dma_start3A_98 : memref<20000x128xf32, #tpu.memory_space<hbm>>) target(%arg10 : memref<128x128xf32, #tpu.memory_space<vmem>>) offsets(%arg9 : memref<128xi32, #tpu.memory_space<vmem>>) semaphore(%arg12 : memref<!tpu.dma_semaphore, #tpu.memory_space<semaphore_mem>>)
      %dma_wait3A = arith.constant 0 : i32
      %dma_wait3A_99 = arith.constant 0 : i32
      %dma_wait3A_100 = tpu.memref_slice %arg2[%dma_wait3A, %dma_wait3A_99] : memref<20000x128xf32, #tpu.memory_space<hbm>> -> memref<20000x128xf32, #tpu.memory_space<hbm>>
      tpu.wait_indirect_dma semaphore(%arg12 : memref<!tpu.dma_semaphore, #tpu.memory_space<semaphore_mem>>) src(%dma_wait3A_100 : memref<20000x128xf32, #tpu.memory_space<hbm>>) dst(%arg10 : memref<128x128xf32, #tpu.memory_space<vmem>>)
      "tpu.region"() ({
        %run_scoped3A = tpu.sem_alloc : memref<!tpu.dma_semaphore, #tpu.memory_space<semaphore_mem>>
        %dma_start3A_102 = arith.constant 0 : i32
        %dma_start3A_103 = arith.constant 0 : i32
        %dma_start3A_104 = tpu.memref_slice %arg11[%dma_start3A_102, %dma_start3A_103] : memref<10016x128xf32, #tpu.memory_space<vmem_shared>> -> memref<10016x128xf32, #tpu.memory_space<vmem_shared>>
        tpu.enqueue_indirect_dma source(%arg10 : memref<128x128xf32, #tpu.memory_space<vmem>>) target(%dma_start3A_104 : memref<10016x128xf32, #tpu.memory_space<vmem_shared>>) offsets(%arg8 : memref<128xi32, #tpu.memory_space<vmem>>) semaphore(%run_scoped3A : memref<!tpu.dma_semaphore, #tpu.memory_space<semaphore_mem>>) {add = true}
        %dma_wait3A_105 = arith.constant 0 : i32
        %dma_wait3A_106 = arith.constant 0 : i32
        %dma_wait3A_107 = tpu.memref_slice %arg11[%dma_wait3A_105, %dma_wait3A_106] : memref<10016x128xf32, #tpu.memory_space<vmem_shared>> -> memref<10016x128xf32, #tpu.memory_space<vmem_shared>>
        tpu.wait_indirect_dma semaphore(%run_scoped3A : memref<!tpu.dma_semaphore, #tpu.memory_space<semaphore_mem>>) src(%arg10 : memref<128x128xf32, #tpu.memory_space<vmem>>) dst(%dma_wait3A_107 : memref<10016x128xf32, #tpu.memory_space<vmem_shared>>)
        tpu.yield
      }) : () -> ()
      %scan3A_101 = arith.constant 0 : i32
      scf.yield %scan3A_101 : i32
    }
    %scan3A_11 = arith.constant 157 : i32
    %barrier3A_12 = arith.constant 0 : index
    tpu.barrier barrier_id(%barrier3A_12)
    %mul3A_13 = arith.constant 624 : i32
    %mul3A_14 = arith.muli %arg1, %mul3A_13 : i32
    "tpu.region"() ({
      %run_scoped3A = tpu.sem_alloc : memref<!tpu.dma_semaphore, #tpu.memory_space<semaphore_mem>>
      %dma_start3A = arith.constant 0 : i32
      %dma_start3A_20 = tpu.memref_slice %arg6[%mul3A_5, %dma_start3A] : memref<20000x128xf32, #tpu.memory_space<hbm>> -> memref<10000x128xf32, #tpu.memory_space<hbm>>
      %dma_start3A_21 = arith.constant 0 : i32
      %dma_start3A_22 = tpu.memref_slice %dma_start3A_20[%mul3A_14, %dma_start3A_21] : memref<10000x128xf32, #tpu.memory_space<hbm>> -> memref<624x128xf32, #tpu.memory_space<hbm>>
      %dma_start3A_23 = arith.constant 0 : i32
      %dma_start3A_24 = tpu.memref_slice %arg11[%mul3A_14, %dma_start3A_23] : memref<10016x128xf32, #tpu.memory_space<vmem_shared>> -> memref<624x128xf32, #tpu.memory_space<vmem_shared>>
      tpu.enqueue_dma source(%dma_start3A_24 : memref<624x128xf32, #tpu.memory_space<vmem_shared>>) target(%dma_start3A_22 : memref<624x128xf32, #tpu.memory_space<hbm>>) target_semaphore(%run_scoped3A : memref<!tpu.dma_semaphore, #tpu.memory_space<semaphore_mem>>)
      %dma_wait3A = arith.constant 0 : i32
      %dma_wait3A_25 = tpu.memref_slice %arg6[%mul3A_5, %dma_wait3A] : memref<20000x128xf32, #tpu.memory_space<hbm>> -> memref<10000x128xf32, #tpu.memory_space<hbm>>
      %dma_wait3A_26 = arith.constant 0 : i32
      %dma_wait3A_27 = tpu.memref_slice %dma_wait3A_25[%mul3A_14, %dma_wait3A_26] : memref<10000x128xf32, #tpu.memory_space<hbm>> -> memref<624x128xf32, #tpu.memory_space<hbm>>
      %dma_wait3A_28 = arith.constant 0 : i32
      %dma_wait3A_29 = tpu.memref_slice %arg11[%mul3A_14, %dma_wait3A_28] : memref<10016x128xf32, #tpu.memory_space<vmem_shared>> -> memref<624x128xf32, #tpu.memory_space<vmem_shared>>
      tpu.wait_dma2 semaphore(%run_scoped3A : memref<!tpu.dma_semaphore, #tpu.memory_space<semaphore_mem>>) src(%dma_wait3A_29 : memref<624x128xf32, #tpu.memory_space<vmem_shared>>) dst(%dma_wait3A_27 : memref<624x128xf32, #tpu.memory_space<hbm>>)
      tpu.yield
    }) : () -> ()
    %eq3A_15 = arith.constant 15 : i32
    %eq3A_16 = arith.cmpi eq, %arg1, %eq3A_15 : i32
    %convert_element_type3A_17 = arith.extui %eq3A_16 : i1 to i32
    %cond3A_18 = arith.constant 0 : i32
    %cond3A_19 = arith.cmpi ne, %convert_element_type3A_17, %cond3A_18 : i32
    scf.if %cond3A_19 {
      "tpu.region"() ({
        %run_scoped3A = tpu.sem_alloc : memref<!tpu.dma_semaphore, #tpu.memory_space<semaphore_mem>>
        %dma_start3A = arith.constant 0 : i32
        %dma_start3A_20 = tpu.memref_slice %arg6[%mul3A_5, %dma_start3A] : memref<20000x128xf32, #tpu.memory_space<hbm>> -> memref<10000x128xf32, #tpu.memory_space<hbm>>
        %dma_start3A_21 = arith.constant 9984 : i32
        %dma_start3A_22 = arith.constant 0 : i32
        %dma_start3A_23 = tpu.memref_slice %dma_start3A_20[%dma_start3A_21, %dma_start3A_22] : memref<10000x128xf32, #tpu.memory_space<hbm>> -> memref<16x128xf32, #tpu.memory_space<hbm>>
        %dma_start3A_24 = arith.constant 9984 : i32
        %dma_start3A_25 = arith.constant 0 : i32
        %dma_start3A_26 = tpu.memref_slice %arg11[%dma_start3A_24, %dma_start3A_25] : memref<10016x128xf32, #tpu.memory_space<vmem_shared>> -> memref<16x128xf32, #tpu.memory_space<vmem_shared>>
        tpu.enqueue_dma source(%dma_start3A_26 : memref<16x128xf32, #tpu.memory_space<vmem_shared>>) target(%dma_start3A_23 : memref<16x128xf32, #tpu.memory_space<hbm>>) target_semaphore(%run_scoped3A : memref<!tpu.dma_semaphore, #tpu.memory_space<semaphore_mem>>)
        %dma_wait3A = arith.constant 0 : i32
        %dma_wait3A_27 = tpu.memref_slice %arg6[%mul3A_5, %dma_wait3A] : memref<20000x128xf32, #tpu.memory_space<hbm>> -> memref<10000x128xf32, #tpu.memory_space<hbm>>
        %dma_wait3A_28 = arith.constant 9984 : i32
        %dma_wait3A_29 = arith.constant 0 : i32
        %dma_wait3A_30 = tpu.memref_slice %dma_wait3A_27[%dma_wait3A_28, %dma_wait3A_29] : memref<10000x128xf32, #tpu.memory_space<hbm>> -> memref<16x128xf32, #tpu.memory_space<hbm>>
        %dma_wait3A_31 = arith.constant 9984 : i32
        %dma_wait3A_32 = arith.constant 0 : i32
        %dma_wait3A_33 = tpu.memref_slice %arg11[%dma_wait3A_31, %dma_wait3A_32] : memref<10016x128xf32, #tpu.memory_space<vmem_shared>> -> memref<16x128xf32, #tpu.memory_space<vmem_shared>>
        tpu.wait_dma2 semaphore(%run_scoped3A : memref<!tpu.dma_semaphore, #tpu.memory_space<semaphore_mem>>) src(%dma_wait3A_33 : memref<16x128xf32, #tpu.memory_space<vmem_shared>>) dst(%dma_wait3A_30 : memref<16x128xf32, #tpu.memory_space<hbm>>)
        tpu.yield
      }) : () -> ()
    } else {
    }
    return
  }
}

#map = affine_map<(d0, d1) -> (0, 0)>
#map1 = affine_map<(d0, d1) -> (0)>
#map2 = affine_map<(d0, d1) -> (0, 0, 0)>
module attributes {stable_mosaic.version = 14 : i64} {
  func.func @prop_kernel(%arg0: i32, %arg1: i32, %arg2: memref<10000x128xf32, #tpu.memory_space<hbm>>, %arg3: memref<323584xi32, #tpu.memory_space<hbm>>, %arg4: memref<323584xi32, #tpu.memory_space<hbm>>, %arg5: memref<312x128xf32, #tpu.memory_space<hbm>>, %arg6: memref<2x10000x128xf32, #tpu.memory_space<hbm>>, %arg7: memref<128xi32, #tpu.memory_space<vmem>>, %arg8: memref<128xi32, #tpu.memory_space<vmem>>, %arg9: memref<128x128xf32, #tpu.memory_space<vmem>>, %arg10: memref<10016x128xf32, #tpu.memory_space<vmem_shared>>, %arg11: memref<!tpu.dma_semaphore, #tpu.memory_space<semaphore_mem>>) attributes {dimension_semantics = [#tpu.dimension_semantics<core_parallel>, #tpu.dimension_semantics<subcore_parallel>], iteration_bounds = array<i64: 2, 16>, scalar_prefetch = 0 : i64, scratch_operands = 5 : i64, tpu.core_type = #tpu.core_type<sc_vector_subcore>, window_params = [{transform_indices = #map}, {transform_indices = #map1}, {transform_indices = #map1}, {transform_indices = #map}, {transform_indices = #map2}]} {
    %mul3A = arith.constant 624 : i32
    %mul3A_0 = arith.muli %arg1, %mul3A : i32
    "tpu.region"() ({
      %run_scoped3A = tpu.sem_alloc : memref<!tpu.dma_semaphore, #tpu.memory_space<semaphore_mem>>
      %dma_start3A = arith.constant 0 : i32
      %dma_start3A_18 = tpu.memref_slice %arg10[%mul3A_0, %dma_start3A] : memref<10016x128xf32, #tpu.memory_space<vmem_shared>> -> memref<312x128xf32, #tpu.memory_space<vmem_shared>>
      tpu.enqueue_dma source(%arg5 : memref<312x128xf32, #tpu.memory_space<hbm>>) target(%dma_start3A_18 : memref<312x128xf32, #tpu.memory_space<vmem_shared>>) target_semaphore(%run_scoped3A : memref<!tpu.dma_semaphore, #tpu.memory_space<semaphore_mem>>)
      %dma_wait3A = arith.constant 0 : i32
      %dma_wait3A_19 = tpu.memref_slice %arg10[%mul3A_0, %dma_wait3A] : memref<10016x128xf32, #tpu.memory_space<vmem_shared>> -> memref<312x128xf32, #tpu.memory_space<vmem_shared>>
      tpu.wait_dma2 semaphore(%run_scoped3A : memref<!tpu.dma_semaphore, #tpu.memory_space<semaphore_mem>>) src(%arg5 : memref<312x128xf32, #tpu.memory_space<hbm>>) dst(%dma_wait3A_19 : memref<312x128xf32, #tpu.memory_space<vmem_shared>>)
      tpu.yield
    }) : () -> ()
    %add3A = arith.constant 312 : i32
    %add3A_1 = arith.addi %mul3A_0, %add3A : i32
    "tpu.region"() ({
      %run_scoped3A = tpu.sem_alloc : memref<!tpu.dma_semaphore, #tpu.memory_space<semaphore_mem>>
      %dma_start3A = arith.constant 0 : i32
      %dma_start3A_18 = tpu.memref_slice %arg10[%add3A_1, %dma_start3A] : memref<10016x128xf32, #tpu.memory_space<vmem_shared>> -> memref<312x128xf32, #tpu.memory_space<vmem_shared>>
      tpu.enqueue_dma source(%arg5 : memref<312x128xf32, #tpu.memory_space<hbm>>) target(%dma_start3A_18 : memref<312x128xf32, #tpu.memory_space<vmem_shared>>) target_semaphore(%run_scoped3A : memref<!tpu.dma_semaphore, #tpu.memory_space<semaphore_mem>>)
      %dma_wait3A = arith.constant 0 : i32
      %dma_wait3A_19 = tpu.memref_slice %arg10[%add3A_1, %dma_wait3A] : memref<10016x128xf32, #tpu.memory_space<vmem_shared>> -> memref<312x128xf32, #tpu.memory_space<vmem_shared>>
      tpu.wait_dma2 semaphore(%run_scoped3A : memref<!tpu.dma_semaphore, #tpu.memory_space<semaphore_mem>>) src(%arg5 : memref<312x128xf32, #tpu.memory_space<hbm>>) dst(%dma_wait3A_19 : memref<312x128xf32, #tpu.memory_space<vmem_shared>>)
      tpu.yield
    }) : () -> ()
    %eq3A = arith.constant 15 : i32
    %eq3A_2 = arith.cmpi eq, %arg1, %eq3A : i32
    %convert_element_type3A = arith.extui %eq3A_2 : i1 to i32
    %cond3A = arith.constant 0 : i32
    %cond3A_3 = arith.cmpi ne, %convert_element_type3A, %cond3A : i32
    scf.if %cond3A_3 {
      "tpu.region"() ({
        %run_scoped3A = tpu.sem_alloc : memref<!tpu.dma_semaphore, #tpu.memory_space<semaphore_mem>>
        %dma_start3A = arith.constant 9984 : i32
        %dma_start3A_18 = arith.constant 0 : i32
        %dma_start3A_19 = tpu.memref_slice %arg10[%dma_start3A, %dma_start3A_18] : memref<10016x128xf32, #tpu.memory_space<vmem_shared>> -> memref<32x128xf32, #tpu.memory_space<vmem_shared>>
        %dma_start3A_20 = arith.constant 0 : i32
        %dma_start3A_21 = arith.constant 0 : i32
        %dma_start3A_22 = tpu.memref_slice %arg5[%dma_start3A_20, %dma_start3A_21] : memref<312x128xf32, #tpu.memory_space<hbm>> -> memref<32x128xf32, #tpu.memory_space<hbm>>
        tpu.enqueue_dma source(%dma_start3A_22 : memref<32x128xf32, #tpu.memory_space<hbm>>) target(%dma_start3A_19 : memref<32x128xf32, #tpu.memory_space<vmem_shared>>) target_semaphore(%run_scoped3A : memref<!tpu.dma_semaphore, #tpu.memory_space<semaphore_mem>>)
        %dma_wait3A = arith.constant 9984 : i32
        %dma_wait3A_23 = arith.constant 0 : i32
        %dma_wait3A_24 = tpu.memref_slice %arg10[%dma_wait3A, %dma_wait3A_23] : memref<10016x128xf32, #tpu.memory_space<vmem_shared>> -> memref<32x128xf32, #tpu.memory_space<vmem_shared>>
        %dma_wait3A_25 = arith.constant 0 : i32
        %dma_wait3A_26 = arith.constant 0 : i32
        %dma_wait3A_27 = tpu.memref_slice %arg5[%dma_wait3A_25, %dma_wait3A_26] : memref<312x128xf32, #tpu.memory_space<hbm>> -> memref<32x128xf32, #tpu.memory_space<hbm>>
        tpu.wait_dma2 semaphore(%run_scoped3A : memref<!tpu.dma_semaphore, #tpu.memory_space<semaphore_mem>>) src(%dma_wait3A_27 : memref<32x128xf32, #tpu.memory_space<hbm>>) dst(%dma_wait3A_24 : memref<32x128xf32, #tpu.memory_space<vmem_shared>>)
        tpu.yield
      }) : () -> ()
    } else {
    }
    %barrier3A = arith.constant 0 : index
    tpu.barrier barrier_id(%barrier3A)
    %scan3A = arith.constant 0 : i32
    %scan3A_4 = arith.constant 0 : i32
    %scan3A_5 = arith.constant 79 : i32
    %scan3A_6 = arith.addi %scan3A_4, %scan3A_5 : i32
    %scan3A_7 = arith.constant 1 : i32
    %scan3A_8 = scf.for %scan3A_18 = %scan3A_4 to %scan3A_6 step %scan3A_7 iter_args(%scan3A_19 = %scan3A) -> (i32)  : i32 {
      %mul3A_20 = arith.constant 16 : i32
      %mul3A_21 = arith.muli %arg0, %mul3A_20 : i32
      %add3A_22 = arith.addi %mul3A_21, %arg1 : i32
      %mul3A_23 = arith.constant 10112 : i32
      %mul3A_24 = arith.muli %add3A_22, %mul3A_23 : i32
      %mul3A_25 = arith.constant 128 : i32
      %mul3A_26 = arith.muli %scan3A_18, %mul3A_25 : i32
      %add3A_27 = arith.addi %mul3A_24, %mul3A_26 : i32
      "tpu.region"() ({
        %run_scoped3A = tpu.sem_alloc : memref<!tpu.dma_semaphore, #tpu.memory_space<semaphore_mem>>
        %dma_start3A_33 = tpu.memref_slice %arg3[%add3A_27] : memref<323584xi32, #tpu.memory_space<hbm>> -> memref<128xi32, #tpu.memory_space<hbm>>
        %dma_start3A_34 = tpu.memref_slice %arg3[%add3A_27] : memref<323584xi32, #tpu.memory_space<hbm>> -> memref<128xi32, #tpu.memory_space<hbm>>
        tpu.enqueue_dma source(%dma_start3A_34 : memref<128xi32, #tpu.memory_space<hbm>>) target(%arg7 : memref<128xi32, #tpu.memory_space<vmem>>) target_semaphore(%run_scoped3A : memref<!tpu.dma_semaphore, #tpu.memory_space<semaphore_mem>>)
        %dma_wait3A_35 = tpu.memref_slice %arg3[%add3A_27] : memref<323584xi32, #tpu.memory_space<hbm>> -> memref<128xi32, #tpu.memory_space<hbm>>
        %dma_wait3A_36 = tpu.memref_slice %arg3[%add3A_27] : memref<323584xi32, #tpu.memory_space<hbm>> -> memref<128xi32, #tpu.memory_space<hbm>>
        tpu.wait_dma2 semaphore(%run_scoped3A : memref<!tpu.dma_semaphore, #tpu.memory_space<semaphore_mem>>) src(%dma_wait3A_36 : memref<128xi32, #tpu.memory_space<hbm>>) dst(%arg7 : memref<128xi32, #tpu.memory_space<vmem>>)
        tpu.yield
      }) : () -> ()
      "tpu.region"() ({
        %run_scoped3A = tpu.sem_alloc : memref<!tpu.dma_semaphore, #tpu.memory_space<semaphore_mem>>
        %dma_start3A_33 = tpu.memref_slice %arg4[%add3A_27] : memref<323584xi32, #tpu.memory_space<hbm>> -> memref<128xi32, #tpu.memory_space<hbm>>
        %dma_start3A_34 = tpu.memref_slice %arg4[%add3A_27] : memref<323584xi32, #tpu.memory_space<hbm>> -> memref<128xi32, #tpu.memory_space<hbm>>
        tpu.enqueue_dma source(%dma_start3A_34 : memref<128xi32, #tpu.memory_space<hbm>>) target(%arg8 : memref<128xi32, #tpu.memory_space<vmem>>) target_semaphore(%run_scoped3A : memref<!tpu.dma_semaphore, #tpu.memory_space<semaphore_mem>>)
        %dma_wait3A_35 = tpu.memref_slice %arg4[%add3A_27] : memref<323584xi32, #tpu.memory_space<hbm>> -> memref<128xi32, #tpu.memory_space<hbm>>
        %dma_wait3A_36 = tpu.memref_slice %arg4[%add3A_27] : memref<323584xi32, #tpu.memory_space<hbm>> -> memref<128xi32, #tpu.memory_space<hbm>>
        tpu.wait_dma2 semaphore(%run_scoped3A : memref<!tpu.dma_semaphore, #tpu.memory_space<semaphore_mem>>) src(%dma_wait3A_36 : memref<128xi32, #tpu.memory_space<hbm>>) dst(%arg8 : memref<128xi32, #tpu.memory_space<vmem>>)
        tpu.yield
      }) : () -> ()
      %dma_start3A = arith.constant 0 : i32
      %dma_start3A_28 = arith.constant 0 : i32
      %dma_start3A_29 = tpu.memref_slice %arg2[%dma_start3A, %dma_start3A_28] : memref<10000x128xf32, #tpu.memory_space<hbm>> -> memref<10000x128xf32, #tpu.memory_space<hbm>>
      tpu.enqueue_indirect_dma source(%dma_start3A_29 : memref<10000x128xf32, #tpu.memory_space<hbm>>) target(%arg9 : memref<128x128xf32, #tpu.memory_space<vmem>>) offsets(%arg7 : memref<128xi32, #tpu.memory_space<vmem>>) semaphore(%arg11 : memref<!tpu.dma_semaphore, #tpu.memory_space<semaphore_mem>>)
      %dma_wait3A = arith.constant 0 : i32
      %dma_wait3A_30 = arith.constant 0 : i32
      %dma_wait3A_31 = tpu.memref_slice %arg2[%dma_wait3A, %dma_wait3A_30] : memref<10000x128xf32, #tpu.memory_space<hbm>> -> memref<10000x128xf32, #tpu.memory_space<hbm>>
      tpu.wait_indirect_dma semaphore(%arg11 : memref<!tpu.dma_semaphore, #tpu.memory_space<semaphore_mem>>) src(%dma_wait3A_31 : memref<10000x128xf32, #tpu.memory_space<hbm>>) dst(%arg9 : memref<128x128xf32, #tpu.memory_space<vmem>>)
      "tpu.region"() ({
        %run_scoped3A = tpu.sem_alloc : memref<!tpu.dma_semaphore, #tpu.memory_space<semaphore_mem>>
        %dma_start3A_33 = arith.constant 0 : i32
        %dma_start3A_34 = arith.constant 0 : i32
        %dma_start3A_35 = tpu.memref_slice %arg10[%dma_start3A_33, %dma_start3A_34] : memref<10016x128xf32, #tpu.memory_space<vmem_shared>> -> memref<10016x128xf32, #tpu.memory_space<vmem_shared>>
        tpu.enqueue_indirect_dma source(%arg9 : memref<128x128xf32, #tpu.memory_space<vmem>>) target(%dma_start3A_35 : memref<10016x128xf32, #tpu.memory_space<vmem_shared>>) offsets(%arg8 : memref<128xi32, #tpu.memory_space<vmem>>) semaphore(%run_scoped3A : memref<!tpu.dma_semaphore, #tpu.memory_space<semaphore_mem>>) {add = true}
        %dma_wait3A_36 = arith.constant 0 : i32
        %dma_wait3A_37 = arith.constant 0 : i32
        %dma_wait3A_38 = tpu.memref_slice %arg10[%dma_wait3A_36, %dma_wait3A_37] : memref<10016x128xf32, #tpu.memory_space<vmem_shared>> -> memref<10016x128xf32, #tpu.memory_space<vmem_shared>>
        tpu.wait_indirect_dma semaphore(%run_scoped3A : memref<!tpu.dma_semaphore, #tpu.memory_space<semaphore_mem>>) src(%arg9 : memref<128x128xf32, #tpu.memory_space<vmem>>) dst(%dma_wait3A_38 : memref<10016x128xf32, #tpu.memory_space<vmem_shared>>)
        tpu.yield
      }) : () -> ()
      %scan3A_32 = arith.constant 0 : i32
      scf.yield %scan3A_32 : i32
    }
    %scan3A_9 = arith.constant 79 : i32
    %barrier3A_10 = arith.constant 0 : index
    tpu.barrier barrier_id(%barrier3A_10)
    %mul3A_11 = arith.constant 624 : i32
    %mul3A_12 = arith.muli %arg1, %mul3A_11 : i32
    "tpu.region"() ({
      %run_scoped3A = tpu.sem_alloc : memref<!tpu.dma_semaphore, #tpu.memory_space<semaphore_mem>>
      %dma_start3A = arith.constant 0 : i32
      %dma_start3A_18 = arith.constant 0 : i32
      %dma_start3A_19 = tpu.memref_slice %arg6[%arg0, %dma_start3A, %dma_start3A_18] : memref<2x10000x128xf32, #tpu.memory_space<hbm>> -> memref<1x10000x128xf32, #tpu.memory_space<hbm>>
      %dma_start3A_20 = tpu.memref_squeeze %dma_start3A_19 : memref<1x10000x128xf32, #tpu.memory_space<hbm>> -> memref<10000x128xf32, #tpu.memory_space<hbm>>
      %dma_start3A_21 = arith.constant 0 : i32
      %dma_start3A_22 = tpu.memref_slice %dma_start3A_20[%mul3A_12, %dma_start3A_21] : memref<10000x128xf32, #tpu.memory_space<hbm>> -> memref<624x128xf32, #tpu.memory_space<hbm>>
      %dma_start3A_23 = arith.constant 0 : i32
      %dma_start3A_24 = tpu.memref_slice %arg10[%mul3A_12, %dma_start3A_23] : memref<10016x128xf32, #tpu.memory_space<vmem_shared>> -> memref<624x128xf32, #tpu.memory_space<vmem_shared>>
      tpu.enqueue_dma source(%dma_start3A_24 : memref<624x128xf32, #tpu.memory_space<vmem_shared>>) target(%dma_start3A_22 : memref<624x128xf32, #tpu.memory_space<hbm>>) target_semaphore(%run_scoped3A : memref<!tpu.dma_semaphore, #tpu.memory_space<semaphore_mem>>)
      %dma_wait3A = arith.constant 0 : i32
      %dma_wait3A_25 = arith.constant 0 : i32
      %dma_wait3A_26 = tpu.memref_slice %arg6[%arg0, %dma_wait3A, %dma_wait3A_25] : memref<2x10000x128xf32, #tpu.memory_space<hbm>> -> memref<1x10000x128xf32, #tpu.memory_space<hbm>>
      %dma_wait3A_27 = tpu.memref_squeeze %dma_wait3A_26 : memref<1x10000x128xf32, #tpu.memory_space<hbm>> -> memref<10000x128xf32, #tpu.memory_space<hbm>>
      %dma_wait3A_28 = arith.constant 0 : i32
      %dma_wait3A_29 = tpu.memref_slice %dma_wait3A_27[%mul3A_12, %dma_wait3A_28] : memref<10000x128xf32, #tpu.memory_space<hbm>> -> memref<624x128xf32, #tpu.memory_space<hbm>>
      %dma_wait3A_30 = arith.constant 0 : i32
      %dma_wait3A_31 = tpu.memref_slice %arg10[%mul3A_12, %dma_wait3A_30] : memref<10016x128xf32, #tpu.memory_space<vmem_shared>> -> memref<624x128xf32, #tpu.memory_space<vmem_shared>>
      tpu.wait_dma2 semaphore(%run_scoped3A : memref<!tpu.dma_semaphore, #tpu.memory_space<semaphore_mem>>) src(%dma_wait3A_31 : memref<624x128xf32, #tpu.memory_space<vmem_shared>>) dst(%dma_wait3A_29 : memref<624x128xf32, #tpu.memory_space<hbm>>)
      tpu.yield
    }) : () -> ()
    %eq3A_13 = arith.constant 15 : i32
    %eq3A_14 = arith.cmpi eq, %arg1, %eq3A_13 : i32
    %convert_element_type3A_15 = arith.extui %eq3A_14 : i1 to i32
    %cond3A_16 = arith.constant 0 : i32
    %cond3A_17 = arith.cmpi ne, %convert_element_type3A_15, %cond3A_16 : i32
    scf.if %cond3A_17 {
      "tpu.region"() ({
        %run_scoped3A = tpu.sem_alloc : memref<!tpu.dma_semaphore, #tpu.memory_space<semaphore_mem>>
        %dma_start3A = arith.constant 0 : i32
        %dma_start3A_18 = arith.constant 0 : i32
        %dma_start3A_19 = tpu.memref_slice %arg6[%arg0, %dma_start3A, %dma_start3A_18] : memref<2x10000x128xf32, #tpu.memory_space<hbm>> -> memref<1x10000x128xf32, #tpu.memory_space<hbm>>
        %dma_start3A_20 = tpu.memref_squeeze %dma_start3A_19 : memref<1x10000x128xf32, #tpu.memory_space<hbm>> -> memref<10000x128xf32, #tpu.memory_space<hbm>>
        %dma_start3A_21 = arith.constant 9984 : i32
        %dma_start3A_22 = arith.constant 0 : i32
        %dma_start3A_23 = tpu.memref_slice %dma_start3A_20[%dma_start3A_21, %dma_start3A_22] : memref<10000x128xf32, #tpu.memory_space<hbm>> -> memref<16x128xf32, #tpu.memory_space<hbm>>
        %dma_start3A_24 = arith.constant 9984 : i32
        %dma_start3A_25 = arith.constant 0 : i32
        %dma_start3A_26 = tpu.memref_slice %arg10[%dma_start3A_24, %dma_start3A_25] : memref<10016x128xf32, #tpu.memory_space<vmem_shared>> -> memref<16x128xf32, #tpu.memory_space<vmem_shared>>
        tpu.enqueue_dma source(%dma_start3A_26 : memref<16x128xf32, #tpu.memory_space<vmem_shared>>) target(%dma_start3A_23 : memref<16x128xf32, #tpu.memory_space<hbm>>) target_semaphore(%run_scoped3A : memref<!tpu.dma_semaphore, #tpu.memory_space<semaphore_mem>>)
        %dma_wait3A = arith.constant 0 : i32
        %dma_wait3A_27 = arith.constant 0 : i32
        %dma_wait3A_28 = tpu.memref_slice %arg6[%arg0, %dma_wait3A, %dma_wait3A_27] : memref<2x10000x128xf32, #tpu.memory_space<hbm>> -> memref<1x10000x128xf32, #tpu.memory_space<hbm>>
        %dma_wait3A_29 = tpu.memref_squeeze %dma_wait3A_28 : memref<1x10000x128xf32, #tpu.memory_space<hbm>> -> memref<10000x128xf32, #tpu.memory_space<hbm>>
        %dma_wait3A_30 = arith.constant 9984 : i32
        %dma_wait3A_31 = arith.constant 0 : i32
        %dma_wait3A_32 = tpu.memref_slice %dma_wait3A_29[%dma_wait3A_30, %dma_wait3A_31] : memref<10000x128xf32, #tpu.memory_space<hbm>> -> memref<16x128xf32, #tpu.memory_space<hbm>>
        %dma_wait3A_33 = arith.constant 9984 : i32
        %dma_wait3A_34 = arith.constant 0 : i32
        %dma_wait3A_35 = tpu.memref_slice %arg10[%dma_wait3A_33, %dma_wait3A_34] : memref<10016x128xf32, #tpu.memory_space<vmem_shared>> -> memref<16x128xf32, #tpu.memory_space<vmem_shared>>
        tpu.wait_dma2 semaphore(%run_scoped3A : memref<!tpu.dma_semaphore, #tpu.memory_space<semaphore_mem>>) src(%dma_wait3A_35 : memref<16x128xf32, #tpu.memory_space<vmem_shared>>) dst(%dma_wait3A_32 : memref<16x128xf32, #tpu.memory_space<hbm>>)
        tpu.yield
      }) : () -> ()
    } else {
    }
    return
  }
}

#map = affine_map<(d0, d1) -> (0, 0)>
#map1 = affine_map<(d0, d1) -> (0)>
#map2 = affine_map<(d0, d1) -> (0, 0, 0)>
module attributes {stable_mosaic.version = 14 : i64} {
  func.func @prop_kernel(%arg0: i32, %arg1: i32, %arg2: memref<10000x128xf32, #tpu.memory_space<hbm>>, %arg3: memref<323584xi32, #tpu.memory_space<hbm>>, %arg4: memref<323584xi32, #tpu.memory_space<hbm>>, %arg5: memref<312x128xf32, #tpu.memory_space<hbm>>, %arg6: memref<2x10000x128xf32, #tpu.memory_space<hbm>>, %arg7: memref<128xi32, #tpu.memory_space<vmem>>, %arg8: memref<128xi32, #tpu.memory_space<vmem>>, %arg9: memref<128x128xf32, #tpu.memory_space<vmem>>, %arg10: memref<10016x128xf32, #tpu.memory_space<vmem_shared>>, %arg11: memref<!tpu.dma_semaphore, #tpu.memory_space<semaphore_mem>>) attributes {dimension_semantics = [#tpu.dimension_semantics<core_parallel>, #tpu.dimension_semantics<subcore_parallel>], iteration_bounds = array<i64: 2, 16>, scalar_prefetch = 0 : i64, scratch_operands = 5 : i64, tpu.core_type = #tpu.core_type<sc_vector_subcore>, window_params = [{transform_indices = #map}, {transform_indices = #map1}, {transform_indices = #map1}, {transform_indices = #map}, {transform_indices = #map2}]} {
    %mul3A = arith.constant 624 : i32
    %mul3A_0 = arith.muli %arg1, %mul3A : i32
    "tpu.region"() ({
      %run_scoped3A = tpu.sem_alloc : memref<!tpu.dma_semaphore, #tpu.memory_space<semaphore_mem>>
      %dma_start3A = arith.constant 0 : i32
      %dma_start3A_18 = tpu.memref_slice %arg10[%mul3A_0, %dma_start3A] : memref<10016x128xf32, #tpu.memory_space<vmem_shared>> -> memref<312x128xf32, #tpu.memory_space<vmem_shared>>
      tpu.enqueue_dma source(%arg5 : memref<312x128xf32, #tpu.memory_space<hbm>>) target(%dma_start3A_18 : memref<312x128xf32, #tpu.memory_space<vmem_shared>>) target_semaphore(%run_scoped3A : memref<!tpu.dma_semaphore, #tpu.memory_space<semaphore_mem>>)
      %dma_wait3A = arith.constant 0 : i32
      %dma_wait3A_19 = tpu.memref_slice %arg10[%mul3A_0, %dma_wait3A] : memref<10016x128xf32, #tpu.memory_space<vmem_shared>> -> memref<312x128xf32, #tpu.memory_space<vmem_shared>>
      tpu.wait_dma2 semaphore(%run_scoped3A : memref<!tpu.dma_semaphore, #tpu.memory_space<semaphore_mem>>) src(%arg5 : memref<312x128xf32, #tpu.memory_space<hbm>>) dst(%dma_wait3A_19 : memref<312x128xf32, #tpu.memory_space<vmem_shared>>)
      tpu.yield
    }) : () -> ()
    %add3A = arith.constant 312 : i32
    %add3A_1 = arith.addi %mul3A_0, %add3A : i32
    "tpu.region"() ({
      %run_scoped3A = tpu.sem_alloc : memref<!tpu.dma_semaphore, #tpu.memory_space<semaphore_mem>>
      %dma_start3A = arith.constant 0 : i32
      %dma_start3A_18 = tpu.memref_slice %arg10[%add3A_1, %dma_start3A] : memref<10016x128xf32, #tpu.memory_space<vmem_shared>> -> memref<312x128xf32, #tpu.memory_space<vmem_shared>>
      tpu.enqueue_dma source(%arg5 : memref<312x128xf32, #tpu.memory_space<hbm>>) target(%dma_start3A_18 : memref<312x128xf32, #tpu.memory_space<vmem_shared>>) target_semaphore(%run_scoped3A : memref<!tpu.dma_semaphore, #tpu.memory_space<semaphore_mem>>)
      %dma_wait3A = arith.constant 0 : i32
      %dma_wait3A_19 = tpu.memref_slice %arg10[%add3A_1, %dma_wait3A] : memref<10016x128xf32, #tpu.memory_space<vmem_shared>> -> memref<312x128xf32, #tpu.memory_space<vmem_shared>>
      tpu.wait_dma2 semaphore(%run_scoped3A : memref<!tpu.dma_semaphore, #tpu.memory_space<semaphore_mem>>) src(%arg5 : memref<312x128xf32, #tpu.memory_space<hbm>>) dst(%dma_wait3A_19 : memref<312x128xf32, #tpu.memory_space<vmem_shared>>)
      tpu.yield
    }) : () -> ()
    %eq3A = arith.constant 15 : i32
    %eq3A_2 = arith.cmpi eq, %arg1, %eq3A : i32
    %convert_element_type3A = arith.extui %eq3A_2 : i1 to i32
    %cond3A = arith.constant 0 : i32
    %cond3A_3 = arith.cmpi ne, %convert_element_type3A, %cond3A : i32
    scf.if %cond3A_3 {
      "tpu.region"() ({
        %run_scoped3A = tpu.sem_alloc : memref<!tpu.dma_semaphore, #tpu.memory_space<semaphore_mem>>
        %dma_start3A = arith.constant 9984 : i32
        %dma_start3A_18 = arith.constant 0 : i32
        %dma_start3A_19 = tpu.memref_slice %arg10[%dma_start3A, %dma_start3A_18] : memref<10016x128xf32, #tpu.memory_space<vmem_shared>> -> memref<32x128xf32, #tpu.memory_space<vmem_shared>>
        %dma_start3A_20 = arith.constant 0 : i32
        %dma_start3A_21 = arith.constant 0 : i32
        %dma_start3A_22 = tpu.memref_slice %arg5[%dma_start3A_20, %dma_start3A_21] : memref<312x128xf32, #tpu.memory_space<hbm>> -> memref<32x128xf32, #tpu.memory_space<hbm>>
        tpu.enqueue_dma source(%dma_start3A_22 : memref<32x128xf32, #tpu.memory_space<hbm>>) target(%dma_start3A_19 : memref<32x128xf32, #tpu.memory_space<vmem_shared>>) target_semaphore(%run_scoped3A : memref<!tpu.dma_semaphore, #tpu.memory_space<semaphore_mem>>)
        %dma_wait3A = arith.constant 9984 : i32
        %dma_wait3A_23 = arith.constant 0 : i32
        %dma_wait3A_24 = tpu.memref_slice %arg10[%dma_wait3A, %dma_wait3A_23] : memref<10016x128xf32, #tpu.memory_space<vmem_shared>> -> memref<32x128xf32, #tpu.memory_space<vmem_shared>>
        %dma_wait3A_25 = arith.constant 0 : i32
        %dma_wait3A_26 = arith.constant 0 : i32
        %dma_wait3A_27 = tpu.memref_slice %arg5[%dma_wait3A_25, %dma_wait3A_26] : memref<312x128xf32, #tpu.memory_space<hbm>> -> memref<32x128xf32, #tpu.memory_space<hbm>>
        tpu.wait_dma2 semaphore(%run_scoped3A : memref<!tpu.dma_semaphore, #tpu.memory_space<semaphore_mem>>) src(%dma_wait3A_27 : memref<32x128xf32, #tpu.memory_space<hbm>>) dst(%dma_wait3A_24 : memref<32x128xf32, #tpu.memory_space<vmem_shared>>)
        tpu.yield
      }) : () -> ()
    } else {
    }
    %barrier3A = arith.constant 0 : index
    tpu.barrier barrier_id(%barrier3A)
    %scan3A = arith.constant 0 : i32
    %scan3A_4 = arith.constant 0 : i32
    %scan3A_5 = arith.constant 79 : i32
    %scan3A_6 = arith.addi %scan3A_4, %scan3A_5 : i32
    %scan3A_7 = arith.constant 1 : i32
    %scan3A_8 = scf.for %scan3A_18 = %scan3A_4 to %scan3A_6 step %scan3A_7 iter_args(%scan3A_19 = %scan3A) -> (i32)  : i32 {
      %mul3A_20 = arith.constant 16 : i32
      %mul3A_21 = arith.muli %arg0, %mul3A_20 : i32
      %add3A_22 = arith.addi %mul3A_21, %arg1 : i32
      %mul3A_23 = arith.constant 10112 : i32
      %mul3A_24 = arith.muli %add3A_22, %mul3A_23 : i32
      %mul3A_25 = arith.constant 128 : i32
      %mul3A_26 = arith.muli %scan3A_18, %mul3A_25 : i32
      %add3A_27 = arith.addi %mul3A_24, %mul3A_26 : i32
      "tpu.region"() ({
        %run_scoped3A = tpu.sem_alloc : memref<!tpu.dma_semaphore, #tpu.memory_space<semaphore_mem>>
        %dma_start3A_33 = tpu.memref_slice %arg3[%add3A_27] : memref<323584xi32, #tpu.memory_space<hbm>> -> memref<128xi32, #tpu.memory_space<hbm>>
        %dma_start3A_34 = tpu.memref_slice %arg3[%add3A_27] : memref<323584xi32, #tpu.memory_space<hbm>> -> memref<128xi32, #tpu.memory_space<hbm>>
        tpu.enqueue_dma source(%dma_start3A_34 : memref<128xi32, #tpu.memory_space<hbm>>) target(%arg7 : memref<128xi32, #tpu.memory_space<vmem>>) target_semaphore(%run_scoped3A : memref<!tpu.dma_semaphore, #tpu.memory_space<semaphore_mem>>)
        %dma_wait3A_35 = tpu.memref_slice %arg3[%add3A_27] : memref<323584xi32, #tpu.memory_space<hbm>> -> memref<128xi32, #tpu.memory_space<hbm>>
        %dma_wait3A_36 = tpu.memref_slice %arg3[%add3A_27] : memref<323584xi32, #tpu.memory_space<hbm>> -> memref<128xi32, #tpu.memory_space<hbm>>
        tpu.wait_dma2 semaphore(%run_scoped3A : memref<!tpu.dma_semaphore, #tpu.memory_space<semaphore_mem>>) src(%dma_wait3A_36 : memref<128xi32, #tpu.memory_space<hbm>>) dst(%arg7 : memref<128xi32, #tpu.memory_space<vmem>>)
        tpu.yield
      }) : () -> ()
      "tpu.region"() ({
        %run_scoped3A = tpu.sem_alloc : memref<!tpu.dma_semaphore, #tpu.memory_space<semaphore_mem>>
        %dma_start3A_33 = tpu.memref_slice %arg4[%add3A_27] : memref<323584xi32, #tpu.memory_space<hbm>> -> memref<128xi32, #tpu.memory_space<hbm>>
        %dma_start3A_34 = tpu.memref_slice %arg4[%add3A_27] : memref<323584xi32, #tpu.memory_space<hbm>> -> memref<128xi32, #tpu.memory_space<hbm>>
        tpu.enqueue_dma source(%dma_start3A_34 : memref<128xi32, #tpu.memory_space<hbm>>) target(%arg8 : memref<128xi32, #tpu.memory_space<vmem>>) target_semaphore(%run_scoped3A : memref<!tpu.dma_semaphore, #tpu.memory_space<semaphore_mem>>)
        %dma_wait3A_35 = tpu.memref_slice %arg4[%add3A_27] : memref<323584xi32, #tpu.memory_space<hbm>> -> memref<128xi32, #tpu.memory_space<hbm>>
        %dma_wait3A_36 = tpu.memref_slice %arg4[%add3A_27] : memref<323584xi32, #tpu.memory_space<hbm>> -> memref<128xi32, #tpu.memory_space<hbm>>
        tpu.wait_dma2 semaphore(%run_scoped3A : memref<!tpu.dma_semaphore, #tpu.memory_space<semaphore_mem>>) src(%dma_wait3A_36 : memref<128xi32, #tpu.memory_space<hbm>>) dst(%arg8 : memref<128xi32, #tpu.memory_space<vmem>>)
        tpu.yield
      }) : () -> ()
      %dma_start3A = arith.constant 0 : i32
      %dma_start3A_28 = arith.constant 0 : i32
      %dma_start3A_29 = tpu.memref_slice %arg2[%dma_start3A, %dma_start3A_28] : memref<10000x128xf32, #tpu.memory_space<hbm>> -> memref<10000x128xf32, #tpu.memory_space<hbm>>
      tpu.enqueue_indirect_dma source(%dma_start3A_29 : memref<10000x128xf32, #tpu.memory_space<hbm>>) target(%arg9 : memref<128x128xf32, #tpu.memory_space<vmem>>) offsets(%arg7 : memref<128xi32, #tpu.memory_space<vmem>>) semaphore(%arg11 : memref<!tpu.dma_semaphore, #tpu.memory_space<semaphore_mem>>)
      %dma_wait3A = arith.constant 0 : i32
      %dma_wait3A_30 = arith.constant 0 : i32
      %dma_wait3A_31 = tpu.memref_slice %arg2[%dma_wait3A, %dma_wait3A_30] : memref<10000x128xf32, #tpu.memory_space<hbm>> -> memref<10000x128xf32, #tpu.memory_space<hbm>>
      tpu.wait_indirect_dma semaphore(%arg11 : memref<!tpu.dma_semaphore, #tpu.memory_space<semaphore_mem>>) src(%dma_wait3A_31 : memref<10000x128xf32, #tpu.memory_space<hbm>>) dst(%arg9 : memref<128x128xf32, #tpu.memory_space<vmem>>)
      "tpu.region"() ({
        %run_scoped3A = tpu.sem_alloc : memref<!tpu.dma_semaphore, #tpu.memory_space<semaphore_mem>>
        %dma_start3A_33 = arith.constant 0 : i32
        %dma_start3A_34 = arith.constant 0 : i32
        %dma_start3A_35 = tpu.memref_slice %arg10[%dma_start3A_33, %dma_start3A_34] : memref<10016x128xf32, #tpu.memory_space<vmem_shared>> -> memref<10016x128xf32, #tpu.memory_space<vmem_shared>>
        tpu.enqueue_indirect_dma source(%arg9 : memref<128x128xf32, #tpu.memory_space<vmem>>) target(%dma_start3A_35 : memref<10016x128xf32, #tpu.memory_space<vmem_shared>>) offsets(%arg8 : memref<128xi32, #tpu.memory_space<vmem>>) semaphore(%run_scoped3A : memref<!tpu.dma_semaphore, #tpu.memory_space<semaphore_mem>>) {add = true}
        %dma_wait3A_36 = arith.constant 0 : i32
        %dma_wait3A_37 = arith.constant 0 : i32
        %dma_wait3A_38 = tpu.memref_slice %arg10[%dma_wait3A_36, %dma_wait3A_37] : memref<10016x128xf32, #tpu.memory_space<vmem_shared>> -> memref<10016x128xf32, #tpu.memory_space<vmem_shared>>
        tpu.wait_indirect_dma semaphore(%run_scoped3A : memref<!tpu.dma_semaphore, #tpu.memory_space<semaphore_mem>>) src(%arg9 : memref<128x128xf32, #tpu.memory_space<vmem>>) dst(%dma_wait3A_38 : memref<10016x128xf32, #tpu.memory_space<vmem_shared>>)
        tpu.yield
      }) : () -> ()
      %scan3A_32 = arith.constant 0 : i32
      scf.yield %scan3A_32 : i32
    }
    %scan3A_9 = arith.constant 79 : i32
    %barrier3A_10 = arith.constant 0 : index
    tpu.barrier barrier_id(%barrier3A_10)
    %mul3A_11 = arith.constant 624 : i32
    %mul3A_12 = arith.muli %arg1, %mul3A_11 : i32
    "tpu.region"() ({
      %run_scoped3A = tpu.sem_alloc : memref<!tpu.dma_semaphore, #tpu.memory_space<semaphore_mem>>
      %dma_start3A = arith.constant 0 : i32
      %dma_start3A_18 = arith.constant 0 : i32
      %dma_start3A_19 = tpu.memref_slice %arg6[%arg0, %dma_start3A, %dma_start3A_18] : memref<2x10000x128xf32, #tpu.memory_space<hbm>> -> memref<1x10000x128xf32, #tpu.memory_space<hbm>>
      %dma_start3A_20 = tpu.memref_squeeze %dma_start3A_19 : memref<1x10000x128xf32, #tpu.memory_space<hbm>> -> memref<10000x128xf32, #tpu.memory_space<hbm>>
      %dma_start3A_21 = arith.constant 0 : i32
      %dma_start3A_22 = tpu.memref_slice %dma_start3A_20[%mul3A_12, %dma_start3A_21] : memref<10000x128xf32, #tpu.memory_space<hbm>> -> memref<624x128xf32, #tpu.memory_space<hbm>>
      %dma_start3A_23 = arith.constant 0 : i32
      %dma_start3A_24 = tpu.memref_slice %arg10[%mul3A_12, %dma_start3A_23] : memref<10016x128xf32, #tpu.memory_space<vmem_shared>> -> memref<624x128xf32, #tpu.memory_space<vmem_shared>>
      tpu.enqueue_dma source(%dma_start3A_24 : memref<624x128xf32, #tpu.memory_space<vmem_shared>>) target(%dma_start3A_22 : memref<624x128xf32, #tpu.memory_space<hbm>>) target_semaphore(%run_scoped3A : memref<!tpu.dma_semaphore, #tpu.memory_space<semaphore_mem>>)
      %dma_wait3A = arith.constant 0 : i32
      %dma_wait3A_25 = arith.constant 0 : i32
      %dma_wait3A_26 = tpu.memref_slice %arg6[%arg0, %dma_wait3A, %dma_wait3A_25] : memref<2x10000x128xf32, #tpu.memory_space<hbm>> -> memref<1x10000x128xf32, #tpu.memory_space<hbm>>
      %dma_wait3A_27 = tpu.memref_squeeze %dma_wait3A_26 : memref<1x10000x128xf32, #tpu.memory_space<hbm>> -> memref<10000x128xf32, #tpu.memory_space<hbm>>
      %dma_wait3A_28 = arith.constant 0 : i32
      %dma_wait3A_29 = tpu.memref_slice %dma_wait3A_27[%mul3A_12, %dma_wait3A_28] : memref<10000x128xf32, #tpu.memory_space<hbm>> -> memref<624x128xf32, #tpu.memory_space<hbm>>
      %dma_wait3A_30 = arith.constant 0 : i32
      %dma_wait3A_31 = tpu.memref_slice %arg10[%mul3A_12, %dma_wait3A_30] : memref<10016x128xf32, #tpu.memory_space<vmem_shared>> -> memref<624x128xf32, #tpu.memory_space<vmem_shared>>
      tpu.wait_dma2 semaphore(%run_scoped3A : memref<!tpu.dma_semaphore, #tpu.memory_space<semaphore_mem>>) src(%dma_wait3A_31 : memref<624x128xf32, #tpu.memory_space<vmem_shared>>) dst(%dma_wait3A_29 : memref<624x128xf32, #tpu.memory_space<hbm>>)
      tpu.yield
    }) : () -> ()
    %eq3A_13 = arith.constant 15 : i32
    %eq3A_14 = arith.cmpi eq, %arg1, %eq3A_13 : i32
    %convert_element_type3A_15 = arith.extui %eq3A_14 : i1 to i32
    %cond3A_16 = arith.constant 0 : i32
    %cond3A_17 = arith.cmpi ne, %convert_element_type3A_15, %cond3A_16 : i32
    scf.if %cond3A_17 {
      "tpu.region"() ({
        %run_scoped3A = tpu.sem_alloc : memref<!tpu.dma_semaphore, #tpu.memory_space<semaphore_mem>>
        %dma_start3A = arith.constant 0 : i32
        %dma_start3A_18 = arith.constant 0 : i32
        %dma_start3A_19 = tpu.memref_slice %arg6[%arg0, %dma_start3A, %dma_start3A_18] : memref<2x10000x128xf32, #tpu.memory_space<hbm>> -> memref<1x10000x128xf32, #tpu.memory_space<hbm>>
        %dma_start3A_20 = tpu.memref_squeeze %dma_start3A_19 : memref<1x10000x128xf32, #tpu.memory_space<hbm>> -> memref<10000x128xf32, #tpu.memory_space<hbm>>
        %dma_start3A_21 = arith.constant 9984 : i32
        %dma_start3A_22 = arith.constant 0 : i32
        %dma_start3A_23 = tpu.memref_slice %dma_start3A_20[%dma_start3A_21, %dma_start3A_22] : memref<10000x128xf32, #tpu.memory_space<hbm>> -> memref<16x128xf32, #tpu.memory_space<hbm>>
        %dma_start3A_24 = arith.constant 9984 : i32
        %dma_start3A_25 = arith.constant 0 : i32
        %dma_start3A_26 = tpu.memref_slice %arg10[%dma_start3A_24, %dma_start3A_25] : memref<10016x128xf32, #tpu.memory_space<vmem_shared>> -> memref<16x128xf32, #tpu.memory_space<vmem_shared>>
        tpu.enqueue_dma source(%dma_start3A_26 : memref<16x128xf32, #tpu.memory_space<vmem_shared>>) target(%dma_start3A_23 : memref<16x128xf32, #tpu.memory_space<hbm>>) target_semaphore(%run_scoped3A : memref<!tpu.dma_semaphore, #tpu.memory_space<semaphore_mem>>)
        %dma_wait3A = arith.constant 0 : i32
        %dma_wait3A_27 = arith.constant 0 : i32
        %dma_wait3A_28 = tpu.memref_slice %arg6[%arg0, %dma_wait3A, %dma_wait3A_27] : memref<2x10000x128xf32, #tpu.memory_space<hbm>> -> memref<1x10000x128xf32, #tpu.memory_space<hbm>>
        %dma_wait3A_29 = tpu.memref_squeeze %dma_wait3A_28 : memref<1x10000x128xf32, #tpu.memory_space<hbm>> -> memref<10000x128xf32, #tpu.memory_space<hbm>>
        %dma_wait3A_30 = arith.constant 9984 : i32
        %dma_wait3A_31 = arith.constant 0 : i32
        %dma_wait3A_32 = tpu.memref_slice %dma_wait3A_29[%dma_wait3A_30, %dma_wait3A_31] : memref<10000x128xf32, #tpu.memory_space<hbm>> -> memref<16x128xf32, #tpu.memory_space<hbm>>
        %dma_wait3A_33 = arith.constant 9984 : i32
        %dma_wait3A_34 = arith.constant 0 : i32
        %dma_wait3A_35 = tpu.memref_slice %arg10[%dma_wait3A_33, %dma_wait3A_34] : memref<10016x128xf32, #tpu.memory_space<vmem_shared>> -> memref<16x128xf32, #tpu.memory_space<vmem_shared>>
        tpu.wait_dma2 semaphore(%run_scoped3A : memref<!tpu.dma_semaphore, #tpu.memory_space<semaphore_mem>>) src(%dma_wait3A_35 : memref<16x128xf32, #tpu.memory_space<vmem_shared>>) dst(%dma_wait3A_32 : memref<16x128xf32, #tpu.memory_space<hbm>>)
        tpu.yield
      }) : () -> ()
    } else {
    }
    return
  }
}

#map = affine_map<(d0, d1) -> (0, 0)>
#map1 = affine_map<(d0, d1) -> (0)>
#map2 = affine_map<(d0, d1) -> (0, 0, 0)>
module attributes {stable_mosaic.version = 14 : i64} {
  func.func @prop_kernel(%arg0: i32, %arg1: i32, %arg2: memref<10000x128xf32, #tpu.memory_space<hbm>>, %arg3: memref<323584xi32, #tpu.memory_space<hbm>>, %arg4: memref<323584xi32, #tpu.memory_space<hbm>>, %arg5: memref<312x128xf32, #tpu.memory_space<hbm>>, %arg6: memref<2x10000x128xf32, #tpu.memory_space<hbm>>, %arg7: memref<128xi32, #tpu.memory_space<vmem>>, %arg8: memref<128xi32, #tpu.memory_space<vmem>>, %arg9: memref<128x128xf32, #tpu.memory_space<vmem>>, %arg10: memref<10016x128xf32, #tpu.memory_space<vmem_shared>>, %arg11: memref<!tpu.dma_semaphore, #tpu.memory_space<semaphore_mem>>) attributes {dimension_semantics = [#tpu.dimension_semantics<core_parallel>, #tpu.dimension_semantics<subcore_parallel>], iteration_bounds = array<i64: 2, 16>, scalar_prefetch = 0 : i64, scratch_operands = 5 : i64, tpu.core_type = #tpu.core_type<sc_vector_subcore>, window_params = [{transform_indices = #map}, {transform_indices = #map1}, {transform_indices = #map1}, {transform_indices = #map}, {transform_indices = #map2}]} {
    %mul3A = arith.constant 624 : i32
    %mul3A_0 = arith.muli %arg1, %mul3A : i32
    "tpu.region"() ({
      %run_scoped3A = tpu.sem_alloc : memref<!tpu.dma_semaphore, #tpu.memory_space<semaphore_mem>>
      %dma_start3A = arith.constant 0 : i32
      %dma_start3A_18 = tpu.memref_slice %arg10[%mul3A_0, %dma_start3A] : memref<10016x128xf32, #tpu.memory_space<vmem_shared>> -> memref<312x128xf32, #tpu.memory_space<vmem_shared>>
      tpu.enqueue_dma source(%arg5 : memref<312x128xf32, #tpu.memory_space<hbm>>) target(%dma_start3A_18 : memref<312x128xf32, #tpu.memory_space<vmem_shared>>) target_semaphore(%run_scoped3A : memref<!tpu.dma_semaphore, #tpu.memory_space<semaphore_mem>>)
      %dma_wait3A = arith.constant 0 : i32
      %dma_wait3A_19 = tpu.memref_slice %arg10[%mul3A_0, %dma_wait3A] : memref<10016x128xf32, #tpu.memory_space<vmem_shared>> -> memref<312x128xf32, #tpu.memory_space<vmem_shared>>
      tpu.wait_dma2 semaphore(%run_scoped3A : memref<!tpu.dma_semaphore, #tpu.memory_space<semaphore_mem>>) src(%arg5 : memref<312x128xf32, #tpu.memory_space<hbm>>) dst(%dma_wait3A_19 : memref<312x128xf32, #tpu.memory_space<vmem_shared>>)
      tpu.yield
    }) : () -> ()
    %add3A = arith.constant 312 : i32
    %add3A_1 = arith.addi %mul3A_0, %add3A : i32
    "tpu.region"() ({
      %run_scoped3A = tpu.sem_alloc : memref<!tpu.dma_semaphore, #tpu.memory_space<semaphore_mem>>
      %dma_start3A = arith.constant 0 : i32
      %dma_start3A_18 = tpu.memref_slice %arg10[%add3A_1, %dma_start3A] : memref<10016x128xf32, #tpu.memory_space<vmem_shared>> -> memref<312x128xf32, #tpu.memory_space<vmem_shared>>
      tpu.enqueue_dma source(%arg5 : memref<312x128xf32, #tpu.memory_space<hbm>>) target(%dma_start3A_18 : memref<312x128xf32, #tpu.memory_space<vmem_shared>>) target_semaphore(%run_scoped3A : memref<!tpu.dma_semaphore, #tpu.memory_space<semaphore_mem>>)
      %dma_wait3A = arith.constant 0 : i32
      %dma_wait3A_19 = tpu.memref_slice %arg10[%add3A_1, %dma_wait3A] : memref<10016x128xf32, #tpu.memory_space<vmem_shared>> -> memref<312x128xf32, #tpu.memory_space<vmem_shared>>
      tpu.wait_dma2 semaphore(%run_scoped3A : memref<!tpu.dma_semaphore, #tpu.memory_space<semaphore_mem>>) src(%arg5 : memref<312x128xf32, #tpu.memory_space<hbm>>) dst(%dma_wait3A_19 : memref<312x128xf32, #tpu.memory_space<vmem_shared>>)
      tpu.yield
    }) : () -> ()
    %eq3A = arith.constant 15 : i32
    %eq3A_2 = arith.cmpi eq, %arg1, %eq3A : i32
    %convert_element_type3A = arith.extui %eq3A_2 : i1 to i32
    %cond3A = arith.constant 0 : i32
    %cond3A_3 = arith.cmpi ne, %convert_element_type3A, %cond3A : i32
    scf.if %cond3A_3 {
      "tpu.region"() ({
        %run_scoped3A = tpu.sem_alloc : memref<!tpu.dma_semaphore, #tpu.memory_space<semaphore_mem>>
        %dma_start3A = arith.constant 9984 : i32
        %dma_start3A_18 = arith.constant 0 : i32
        %dma_start3A_19 = tpu.memref_slice %arg10[%dma_start3A, %dma_start3A_18] : memref<10016x128xf32, #tpu.memory_space<vmem_shared>> -> memref<32x128xf32, #tpu.memory_space<vmem_shared>>
        %dma_start3A_20 = arith.constant 0 : i32
        %dma_start3A_21 = arith.constant 0 : i32
        %dma_start3A_22 = tpu.memref_slice %arg5[%dma_start3A_20, %dma_start3A_21] : memref<312x128xf32, #tpu.memory_space<hbm>> -> memref<32x128xf32, #tpu.memory_space<hbm>>
        tpu.enqueue_dma source(%dma_start3A_22 : memref<32x128xf32, #tpu.memory_space<hbm>>) target(%dma_start3A_19 : memref<32x128xf32, #tpu.memory_space<vmem_shared>>) target_semaphore(%run_scoped3A : memref<!tpu.dma_semaphore, #tpu.memory_space<semaphore_mem>>)
        %dma_wait3A = arith.constant 9984 : i32
        %dma_wait3A_23 = arith.constant 0 : i32
        %dma_wait3A_24 = tpu.memref_slice %arg10[%dma_wait3A, %dma_wait3A_23] : memref<10016x128xf32, #tpu.memory_space<vmem_shared>> -> memref<32x128xf32, #tpu.memory_space<vmem_shared>>
        %dma_wait3A_25 = arith.constant 0 : i32
        %dma_wait3A_26 = arith.constant 0 : i32
        %dma_wait3A_27 = tpu.memref_slice %arg5[%dma_wait3A_25, %dma_wait3A_26] : memref<312x128xf32, #tpu.memory_space<hbm>> -> memref<32x128xf32, #tpu.memory_space<hbm>>
        tpu.wait_dma2 semaphore(%run_scoped3A : memref<!tpu.dma_semaphore, #tpu.memory_space<semaphore_mem>>) src(%dma_wait3A_27 : memref<32x128xf32, #tpu.memory_space<hbm>>) dst(%dma_wait3A_24 : memref<32x128xf32, #tpu.memory_space<vmem_shared>>)
        tpu.yield
      }) : () -> ()
    } else {
    }
    %barrier3A = arith.constant 0 : index
    tpu.barrier barrier_id(%barrier3A)
    %scan3A = arith.constant 0 : i32
    %scan3A_4 = arith.constant 0 : i32
    %scan3A_5 = arith.constant 79 : i32
    %scan3A_6 = arith.addi %scan3A_4, %scan3A_5 : i32
    %scan3A_7 = arith.constant 1 : i32
    %scan3A_8 = scf.for %scan3A_18 = %scan3A_4 to %scan3A_6 step %scan3A_7 iter_args(%scan3A_19 = %scan3A) -> (i32)  : i32 {
      %mul3A_20 = arith.constant 16 : i32
      %mul3A_21 = arith.muli %arg0, %mul3A_20 : i32
      %add3A_22 = arith.addi %mul3A_21, %arg1 : i32
      %mul3A_23 = arith.constant 10112 : i32
      %mul3A_24 = arith.muli %add3A_22, %mul3A_23 : i32
      %mul3A_25 = arith.constant 128 : i32
      %mul3A_26 = arith.muli %scan3A_18, %mul3A_25 : i32
      %add3A_27 = arith.addi %mul3A_24, %mul3A_26 : i32
      "tpu.region"() ({
        %run_scoped3A = tpu.sem_alloc : memref<!tpu.dma_semaphore, #tpu.memory_space<semaphore_mem>>
        %dma_start3A_33 = tpu.memref_slice %arg3[%add3A_27] : memref<323584xi32, #tpu.memory_space<hbm>> -> memref<128xi32, #tpu.memory_space<hbm>>
        %dma_start3A_34 = tpu.memref_slice %arg3[%add3A_27] : memref<323584xi32, #tpu.memory_space<hbm>> -> memref<128xi32, #tpu.memory_space<hbm>>
        tpu.enqueue_dma source(%dma_start3A_34 : memref<128xi32, #tpu.memory_space<hbm>>) target(%arg7 : memref<128xi32, #tpu.memory_space<vmem>>) target_semaphore(%run_scoped3A : memref<!tpu.dma_semaphore, #tpu.memory_space<semaphore_mem>>)
        %dma_wait3A_35 = tpu.memref_slice %arg3[%add3A_27] : memref<323584xi32, #tpu.memory_space<hbm>> -> memref<128xi32, #tpu.memory_space<hbm>>
        %dma_wait3A_36 = tpu.memref_slice %arg3[%add3A_27] : memref<323584xi32, #tpu.memory_space<hbm>> -> memref<128xi32, #tpu.memory_space<hbm>>
        tpu.wait_dma2 semaphore(%run_scoped3A : memref<!tpu.dma_semaphore, #tpu.memory_space<semaphore_mem>>) src(%dma_wait3A_36 : memref<128xi32, #tpu.memory_space<hbm>>) dst(%arg7 : memref<128xi32, #tpu.memory_space<vmem>>)
        tpu.yield
      }) : () -> ()
      "tpu.region"() ({
        %run_scoped3A = tpu.sem_alloc : memref<!tpu.dma_semaphore, #tpu.memory_space<semaphore_mem>>
        %dma_start3A_33 = tpu.memref_slice %arg4[%add3A_27] : memref<323584xi32, #tpu.memory_space<hbm>> -> memref<128xi32, #tpu.memory_space<hbm>>
        %dma_start3A_34 = tpu.memref_slice %arg4[%add3A_27] : memref<323584xi32, #tpu.memory_space<hbm>> -> memref<128xi32, #tpu.memory_space<hbm>>
        tpu.enqueue_dma source(%dma_start3A_34 : memref<128xi32, #tpu.memory_space<hbm>>) target(%arg8 : memref<128xi32, #tpu.memory_space<vmem>>) target_semaphore(%run_scoped3A : memref<!tpu.dma_semaphore, #tpu.memory_space<semaphore_mem>>)
        %dma_wait3A_35 = tpu.memref_slice %arg4[%add3A_27] : memref<323584xi32, #tpu.memory_space<hbm>> -> memref<128xi32, #tpu.memory_space<hbm>>
        %dma_wait3A_36 = tpu.memref_slice %arg4[%add3A_27] : memref<323584xi32, #tpu.memory_space<hbm>> -> memref<128xi32, #tpu.memory_space<hbm>>
        tpu.wait_dma2 semaphore(%run_scoped3A : memref<!tpu.dma_semaphore, #tpu.memory_space<semaphore_mem>>) src(%dma_wait3A_36 : memref<128xi32, #tpu.memory_space<hbm>>) dst(%arg8 : memref<128xi32, #tpu.memory_space<vmem>>)
        tpu.yield
      }) : () -> ()
      %dma_start3A = arith.constant 0 : i32
      %dma_start3A_28 = arith.constant 0 : i32
      %dma_start3A_29 = tpu.memref_slice %arg2[%dma_start3A, %dma_start3A_28] : memref<10000x128xf32, #tpu.memory_space<hbm>> -> memref<10000x128xf32, #tpu.memory_space<hbm>>
      tpu.enqueue_indirect_dma source(%dma_start3A_29 : memref<10000x128xf32, #tpu.memory_space<hbm>>) target(%arg9 : memref<128x128xf32, #tpu.memory_space<vmem>>) offsets(%arg7 : memref<128xi32, #tpu.memory_space<vmem>>) semaphore(%arg11 : memref<!tpu.dma_semaphore, #tpu.memory_space<semaphore_mem>>)
      %dma_wait3A = arith.constant 0 : i32
      %dma_wait3A_30 = arith.constant 0 : i32
      %dma_wait3A_31 = tpu.memref_slice %arg2[%dma_wait3A, %dma_wait3A_30] : memref<10000x128xf32, #tpu.memory_space<hbm>> -> memref<10000x128xf32, #tpu.memory_space<hbm>>
      tpu.wait_indirect_dma semaphore(%arg11 : memref<!tpu.dma_semaphore, #tpu.memory_space<semaphore_mem>>) src(%dma_wait3A_31 : memref<10000x128xf32, #tpu.memory_space<hbm>>) dst(%arg9 : memref<128x128xf32, #tpu.memory_space<vmem>>)
      "tpu.region"() ({
        %run_scoped3A = tpu.sem_alloc : memref<!tpu.dma_semaphore, #tpu.memory_space<semaphore_mem>>
        %dma_start3A_33 = arith.constant 0 : i32
        %dma_start3A_34 = arith.constant 0 : i32
        %dma_start3A_35 = tpu.memref_slice %arg10[%dma_start3A_33, %dma_start3A_34] : memref<10016x128xf32, #tpu.memory_space<vmem_shared>> -> memref<10016x128xf32, #tpu.memory_space<vmem_shared>>
        tpu.enqueue_indirect_dma source(%arg9 : memref<128x128xf32, #tpu.memory_space<vmem>>) target(%dma_start3A_35 : memref<10016x128xf32, #tpu.memory_space<vmem_shared>>) offsets(%arg8 : memref<128xi32, #tpu.memory_space<vmem>>) semaphore(%run_scoped3A : memref<!tpu.dma_semaphore, #tpu.memory_space<semaphore_mem>>) {add = true}
        %dma_wait3A_36 = arith.constant 0 : i32
        %dma_wait3A_37 = arith.constant 0 : i32
        %dma_wait3A_38 = tpu.memref_slice %arg10[%dma_wait3A_36, %dma_wait3A_37] : memref<10016x128xf32, #tpu.memory_space<vmem_shared>> -> memref<10016x128xf32, #tpu.memory_space<vmem_shared>>
        tpu.wait_indirect_dma semaphore(%run_scoped3A : memref<!tpu.dma_semaphore, #tpu.memory_space<semaphore_mem>>) src(%arg9 : memref<128x128xf32, #tpu.memory_space<vmem>>) dst(%dma_wait3A_38 : memref<10016x128xf32, #tpu.memory_space<vmem_shared>>)
        tpu.yield
      }) : () -> ()
      %scan3A_32 = arith.constant 0 : i32
      scf.yield %scan3A_32 : i32
    }
    %scan3A_9 = arith.constant 79 : i32
    %barrier3A_10 = arith.constant 0 : index
    tpu.barrier barrier_id(%barrier3A_10)
    %mul3A_11 = arith.constant 624 : i32
    %mul3A_12 = arith.muli %arg1, %mul3A_11 : i32
    "tpu.region"() ({
      %run_scoped3A = tpu.sem_alloc : memref<!tpu.dma_semaphore, #tpu.memory_space<semaphore_mem>>
      %dma_start3A = arith.constant 0 : i32
      %dma_start3A_18 = arith.constant 0 : i32
      %dma_start3A_19 = tpu.memref_slice %arg6[%arg0, %dma_start3A, %dma_start3A_18] : memref<2x10000x128xf32, #tpu.memory_space<hbm>> -> memref<1x10000x128xf32, #tpu.memory_space<hbm>>
      %dma_start3A_20 = tpu.memref_squeeze %dma_start3A_19 : memref<1x10000x128xf32, #tpu.memory_space<hbm>> -> memref<10000x128xf32, #tpu.memory_space<hbm>>
      %dma_start3A_21 = arith.constant 0 : i32
      %dma_start3A_22 = tpu.memref_slice %dma_start3A_20[%mul3A_12, %dma_start3A_21] : memref<10000x128xf32, #tpu.memory_space<hbm>> -> memref<624x128xf32, #tpu.memory_space<hbm>>
      %dma_start3A_23 = arith.constant 0 : i32
      %dma_start3A_24 = tpu.memref_slice %arg10[%mul3A_12, %dma_start3A_23] : memref<10016x128xf32, #tpu.memory_space<vmem_shared>> -> memref<624x128xf32, #tpu.memory_space<vmem_shared>>
      tpu.enqueue_dma source(%dma_start3A_24 : memref<624x128xf32, #tpu.memory_space<vmem_shared>>) target(%dma_start3A_22 : memref<624x128xf32, #tpu.memory_space<hbm>>) target_semaphore(%run_scoped3A : memref<!tpu.dma_semaphore, #tpu.memory_space<semaphore_mem>>)
      %dma_wait3A = arith.constant 0 : i32
      %dma_wait3A_25 = arith.constant 0 : i32
      %dma_wait3A_26 = tpu.memref_slice %arg6[%arg0, %dma_wait3A, %dma_wait3A_25] : memref<2x10000x128xf32, #tpu.memory_space<hbm>> -> memref<1x10000x128xf32, #tpu.memory_space<hbm>>
      %dma_wait3A_27 = tpu.memref_squeeze %dma_wait3A_26 : memref<1x10000x128xf32, #tpu.memory_space<hbm>> -> memref<10000x128xf32, #tpu.memory_space<hbm>>
      %dma_wait3A_28 = arith.constant 0 : i32
      %dma_wait3A_29 = tpu.memref_slice %dma_wait3A_27[%mul3A_12, %dma_wait3A_28] : memref<10000x128xf32, #tpu.memory_space<hbm>> -> memref<624x128xf32, #tpu.memory_space<hbm>>
      %dma_wait3A_30 = arith.constant 0 : i32
      %dma_wait3A_31 = tpu.memref_slice %arg10[%mul3A_12, %dma_wait3A_30] : memref<10016x128xf32, #tpu.memory_space<vmem_shared>> -> memref<624x128xf32, #tpu.memory_space<vmem_shared>>
      tpu.wait_dma2 semaphore(%run_scoped3A : memref<!tpu.dma_semaphore, #tpu.memory_space<semaphore_mem>>) src(%dma_wait3A_31 : memref<624x128xf32, #tpu.memory_space<vmem_shared>>) dst(%dma_wait3A_29 : memref<624x128xf32, #tpu.memory_space<hbm>>)
      tpu.yield
    }) : () -> ()
    %eq3A_13 = arith.constant 15 : i32
    %eq3A_14 = arith.cmpi eq, %arg1, %eq3A_13 : i32
    %convert_element_type3A_15 = arith.extui %eq3A_14 : i1 to i32
    %cond3A_16 = arith.constant 0 : i32
    %cond3A_17 = arith.cmpi ne, %convert_element_type3A_15, %cond3A_16 : i32
    scf.if %cond3A_17 {
      "tpu.region"() ({
        %run_scoped3A = tpu.sem_alloc : memref<!tpu.dma_semaphore, #tpu.memory_space<semaphore_mem>>
        %dma_start3A = arith.constant 0 : i32
        %dma_start3A_18 = arith.constant 0 : i32
        %dma_start3A_19 = tpu.memref_slice %arg6[%arg0, %dma_start3A, %dma_start3A_18] : memref<2x10000x128xf32, #tpu.memory_space<hbm>> -> memref<1x10000x128xf32, #tpu.memory_space<hbm>>
        %dma_start3A_20 = tpu.memref_squeeze %dma_start3A_19 : memref<1x10000x128xf32, #tpu.memory_space<hbm>> -> memref<10000x128xf32, #tpu.memory_space<hbm>>
        %dma_start3A_21 = arith.constant 9984 : i32
        %dma_start3A_22 = arith.constant 0 : i32
        %dma_start3A_23 = tpu.memref_slice %dma_start3A_20[%dma_start3A_21, %dma_start3A_22] : memref<10000x128xf32, #tpu.memory_space<hbm>> -> memref<16x128xf32, #tpu.memory_space<hbm>>
        %dma_start3A_24 = arith.constant 9984 : i32
        %dma_start3A_25 = arith.constant 0 : i32
        %dma_start3A_26 = tpu.memref_slice %arg10[%dma_start3A_24, %dma_start3A_25] : memref<10016x128xf32, #tpu.memory_space<vmem_shared>> -> memref<16x128xf32, #tpu.memory_space<vmem_shared>>
        tpu.enqueue_dma source(%dma_start3A_26 : memref<16x128xf32, #tpu.memory_space<vmem_shared>>) target(%dma_start3A_23 : memref<16x128xf32, #tpu.memory_space<hbm>>) target_semaphore(%run_scoped3A : memref<!tpu.dma_semaphore, #tpu.memory_space<semaphore_mem>>)
        %dma_wait3A = arith.constant 0 : i32
        %dma_wait3A_27 = arith.constant 0 : i32
        %dma_wait3A_28 = tpu.memref_slice %arg6[%arg0, %dma_wait3A, %dma_wait3A_27] : memref<2x10000x128xf32, #tpu.memory_space<hbm>> -> memref<1x10000x128xf32, #tpu.memory_space<hbm>>
        %dma_wait3A_29 = tpu.memref_squeeze %dma_wait3A_28 : memref<1x10000x128xf32, #tpu.memory_space<hbm>> -> memref<10000x128xf32, #tpu.memory_space<hbm>>
        %dma_wait3A_30 = arith.constant 9984 : i32
        %dma_wait3A_31 = arith.constant 0 : i32
        %dma_wait3A_32 = tpu.memref_slice %dma_wait3A_29[%dma_wait3A_30, %dma_wait3A_31] : memref<10000x128xf32, #tpu.memory_space<hbm>> -> memref<16x128xf32, #tpu.memory_space<hbm>>
        %dma_wait3A_33 = arith.constant 9984 : i32
        %dma_wait3A_34 = arith.constant 0 : i32
        %dma_wait3A_35 = tpu.memref_slice %arg10[%dma_wait3A_33, %dma_wait3A_34] : memref<10016x128xf32, #tpu.memory_space<vmem_shared>> -> memref<16x128xf32, #tpu.memory_space<vmem_shared>>
        tpu.wait_dma2 semaphore(%run_scoped3A : memref<!tpu.dma_semaphore, #tpu.memory_space<semaphore_mem>>) src(%dma_wait3A_35 : memref<16x128xf32, #tpu.memory_space<vmem_shared>>) dst(%dma_wait3A_32 : memref<16x128xf32, #tpu.memory_space<hbm>>)
        tpu.yield
      }) : () -> ()
    } else {
    }
    return
  }
}

module attributes {stable_mosaic.version = 14 : i64} {
  func.func @body(%arg0: i32, %arg1: memref<1024x512xf32, #tpu.memory_space<vmem>>, %arg2: memref<512x512xf32, #tpu.memory_space<vmem>>, %arg3: memref<1x512xf32, #tpu.memory_space<vmem>>, %arg4: memref<1024x512xf32, #tpu.memory_space<vmem>>) attributes {dimension_semantics = [#tpu.dimension_semantics<arbitrary>], iteration_bounds = array<i64: 10>, scalar_prefetch = 0 : i64, scratch_operands = 0 : i64, tpu.core_type = #tpu.core_type<tc>, window_params = [{transform_indices = @transform_0, window_bounds = array<i64: 1024, 512>}, {pipeline_mode = #tpu.pipeline_mode<synchronous>, transform_indices = @transform_1, window_bounds = array<i64: 512, 512>}, {pipeline_mode = #tpu.pipeline_mode<synchronous>, transform_indices = @transform_2, window_bounds = array<i64: 1, 512>}, {transform_indices = @transform_3, window_bounds = array<i64: 1024, 512>}]} {
    %get3A = arith.constant 0 : index
    %get3A_0 = arith.constant 0 : index
    %get3A_1 = vector.load %arg1[%get3A, %get3A_0] : memref<1024x512xf32, #tpu.memory_space<vmem>>, vector<1024x512xf32>
    %get3A_2 = arith.constant 0 : index
    %get3A_3 = arith.constant 0 : index
    %get3A_4 = vector.load %arg2[%get3A_2, %get3A_3] : memref<512x512xf32, #tpu.memory_space<vmem>>, vector<512x512xf32>
    %dot_general3A = arith.constant dense<0.000000e+00> : vector<1024x512xf32>
    %dot_general3A_5 = tpu.matmul %get3A_1, %get3A_4, %dot_general3A {dimension_numbers = #tpu.dot_dimension_numbers<[1], [0], [0], [1], [0, 0, 1, 1], [], []>, transpose_lhs_hint = false} : vector<1024x512xf32>, vector<512x512xf32>, vector<1024x512xf32> -> vector<1024x512xf32>
    %get3A_6 = arith.constant 0 : index
    %get3A_7 = arith.constant 0 : index
    %get3A_8 = vector.load %arg3[%get3A_6, %get3A_7] : memref<1x512xf32, #tpu.memory_space<vmem>>, vector<1x512xf32>
    %add3A = vector.broadcast %get3A_8 : vector<1x512xf32> to vector<1024x512xf32>
    %add3A_9 = arith.addf %dot_general3A_5, %add3A : vector<1024x512xf32>
    %max3A = arith.constant 0.000000e+00 : f32
    %max3A_10 = vector.broadcast %max3A : f32 to vector<1024x512xf32>
    %max3A_11 = arith.maximumf %add3A_9, %max3A_10 : vector<1024x512xf32>
    %swap3A = arith.constant 0 : index
    %swap3A_12 = arith.constant 0 : index
    %swap3A_13 = vector.load %arg4[%swap3A, %swap3A_12] : memref<1024x512xf32, #tpu.memory_space<vmem>>, vector<1024x512xf32>
    tpu.vector_store %arg4[%swap3A, %swap3A_12], %max3A_11 {strides = array<i32>} : memref<1024x512xf32, #tpu.memory_space<vmem>>, vector<1024x512xf32>,
    return
  }
  func.func @transform_0(%arg0: i32) -> (i32, i32) {
    %c0_i32 = arith.constant 0 : i32
    %c0_i32_0 = arith.constant 0 : i32
    return %arg0, %c0_i32 : i32, i32
  }
  func.func @transform_1(%arg0: i32) -> (i32, i32) {
    %c0_i32 = arith.constant 0 : i32
    %c0_i32_0 = arith.constant 0 : i32
    %c0_i32_1 = arith.constant 0 : i32
    return %c0_i32, %c0_i32_0 : i32, i32
  }
  func.func @transform_2(%arg0: i32) -> (i32, i32) {
    %c0_i32 = arith.constant 0 : i32
    %c0_i32_0 = arith.constant 0 : i32
    %c0_i32_1 = arith.constant 0 : i32
    return %c0_i32, %c0_i32_0 : i32, i32
  }
  func.func @transform_3(%arg0: i32) -> (i32, i32) {
    %c0_i32 = arith.constant 0 : i32
    %c0_i32_0 = arith.constant 0 : i32
    return %arg0, %c0_i32 : i32, i32
  }
}

module attributes {stable_mosaic.version = 14 : i64} {
  func.func @body(%arg0: i32, %arg1: memref<1024x512xf32, #tpu.memory_space<vmem>>, %arg2: memref<512x1024xf32, #tpu.memory_space<vmem>>, %arg3: memref<1x1024xf32, #tpu.memory_space<vmem>>, %arg4: memref<1024x1024xf32, #tpu.memory_space<vmem>>) attributes {dimension_semantics = [#tpu.dimension_semantics<arbitrary>], iteration_bounds = array<i64: 10>, scalar_prefetch = 0 : i64, scratch_operands = 0 : i64, tpu.core_type = #tpu.core_type<tc>, window_params = [{transform_indices = @transform_0, window_bounds = array<i64: 1024, 512>}, {pipeline_mode = #tpu.pipeline_mode<synchronous>, transform_indices = @transform_1, window_bounds = array<i64: 512, 1024>}, {pipeline_mode = #tpu.pipeline_mode<synchronous>, transform_indices = @transform_2, window_bounds = array<i64: 1, 1024>}, {transform_indices = @transform_3, window_bounds = array<i64: 1024, 1024>}]} {
    %get3A = arith.constant 0 : index
    %get3A_0 = arith.constant 0 : index
    %get3A_1 = vector.load %arg1[%get3A, %get3A_0] : memref<1024x512xf32, #tpu.memory_space<vmem>>, vector<1024x512xf32>
    %get3A_2 = arith.constant 0 : index
    %get3A_3 = arith.constant 0 : index
    %get3A_4 = vector.load %arg2[%get3A_2, %get3A_3] : memref<512x1024xf32, #tpu.memory_space<vmem>>, vector<512x1024xf32>
    %dot_general3A = arith.constant dense<0.000000e+00> : vector<1024x1024xf32>
    %dot_general3A_5 = tpu.matmul %get3A_1, %get3A_4, %dot_general3A {dimension_numbers = #tpu.dot_dimension_numbers<[1], [0], [0], [1], [0, 0, 1, 1], [], []>, transpose_lhs_hint = false} : vector<1024x512xf32>, vector<512x1024xf32>, vector<1024x1024xf32> -> vector<1024x1024xf32>
    %get3A_6 = arith.constant 0 : index
    %get3A_7 = arith.constant 0 : index
    %get3A_8 = vector.load %arg3[%get3A_6, %get3A_7] : memref<1x1024xf32, #tpu.memory_space<vmem>>, vector<1x1024xf32>
    %add3A = vector.broadcast %get3A_8 : vector<1x1024xf32> to vector<1024x1024xf32>
    %add3A_9 = arith.addf %dot_general3A_5, %add3A : vector<1024x1024xf32>
    %swap3A = arith.constant 0 : index
    %swap3A_10 = arith.constant 0 : index
    %swap3A_11 = vector.load %arg4[%swap3A, %swap3A_10] : memref<1024x1024xf32, #tpu.memory_space<vmem>>, vector<1024x1024xf32>
    tpu.vector_store %arg4[%swap3A, %swap3A_10], %add3A_9 {strides = array<i32>} : memref<1024x1024xf32, #tpu.memory_space<vmem>>, vector<1024x1024xf32>,
    return
  }
  func.func @transform_0(%arg0: i32) -> (i32, i32) {
    %c0_i32 = arith.constant 0 : i32
    %c0_i32_0 = arith.constant 0 : i32
    return %arg0, %c0_i32 : i32, i32
  }
  func.func @transform_1(%arg0: i32) -> (i32, i32) {
    %c0_i32 = arith.constant 0 : i32
    %c0_i32_0 = arith.constant 0 : i32
    %c0_i32_1 = arith.constant 0 : i32
    return %c0_i32, %c0_i32_0 : i32, i32
  }
  func.func @transform_2(%arg0: i32) -> (i32, i32) {
    %c0_i32 = arith.constant 0 : i32
    %c0_i32_0 = arith.constant 0 : i32
    %c0_i32_1 = arith.constant 0 : i32
    return %c0_i32, %c0_i32_0 : i32, i32
  }
  func.func @transform_3(%arg0: i32) -> (i32, i32) {
    %c0_i32 = arith.constant 0 : i32
    %c0_i32_0 = arith.constant 0 : i32
    return %arg0, %c0_i32 : i32, i32
  }
}

module attributes {stable_mosaic.version = 14 : i64} {
  func.func @body(%arg0: i32, %arg1: memref<1024x256xf32, #tpu.memory_space<vmem>>, %arg2: memref<256x512xf32, #tpu.memory_space<vmem>>, %arg3: memref<1x512xf32, #tpu.memory_space<vmem>>, %arg4: memref<1024x512xf32, #tpu.memory_space<vmem>>) attributes {dimension_semantics = [#tpu.dimension_semantics<arbitrary>], iteration_bounds = array<i64: 10>, scalar_prefetch = 0 : i64, scratch_operands = 0 : i64, tpu.core_type = #tpu.core_type<tc>, window_params = [{transform_indices = @transform_0, window_bounds = array<i64: 1024, 256>}, {pipeline_mode = #tpu.pipeline_mode<synchronous>, transform_indices = @transform_1, window_bounds = array<i64: 256, 512>}, {pipeline_mode = #tpu.pipeline_mode<synchronous>, transform_indices = @transform_2, window_bounds = array<i64: 1, 512>}, {transform_indices = @transform_3, window_bounds = array<i64: 1024, 512>}]} {
    %get3A = arith.constant 0 : index
    %get3A_0 = arith.constant 0 : index
    %get3A_1 = vector.load %arg1[%get3A, %get3A_0] : memref<1024x256xf32, #tpu.memory_space<vmem>>, vector<1024x256xf32>
    %get3A_2 = arith.constant 0 : index
    %get3A_3 = arith.constant 0 : index
    %get3A_4 = vector.load %arg2[%get3A_2, %get3A_3] : memref<256x512xf32, #tpu.memory_space<vmem>>, vector<256x512xf32>
    %dot_general3A = arith.constant dense<0.000000e+00> : vector<1024x512xf32>
    %dot_general3A_5 = tpu.matmul %get3A_1, %get3A_4, %dot_general3A {dimension_numbers = #tpu.dot_dimension_numbers<[1], [0], [0], [1], [0, 0, 1, 1], [], []>, transpose_lhs_hint = false} : vector<1024x256xf32>, vector<256x512xf32>, vector<1024x512xf32> -> vector<1024x512xf32>
    %get3A_6 = arith.constant 0 : index
    %get3A_7 = arith.constant 0 : index
    %get3A_8 = vector.load %arg3[%get3A_6, %get3A_7] : memref<1x512xf32, #tpu.memory_space<vmem>>, vector<1x512xf32>
    %add3A = vector.broadcast %get3A_8 : vector<1x512xf32> to vector<1024x512xf32>
    %add3A_9 = arith.addf %dot_general3A_5, %add3A : vector<1024x512xf32>
    %swap3A = arith.constant 0 : index
    %swap3A_10 = arith.constant 0 : index
    %swap3A_11 = vector.load %arg4[%swap3A, %swap3A_10] : memref<1024x512xf32, #tpu.memory_space<vmem>>, vector<1024x512xf32>
    tpu.vector_store %arg4[%swap3A, %swap3A_10], %add3A_9 {strides = array<i32>} : memref<1024x512xf32, #tpu.memory_space<vmem>>, vector<1024x512xf32>,
    return
  }
  func.func @transform_0(%arg0: i32) -> (i32, i32) {
    %c0_i32 = arith.constant 0 : i32
    %c0_i32_0 = arith.constant 0 : i32
    return %arg0, %c0_i32 : i32, i32
  }
  func.func @transform_1(%arg0: i32) -> (i32, i32) {
    %c0_i32 = arith.constant 0 : i32
    %c0_i32_0 = arith.constant 0 : i32
    %c0_i32_1 = arith.constant 0 : i32
    return %c0_i32, %c0_i32_0 : i32, i32
  }
  func.func @transform_2(%arg0: i32) -> (i32, i32) {
    %c0_i32 = arith.constant 0 : i32
    %c0_i32_0 = arith.constant 0 : i32
    %c0_i32_1 = arith.constant 0 : i32
    return %c0_i32, %c0_i32_0 : i32, i32
  }
  func.func @transform_3(%arg0: i32) -> (i32, i32) {
    %c0_i32 = arith.constant 0 : i32
    %c0_i32_0 = arith.constant 0 : i32
    return %arg0, %c0_i32 : i32, i32
  }
}

</mosaic_0001>

<sc_bundles>
// kernel: kernel.15.cloned.1.call-start
scs
__scs_entry_jumppad:
0x0: {  	(pc) =	sbr.rel $0x88, $3  }
0x1: {  	(tag) =	ssettag $0x0;
	lr =	simm.s32 $0x1  }
0x2: {  	[smem:$0x3F97] =	sst lr;
	_ =	strace $0xD0000000  }
0x3: {  	_ = 	snop  }
0x4: {  	_ = 	snop  }
0x5: {  	_ = 	snop  }
0x6: {  	_ = 	snop  }
0x7: {  	_ = 	snop  }
__scs_overlays_trampoline_lowered:
0x8: {  	[smem:$0x3FA6] =	sst s0  }
0x9: {  	[smem:$0x3FA7] =	sst s1  }
0xa: {  	[smem:$0x3FA8] =	sst s2  }
0xb: {  	[smem:$0x3FA9] =	sst s3  }
0xc: {  	[smem:$0x3FAA] =	sst s4  }
0xd: {  	[smem:$0x3FAB] =	sst s5  }
0xe: {  	[smem:$0x3FAC] =	sst s6  }
0xf: {  	[smem:$0x3FAD] =	sst s7  }
0x10: {  	[smem:$0x3FAE] =	sst s8  }
0x11: {  	[smem:$0x3FAF] =	sst s9;
	s0 =	simm.s32 @!p0 $0x0  }
0x12: {  	s1 =	sld [smem:$0x3F95];
	s0 =	simm.s32 @p0 $0x1  }
0x13: {  	[smem:$0x3FB0] =	sst s0;
	s0 =	simm.s32 @!p1 $0x0  }
0x14: {  	s2 =	sld [smem:$0x3F94];
	s0 =	simm.s32 @p1 $0x1  }
0x15: {  	[smem:$0x3FB1] =	sst s0;
	s0 =	simm.s32 @!p2 $0x0  }
0x16: {  	s3 =	sld [smem:$0x3FDB];
	s0 =	simm.s32 @p2 $0x1  }
0x17: {  	s4 =	simm.s32 $0x1BF5;
	[smem:$0x3FB3] =	sst s0  }
0x18: {  	s0 =	sld [smem:$0x3F96];
	_ =	swait.ge [sflag:s4], $0x0  }
0x19: {  	s7 =	sld [smem:$0x3F97]  }
0x1a: {  	s8 =	sadd.s32 $0xFFFFE003, lr  }
0x1b: {  	s9 =	sadd.s32 $0xFFFFFEF7, lr;
	s5 =	simm.s32 $0xFFFFFFFF;
	p2 =	slt.u32 s8, $0xFFFFF086  }
0x1c: {  	p1 =	slt.u32 s9, $0xF7A;
	s5 =	simm.s32 @!p2 $0x0  }
0x1d: {  	s5 =	simm.s32 @p1 $0x1;
	p0 =	seq.s32 s7, s2  }
0x1e: {  	s7 =	smul.u32 @!p0 $0xF7A, s2;
	p2 =	seq.s32 @!p0 s5, $0x0  }
0x1f: {  	s9 =	smul.u32 $0xF7A, s1;
	s8 =	simm.s32 @!p0 $0x1BF5;
	p2 =	por !p2, p0  }
0x20: {  	[sflag:s8] =	ssyncset.s32 @!p0 $0xFFFFF086;
	s6 =	sadd.s32 @!p0 s3, s7;
	s7 =	simm.s32 @!p0 $0x108  }
0x21: {  	s3 =	sadd.s32 s3, s9;
	s6 =	sadd.s32 @!p0 $0x88, s6;
	s7 =	simm.s32 @p2 $0x1082  }
0x22: {  	[simem:s7], [sflag:s8] =	dma.local @!p0 [hbm:s6], $0xF7A  }
0x23: {  	s9 =	sor.u32 $0xD0000000, s2;
	s6 =	simm.s32 $0x108;
	_ =	swait.ge @!p0 [sflag:s8], $0x0  }
0x24: {  	s3 =	sadd.s32 $0x88, s3;
	s6 =	simm.s32 @!p1 $0x1082;
	[sflag:s4] =	ssyncset.s32 $0xFFFFF086  }
0x25: {  	[simem:s6], [sflag:s4] =	dma.local [hbm:s3], $0xF7A  }
0x26: {  	[smem:$0x3F97] =	sst s1;
	(tag) =	ssettag s2;
	_ =	strace s9  }
0x27: {  	s1 =	sld [smem:$0x3FA7]  }
0x28: {  	s2 =	sld [smem:$0x3FA8]  }
0x29: {  	s4 =	sld [smem:$0x3FAA]  }
0x2a: {  	p0 =	seq.s32 s5, $0x0;
	s5 =	sld [smem:$0x3FAB]  }
0x2b: {  	s6 =	sld [smem:$0x3FAC]  }
0x2c: {  	s7 =	sld [smem:$0x3FAD]  }
0x2d: {  	s3 =	simm.s32 $0x108;
	s8 =	sld [smem:$0x3FAE]  }
0x2e: {  	s3 =	simm.s32 @!p0 $0x1082;
	s9 =	sld [smem:$0x3FAF]  }
0x2f: {  	lr =	sadd.s32 s0, s3;
	s0 =	sld [smem:$0x3FA6]  }
0x30: {  	s3 =	sld [smem:$0x3FA9]  }
0x31: {  	[smem:$0x3FB2] =	sst s10  }
0x32: {  	s10 =	sld [smem:$0x3FB0];
	_ =	sdelay $0x3  }
0x33: {  	p0 =	seq.s32 s10, $0x1;
	s10 =	sld [smem:$0x3FB2];
	_ =	sdelay $0x3  }
0x34: {  	[smem:$0x3FB2] =	sst s10  }
0x35: {  	s10 =	sld [smem:$0x3FB1];
	_ =	sdelay $0x3  }
0x36: {  	p1 =	seq.s32 s10, $0x1;
	s10 =	sld [smem:$0x3FB2];
	_ =	sdelay $0x3  }
0x37: {  	[smem:$0x3FB2] =	sst s10  }
0x38: {  	s10 =	sld [smem:$0x3FB3]  }
0x39: {  	_ = 	snop;
	(pc) =	sbr.ind lr, $3  }
0x3a: {  	_ = 	snop  }
0x3b: {  	_ = 	snop  }
0x3c: {  	p2 =	seq.s32 s10, $0x1;
	s10 =	sld [smem:$0x3FB2]  }
0x3d: {  	_ =	shalt  }
0x3e: {  	_ =	shalt  }
0x3f: {  	_ =	shalt  }
0x40: {  	_ =	shalt  }
0x41: {  	_ =	shalt  }
0x42: {  	_ =	shalt  }
0x43: {  	_ =	shalt  }
0x44: {  	_ =	shalt  }
0x45: {  	_ =	shalt  }
0x46: {  	_ =	shalt  }
0x47: {  	_ =	shalt  }
0x48: {  	_ =	shalt  }
0x49: {  	_ =	shalt  }
0x4a: {  	_ =	shalt  }
0x4b: {  	_ =	shalt  }
0x4c: {  	_ =	shalt  }
0x4d: {  	_ =	shalt  }
0x4e: {  	_ =	shalt  }
0x4f: {  	_ =	shalt  }
0x50: {  	_ =	shalt  }
0x51: {  	_ =	shalt  }
0x52: {  	_ =	shalt  }
0x53: {  	_ =	shalt  }
0x54: {  	_ =	shalt  }
0x55: {  	_ =	shalt  }
0x56: {  	_ =	shalt  }
0x57: {  	_ =	shalt  }
0x58: {  	_ =	shalt  }
0x59: {  	_ =	shalt  }
0x5a: {  	_ =	shalt  }
0x5b: {  	_ =	shalt  }
0x5c: {  	_ =	shalt  }
0x5d: {  	_ =	shalt  }
0x5e: {  	_ =	shalt  }
0x5f: {  	_ =	shalt  }
0x60: {  	_ =	shalt  }
0x61: {  	_ =	shalt  }
0x62: {  	_ =	shalt  }
0x63: {  	_ =	shalt  }
0x64: {  	_ =	shalt  }
0x65: {  	_ =	shalt  }
0x66: {  	_ =	shalt  }
0x67: {  	_ =	shalt  }
0x68: {  	_ =	shalt  }
0x69: {  	_ =	shalt  }
0x6a: {  	_ =	shalt  }
0x6b: {  	_ =	shalt  }
0x6c: {  	_ =	shalt  }
0x6d: {  	_ =	shalt  }
0x6e: {  	_ =	shalt  }
0x6f: {  	_ =	shalt  }
0x70: {  	_ =	shalt  }
0x71: {  	_ =	shalt  }
0x72: {  	_ =	shalt  }
0x73: {  	_ =	shalt  }
0x74: {  	_ =	shalt  }
0x75: {  	_ =	shalt  }
0x76: {  	_ =	shalt  }
0x77: {  	_ =	shalt  }
0x78: {  	_ =	shalt  }
0x79: {  	_ =	shalt  }
0x7a: {  	_ =	shalt  }
0x7b: {  	_ =	shalt  }
0x7c: {  	_ =	shalt  }
0x7d: {  	_ =	shalt  }
0x7e: {  	_ =	shalt  }
0x7f: {  	_ =	shalt  }
0x80: {  	_ =	shalt  }
0x81: {  	_ =	shalt  }
0x82: {  	_ =	shalt  }
0x83: {  	_ =	shalt  }
0x84: {  	_ =	shalt  }
0x85: {  	_ =	shalt  }
0x86: {  	_ =	shalt  }
0x87: {  	_ =	shalt  }
.Lfunc_end0:
.L_simem_size_0:
called_computation_lowered:
.L_overlay_start_0:
0x88: {  	s2 =	sld [smem:$0x3FD9]  }
0x89: {  	s3 =	sld [smem:$0x3FFE];
	_ =	sdelay $0x1  }
0x8a: {  	s1 =	srdreg.scid  }
0x8b: {  	s0 =	sand.u32 $0x1, s1  }
0x8c: {  	s14 =	sshll.u32 s0, $0xA;
	s2 =	sadd.s32 s3, s2  }
0x8d: {  	s2 =	sadd.s32 s2, s14  }
0x8e: {  	[smem:$0x3FBE] =	sst s2  }
0x8f: {  	_ = 	snop  }
0x90: {  	s2 =	sld [smem:$0x3FD0];
	_ =	sdelay $0x2  }
0x91: {  	s15 =	simm.s32 $0xA;
	s4 =	simm.s32 $0x10  }
0x92: {  	[smem:s4], [sflag:s15] =	dma.local [hbm:s2], $0x1  }
0x93: {  	_ =	swait.eq [sflag:s15], $0x1  }
0x94: {  	[sflag:s15] =	ssyncset.done $0x0  }
0x95: {  	s16 =	sld [smem:$0x10];
	[sflag:s15] =	ssyncadd.s32 $0xFFFFFFFF  }
0x96: {  	s17 =	sld [smem:$0x12];
	(tm) =	ssettm $0x1  }
0x97: {  	s18 =	sld [smem:$0x3FFB];
	_ =	sdelay $0x3  }
0x98: {  	_ =	strace s18  }
0x99: {  	s4 =	sld [smem:$0x3FFC];
	_ =	sdelay $0x3  }
0x9a: {  	_ =	strace s4  }
0x9b: {  	s4 =	sld [smem:$0x3FFD];
	_ =	sdelay $0x3  }
0x9c: {  	_ =	strace s4  }
0x9d: {  	_ =	strace $0x8FFFFFFF  }
0x9e: {  	s19 =	sld [smem:$0x3FDB];
	_ =	sdelay $0x1  }
0x9f: {  	s5 =	simm.s32 $_scs_section_size  }
0xa0: {  	s6 =	simm.s32 $_size__tile_overlayer_lowered;
	s7 =	simm.s32 $_tile_overlayer_lowered  }
0xa1: {  	s22 =	simm.s32 $0x1BFF;
	s21 =	sshll.u32 s7, $0x1;
	s4 =	sadd.s32 s5, s19  }
0xa2: {  	s8 =	simm.s32 $0x0;
	s20 =	sshll.u32 s6, $0x1;
	s6 =	sadd.s32 s21, s4  }
0xa3: {  	[timem:s8], [sflag:s22] =	dma.local [hbm:s6], s20  }
0xa4: {  	_ =	swait.ge [sflag:s22], s20  }
0xa5: {  	s5 =	ssub.s32 $0x0, s20;
	[sflag:s22] =	ssyncset.done $0x0  }
0xa6: {  	[sflag:s22] =	ssyncadd.s32 s5;
	_ =	sdelay $0x1  }
0xa7: {  	s23 =	simm.s32 $0x1B8B  }
0xa8: {  	_ =	swait.ge [sflag:s23], $0x1  }
0xa9: {  	[sflag:s23] =	ssyncset.done $0x0  }
0xaa: {  	s25 =	simm.s32 $0x1B8E;
	s24 =	sld [smem:$0x3FFE];
	[sflag:s23] =	ssyncadd.s32 $0xFFFFFFFF  }
0xab: {  	s26 =	simm.s32 $execute0_lowered;
	[smem:$0x3FD2] =	sst s25  }
0xac: {  	s6 =	sshll.u32 s26, $0x1;
	_ =	strace $0x80000046;
	[dreg:$0x1] =	wrdreg $0xFFFFFFFF  }
0xad: {  	s28 =	simm.s32 $_size_execute0_lowered;
	s4 =	sadd.s32 s4, s6;
	[dreg:$0x0] =	wrdreg $0x0  }
0xae: {  	s6 =	sshll.u32 s28, $0x1;
	[dreg:$0x2] =	wrdreg s4  }
0xaf: {  	[dreg:$0x3] =	wrdreg s6  }
0xb0: {  	[dreg:$0x4] =	wrdreg $0xC0  }
0xb1: {  	_ =	task [dreg:s8], $0x5FFFF  }
0xb2: {  	[dreg:$0x1] =	wrdreg $0xFFFFFFFF  }
0xb3: {  	[dreg:$0x0] =	wrdreg $0x60  }
0xb4: {  	[dreg:$0x2] =	wrdreg s17  }
0xb5: {  	[dreg:$0x3] =	wrdreg s24  }
0xb6: {  	[dreg:$0x4] =	wrdreg s16  }
0xb7: {  	[dreg:$0x5] =	wrdreg $0x40800  }
0xb8: {  	[dreg:$0x6] =	wrdreg $0x9  }
0xb9: {  	_ =	task.clear_ibuf [dreg:s8], $0x7FFFF;
	_ =	strace $0x90000046  }
0xba: {  	s29 =	simm.s32 $0x9;
	_ =	strace $0x80000048  }
0xbb: {  	_ =	swait.ge [sflag:s29], $0x1  }
0xbc: {  	[sflag:s29] =	ssyncadd.s32 $0xFFFFFFFF  }
0xbd: {  	_ =	strace $0x90000048  }
0xbe: {  	_ =	sfence  }
0xbf: {  	s30 =	sld [smem:$0x0];
	_ =	sdelay $0x2  }
0xc0: {  	s31 =	sshll.u32 s1, $0xD;
	s1 =	sshrl.u32 s1, $0x2  }
0xc1: {  	s3 =	sand.u32 $0x4000, s31;
	s1 =	sadd.s32 s1, s30  }
0xc2: {  	s0 =	sor.u32 s3, s0;
	s1 =	sshll.u32 s1, $0x11  }
0xc3: {  	s0 =	sor.u32 s1, s0  }
0xc4: {  	s0 =	sadd.s32 $0x8F2B, s0  }
0xc5: {  	[sflag:s0] =	ssyncadd.remote.s32 $0x1  }
0xc6: {  	_ =	sfence.sel $0xFFFF  }
0xc7: {  	[dreg:$0x0] =	wrdreg $0xFFFFFFFF;
	(pc) =	sbr.abs _section_cstart, $3  }
0xc8: {  	[dreg:$0x1] =	wrdreg $0xFFFFFFFF  }
0xc9: {  	_ =	task.clear_ibuf [dreg:s8], $0x2FFFF;
	_ =	strace $0x9FFFFFFF  }
0xca: {  	(tm) =	ssettm $0x7FFFFFFF  }
0xcb: {  	_ =	shalt  }
tec
execute0_lowered:
.L_overlay_start_1:
0x0: {  	(tag) =	ssettag $0x1  }
0x1: {  	s7 =	rddreg [dreg:$0x0]  }
0x2: {  	s6 =	rddreg [dreg:$0x1]  }
0x3: {  	s1 =	rddreg [dreg:$0x2]  }
0x4: {  	s2 =	rddreg [dreg:$0x3];
	s3 =	srdreg.scid  }
0x5: {  	s0 =	rddreg [dreg:$0x4];
	s8 =	sand.u32 $0x1, s3  }
0x6: {  	s4 =	simm.s32 $0x0;
	s3 =	stileid.u32;
	s9 =	smul.u32 $0x27100, s8  }
0x7: {  	[smem:$0x7FF] =	sst s4;
	s5 =	sadd.s32 $0x3200, s6;
	s11 =	smul.u32 $0x4E000, s3  }
0x8: {  	s14 =	sadd.s32 $0x138000, s2;
	s10 =	ssub.s32 $0x2, s8;
	s8 =	smul.u32 $0x4F00, s8  }
0x9: {  	_ =	strace $0x80000047;
	s30 =	sshll.u32 s3, $0x6;
	s13 =	smul.u32 $0x4F0, s3  }
0xa: {  	s16 =	smul.u32 $0x2700, s3;
	p0 =	sne.s32 s3, $0xF;
	s12 =	sshrl.u32 s10, $0x1  }
0xb: {  	s9 =	sadd.s32 s9, s6;
	s10 =	ssub.s32 s10, s12;
	s29 =	sshrl.u32 s11, $0x2  }
0xc: {  	s6 =	sor.u32 $0x1C01, s30;
	s8 =	sadd.s32 s8, s7;
	s12 =	sshrl.u32 @!p0 s14, $0x3  }
0xd: {  	s11 =	sadd.s32 s29, s2;
	s15 =	sadd.s32 $0x4600, s9;
	s7 =	smax.u32 s10, $0x1  }
0xe: {  	s8 =	sadd.s32 s13, s8;
	s10 =	simm.s32 $0x1;
	s13 =	simm.s32 $0x80  }
0xf: {  	s31 =	sadd.s32 $0x9C00, s11;
	s9 =	sshrl.u32 s11, $0x3;
	s14 =	sadd.s32 s16, s15  }
0x10: {  	s15 =	sadd.s32 @!p0 $0x27000, s15;
	s16 =	simm.s32 $0x0;
	s11 =	sshrl.u32 s31, $0x3  }
.LBB2_1:
0x11: {  	[spmem:s9], [sflag:s6] =	dma.local [hbm:s5], $0x1380  }
0x12: {  	_ =	swait.ge [sflag:s10], $0x1380  }
0x13: {  	[sflag:s10] =	ssyncset.done $0x0  }
0x14: {  	[sflag:s10] =	ssyncadd.s32 $0xFFFFEC80  }
0x15: {  	[spmem:s11], [sflag:s6] =	dma.local [hbm:s5], $0x1380  }
0x16: {  	_ =	swait.ge [sflag:s10], $0x1380  }
0x17: {  	[sflag:s10] =	ssyncset.done $0x0  }
0x18: {  	s17 =	simm.s32 @!p0 $0x1;
	[sflag:s10] =	ssyncadd.s32 $0xFFFFEC80  }
0x19: {  	[spmem:s12], [sflag:s6] =	dma.local @!p0 [hbm:s5], $0x200  }
0x1a: {  	_ =	swait.ge @!p0 [sflag:s17], $0x200  }
0x1b: {  	[sflag:s17] =	ssyncset.done @!p0 $0x0  }
0x1c: {  	[sflag:s17] =	ssyncadd.s32 @!p0 $0xFFFFFE00  }
0x1d: {  	[tilespmem:s13], [sflag:$0x1] =	stream.linear.gather [hbm4b:s1+s4], $0x4000, $0x38;
	[tilespmem:$0x17980] =	vst v63  }
0x1e: {  	_ =	swait.ge [sflag:s10], $0x4000  }
0x1f: {  	[sflag:s10] =	ssyncset.done $0x0  }
0x20: {  	[sflag:s10] =	ssyncadd.s32 $0xFFFFC000  }
0x21: {  	s31 =	sadd.s32 $0x0, s8;
	[bflag:$0x0] =	sbarrier.arrive $0xFFFF  }
0x22: {  	[tilespmem:s4], [sflag:$0x1] =	stream.linear.gather [hbm4b:s31+s4], $0x80, $0x38;
	[tilespmem:$0x17980] =	vst v63  }
0x23: {  	_ =	swait.ge [sflag:s10], $0x80  }
0x24: {  	[sflag:s10] =	ssyncset.done $0x0  }
0x25: {  	[sflag:s10] =	ssyncadd.s32 $0xFFFFFF80  }
0x26: {  	[spmem:s2] =	stream.indirect.scatter.add.f32 [tilespmem:s13], [sflag:$0x1], $0x80, s4, s13, $0xb8;
	[tilespmem:$0x17980] =	vst v63  }
0x27: {  	_ =	swait.ge [sflag:s10], $0x4000  }
0x28: {  	s18 =	simm.s32 $0x20;
	s17 =	simm.s32 $0x10;
	[sflag:s10] =	ssyncset.done $0x0  }
.LBB2_2:
0x29: {  	s19 =	sadd.s32 s17, s8  }
0x2a: {  	[sflag:s10] =	ssyncadd.s32 $0xFFFFC000;
	s17 =	smov.u32 s18;
	s20 =	sadd.s32 $0x10, s18  }
0x2b: {  	[tilespmem:s4], [sflag:$0x1] =	stream.linear.gather [hbm4b:s19+s4], $0x80, $0x38;
	[tilespmem:$0x17980] =	vst v63  }
0x2c: {  	p1 =	sne.s32 s18, $0x4E0;
	_ =	swait.ge [sflag:s10], $0x80  }
.Ltmp0:
0x2d: {  	[sflag:s10] =	ssyncset.done $0x0;
	(pc) =	sbr.rel @p1 .LBB2_2-.Ltmp0, $4  }
0x2e: {  	[sflag:s10] =	ssyncadd.s32 $0xFFFFFF80  }
0x2f: {  	[spmem:s2] =	stream.indirect.scatter.add.f32 [tilespmem:s13], [sflag:$0x1], $0x80, s4, s13, $0xb8;
	[tilespmem:$0x17980] =	vst v63  }
0x30: {  	_ =	swait.ge [sflag:s10], $0x4000  }
0x31: {  	s18 =	smov.u32 s20;
	[sflag:s10] =	ssyncset.done $0x0  }
0x32: {  	s17 =	sadd.s32 s17, s8;
	[sflag:s10] =	ssyncadd.s32 $0xFFFFC000  }
0x33: {  	[tilespmem:s4], [sflag:$0x1] =	stream.linear.gather [hbm4b:s17+s4], $0x80, $0x38;
	[tilespmem:$0x17980] =	vst v63  }
0x34: {  	_ =	swait.ge [sflag:s10], $0x80  }
0x35: {  	[sflag:s10] =	ssyncset.done $0x0  }
0x36: {  	[sflag:s10] =	ssyncadd.s32 $0xFFFFFF80  }
0x37: {  	[spmem:s2] =	stream.indirect.scatter.add.f32 [tilespmem:s13], [sflag:$0x1], $0x80, s4, s13, $0xb8;
	[tilespmem:$0x17980] =	vst v63  }
0x38: {  	_ =	swait.ge [sflag:s10], $0x4000  }
0x39: {  	[sflag:s10] =	ssyncset.done $0x0  }
0x3a: {  	[sflag:s10] =	ssyncadd.s32 $0xFFFFC000  }
0x3b: {  	[bflag:$0x0] =	sbarrier.arrive $0xFFFF  }
0x3c: {  	[hbm:s14], [sflag:s6] =	dma.local [spmem:s9], $0x2700  }
0x3d: {  	s16 =	sadd.s32 $0x1, s16;
	_ =	swait.ge [sflag:s10], $0x2700  }
0x3e: {  	p1 =	sne.s32 s16, s7;
	[sflag:s10] =	ssyncset.done $0x0  }
.Ltmp1:
0x3f: {  	s17 =	simm.s32 @!p0 $0x1;
	[sflag:s10] =	ssyncadd.s32 $0xFFFFD900;
	(pc) =	sbr.rel @p1 .LBB2_1-.Ltmp1, $4  }
0x40: {  	[hbm:s15], [sflag:s6] =	dma.local @!p0 [spmem:s12], $0x100  }
0x41: {  	_ =	swait.ge @!p0 [sflag:s17], $0x100  }
0x42: {  	[sflag:s17] =	ssyncset.done @!p0 $0x0  }
0x43: {  	[sflag:s17] =	ssyncadd.s32 @!p0 $0xFFFFFF00  }
0x44: {  	_ =	sfence.sel $0x180000  }
0x45: {  	[bflag:$0x0] =	sbarrier.arrive $0xFFFF  }
0x46: {  	p0 =	sne.s32 s3, $0x0;
	_ =	strace $0x90000047  }
0x47: {  	s0 =	sadd.s32 @!p0 $0x100000, s0;
	[bflag:$0x2] =	sbarrier.arrive $0xFFFF  }
0x48: {  	[sflag:s0] =	ssyncadd.tile.s32 @!p0 $0x1;
	_ =	shalt  }
.Lfunc_end2:
_tile_overlayer_lowered:
.L_overlay_start_2:
0x49: {  	(tag) =	ssettag $0x2  }
0x4a: {  	s0 =	rddreg [dreg:$0x0];
	s2 =	stileid.u32  }
0x4b: {  	s1 =	rddreg [dreg:$0x1];
	p0 =	sne.s32 s2, $0x0  }
0x4c: {  	s3 =	rddreg [dreg:$0x2];
	[bflag:$0x3] =	sbarrier.arrive $0xFFFF;
	s2 =	simm.s32 @!p0 $0x1C01  }
0x4d: {  	[timem:s3], [sflag:s2] =	dma.local @!p0 [hbm:s0], s1  }
0x4e: {  	s0 =	simm.s32 @!p0 $0x1  }
0x4f: {  	_ =	swait.ge @!p0 [sflag:s0], s1  }
0x50: {  	s1 =	ssub.s32 @!p0 $0x0, s1;
	[sflag:s0] =	ssyncset.done @!p0 $0x0  }
0x51: {  	[sflag:s0] =	ssyncadd.s32 @!p0 s1  }
0x52: {  	[bflag:$0x3] =	sbarrier.arrive $0xFFFF  }
0x53: {  	_ =	shalt  }

// kernel: kernel.18.cloned.1.call-start
scs
__scs_entry_jumppad:
0x0: {  	(pc) =	sbr.rel $0x88, $3  }
0x1: {  	(tag) =	ssettag $0x0;
	lr =	simm.s32 $0x1  }
0x2: {  	[smem:$0x3F97] =	sst lr;
	_ =	strace $0xD0000000  }
0x3: {  	_ = 	snop  }
0x4: {  	_ = 	snop  }
0x5: {  	_ = 	snop  }
0x6: {  	_ = 	snop  }
0x7: {  	_ = 	snop  }
__scs_overlays_trampoline_lowered:
0x8: {  	[smem:$0x3FA6] =	sst s0  }
0x9: {  	[smem:$0x3FA7] =	sst s1  }
0xa: {  	[smem:$0x3FA8] =	sst s2  }
0xb: {  	[smem:$0x3FA9] =	sst s3  }
0xc: {  	[smem:$0x3FAA] =	sst s4  }
0xd: {  	[smem:$0x3FAB] =	sst s5  }
0xe: {  	[smem:$0x3FAC] =	sst s6  }
0xf: {  	[smem:$0x3FAD] =	sst s7  }
0x10: {  	[smem:$0x3FAE] =	sst s8  }
0x11: {  	[smem:$0x3FAF] =	sst s9;
	s0 =	simm.s32 @!p0 $0x0  }
0x12: {  	s1 =	sld [smem:$0x3F95];
	s0 =	simm.s32 @p0 $0x1  }
0x13: {  	[smem:$0x3FB0] =	sst s0;
	s0 =	simm.s32 @!p1 $0x0  }
0x14: {  	s2 =	sld [smem:$0x3F94];
	s0 =	simm.s32 @p1 $0x1  }
0x15: {  	[smem:$0x3FB1] =	sst s0;
	s0 =	simm.s32 @!p2 $0x0  }
0x16: {  	s3 =	sld [smem:$0x3FDB];
	s0 =	simm.s32 @p2 $0x1  }
0x17: {  	s4 =	simm.s32 $0x1BF5;
	[smem:$0x3FB3] =	sst s0  }
0x18: {  	s0 =	sld [smem:$0x3F96];
	_ =	swait.ge [sflag:s4], $0x0  }
0x19: {  	s7 =	sld [smem:$0x3F97]  }
0x1a: {  	s8 =	sadd.s32 $0xFFFFE003, lr  }
0x1b: {  	s9 =	sadd.s32 $0xFFFFFEF7, lr;
	s5 =	simm.s32 $0xFFFFFFFF;
	p2 =	slt.u32 s8, $0xFFFFF086  }
0x1c: {  	p1 =	slt.u32 s9, $0xF7A;
	s5 =	simm.s32 @!p2 $0x0  }
0x1d: {  	s5 =	simm.s32 @p1 $0x1;
	p0 =	seq.s32 s7, s2  }
0x1e: {  	s7 =	smul.u32 @!p0 $0xF7A, s2;
	p2 =	seq.s32 @!p0 s5, $0x0  }
0x1f: {  	s9 =	smul.u32 $0xF7A, s1;
	s8 =	simm.s32 @!p0 $0x1BF5;
	p2 =	por !p2, p0  }
0x20: {  	[sflag:s8] =	ssyncset.s32 @!p0 $0xFFFFF086;
	s6 =	sadd.s32 @!p0 s3, s7;
	s7 =	simm.s32 @!p0 $0x108  }
0x21: {  	s3 =	sadd.s32 s3, s9;
	s6 =	sadd.s32 @!p0 $0x88, s6;
	s7 =	simm.s32 @p2 $0x1082  }
0x22: {  	[simem:s7], [sflag:s8] =	dma.local @!p0 [hbm:s6], $0xF7A  }
0x23: {  	s9 =	sor.u32 $0xD0000000, s2;
	s6 =	simm.s32 $0x108;
	_ =	swait.ge @!p0 [sflag:s8], $0x0  }
0x24: {  	s3 =	sadd.s32 $0x88, s3;
	s6 =	simm.s32 @!p1 $0x1082;
	[sflag:s4] =	ssyncset.s32 $0xFFFFF086  }
0x25: {  	[simem:s6], [sflag:s4] =	dma.local [hbm:s3], $0xF7A  }
0x26: {  	[smem:$0x3F97] =	sst s1;
	(tag) =	ssettag s2;
	_ =	strace s9  }
0x27: {  	s1 =	sld [smem:$0x3FA7]  }
0x28: {  	s2 =	sld [smem:$0x3FA8]  }
0x29: {  	s4 =	sld [smem:$0x3FAA]  }
0x2a: {  	p0 =	seq.s32 s5, $0x0;
	s5 =	sld [smem:$0x3FAB]  }
0x2b: {  	s6 =	sld [smem:$0x3FAC]  }
0x2c: {  	s7 =	sld [smem:$0x3FAD]  }
0x2d: {  	s3 =	simm.s32 $0x108;
	s8 =	sld [smem:$0x3FAE]  }
0x2e: {  	s3 =	simm.s32 @!p0 $0x1082;
	s9 =	sld [smem:$0x3FAF]  }
0x2f: {  	lr =	sadd.s32 s0, s3;
	s0 =	sld [smem:$0x3FA6]  }
0x30: {  	s3 =	sld [smem:$0x3FA9]  }
0x31: {  	[smem:$0x3FB2] =	sst s10  }
0x32: {  	s10 =	sld [smem:$0x3FB0];
	_ =	sdelay $0x3  }
0x33: {  	p0 =	seq.s32 s10, $0x1;
	s10 =	sld [smem:$0x3FB2];
	_ =	sdelay $0x3  }
0x34: {  	[smem:$0x3FB2] =	sst s10  }
0x35: {  	s10 =	sld [smem:$0x3FB1];
	_ =	sdelay $0x3  }
0x36: {  	p1 =	seq.s32 s10, $0x1;
	s10 =	sld [smem:$0x3FB2];
	_ =	sdelay $0x3  }
0x37: {  	[smem:$0x3FB2] =	sst s10  }
0x38: {  	s10 =	sld [smem:$0x3FB3]  }
0x39: {  	_ = 	snop;
	(pc) =	sbr.ind lr, $3  }
0x3a: {  	_ = 	snop  }
0x3b: {  	_ = 	snop  }
0x3c: {  	p2 =	seq.s32 s10, $0x1;
	s10 =	sld [smem:$0x3FB2]  }
0x3d: {  	_ =	shalt  }
0x3e: {  	_ =	shalt  }
0x3f: {  	_ =	shalt  }
0x40: {  	_ =	shalt  }
0x41: {  	_ =	shalt  }
0x42: {  	_ =	shalt  }
0x43: {  	_ =	shalt  }
0x44: {  	_ =	shalt  }
0x45: {  	_ =	shalt  }
0x46: {  	_ =	shalt  }
0x47: {  	_ =	shalt  }
0x48: {  	_ =	shalt  }
0x49: {  	_ =	shalt  }
0x4a: {  	_ =	shalt  }
0x4b: {  	_ =	shalt  }
0x4c: {  	_ =	shalt  }
0x4d: {  	_ =	shalt  }
0x4e: {  	_ =	shalt  }
0x4f: {  	_ =	shalt  }
0x50: {  	_ =	shalt  }
0x51: {  	_ =	shalt  }
0x52: {  	_ =	shalt  }
0x53: {  	_ =	shalt  }
0x54: {  	_ =	shalt  }
0x55: {  	_ =	shalt  }
0x56: {  	_ =	shalt  }
0x57: {  	_ =	shalt  }
0x58: {  	_ =	shalt  }
0x59: {  	_ =	shalt  }
0x5a: {  	_ =	shalt  }
0x5b: {  	_ =	shalt  }
0x5c: {  	_ =	shalt  }
0x5d: {  	_ =	shalt  }
0x5e: {  	_ =	shalt  }
0x5f: {  	_ =	shalt  }
0x60: {  	_ =	shalt  }
0x61: {  	_ =	shalt  }
0x62: {  	_ =	shalt  }
0x63: {  	_ =	shalt  }
0x64: {  	_ =	shalt  }
0x65: {  	_ =	shalt  }
0x66: {  	_ =	shalt  }
0x67: {  	_ =	shalt  }
0x68: {  	_ =	shalt  }
0x69: {  	_ =	shalt  }
0x6a: {  	_ =	shalt  }
0x6b: {  	_ =	shalt  }
0x6c: {  	_ =	shalt  }
0x6d: {  	_ =	shalt  }
0x6e: {  	_ =	shalt  }
0x6f: {  	_ =	shalt  }
0x70: {  	_ =	shalt  }
0x71: {  	_ =	shalt  }
0x72: {  	_ =	shalt  }
0x73: {  	_ =	shalt  }
0x74: {  	_ =	shalt  }
0x75: {  	_ =	shalt  }
0x76: {  	_ =	shalt  }
0x77: {  	_ =	shalt  }
0x78: {  	_ =	shalt  }
0x79: {  	_ =	shalt  }
0x7a: {  	_ =	shalt  }
0x7b: {  	_ =	shalt  }
0x7c: {  	_ =	shalt  }
0x7d: {  	_ =	shalt  }
0x7e: {  	_ =	shalt  }
0x7f: {  	_ =	shalt  }
0x80: {  	_ =	shalt  }
0x81: {  	_ =	shalt  }
0x82: {  	_ =	shalt  }
0x83: {  	_ =	shalt  }
0x84: {  	_ =	shalt  }
0x85: {  	_ =	shalt  }
0x86: {  	_ =	shalt  }
0x87: {  	_ =	shalt  }
.Lfunc_end0:
.L_simem_size_0:
called_computation.1_lowered:
.L_overlay_start_0:
0x88: {  	s2 =	sld [smem:$0x3FD9]  }
0x89: {  	s3 =	sld [smem:$0x3FFE];
	_ =	sdelay $0x1  }
0x8a: {  	s1 =	srdreg.scid  }
0x8b: {  	s0 =	sand.u32 $0x1, s1  }
0x8c: {  	s14 =	sshll.u32 s0, $0xA;
	s2 =	sadd.s32 s3, s2  }
0x8d: {  	s2 =	sadd.s32 s2, s14  }
0x8e: {  	[smem:$0x3FBE] =	sst s2  }
0x8f: {  	_ = 	snop  }
0x90: {  	s2 =	sld [smem:$0x3FD0];
	_ =	sdelay $0x2  }
0x91: {  	s15 =	simm.s32 $0xA;
	s4 =	simm.s32 $0x10  }
0x92: {  	[smem:s4], [sflag:s15] =	dma.local [hbm:s2], $0x1  }
0x93: {  	_ =	swait.eq [sflag:s15], $0x1  }
0x94: {  	[sflag:s15] =	ssyncset.done $0x0  }
0x95: {  	s16 =	sld [smem:$0x11];
	[sflag:s15] =	ssyncadd.s32 $0xFFFFFFFF  }
0x96: {  	s17 =	sld [smem:$0x12];
	(tm) =	ssettm $0x1  }
0x97: {  	s18 =	sld [smem:$0x3FFB];
	_ =	sdelay $0x3  }
0x98: {  	_ =	strace s18  }
0x99: {  	s4 =	sld [smem:$0x3FFC];
	_ =	sdelay $0x3  }
0x9a: {  	_ =	strace s4  }
0x9b: {  	s4 =	sld [smem:$0x3FFD];
	_ =	sdelay $0x3  }
0x9c: {  	_ =	strace s4  }
0x9d: {  	_ =	strace $0x8FFFFFFF  }
0x9e: {  	s19 =	sld [smem:$0x3FDB];
	_ =	sdelay $0x1  }
0x9f: {  	s5 =	simm.s32 $_scs_section_size  }
0xa0: {  	s6 =	simm.s32 $_size__tile_overlayer_lowered;
	s7 =	simm.s32 $_tile_overlayer_lowered  }
0xa1: {  	s22 =	simm.s32 $0x1BFF;
	s21 =	sshll.u32 s7, $0x1;
	s4 =	sadd.s32 s5, s19  }
0xa2: {  	s8 =	simm.s32 $0x0;
	s20 =	sshll.u32 s6, $0x1;
	s6 =	sadd.s32 s21, s4  }
0xa3: {  	[timem:s8], [sflag:s22] =	dma.local [hbm:s6], s20  }
0xa4: {  	_ =	swait.ge [sflag:s22], s20  }
0xa5: {  	s5 =	ssub.s32 $0x0, s20;
	[sflag:s22] =	ssyncset.done $0x0  }
0xa6: {  	[sflag:s22] =	ssyncadd.s32 s5;
	_ =	sdelay $0x1  }
0xa7: {  	s23 =	simm.s32 $0x1B8B  }
0xa8: {  	_ =	swait.ge [sflag:s23], $0x1  }
0xa9: {  	[sflag:s23] =	ssyncset.done $0x0  }
0xaa: {  	s25 =	simm.s32 $0x1B8E;
	s24 =	sld [smem:$0x3FFE];
	[sflag:s23] =	ssyncadd.s32 $0xFFFFFFFF  }
0xab: {  	s26 =	simm.s32 $execute0_lowered;
	[smem:$0x3FD2] =	sst s25  }
0xac: {  	s6 =	sshll.u32 s26, $0x1;
	_ =	strace $0x80000049;
	[dreg:$0x1] =	wrdreg $0xFFFFFFFF  }
0xad: {  	s28 =	simm.s32 $_size_execute0_lowered;
	s4 =	sadd.s32 s4, s6;
	[dreg:$0x0] =	wrdreg $0x0  }
0xae: {  	s6 =	sshll.u32 s28, $0x1;
	[dreg:$0x2] =	wrdreg s4  }
0xaf: {  	[dreg:$0x3] =	wrdreg s6  }
0xb0: {  	[dreg:$0x4] =	wrdreg $0xC0  }
0xb1: {  	_ =	task [dreg:s8], $0x5FFFF  }
0xb2: {  	[dreg:$0x1] =	wrdreg $0xFFFFFFFF  }
0xb3: {  	[dreg:$0x0] =	wrdreg $0x60  }
0xb4: {  	[dreg:$0x2] =	wrdreg s24  }
0xb5: {  	[dreg:$0x3] =	wrdreg s16  }
0xb6: {  	[dreg:$0x4] =	wrdreg s17  }
0xb7: {  	[dreg:$0x5] =	wrdreg $0x41000  }
0xb8: {  	[dreg:$0x6] =	wrdreg $0x9  }
0xb9: {  	_ =	task.clear_ibuf [dreg:s8], $0x7FFFF;
	_ =	strace $0x90000049  }
0xba: {  	s29 =	simm.s32 $0x9;
	_ =	strace $0x8000004B  }
0xbb: {  	_ =	swait.ge [sflag:s29], $0x1  }
0xbc: {  	[sflag:s29] =	ssyncadd.s32 $0xFFFFFFFF  }
0xbd: {  	_ =	strace $0x9000004B  }
0xbe: {  	_ =	sfence  }
0xbf: {  	s30 =	sld [smem:$0x0];
	_ =	sdelay $0x2  }
0xc0: {  	s31 =	sshll.u32 s1, $0xD;
	s1 =	sshrl.u32 s1, $0x2  }
0xc1: {  	s3 =	sand.u32 $0x4000, s31;
	s1 =	sadd.s32 s1, s30  }
0xc2: {  	s0 =	sor.u32 s3, s0;
	s1 =	sshll.u32 s1, $0x11  }
0xc3: {  	s0 =	sor.u32 s1, s0  }
0xc4: {  	s0 =	sadd.s32 $0x8F2B, s0  }
0xc5: {  	[sflag:s0] =	ssyncadd.remote.s32 $0x1  }
0xc6: {  	_ =	sfence.sel $0xFFFF  }
0xc7: {  	[dreg:$0x0] =	wrdreg $0xFFFFFFFF;
	(pc) =	sbr.abs _section_cstart, $3  }
0xc8: {  	[dreg:$0x1] =	wrdreg $0xFFFFFFFF  }
0xc9: {  	_ =	task.clear_ibuf [dreg:s8], $0x2FFFF;
	_ =	strace $0x9FFFFFFF  }
0xca: {  	(tm) =	ssettm $0x7FFFFFFF  }
0xcb: {  	_ =	shalt  }
tec
execute0_lowered:
.L_overlay_start_1:
0x0: {  	(tag) =	ssettag $0x1  }
0x1: {  	s6 =	rddreg [dreg:$0x0]  }
0x2: {  	s9 =	rddreg [dreg:$0x1]  }
0x3: {  	s7 =	rddreg [dreg:$0x2]  }
0x4: {  	s1 =	rddreg [dreg:$0x3]  }
0x5: {  	s0 =	rddreg [dreg:$0x4];
	s2 =	simm.s32 $0x0;
	s3 =	srdreg.scid  }
0x6: {  	[smem:$0x7FF] =	sst s2;
	s8 =	sand.u32 $0x1, s3  }
0x7: {  	s19 =	simm.s32 $0x0;
	s3 =	stileid.u32;
	s10 =	smul.u32 $0x27100, s8  }
0x8: {  	s4 =	sadd.s32 $0x4600, s6;
	s5 =	sadd.s32 $0x3200, s6;
	s12 =	smul.u32 $0x4E000, s3  }
0x9: {  	s15 =	sadd.s32 $0x138000, s1;
	_ =	strace $0x8000004A;
	s31 =	smul.u32 $0x4F00, s8  }
0xa: {  	s11 =	ssub.s32 $0x2, s8;
	s30 =	sshll.u32 s3, $0x6;
	s16 =	smul.u32 $0x4F0, s3  }
0xb: {  	s17 =	smul.u32 $0x2700, s3;
	p0 =	sne.s32 s3, $0xF;
	s28 =	sshrl.u32 s11, $0x1  }
0xc: {  	s10 =	sadd.s32 s10, s6;
	s11 =	ssub.s32 s11, s28;
	s29 =	sshrl.u32 s12, $0x2  }
0xd: {  	s6 =	sor.u32 $0x1C02, s30;
	s8 =	sadd.s32 s31, s7;
	s9 =	sadd.s32 s31, s9  }
0xe: {  	s13 =	sadd.s32 s29, s1;
	s18 =	sadd.s32 $0x2B800, s10;
	s7 =	smax.u32 s11, $0x1  }
0xf: {  	s8 =	sadd.s32 s16, s8;
	s9 =	sadd.s32 s16, s9;
	s11 =	simm.s32 $0x2  }
0x10: {  	s16 =	simm.s32 $0x1;
	s14 =	sadd.s32 $0x9C00, s13;
	s10 =	sshrl.u32 s13, $0x3  }
0x11: {  	s13 =	sshrl.u32 @!p0 s15, $0x3;
	s15 =	simm.s32 $0x100;
	s17 =	sadd.s32 s17, s18  }
0x12: {  	s18 =	sadd.s32 @!p0 $0x27000, s18;
	s12 =	sshrl.u32 s14, $0x3;
	s14 =	simm.s32 $0x80  }
.LBB2_1:
0x13: {  	[spmem:s10], [sflag:s6] =	dma.local [hbm:s5], $0x1380  }
0x14: {  	_ =	swait.ge [sflag:s11], $0x1380  }
0x15: {  	[sflag:s11] =	ssyncset.done $0x0  }
0x16: {  	[sflag:s11] =	ssyncadd.s32 $0xFFFFEC80  }
0x17: {  	[spmem:s12], [sflag:s6] =	dma.local [hbm:s5], $0x1380  }
0x18: {  	_ =	swait.ge [sflag:s11], $0x1380  }
0x19: {  	[sflag:s11] =	ssyncset.done $0x0  }
0x1a: {  	s20 =	simm.s32 @!p0 $0x2;
	[sflag:s11] =	ssyncadd.s32 $0xFFFFEC80  }
0x1b: {  	[spmem:s13], [sflag:s6] =	dma.local @!p0 [hbm:s5], $0x200  }
0x1c: {  	_ =	swait.ge @!p0 [sflag:s20], $0x200  }
0x1d: {  	[sflag:s20] =	ssyncset.done @!p0 $0x0  }
0x1e: {  	[sflag:s20] =	ssyncadd.s32 @!p0 $0xFFFFFE00  }
0x1f: {  	s30 =	sadd.s32 $0x0, s9;
	[bflag:$0x0] =	sbarrier.arrive $0xFFFF  }
0x20: {  	[tilespmem:s2], [sflag:$0x2] =	stream.linear.gather [hbm4b:s30+s2], $0x80, $0x38;
	[tilespmem:$0x17A00] =	vst v63  }
0x21: {  	_ =	swait.ge [sflag:s11], $0x80  }
0x22: {  	[sflag:s11] =	ssyncset.done $0x0  }
0x23: {  	s31 =	sadd.s32 $0x0, s8;
	[sflag:s11] =	ssyncadd.s32 $0xFFFFFF80  }
0x24: {  	[tilespmem:s14], [sflag:$0x2] =	stream.linear.gather [hbm4b:s31+s2], $0x80, $0x38;
	[tilespmem:$0x17A00] =	vst v63  }
0x25: {  	_ =	swait.ge [sflag:s11], $0x80  }
0x26: {  	[sflag:s11] =	ssyncset.done $0x0  }
0x27: {  	[sflag:s11] =	ssyncadd.s32 $0xFFFFFF80  }
0x28: {  	[tilespmem:s15], [sflag:$0x1] =	stream.indirect.gather [hbm4b:s4+s14], $0x80, s2, s14, $0xb8;
	[tilespmem:$0x17A00] =	vst v63  }
0x29: {  	_ =	swait.ge [sflag:s16], $0x4000  }
0x2a: {  	[sflag:s16] =	ssyncset.done $0x0  }
0x2b: {  	[sflag:s16] =	ssyncadd.s32 $0xFFFFC000  }
0x2c: {  	[spmem:s1] =	stream.indirect.scatter.add.f32 [tilespmem:s15], [sflag:$0x2], $0x80, s14, s14, $0xb8;
	[tilespmem:$0x17A00] =	vst v63  }
0x2d: {  	_ =	swait.ge [sflag:s11], $0x4000  }
0x2e: {  	s21 =	simm.s32 $0x20;
	s20 =	simm.s32 $0x10;
	[sflag:s11] =	ssyncset.done $0x0  }
.LBB2_2:
0x2f: {  	s22 =	sadd.s32 s20, s9  }
0x30: {  	[sflag:s11] =	ssyncadd.s32 $0xFFFFC000;
	s23 =	smov.u32 s21;
	s24 =	sadd.s32 $0x10, s21  }
0x31: {  	[tilespmem:s2], [sflag:$0x2] =	stream.linear.gather [hbm4b:s22+s2], $0x80, $0x38;
	[tilespmem:$0x17A00] =	vst v63  }
0x32: {  	p1 =	sne.s32 s21, $0x4E0;
	_ =	swait.ge [sflag:s11], $0x80  }
0x33: {  	[sflag:s11] =	ssyncset.done $0x0  }
0x34: {  	s21 =	sadd.s32 s20, s8;
	s20 =	smov.u32 s23;
	[sflag:s11] =	ssyncadd.s32 $0xFFFFFF80  }
0x35: {  	[tilespmem:s14], [sflag:$0x2] =	stream.linear.gather [hbm4b:s21+s2], $0x80, $0x38;
	[tilespmem:$0x17A00] =	vst v63  }
0x36: {  	_ =	swait.ge [sflag:s11], $0x80  }
0x37: {  	[sflag:s11] =	ssyncset.done $0x0  }
0x38: {  	[sflag:s11] =	ssyncadd.s32 $0xFFFFFF80  }
0x39: {  	[tilespmem:s15], [sflag:$0x1] =	stream.indirect.gather [hbm4b:s4+s14], $0x80, s2, s14, $0xb8;
	[tilespmem:$0x17A00] =	vst v63  }
0x3a: {  	_ =	swait.ge [sflag:s16], $0x4000  }
.Ltmp0:
0x3b: {  	[sflag:s16] =	ssyncset.done $0x0;
	(pc) =	sbr.rel @p1 .LBB2_2-.Ltmp0, $4  }
0x3c: {  	[sflag:s16] =	ssyncadd.s32 $0xFFFFC000  }
0x3d: {  	[spmem:s1] =	stream.indirect.scatter.add.f32 [tilespmem:s15], [sflag:$0x2], $0x80, s14, s14, $0xb8;
	[tilespmem:$0x17A00] =	vst v63  }
0x3e: {  	_ =	swait.ge [sflag:s11], $0x4000  }
0x3f: {  	s21 =	smov.u32 s24;
	[sflag:s11] =	ssyncset.done $0x0  }
0x40: {  	s21 =	sadd.s32 s20, s9;
	[sflag:s11] =	ssyncadd.s32 $0xFFFFC000  }
0x41: {  	[tilespmem:s2], [sflag:$0x2] =	stream.linear.gather [hbm4b:s21+s2], $0x80, $0x38;
	[tilespmem:$0x17A00] =	vst v63  }
0x42: {  	_ =	swait.ge [sflag:s11], $0x80  }
0x43: {  	[sflag:s11] =	ssyncset.done $0x0  }
0x44: {  	s31 =	sadd.s32 s20, s8;
	[sflag:s11] =	ssyncadd.s32 $0xFFFFFF80  }
0x45: {  	[tilespmem:s14], [sflag:$0x2] =	stream.linear.gather [hbm4b:s31+s2], $0x80, $0x38;
	[tilespmem:$0x17A00] =	vst v63  }
0x46: {  	_ =	swait.ge [sflag:s11], $0x80  }
0x47: {  	[sflag:s11] =	ssyncset.done $0x0  }
0x48: {  	[sflag:s11] =	ssyncadd.s32 $0xFFFFFF80  }
0x49: {  	[tilespmem:s15], [sflag:$0x1] =	stream.indirect.gather [hbm4b:s4+s14], $0x80, s2, s14, $0xb8;
	[tilespmem:$0x17A00] =	vst v63  }
0x4a: {  	_ =	swait.ge [sflag:s16], $0x4000  }
0x4b: {  	[sflag:s16] =	ssyncset.done $0x0  }
0x4c: {  	[sflag:s16] =	ssyncadd.s32 $0xFFFFC000  }
0x4d: {  	[spmem:s1] =	stream.indirect.scatter.add.f32 [tilespmem:s15], [sflag:$0x2], $0x80, s14, s14, $0xb8;
	[tilespmem:$0x17A00] =	vst v63  }
0x4e: {  	_ =	swait.ge [sflag:s11], $0x4000  }
0x4f: {  	[sflag:s11] =	ssyncset.done $0x0  }
0x50: {  	[sflag:s11] =	ssyncadd.s32 $0xFFFFC000  }
0x51: {  	[bflag:$0x0] =	sbarrier.arrive $0xFFFF  }
0x52: {  	[hbm:s17], [sflag:s6] =	dma.local [spmem:s10], $0x2700  }
0x53: {  	s19 =	sadd.s32 $0x1, s19;
	_ =	swait.ge [sflag:s11], $0x2700  }
0x54: {  	p1 =	sne.s32 s19, s7;
	[sflag:s11] =	ssyncset.done $0x0  }
.Ltmp1:
0x55: {  	s20 =	simm.s32 @!p0 $0x2;
	[sflag:s11] =	ssyncadd.s32 $0xFFFFD900;
	(pc) =	sbr.rel @p1 .LBB2_1-.Ltmp1, $4  }
0x56: {  	[hbm:s18], [sflag:s6] =	dma.local @!p0 [spmem:s13], $0x100  }
0x57: {  	_ =	swait.ge @!p0 [sflag:s20], $0x100  }
0x58: {  	[sflag:s20] =	ssyncset.done @!p0 $0x0  }
0x59: {  	[sflag:s20] =	ssyncadd.s32 @!p0 $0xFFFFFF00  }
0x5a: {  	_ =	sfence.sel $0x180000  }
0x5b: {  	[bflag:$0x0] =	sbarrier.arrive $0xFFFF  }
0x5c: {  	p0 =	sne.s32 s3, $0x0;
	_ =	strace $0x9000004A  }
0x5d: {  	s0 =	sadd.s32 @!p0 $0x100000, s0;
	[bflag:$0x2] =	sbarrier.arrive $0xFFFF  }
0x5e: {  	[sflag:s0] =	ssyncadd.tile.s32 @!p0 $0x1;
	_ =	shalt  }
.Lfunc_end2:
_tile_overlayer_lowered:
.L_overlay_start_2:
0x5f: {  	(tag) =	ssettag $0x2  }
0x60: {  	s0 =	rddreg [dreg:$0x0];
	s2 =	stileid.u32  }
0x61: {  	s1 =	rddreg [dreg:$0x1];
	p0 =	sne.s32 s2, $0x0  }
0x62: {  	s3 =	rddreg [dreg:$0x2];
	[bflag:$0x3] =	sbarrier.arrive $0xFFFF;
	s2 =	simm.s32 @!p0 $0x1C02  }
0x63: {  	[timem:s3], [sflag:s2] =	dma.local @!p0 [hbm:s0], s1  }
0x64: {  	s0 =	simm.s32 @!p0 $0x2  }
0x65: {  	_ =	swait.ge @!p0 [sflag:s0], s1  }
0x66: {  	s1 =	ssub.s32 @!p0 $0x0, s1;
	[sflag:s0] =	ssyncset.done @!p0 $0x0  }
0x67: {  	[sflag:s0] =	ssyncadd.s32 @!p0 s1  }
0x68: {  	[bflag:$0x3] =	sbarrier.arrive $0xFFFF  }
0x69: {  	_ =	shalt  }

// kernel: kernel.21.cloned.1.call-start
scs
__scs_entry_jumppad:
0x0: {  	(pc) =	sbr.rel $0x88, $3  }
0x1: {  	(tag) =	ssettag $0x0;
	lr =	simm.s32 $0x1  }
0x2: {  	[smem:$0x3F97] =	sst lr;
	_ =	strace $0xD0000000  }
0x3: {  	_ = 	snop  }
0x4: {  	_ = 	snop  }
0x5: {  	_ = 	snop  }
0x6: {  	_ = 	snop  }
0x7: {  	_ = 	snop  }
__scs_overlays_trampoline_lowered:
0x8: {  	[smem:$0x3FA6] =	sst s0  }
0x9: {  	[smem:$0x3FA7] =	sst s1  }
0xa: {  	[smem:$0x3FA8] =	sst s2  }
0xb: {  	[smem:$0x3FA9] =	sst s3  }
0xc: {  	[smem:$0x3FAA] =	sst s4  }
0xd: {  	[smem:$0x3FAB] =	sst s5  }
0xe: {  	[smem:$0x3FAC] =	sst s6  }
0xf: {  	[smem:$0x3FAD] =	sst s7  }
0x10: {  	[smem:$0x3FAE] =	sst s8  }
0x11: {  	[smem:$0x3FAF] =	sst s9;
	s0 =	simm.s32 @!p0 $0x0  }
0x12: {  	s1 =	sld [smem:$0x3F95];
	s0 =	simm.s32 @p0 $0x1  }
0x13: {  	[smem:$0x3FB0] =	sst s0;
	s0 =	simm.s32 @!p1 $0x0  }
0x14: {  	s2 =	sld [smem:$0x3F94];
	s0 =	simm.s32 @p1 $0x1  }
0x15: {  	[smem:$0x3FB1] =	sst s0;
	s0 =	simm.s32 @!p2 $0x0  }
0x16: {  	s3 =	sld [smem:$0x3FDB];
	s0 =	simm.s32 @p2 $0x1  }
0x17: {  	s4 =	simm.s32 $0x1BF5;
	[smem:$0x3FB3] =	sst s0  }
0x18: {  	s0 =	sld [smem:$0x3F96];
	_ =	swait.ge [sflag:s4], $0x0  }
0x19: {  	s7 =	sld [smem:$0x3F97]  }
0x1a: {  	s8 =	sadd.s32 $0xFFFFE003, lr  }
0x1b: {  	s9 =	sadd.s32 $0xFFFFFEF7, lr;
	s5 =	simm.s32 $0xFFFFFFFF;
	p2 =	slt.u32 s8, $0xFFFFF086  }
0x1c: {  	p1 =	slt.u32 s9, $0xF7A;
	s5 =	simm.s32 @!p2 $0x0  }
0x1d: {  	s5 =	simm.s32 @p1 $0x1;
	p0 =	seq.s32 s7, s2  }
0x1e: {  	s7 =	smul.u32 @!p0 $0xF7A, s2;
	p2 =	seq.s32 @!p0 s5, $0x0  }
0x1f: {  	s9 =	smul.u32 $0xF7A, s1;
	s8 =	simm.s32 @!p0 $0x1BF5;
	p2 =	por !p2, p0  }
0x20: {  	[sflag:s8] =	ssyncset.s32 @!p0 $0xFFFFF086;
	s6 =	sadd.s32 @!p0 s3, s7;
	s7 =	simm.s32 @!p0 $0x108  }
0x21: {  	s3 =	sadd.s32 s3, s9;
	s6 =	sadd.s32 @!p0 $0x88, s6;
	s7 =	simm.s32 @p2 $0x1082  }
0x22: {  	[simem:s7], [sflag:s8] =	dma.local @!p0 [hbm:s6], $0xF7A  }
0x23: {  	s9 =	sor.u32 $0xD0000000, s2;
	s6 =	simm.s32 $0x108;
	_ =	swait.ge @!p0 [sflag:s8], $0x0  }
0x24: {  	s3 =	sadd.s32 $0x88, s3;
	s6 =	simm.s32 @!p1 $0x1082;
	[sflag:s4] =	ssyncset.s32 $0xFFFFF086  }
0x25: {  	[simem:s6], [sflag:s4] =	dma.local [hbm:s3], $0xF7A  }
0x26: {  	[smem:$0x3F97] =	sst s1;
	(tag) =	ssettag s2;
	_ =	strace s9  }
0x27: {  	s1 =	sld [smem:$0x3FA7]  }
0x28: {  	s2 =	sld [smem:$0x3FA8]  }
0x29: {  	s4 =	sld [smem:$0x3FAA]  }
0x2a: {  	p0 =	seq.s32 s5, $0x0;
	s5 =	sld [smem:$0x3FAB]  }
0x2b: {  	s6 =	sld [smem:$0x3FAC]  }
0x2c: {  	s7 =	sld [smem:$0x3FAD]  }
0x2d: {  	s3 =	simm.s32 $0x108;
	s8 =	sld [smem:$0x3FAE]  }
0x2e: {  	s3 =	simm.s32 @!p0 $0x1082;
	s9 =	sld [smem:$0x3FAF]  }
0x2f: {  	lr =	sadd.s32 s0, s3;
	s0 =	sld [smem:$0x3FA6]  }
0x30: {  	s3 =	sld [smem:$0x3FA9]  }
0x31: {  	[smem:$0x3FB2] =	sst s10  }
0x32: {  	s10 =	sld [smem:$0x3FB0];
	_ =	sdelay $0x3  }
0x33: {  	p0 =	seq.s32 s10, $0x1;
	s10 =	sld [smem:$0x3FB2];
	_ =	sdelay $0x3  }
0x34: {  	[smem:$0x3FB2] =	sst s10  }
0x35: {  	s10 =	sld [smem:$0x3FB1];
	_ =	sdelay $0x3  }
0x36: {  	p1 =	seq.s32 s10, $0x1;
	s10 =	sld [smem:$0x3FB2];
	_ =	sdelay $0x3  }
0x37: {  	[smem:$0x3FB2] =	sst s10  }
0x38: {  	s10 =	sld [smem:$0x3FB3]  }
0x39: {  	_ = 	snop;
	(pc) =	sbr.ind lr, $3  }
0x3a: {  	_ = 	snop  }
0x3b: {  	_ = 	snop  }
0x3c: {  	p2 =	seq.s32 s10, $0x1;
	s10 =	sld [smem:$0x3FB2]  }
0x3d: {  	_ =	shalt  }
0x3e: {  	_ =	shalt  }
0x3f: {  	_ =	shalt  }
0x40: {  	_ =	shalt  }
0x41: {  	_ =	shalt  }
0x42: {  	_ =	shalt  }
0x43: {  	_ =	shalt  }
0x44: {  	_ =	shalt  }
0x45: {  	_ =	shalt  }
0x46: {  	_ =	shalt  }
0x47: {  	_ =	shalt  }
0x48: {  	_ =	shalt  }
0x49: {  	_ =	shalt  }
0x4a: {  	_ =	shalt  }
0x4b: {  	_ =	shalt  }
0x4c: {  	_ =	shalt  }
0x4d: {  	_ =	shalt  }
0x4e: {  	_ =	shalt  }
0x4f: {  	_ =	shalt  }
0x50: {  	_ =	shalt  }
0x51: {  	_ =	shalt  }
0x52: {  	_ =	shalt  }
0x53: {  	_ =	shalt  }
0x54: {  	_ =	shalt  }
0x55: {  	_ =	shalt  }
0x56: {  	_ =	shalt  }
0x57: {  	_ =	shalt  }
0x58: {  	_ =	shalt  }
0x59: {  	_ =	shalt  }
0x5a: {  	_ =	shalt  }
0x5b: {  	_ =	shalt  }
0x5c: {  	_ =	shalt  }
0x5d: {  	_ =	shalt  }
0x5e: {  	_ =	shalt  }
0x5f: {  	_ =	shalt  }
0x60: {  	_ =	shalt  }
0x61: {  	_ =	shalt  }
0x62: {  	_ =	shalt  }
0x63: {  	_ =	shalt  }
0x64: {  	_ =	shalt  }
0x65: {  	_ =	shalt  }
0x66: {  	_ =	shalt  }
0x67: {  	_ =	shalt  }
0x68: {  	_ =	shalt  }
0x69: {  	_ =	shalt  }
0x6a: {  	_ =	shalt  }
0x6b: {  	_ =	shalt  }
0x6c: {  	_ =	shalt  }
0x6d: {  	_ =	shalt  }
0x6e: {  	_ =	shalt  }
0x6f: {  	_ =	shalt  }
0x70: {  	_ =	shalt  }
0x71: {  	_ =	shalt  }
0x72: {  	_ =	shalt  }
0x73: {  	_ =	shalt  }
0x74: {  	_ =	shalt  }
0x75: {  	_ =	shalt  }
0x76: {  	_ =	shalt  }
0x77: {  	_ =	shalt  }
0x78: {  	_ =	shalt  }
0x79: {  	_ =	shalt  }
0x7a: {  	_ =	shalt  }
0x7b: {  	_ =	shalt  }
0x7c: {  	_ =	shalt  }
0x7d: {  	_ =	shalt  }
0x7e: {  	_ =	shalt  }
0x7f: {  	_ =	shalt  }
0x80: {  	_ =	shalt  }
0x81: {  	_ =	shalt  }
0x82: {  	_ =	shalt  }
0x83: {  	_ =	shalt  }
0x84: {  	_ =	shalt  }
0x85: {  	_ =	shalt  }
0x86: {  	_ =	shalt  }
0x87: {  	_ =	shalt  }
.Lfunc_end0:
.L_simem_size_0:
called_computation.2_lowered:
.L_overlay_start_0:
0x88: {  	s2 =	sld [smem:$0x3FD9]  }
0x89: {  	s3 =	sld [smem:$0x3FFE];
	_ =	sdelay $0x1  }
0x8a: {  	s1 =	srdreg.scid  }
0x8b: {  	s0 =	sand.u32 $0x1, s1  }
0x8c: {  	s14 =	sshll.u32 s0, $0xA;
	s2 =	sadd.s32 s3, s2  }
0x8d: {  	s2 =	sadd.s32 s2, s14  }
0x8e: {  	[smem:$0x3FBE] =	sst s2  }
0x8f: {  	_ = 	snop  }
0x90: {  	s2 =	sld [smem:$0x3FD0];
	_ =	sdelay $0x2  }
0x91: {  	s15 =	simm.s32 $0xA;
	s4 =	simm.s32 $0x10  }
0x92: {  	[smem:s4], [sflag:s15] =	dma.local [hbm:s2], $0x1  }
0x93: {  	_ =	swait.eq [sflag:s15], $0x1  }
0x94: {  	[sflag:s15] =	ssyncset.done $0x0  }
0x95: {  	s16 =	sld [smem:$0x11];
	[sflag:s15] =	ssyncadd.s32 $0xFFFFFFFF  }
0x96: {  	s17 =	sld [smem:$0x12];
	(tm) =	ssettm $0x1  }
0x97: {  	s18 =	sld [smem:$0x3FFB];
	_ =	sdelay $0x3  }
0x98: {  	_ =	strace s18  }
0x99: {  	s4 =	sld [smem:$0x3FFC];
	_ =	sdelay $0x3  }
0x9a: {  	_ =	strace s4  }
0x9b: {  	s4 =	sld [smem:$0x3FFD];
	_ =	sdelay $0x3  }
0x9c: {  	_ =	strace s4  }
0x9d: {  	_ =	strace $0x8FFFFFFF  }
0x9e: {  	s19 =	sld [smem:$0x3FDB];
	_ =	sdelay $0x1  }
0x9f: {  	s5 =	simm.s32 $_scs_section_size  }
0xa0: {  	s6 =	simm.s32 $_size__tile_overlayer_lowered;
	s7 =	simm.s32 $_tile_overlayer_lowered  }
0xa1: {  	s22 =	simm.s32 $0x1BFF;
	s21 =	sshll.u32 s7, $0x1;
	s4 =	sadd.s32 s5, s19  }
0xa2: {  	s8 =	simm.s32 $0x0;
	s20 =	sshll.u32 s6, $0x1;
	s6 =	sadd.s32 s21, s4  }
0xa3: {  	[timem:s8], [sflag:s22] =	dma.local [hbm:s6], s20  }
0xa4: {  	_ =	swait.ge [sflag:s22], s20  }
0xa5: {  	s5 =	ssub.s32 $0x0, s20;
	[sflag:s22] =	ssyncset.done $0x0  }
0xa6: {  	[sflag:s22] =	ssyncadd.s32 s5;
	_ =	sdelay $0x1  }
0xa7: {  	s23 =	simm.s32 $0x1B8B  }
0xa8: {  	_ =	swait.ge [sflag:s23], $0x1  }
0xa9: {  	[sflag:s23] =	ssyncset.done $0x0  }
0xaa: {  	s25 =	simm.s32 $0x1B8E;
	s24 =	sld [smem:$0x3FFE];
	[sflag:s23] =	ssyncadd.s32 $0xFFFFFFFF  }
0xab: {  	s26 =	simm.s32 $execute0_lowered;
	[smem:$0x3FD2] =	sst s25  }
0xac: {  	s6 =	sshll.u32 s26, $0x1;
	_ =	strace $0x8000004C;
	[dreg:$0x1] =	wrdreg $0xFFFFFFFF  }
0xad: {  	s28 =	simm.s32 $_size_execute0_lowered;
	s4 =	sadd.s32 s4, s6;
	[dreg:$0x0] =	wrdreg $0x0  }
0xae: {  	s6 =	sshll.u32 s28, $0x1;
	[dreg:$0x2] =	wrdreg s4  }
0xaf: {  	[dreg:$0x3] =	wrdreg s6  }
0xb0: {  	[dreg:$0x4] =	wrdreg $0xC0  }
0xb1: {  	_ =	task [dreg:s8], $0x5FFFF  }
0xb2: {  	[dreg:$0x1] =	wrdreg $0xFFFFFFFF  }
0xb3: {  	[dreg:$0x0] =	wrdreg $0x60  }
0xb4: {  	[dreg:$0x2] =	wrdreg s24  }
0xb5: {  	[dreg:$0x3] =	wrdreg s16  }
0xb6: {  	[dreg:$0x4] =	wrdreg s17  }
0xb7: {  	[dreg:$0x5] =	wrdreg $0x41000  }
0xb8: {  	[dreg:$0x6] =	wrdreg $0x9  }
0xb9: {  	_ =	task.clear_ibuf [dreg:s8], $0x7FFFF;
	_ =	strace $0x9000004C  }
0xba: {  	s29 =	simm.s32 $0x9;
	_ =	strace $0x8000004E  }
0xbb: {  	_ =	swait.ge [sflag:s29], $0x1  }
0xbc: {  	[sflag:s29] =	ssyncadd.s32 $0xFFFFFFFF  }
0xbd: {  	_ =	strace $0x9000004E  }
0xbe: {  	_ =	sfence  }
0xbf: {  	s30 =	sld [smem:$0x0];
	_ =	sdelay $0x2  }
0xc0: {  	s31 =	sshll.u32 s1, $0xD;
	s1 =	sshrl.u32 s1, $0x2  }
0xc1: {  	s3 =	sand.u32 $0x4000, s31;
	s1 =	sadd.s32 s1, s30  }
0xc2: {  	s0 =	sor.u32 s3, s0;
	s1 =	sshll.u32 s1, $0x11  }
0xc3: {  	s0 =	sor.u32 s1, s0  }
0xc4: {  	s0 =	sadd.s32 $0x8F2B, s0  }
0xc5: {  	[sflag:s0] =	ssyncadd.remote.s32 $0x1  }
0xc6: {  	_ =	sfence.sel $0xFFFF  }
0xc7: {  	[dreg:$0x0] =	wrdreg $0xFFFFFFFF;
	(pc) =	sbr.abs _section_cstart, $3  }
0xc8: {  	[dreg:$0x1] =	wrdreg $0xFFFFFFFF  }
0xc9: {  	_ =	task.clear_ibuf [dreg:s8], $0x2FFFF;
	_ =	strace $0x9FFFFFFF  }
0xca: {  	(tm) =	ssettm $0x7FFFFFFF  }
0xcb: {  	_ =	shalt  }
tec
execute0_lowered:
.L_overlay_start_1:
0x0: {  	(tag) =	ssettag $0x1  }
0x1: {  	s6 =	rddreg [dreg:$0x0]  }
0x2: {  	s9 =	rddreg [dreg:$0x1]  }
0x3: {  	s7 =	rddreg [dreg:$0x2]  }
0x4: {  	s1 =	rddreg [dreg:$0x3]  }
0x5: {  	s0 =	rddreg [dreg:$0x4];
	s2 =	simm.s32 $0x0;
	s3 =	srdreg.scid  }
0x6: {  	[smem:$0x7FF] =	sst s2;
	s8 =	sand.u32 $0x1, s3  }
0x7: {  	s19 =	simm.s32 $0x0;
	s3 =	stileid.u32;
	s10 =	smul.u32 $0x27100, s8  }
0x8: {  	s4 =	sadd.s32 $0x4600, s6;
	s5 =	sadd.s32 $0x3200, s6;
	s12 =	smul.u32 $0x4E000, s3  }
0x9: {  	s15 =	sadd.s32 $0x138000, s1;
	_ =	strace $0x8000004D;
	s31 =	smul.u32 $0x4F00, s8  }
0xa: {  	s11 =	ssub.s32 $0x2, s8;
	s30 =	sshll.u32 s3, $0x6;
	s16 =	smul.u32 $0x4F0, s3  }
0xb: {  	s17 =	smul.u32 $0x2700, s3;
	p0 =	sne.s32 s3, $0xF;
	s28 =	sshrl.u32 s11, $0x1  }
0xc: {  	s10 =	sadd.s32 s10, s6;
	s11 =	ssub.s32 s11, s28;
	s29 =	sshrl.u32 s12, $0x2  }
0xd: {  	s6 =	sor.u32 $0x1C02, s30;
	s8 =	sadd.s32 s31, s7;
	s9 =	sadd.s32 s31, s9  }
0xe: {  	s13 =	sadd.s32 s29, s1;
	s18 =	sadd.s32 $0x2B800, s10;
	s7 =	smax.u32 s11, $0x1  }
0xf: {  	s8 =	sadd.s32 s16, s8;
	s9 =	sadd.s32 s16, s9;
	s11 =	simm.s32 $0x2  }
0x10: {  	s16 =	simm.s32 $0x1;
	s14 =	sadd.s32 $0x9C00, s13;
	s10 =	sshrl.u32 s13, $0x3  }
0x11: {  	s13 =	sshrl.u32 @!p0 s15, $0x3;
	s15 =	simm.s32 $0x100;
	s17 =	sadd.s32 s17, s18  }
0x12: {  	s18 =	sadd.s32 @!p0 $0x27000, s18;
	s12 =	sshrl.u32 s14, $0x3;
	s14 =	simm.s32 $0x80  }
.LBB2_1:
0x13: {  	[spmem:s10], [sflag:s6] =	dma.local [hbm:s5], $0x1380  }
0x14: {  	_ =	swait.ge [sflag:s11], $0x1380  }
0x15: {  	[sflag:s11] =	ssyncset.done $0x0  }
0x16: {  	[sflag:s11] =	ssyncadd.s32 $0xFFFFEC80  }
0x17: {  	[spmem:s12], [sflag:s6] =	dma.local [hbm:s5], $0x1380  }
0x18: {  	_ =	swait.ge [sflag:s11], $0x1380  }
0x19: {  	[sflag:s11] =	ssyncset.done $0x0  }
0x1a: {  	s20 =	simm.s32 @!p0 $0x2;
	[sflag:s11] =	ssyncadd.s32 $0xFFFFEC80  }
0x1b: {  	[spmem:s13], [sflag:s6] =	dma.local @!p0 [hbm:s5], $0x200  }
0x1c: {  	_ =	swait.ge @!p0 [sflag:s20], $0x200  }
0x1d: {  	[sflag:s20] =	ssyncset.done @!p0 $0x0  }
0x1e: {  	[sflag:s20] =	ssyncadd.s32 @!p0 $0xFFFFFE00  }
0x1f: {  	s30 =	sadd.s32 $0x0, s9;
	[bflag:$0x0] =	sbarrier.arrive $0xFFFF  }
0x20: {  	[tilespmem:s2], [sflag:$0x2] =	stream.linear.gather [hbm4b:s30+s2], $0x80, $0x38;
	[tilespmem:$0x17A00] =	vst v63  }
0x21: {  	_ =	swait.ge [sflag:s11], $0x80  }
0x22: {  	[sflag:s11] =	ssyncset.done $0x0  }
0x23: {  	s31 =	sadd.s32 $0x0, s8;
	[sflag:s11] =	ssyncadd.s32 $0xFFFFFF80  }
0x24: {  	[tilespmem:s14], [sflag:$0x2] =	stream.linear.gather [hbm4b:s31+s2], $0x80, $0x38;
	[tilespmem:$0x17A00] =	vst v63  }
0x25: {  	_ =	swait.ge [sflag:s11], $0x80  }
0x26: {  	[sflag:s11] =	ssyncset.done $0x0  }
0x27: {  	[sflag:s11] =	ssyncadd.s32 $0xFFFFFF80  }
0x28: {  	[tilespmem:s15], [sflag:$0x1] =	stream.indirect.gather [hbm4b:s4+s14], $0x80, s2, s14, $0xb8;
	[tilespmem:$0x17A00] =	vst v63  }
0x29: {  	_ =	swait.ge [sflag:s16], $0x4000  }
0x2a: {  	[sflag:s16] =	ssyncset.done $0x0  }
0x2b: {  	[sflag:s16] =	ssyncadd.s32 $0xFFFFC000  }
0x2c: {  	[spmem:s1] =	stream.indirect.scatter.add.f32 [tilespmem:s15], [sflag:$0x2], $0x80, s14, s14, $0xb8;
	[tilespmem:$0x17A00] =	vst v63  }
0x2d: {  	_ =	swait.ge [sflag:s11], $0x4000  }
0x2e: {  	s21 =	simm.s32 $0x20;
	s20 =	simm.s32 $0x10;
	[sflag:s11] =	ssyncset.done $0x0  }
.LBB2_2:
0x2f: {  	s22 =	sadd.s32 s20, s9  }
0x30: {  	[sflag:s11] =	ssyncadd.s32 $0xFFFFC000;
	s23 =	smov.u32 s21;
	s24 =	sadd.s32 $0x10, s21  }
0x31: {  	[tilespmem:s2], [sflag:$0x2] =	stream.linear.gather [hbm4b:s22+s2], $0x80, $0x38;
	[tilespmem:$0x17A00] =	vst v63  }
0x32: {  	p1 =	sne.s32 s21, $0x4E0;
	_ =	swait.ge [sflag:s11], $0x80  }
0x33: {  	[sflag:s11] =	ssyncset.done $0x0  }
0x34: {  	s21 =	sadd.s32 s20, s8;
	s20 =	smov.u32 s23;
	[sflag:s11] =	ssyncadd.s32 $0xFFFFFF80  }
0x35: {  	[tilespmem:s14], [sflag:$0x2] =	stream.linear.gather [hbm4b:s21+s2], $0x80, $0x38;
	[tilespmem:$0x17A00] =	vst v63  }
0x36: {  	_ =	swait.ge [sflag:s11], $0x80  }
0x37: {  	[sflag:s11] =	ssyncset.done $0x0  }
0x38: {  	[sflag:s11] =	ssyncadd.s32 $0xFFFFFF80  }
0x39: {  	[tilespmem:s15], [sflag:$0x1] =	stream.indirect.gather [hbm4b:s4+s14], $0x80, s2, s14, $0xb8;
	[tilespmem:$0x17A00] =	vst v63  }
0x3a: {  	_ =	swait.ge [sflag:s16], $0x4000  }
.Ltmp0:
0x3b: {  	[sflag:s16] =	ssyncset.done $0x0;
	(pc) =	sbr.rel @p1 .LBB2_2-.Ltmp0, $4  }
0x3c: {  	[sflag:s16] =	ssyncadd.s32 $0xFFFFC000  }
0x3d: {  	[spmem:s1] =	stream.indirect.scatter.add.f32 [tilespmem:s15], [sflag:$0x2], $0x80, s14, s14, $0xb8;
	[tilespmem:$0x17A00] =	vst v63  }
0x3e: {  	_ =	swait.ge [sflag:s11], $0x4000  }
0x3f: {  	s21 =	smov.u32 s24;
	[sflag:s11] =	ssyncset.done $0x0  }
0x40: {  	s21 =	sadd.s32 s20, s9;
	[sflag:s11] =	ssyncadd.s32 $0xFFFFC000  }
0x41: {  	[tilespmem:s2], [sflag:$0x2] =	stream.linear.gather [hbm4b:s21+s2], $0x80, $0x38;
	[tilespmem:$0x17A00] =	vst v63  }
0x42: {  	_ =	swait.ge [sflag:s11], $0x80  }
0x43: {  	[sflag:s11] =	ssyncset.done $0x0  }
0x44: {  	s31 =	sadd.s32 s20, s8;
	[sflag:s11] =	ssyncadd.s32 $0xFFFFFF80  }
0x45: {  	[tilespmem:s14], [sflag:$0x2] =	stream.linear.gather [hbm4b:s31+s2], $0x80, $0x38;
	[tilespmem:$0x17A00] =	vst v63  }
0x46: {  	_ =	swait.ge [sflag:s11], $0x80  }
0x47: {  	[sflag:s11] =	ssyncset.done $0x0  }
0x48: {  	[sflag:s11] =	ssyncadd.s32 $0xFFFFFF80  }
0x49: {  	[tilespmem:s15], [sflag:$0x1] =	stream.indirect.gather [hbm4b:s4+s14], $0x80, s2, s14, $0xb8;
	[tilespmem:$0x17A00] =	vst v63  }
0x4a: {  	_ =	swait.ge [sflag:s16], $0x4000  }
0x4b: {  	[sflag:s16] =	ssyncset.done $0x0  }
0x4c: {  	[sflag:s16] =	ssyncadd.s32 $0xFFFFC000  }
0x4d: {  	[spmem:s1] =	stream.indirect.scatter.add.f32 [tilespmem:s15], [sflag:$0x2], $0x80, s14, s14, $0xb8;
	[tilespmem:$0x17A00] =	vst v63  }
0x4e: {  	_ =	swait.ge [sflag:s11], $0x4000  }
0x4f: {  	[sflag:s11] =	ssyncset.done $0x0  }
0x50: {  	[sflag:s11] =	ssyncadd.s32 $0xFFFFC000  }
0x51: {  	[bflag:$0x0] =	sbarrier.arrive $0xFFFF  }
0x52: {  	[hbm:s17], [sflag:s6] =	dma.local [spmem:s10], $0x2700  }
0x53: {  	s19 =	sadd.s32 $0x1, s19;
	_ =	swait.ge [sflag:s11], $0x2700  }
0x54: {  	p1 =	sne.s32 s19, s7;
	[sflag:s11] =	ssyncset.done $0x0  }
.Ltmp1:
0x55: {  	s20 =	simm.s32 @!p0 $0x2;
	[sflag:s11] =	ssyncadd.s32 $0xFFFFD900;
	(pc) =	sbr.rel @p1 .LBB2_1-.Ltmp1, $4  }
0x56: {  	[hbm:s18], [sflag:s6] =	dma.local @!p0 [spmem:s13], $0x100  }
0x57: {  	_ =	swait.ge @!p0 [sflag:s20], $0x100  }
0x58: {  	[sflag:s20] =	ssyncset.done @!p0 $0x0  }
0x59: {  	[sflag:s20] =	ssyncadd.s32 @!p0 $0xFFFFFF00  }
0x5a: {  	_ =	sfence.sel $0x180000  }
0x5b: {  	[bflag:$0x0] =	sbarrier.arrive $0xFFFF  }
0x5c: {  	p0 =	sne.s32 s3, $0x0;
	_ =	strace $0x9000004D  }
0x5d: {  	s0 =	sadd.s32 @!p0 $0x100000, s0;
	[bflag:$0x2] =	sbarrier.arrive $0xFFFF  }
0x5e: {  	[sflag:s0] =	ssyncadd.tile.s32 @!p0 $0x1;
	_ =	shalt  }
.Lfunc_end2:
_tile_overlayer_lowered:
.L_overlay_start_2:
0x5f: {  	(tag) =	ssettag $0x2  }
0x60: {  	s0 =	rddreg [dreg:$0x0];
	s2 =	stileid.u32  }
0x61: {  	s1 =	rddreg [dreg:$0x1];
	p0 =	sne.s32 s2, $0x0  }
0x62: {  	s3 =	rddreg [dreg:$0x2];
	[bflag:$0x3] =	sbarrier.arrive $0xFFFF;
	s2 =	simm.s32 @!p0 $0x1C02  }
0x63: {  	[timem:s3], [sflag:s2] =	dma.local @!p0 [hbm:s0], s1  }
0x64: {  	s0 =	simm.s32 @!p0 $0x2  }
0x65: {  	_ =	swait.ge @!p0 [sflag:s0], s1  }
0x66: {  	s1 =	ssub.s32 @!p0 $0x0, s1;
	[sflag:s0] =	ssyncset.done @!p0 $0x0  }
0x67: {  	[sflag:s0] =	ssyncadd.s32 @!p0 s1  }
0x68: {  	[bflag:$0x3] =	sbarrier.arrive $0xFFFF  }
0x69: {  	_ =	shalt  }

// kernel: kernel.24.cloned.1.call-start
scs
__scs_entry_jumppad:
0x0: {  	(pc) =	sbr.rel $0x88, $3  }
0x1: {  	(tag) =	ssettag $0x0;
	lr =	simm.s32 $0x1  }
0x2: {  	[smem:$0x3F97] =	sst lr;
	_ =	strace $0xD0000000  }
0x3: {  	_ = 	snop  }
0x4: {  	_ = 	snop  }
0x5: {  	_ = 	snop  }
0x6: {  	_ = 	snop  }
0x7: {  	_ = 	snop  }
__scs_overlays_trampoline_lowered:
0x8: {  	[smem:$0x3FA6] =	sst s0  }
0x9: {  	[smem:$0x3FA7] =	sst s1  }
0xa: {  	[smem:$0x3FA8] =	sst s2  }
0xb: {  	[smem:$0x3FA9] =	sst s3  }
0xc: {  	[smem:$0x3FAA] =	sst s4  }
0xd: {  	[smem:$0x3FAB] =	sst s5  }
0xe: {  	[smem:$0x3FAC] =	sst s6  }
0xf: {  	[smem:$0x3FAD] =	sst s7  }
0x10: {  	[smem:$0x3FAE] =	sst s8  }
0x11: {  	[smem:$0x3FAF] =	sst s9;
	s0 =	simm.s32 @!p0 $0x0  }
0x12: {  	s1 =	sld [smem:$0x3F95];
	s0 =	simm.s32 @p0 $0x1  }
0x13: {  	[smem:$0x3FB0] =	sst s0;
	s0 =	simm.s32 @!p1 $0x0  }
0x14: {  	s2 =	sld [smem:$0x3F94];
	s0 =	simm.s32 @p1 $0x1  }
0x15: {  	[smem:$0x3FB1] =	sst s0;
	s0 =	simm.s32 @!p2 $0x0  }
0x16: {  	s3 =	sld [smem:$0x3FDB];
	s0 =	simm.s32 @p2 $0x1  }
0x17: {  	s4 =	simm.s32 $0x1BF5;
	[smem:$0x3FB3] =	sst s0  }
0x18: {  	s0 =	sld [smem:$0x3F96];
	_ =	swait.ge [sflag:s4], $0x0  }
0x19: {  	s7 =	sld [smem:$0x3F97]  }
0x1a: {  	s8 =	sadd.s32 $0xFFFFE003, lr  }
0x1b: {  	s9 =	sadd.s32 $0xFFFFFEF7, lr;
	s5 =	simm.s32 $0xFFFFFFFF;
	p2 =	slt.u32 s8, $0xFFFFF086  }
0x1c: {  	p1 =	slt.u32 s9, $0xF7A;
	s5 =	simm.s32 @!p2 $0x0  }
0x1d: {  	s5 =	simm.s32 @p1 $0x1;
	p0 =	seq.s32 s7, s2  }
0x1e: {  	s7 =	smul.u32 @!p0 $0xF7A, s2;
	p2 =	seq.s32 @!p0 s5, $0x0  }
0x1f: {  	s9 =	smul.u32 $0xF7A, s1;
	s8 =	simm.s32 @!p0 $0x1BF5;
	p2 =	por !p2, p0  }
0x20: {  	[sflag:s8] =	ssyncset.s32 @!p0 $0xFFFFF086;
	s6 =	sadd.s32 @!p0 s3, s7;
	s7 =	simm.s32 @!p0 $0x108  }
0x21: {  	s3 =	sadd.s32 s3, s9;
	s6 =	sadd.s32 @!p0 $0x88, s6;
	s7 =	simm.s32 @p2 $0x1082  }
0x22: {  	[simem:s7], [sflag:s8] =	dma.local @!p0 [hbm:s6], $0xF7A  }
0x23: {  	s9 =	sor.u32 $0xD0000000, s2;
	s6 =	simm.s32 $0x108;
	_ =	swait.ge @!p0 [sflag:s8], $0x0  }
0x24: {  	s3 =	sadd.s32 $0x88, s3;
	s6 =	simm.s32 @!p1 $0x1082;
	[sflag:s4] =	ssyncset.s32 $0xFFFFF086  }
0x25: {  	[simem:s6], [sflag:s4] =	dma.local [hbm:s3], $0xF7A  }
0x26: {  	[smem:$0x3F97] =	sst s1;
	(tag) =	ssettag s2;
	_ =	strace s9  }
0x27: {  	s1 =	sld [smem:$0x3FA7]  }
0x28: {  	s2 =	sld [smem:$0x3FA8]  }
0x29: {  	s4 =	sld [smem:$0x3FAA]  }
0x2a: {  	p0 =	seq.s32 s5, $0x0;
	s5 =	sld [smem:$0x3FAB]  }
0x2b: {  	s6 =	sld [smem:$0x3FAC]  }
0x2c: {  	s7 =	sld [smem:$0x3FAD]  }
0x2d: {  	s3 =	simm.s32 $0x108;
	s8 =	sld [smem:$0x3FAE]  }
0x2e: {  	s3 =	simm.s32 @!p0 $0x1082;
	s9 =	sld [smem:$0x3FAF]  }
0x2f: {  	lr =	sadd.s32 s0, s3;
	s0 =	sld [smem:$0x3FA6]  }
0x30: {  	s3 =	sld [smem:$0x3FA9]  }
0x31: {  	[smem:$0x3FB2] =	sst s10  }
0x32: {  	s10 =	sld [smem:$0x3FB0];
	_ =	sdelay $0x3  }
0x33: {  	p0 =	seq.s32 s10, $0x1;
	s10 =	sld [smem:$0x3FB2];
	_ =	sdelay $0x3  }
0x34: {  	[smem:$0x3FB2] =	sst s10  }
0x35: {  	s10 =	sld [smem:$0x3FB1];
	_ =	sdelay $0x3  }
0x36: {  	p1 =	seq.s32 s10, $0x1;
	s10 =	sld [smem:$0x3FB2];
	_ =	sdelay $0x3  }
0x37: {  	[smem:$0x3FB2] =	sst s10  }
0x38: {  	s10 =	sld [smem:$0x3FB3]  }
0x39: {  	_ = 	snop;
	(pc) =	sbr.ind lr, $3  }
0x3a: {  	_ = 	snop  }
0x3b: {  	_ = 	snop  }
0x3c: {  	p2 =	seq.s32 s10, $0x1;
	s10 =	sld [smem:$0x3FB2]  }
0x3d: {  	_ =	shalt  }
0x3e: {  	_ =	shalt  }
0x3f: {  	_ =	shalt  }
0x40: {  	_ =	shalt  }
0x41: {  	_ =	shalt  }
0x42: {  	_ =	shalt  }
0x43: {  	_ =	shalt  }
0x44: {  	_ =	shalt  }
0x45: {  	_ =	shalt  }
0x46: {  	_ =	shalt  }
0x47: {  	_ =	shalt  }
0x48: {  	_ =	shalt  }
0x49: {  	_ =	shalt  }
0x4a: {  	_ =	shalt  }
0x4b: {  	_ =	shalt  }
0x4c: {  	_ =	shalt  }
0x4d: {  	_ =	shalt  }
0x4e: {  	_ =	shalt  }
0x4f: {  	_ =	shalt  }
0x50: {  	_ =	shalt  }
0x51: {  	_ =	shalt  }
0x52: {  	_ =	shalt  }
0x53: {  	_ =	shalt  }
0x54: {  	_ =	shalt  }
0x55: {  	_ =	shalt  }
0x56: {  	_ =	shalt  }
0x57: {  	_ =	shalt  }
0x58: {  	_ =	shalt  }
0x59: {  	_ =	shalt  }
0x5a: {  	_ =	shalt  }
0x5b: {  	_ =	shalt  }
0x5c: {  	_ =	shalt  }
0x5d: {  	_ =	shalt  }
0x5e: {  	_ =	shalt  }
0x5f: {  	_ =	shalt  }
0x60: {  	_ =	shalt  }
0x61: {  	_ =	shalt  }
0x62: {  	_ =	shalt  }
0x63: {  	_ =	shalt  }
0x64: {  	_ =	shalt  }
0x65: {  	_ =	shalt  }
0x66: {  	_ =	shalt  }
0x67: {  	_ =	shalt  }
0x68: {  	_ =	shalt  }
0x69: {  	_ =	shalt  }
0x6a: {  	_ =	shalt  }
0x6b: {  	_ =	shalt  }
0x6c: {  	_ =	shalt  }
0x6d: {  	_ =	shalt  }
0x6e: {  	_ =	shalt  }
0x6f: {  	_ =	shalt  }
0x70: {  	_ =	shalt  }
0x71: {  	_ =	shalt  }
0x72: {  	_ =	shalt  }
0x73: {  	_ =	shalt  }
0x74: {  	_ =	shalt  }
0x75: {  	_ =	shalt  }
0x76: {  	_ =	shalt  }
0x77: {  	_ =	shalt  }
0x78: {  	_ =	shalt  }
0x79: {  	_ =	shalt  }
0x7a: {  	_ =	shalt  }
0x7b: {  	_ =	shalt  }
0x7c: {  	_ =	shalt  }
0x7d: {  	_ =	shalt  }
0x7e: {  	_ =	shalt  }
0x7f: {  	_ =	shalt  }
0x80: {  	_ =	shalt  }
0x81: {  	_ =	shalt  }
0x82: {  	_ =	shalt  }
0x83: {  	_ =	shalt  }
0x84: {  	_ =	shalt  }
0x85: {  	_ =	shalt  }
0x86: {  	_ =	shalt  }
0x87: {  	_ =	shalt  }
.Lfunc_end0:
.L_simem_size_0:
called_computation.3_lowered:
.L_overlay_start_0:
0x88: {  	s2 =	sld [smem:$0x3FD9]  }
0x89: {  	s3 =	sld [smem:$0x3FFE];
	_ =	sdelay $0x1  }
0x8a: {  	s1 =	srdreg.scid  }
0x8b: {  	s0 =	sand.u32 $0x1, s1  }
0x8c: {  	s14 =	sshll.u32 s0, $0xA;
	s2 =	sadd.s32 s3, s2  }
0x8d: {  	s2 =	sadd.s32 s2, s14  }
0x8e: {  	[smem:$0x3FBE] =	sst s2  }
0x8f: {  	_ = 	snop  }
0x90: {  	s2 =	sld [smem:$0x3FD0];
	_ =	sdelay $0x2  }
0x91: {  	s15 =	simm.s32 $0xA;
	s4 =	simm.s32 $0x10  }
0x92: {  	[smem:s4], [sflag:s15] =	dma.local [hbm:s2], $0x1  }
0x93: {  	_ =	swait.eq [sflag:s15], $0x1  }
0x94: {  	[sflag:s15] =	ssyncset.done $0x0  }
0x95: {  	s16 =	sld [smem:$0x11];
	[sflag:s15] =	ssyncadd.s32 $0xFFFFFFFF  }
0x96: {  	s17 =	sld [smem:$0x12];
	(tm) =	ssettm $0x1  }
0x97: {  	s18 =	sld [smem:$0x3FFB];
	_ =	sdelay $0x3  }
0x98: {  	_ =	strace s18  }
0x99: {  	s4 =	sld [smem:$0x3FFC];
	_ =	sdelay $0x3  }
0x9a: {  	_ =	strace s4  }
0x9b: {  	s4 =	sld [smem:$0x3FFD];
	_ =	sdelay $0x3  }
0x9c: {  	_ =	strace s4  }
0x9d: {  	_ =	strace $0x8FFFFFFF  }
0x9e: {  	s19 =	sld [smem:$0x3FDB];
	_ =	sdelay $0x1  }
0x9f: {  	s5 =	simm.s32 $_scs_section_size  }
0xa0: {  	s6 =	simm.s32 $_size__tile_overlayer_lowered;
	s7 =	simm.s32 $_tile_overlayer_lowered  }
0xa1: {  	s22 =	simm.s32 $0x1BFF;
	s21 =	sshll.u32 s7, $0x1;
	s4 =	sadd.s32 s5, s19  }
0xa2: {  	s8 =	simm.s32 $0x0;
	s20 =	sshll.u32 s6, $0x1;
	s6 =	sadd.s32 s21, s4  }
0xa3: {  	[timem:s8], [sflag:s22] =	dma.local [hbm:s6], s20  }
0xa4: {  	_ =	swait.ge [sflag:s22], s20  }
0xa5: {  	s5 =	ssub.s32 $0x0, s20;
	[sflag:s22] =	ssyncset.done $0x0  }
0xa6: {  	[sflag:s22] =	ssyncadd.s32 s5;
	_ =	sdelay $0x1  }
0xa7: {  	s23 =	simm.s32 $0x1B8B  }
0xa8: {  	_ =	swait.ge [sflag:s23], $0x1  }
0xa9: {  	[sflag:s23] =	ssyncset.done $0x0  }
0xaa: {  	s25 =	simm.s32 $0x1B8E;
	s24 =	sld [smem:$0x3FFE];
	[sflag:s23] =	ssyncadd.s32 $0xFFFFFFFF  }
0xab: {  	s26 =	simm.s32 $execute0_lowered;
	[smem:$0x3FD2] =	sst s25  }
0xac: {  	s6 =	sshll.u32 s26, $0x1;
	_ =	strace $0x8000004F;
	[dreg:$0x1] =	wrdreg $0xFFFFFFFF  }
0xad: {  	s28 =	simm.s32 $_size_execute0_lowered;
	s4 =	sadd.s32 s4, s6;
	[dreg:$0x0] =	wrdreg $0x0  }
0xae: {  	s6 =	sshll.u32 s28, $0x1;
	[dreg:$0x2] =	wrdreg s4  }
0xaf: {  	[dreg:$0x3] =	wrdreg s6  }
0xb0: {  	[dreg:$0x4] =	wrdreg $0xC0  }
0xb1: {  	_ =	task [dreg:s8], $0x5FFFF  }
0xb2: {  	[dreg:$0x1] =	wrdreg $0xFFFFFFFF  }
0xb3: {  	[dreg:$0x0] =	wrdreg $0x60  }
0xb4: {  	[dreg:$0x2] =	wrdreg s24  }
0xb5: {  	[dreg:$0x3] =	wrdreg s16  }
0xb6: {  	[dreg:$0x4] =	wrdreg s17  }
0xb7: {  	[dreg:$0x5] =	wrdreg $0x41000  }
0xb8: {  	[dreg:$0x6] =	wrdreg $0x9  }
0xb9: {  	_ =	task.clear_ibuf [dreg:s8], $0x7FFFF;
	_ =	strace $0x9000004F  }
0xba: {  	s29 =	simm.s32 $0x9;
	_ =	strace $0x80000051  }
0xbb: {  	_ =	swait.ge [sflag:s29], $0x1  }
0xbc: {  	[sflag:s29] =	ssyncadd.s32 $0xFFFFFFFF  }
0xbd: {  	_ =	strace $0x90000051  }
0xbe: {  	_ =	sfence  }
0xbf: {  	s30 =	sld [smem:$0x0];
	_ =	sdelay $0x2  }
0xc0: {  	s31 =	sshll.u32 s1, $0xD;
	s1 =	sshrl.u32 s1, $0x2  }
0xc1: {  	s3 =	sand.u32 $0x4000, s31;
	s1 =	sadd.s32 s1, s30  }
0xc2: {  	s0 =	sor.u32 s3, s0;
	s1 =	sshll.u32 s1, $0x11  }
0xc3: {  	s0 =	sor.u32 s1, s0  }
0xc4: {  	s0 =	sadd.s32 $0x8F2B, s0  }
0xc5: {  	[sflag:s0] =	ssyncadd.remote.s32 $0x1  }
0xc6: {  	_ =	sfence.sel $0xFFFF  }
0xc7: {  	[dreg:$0x0] =	wrdreg $0xFFFFFFFF;
	(pc) =	sbr.abs _section_cstart, $3  }
0xc8: {  	[dreg:$0x1] =	wrdreg $0xFFFFFFFF  }
0xc9: {  	_ =	task.clear_ibuf [dreg:s8], $0x2FFFF;
	_ =	strace $0x9FFFFFFF  }
0xca: {  	(tm) =	ssettm $0x7FFFFFFF  }
0xcb: {  	_ =	shalt  }
tec
execute0_lowered:
.L_overlay_start_1:
0x0: {  	(tag) =	ssettag $0x1  }
0x1: {  	s6 =	rddreg [dreg:$0x0]  }
0x2: {  	s9 =	rddreg [dreg:$0x1]  }
0x3: {  	s7 =	rddreg [dreg:$0x2]  }
0x4: {  	s1 =	rddreg [dreg:$0x3]  }
0x5: {  	s0 =	rddreg [dreg:$0x4];
	s2 =	simm.s32 $0x0;
	s3 =	srdreg.scid  }
0x6: {  	[smem:$0x7FF] =	sst s2;
	s8 =	sand.u32 $0x1, s3  }
0x7: {  	s19 =	simm.s32 $0x0;
	s3 =	stileid.u32;
	s10 =	smul.u32 $0x27100, s8  }
0x8: {  	s4 =	sadd.s32 $0x4600, s6;
	s5 =	sadd.s32 $0x3200, s6;
	s12 =	smul.u32 $0x4E000, s3  }
0x9: {  	s15 =	sadd.s32 $0x138000, s1;
	_ =	strace $0x80000050;
	s31 =	smul.u32 $0x4F00, s8  }
0xa: {  	s11 =	ssub.s32 $0x2, s8;
	s30 =	sshll.u32 s3, $0x6;
	s16 =	smul.u32 $0x4F0, s3  }
0xb: {  	s17 =	smul.u32 $0x2700, s3;
	p0 =	sne.s32 s3, $0xF;
	s28 =	sshrl.u32 s11, $0x1  }
0xc: {  	s10 =	sadd.s32 s10, s6;
	s11 =	ssub.s32 s11, s28;
	s29 =	sshrl.u32 s12, $0x2  }
0xd: {  	s6 =	sor.u32 $0x1C02, s30;
	s8 =	sadd.s32 s31, s7;
	s9 =	sadd.s32 s31, s9  }
0xe: {  	s13 =	sadd.s32 s29, s1;
	s18 =	sadd.s32 $0x2B800, s10;
	s7 =	smax.u32 s11, $0x1  }
0xf: {  	s8 =	sadd.s32 s16, s8;
	s9 =	sadd.s32 s16, s9;
	s11 =	simm.s32 $0x2  }
0x10: {  	s16 =	simm.s32 $0x1;
	s14 =	sadd.s32 $0x9C00, s13;
	s10 =	sshrl.u32 s13, $0x3  }
0x11: {  	s13 =	sshrl.u32 @!p0 s15, $0x3;
	s15 =	simm.s32 $0x100;
	s17 =	sadd.s32 s17, s18  }
0x12: {  	s18 =	sadd.s32 @!p0 $0x27000, s18;
	s12 =	sshrl.u32 s14, $0x3;
	s14 =	simm.s32 $0x80  }
.LBB2_1:
0x13: {  	[spmem:s10], [sflag:s6] =	dma.local [hbm:s5], $0x1380  }
0x14: {  	_ =	swait.ge [sflag:s11], $0x1380  }
0x15: {  	[sflag:s11] =	ssyncset.done $0x0  }
0x16: {  	[sflag:s11] =	ssyncadd.s32 $0xFFFFEC80  }
0x17: {  	[spmem:s12], [sflag:s6] =	dma.local [hbm:s5], $0x1380  }
0x18: {  	_ =	swait.ge [sflag:s11], $0x1380  }
0x19: {  	[sflag:s11] =	ssyncset.done $0x0  }
0x1a: {  	s20 =	simm.s32 @!p0 $0x2;
	[sflag:s11] =	ssyncadd.s32 $0xFFFFEC80  }
0x1b: {  	[spmem:s13], [sflag:s6] =	dma.local @!p0 [hbm:s5], $0x200  }
0x1c: {  	_ =	swait.ge @!p0 [sflag:s20], $0x200  }
0x1d: {  	[sflag:s20] =	ssyncset.done @!p0 $0x0  }
0x1e: {  	[sflag:s20] =	ssyncadd.s32 @!p0 $0xFFFFFE00  }
0x1f: {  	s30 =	sadd.s32 $0x0, s9;
	[bflag:$0x0] =	sbarrier.arrive $0xFFFF  }
0x20: {  	[tilespmem:s2], [sflag:$0x2] =	stream.linear.gather [hbm4b:s30+s2], $0x80, $0x38;
	[tilespmem:$0x17A00] =	vst v63  }
0x21: {  	_ =	swait.ge [sflag:s11], $0x80  }
0x22: {  	[sflag:s11] =	ssyncset.done $0x0  }
0x23: {  	s31 =	sadd.s32 $0x0, s8;
	[sflag:s11] =	ssyncadd.s32 $0xFFFFFF80  }
0x24: {  	[tilespmem:s14], [sflag:$0x2] =	stream.linear.gather [hbm4b:s31+s2], $0x80, $0x38;
	[tilespmem:$0x17A00] =	vst v63  }
0x25: {  	_ =	swait.ge [sflag:s11], $0x80  }
0x26: {  	[sflag:s11] =	ssyncset.done $0x0  }
0x27: {  	[sflag:s11] =	ssyncadd.s32 $0xFFFFFF80  }
0x28: {  	[tilespmem:s15], [sflag:$0x1] =	stream.indirect.gather [hbm4b:s4+s14], $0x80, s2, s14, $0xb8;
	[tilespmem:$0x17A00] =	vst v63  }
0x29: {  	_ =	swait.ge [sflag:s16], $0x4000  }
0x2a: {  	[sflag:s16] =	ssyncset.done $0x0  }
0x2b: {  	[sflag:s16] =	ssyncadd.s32 $0xFFFFC000  }
0x2c: {  	[spmem:s1] =	stream.indirect.scatter.add.f32 [tilespmem:s15], [sflag:$0x2], $0x80, s14, s14, $0xb8;
	[tilespmem:$0x17A00] =	vst v63  }
0x2d: {  	_ =	swait.ge [sflag:s11], $0x4000  }
0x2e: {  	s21 =	simm.s32 $0x20;
	s20 =	simm.s32 $0x10;
	[sflag:s11] =	ssyncset.done $0x0  }
.LBB2_2:
0x2f: {  	s22 =	sadd.s32 s20, s9  }
0x30: {  	[sflag:s11] =	ssyncadd.s32 $0xFFFFC000;
	s23 =	smov.u32 s21;
	s24 =	sadd.s32 $0x10, s21  }
0x31: {  	[tilespmem:s2], [sflag:$0x2] =	stream.linear.gather [hbm4b:s22+s2], $0x80, $0x38;
	[tilespmem:$0x17A00] =	vst v63  }
0x32: {  	p1 =	sne.s32 s21, $0x4E0;
	_ =	swait.ge [sflag:s11], $0x80  }
0x33: {  	[sflag:s11] =	ssyncset.done $0x0  }
0x34: {  	s21 =	sadd.s32 s20, s8;
	s20 =	smov.u32 s23;
	[sflag:s11] =	ssyncadd.s32 $0xFFFFFF80  }
0x35: {  	[tilespmem:s14], [sflag:$0x2] =	stream.linear.gather [hbm4b:s21+s2], $0x80, $0x38;
	[tilespmem:$0x17A00] =	vst v63  }
0x36: {  	_ =	swait.ge [sflag:s11], $0x80  }
0x37: {  	[sflag:s11] =	ssyncset.done $0x0  }
0x38: {  	[sflag:s11] =	ssyncadd.s32 $0xFFFFFF80  }
0x39: {  	[tilespmem:s15], [sflag:$0x1] =	stream.indirect.gather [hbm4b:s4+s14], $0x80, s2, s14, $0xb8;
	[tilespmem:$0x17A00] =	vst v63  }
0x3a: {  	_ =	swait.ge [sflag:s16], $0x4000  }
.Ltmp0:
0x3b: {  	[sflag:s16] =	ssyncset.done $0x0;
	(pc) =	sbr.rel @p1 .LBB2_2-.Ltmp0, $4  }
0x3c: {  	[sflag:s16] =	ssyncadd.s32 $0xFFFFC000  }
0x3d: {  	[spmem:s1] =	stream.indirect.scatter.add.f32 [tilespmem:s15], [sflag:$0x2], $0x80, s14, s14, $0xb8;
	[tilespmem:$0x17A00] =	vst v63  }
0x3e: {  	_ =	swait.ge [sflag:s11], $0x4000  }
0x3f: {  	s21 =	smov.u32 s24;
	[sflag:s11] =	ssyncset.done $0x0  }
0x40: {  	s21 =	sadd.s32 s20, s9;
	[sflag:s11] =	ssyncadd.s32 $0xFFFFC000  }
0x41: {  	[tilespmem:s2], [sflag:$0x2] =	stream.linear.gather [hbm4b:s21+s2], $0x80, $0x38;
	[tilespmem:$0x17A00] =	vst v63  }
0x42: {  	_ =	swait.ge [sflag:s11], $0x80  }
0x43: {  	[sflag:s11] =	ssyncset.done $0x0  }
0x44: {  	s31 =	sadd.s32 s20, s8;
	[sflag:s11] =	ssyncadd.s32 $0xFFFFFF80  }
0x45: {  	[tilespmem:s14], [sflag:$0x2] =	stream.linear.gather [hbm4b:s31+s2], $0x80, $0x38;
	[tilespmem:$0x17A00] =	vst v63  }
0x46: {  	_ =	swait.ge [sflag:s11], $0x80  }
0x47: {  	[sflag:s11] =	ssyncset.done $0x0  }
0x48: {  	[sflag:s11] =	ssyncadd.s32 $0xFFFFFF80  }
0x49: {  	[tilespmem:s15], [sflag:$0x1] =	stream.indirect.gather [hbm4b:s4+s14], $0x80, s2, s14, $0xb8;
	[tilespmem:$0x17A00] =	vst v63  }
0x4a: {  	_ =	swait.ge [sflag:s16], $0x4000  }
0x4b: {  	[sflag:s16] =	ssyncset.done $0x0  }
0x4c: {  	[sflag:s16] =	ssyncadd.s32 $0xFFFFC000  }
0x4d: {  	[spmem:s1] =	stream.indirect.scatter.add.f32 [tilespmem:s15], [sflag:$0x2], $0x80, s14, s14, $0xb8;
	[tilespmem:$0x17A00] =	vst v63  }
0x4e: {  	_ =	swait.ge [sflag:s11], $0x4000  }
0x4f: {  	[sflag:s11] =	ssyncset.done $0x0  }
0x50: {  	[sflag:s11] =	ssyncadd.s32 $0xFFFFC000  }
0x51: {  	[bflag:$0x0] =	sbarrier.arrive $0xFFFF  }
0x52: {  	[hbm:s17], [sflag:s6] =	dma.local [spmem:s10], $0x2700  }
0x53: {  	s19 =	sadd.s32 $0x1, s19;
	_ =	swait.ge [sflag:s11], $0x2700  }
0x54: {  	p1 =	sne.s32 s19, s7;
	[sflag:s11] =	ssyncset.done $0x0  }
.Ltmp1:
0x55: {  	s20 =	simm.s32 @!p0 $0x2;
	[sflag:s11] =	ssyncadd.s32 $0xFFFFD900;
	(pc) =	sbr.rel @p1 .LBB2_1-.Ltmp1, $4  }
0x56: {  	[hbm:s18], [sflag:s6] =	dma.local @!p0 [spmem:s13], $0x100  }
0x57: {  	_ =	swait.ge @!p0 [sflag:s20], $0x100  }
0x58: {  	[sflag:s20] =	ssyncset.done @!p0 $0x0  }
0x59: {  	[sflag:s20] =	ssyncadd.s32 @!p0 $0xFFFFFF00  }
0x5a: {  	_ =	sfence.sel $0x180000  }
0x5b: {  	[bflag:$0x0] =	sbarrier.arrive $0xFFFF  }
0x5c: {  	p0 =	sne.s32 s3, $0x0;
	_ =	strace $0x90000050  }
0x5d: {  	s0 =	sadd.s32 @!p0 $0x100000, s0;
	[bflag:$0x2] =	sbarrier.arrive $0xFFFF  }
0x5e: {  	[sflag:s0] =	ssyncadd.tile.s32 @!p0 $0x1;
	_ =	shalt  }
.Lfunc_end2:
_tile_overlayer_lowered:
.L_overlay_start_2:
0x5f: {  	(tag) =	ssettag $0x2  }
0x60: {  	s0 =	rddreg [dreg:$0x0];
	s2 =	stileid.u32  }
0x61: {  	s1 =	rddreg [dreg:$0x1];
	p0 =	sne.s32 s2, $0x0  }
0x62: {  	s3 =	rddreg [dreg:$0x2];
	[bflag:$0x3] =	sbarrier.arrive $0xFFFF;
	s2 =	simm.s32 @!p0 $0x1C02  }
0x63: {  	[timem:s3], [sflag:s2] =	dma.local @!p0 [hbm:s0], s1  }
0x64: {  	s0 =	simm.s32 @!p0 $0x2  }
0x65: {  	_ =	swait.ge @!p0 [sflag:s0], s1  }
0x66: {  	s1 =	ssub.s32 @!p0 $0x0, s1;
	[sflag:s0] =	ssyncset.done @!p0 $0x0  }
0x67: {  	[sflag:s0] =	ssyncadd.s32 @!p0 s1  }
0x68: {  	[bflag:$0x3] =	sbarrier.arrive $0xFFFF  }
0x69: {  	_ =	shalt  }

// kernel: kernel.27.cloned.1.call-start
scs
__scs_entry_jumppad:
0x0: {  	(pc) =	sbr.rel $0x88, $3  }
0x1: {  	(tag) =	ssettag $0x0;
	lr =	simm.s32 $0x1  }
0x2: {  	[smem:$0x3F97] =	sst lr;
	_ =	strace $0xD0000000  }
0x3: {  	_ = 	snop  }
0x4: {  	_ = 	snop  }
0x5: {  	_ = 	snop  }
0x6: {  	_ = 	snop  }
0x7: {  	_ = 	snop  }
__scs_overlays_trampoline_lowered:
0x8: {  	[smem:$0x3FA6] =	sst s0  }
0x9: {  	[smem:$0x3FA7] =	sst s1  }
0xa: {  	[smem:$0x3FA8] =	sst s2  }
0xb: {  	[smem:$0x3FA9] =	sst s3  }
0xc: {  	[smem:$0x3FAA] =	sst s4  }
0xd: {  	[smem:$0x3FAB] =	sst s5  }
0xe: {  	[smem:$0x3FAC] =	sst s6  }
0xf: {  	[smem:$0x3FAD] =	sst s7  }
0x10: {  	[smem:$0x3FAE] =	sst s8  }
0x11: {  	[smem:$0x3FAF] =	sst s9;
	s0 =	simm.s32 @!p0 $0x0  }
0x12: {  	s1 =	sld [smem:$0x3F95];
	s0 =	simm.s32 @p0 $0x1  }
0x13: {  	[smem:$0x3FB0] =	sst s0;
	s0 =	simm.s32 @!p1 $0x0  }
0x14: {  	s2 =	sld [smem:$0x3F94];
	s0 =	simm.s32 @p1 $0x1  }
0x15: {  	[smem:$0x3FB1] =	sst s0;
	s0 =	simm.s32 @!p2 $0x0  }
0x16: {  	s3 =	sld [smem:$0x3FDB];
	s0 =	simm.s32 @p2 $0x1  }
0x17: {  	s4 =	simm.s32 $0x1BF5;
	[smem:$0x3FB3] =	sst s0  }
0x18: {  	s0 =	sld [smem:$0x3F96];
	_ =	swait.ge [sflag:s4], $0x0  }
0x19: {  	s7 =	sld [smem:$0x3F97]  }
0x1a: {  	s8 =	sadd.s32 $0xFFFFE003, lr  }
0x1b: {  	s9 =	sadd.s32 $0xFFFFFEF7, lr;
	s5 =	simm.s32 $0xFFFFFFFF;
	p2 =	slt.u32 s8, $0xFFFFF086  }
0x1c: {  	p1 =	slt.u32 s9, $0xF7A;
	s5 =	simm.s32 @!p2 $0x0  }
0x1d: {  	s5 =	simm.s32 @p1 $0x1;
	p0 =	seq.s32 s7, s2  }
0x1e: {  	s7 =	smul.u32 @!p0 $0xF7A, s2;
	p2 =	seq.s32 @!p0 s5, $0x0  }
0x1f: {  	s9 =	smul.u32 $0xF7A, s1;
	s8 =	simm.s32 @!p0 $0x1BF5;
	p2 =	por !p2, p0  }
0x20: {  	[sflag:s8] =	ssyncset.s32 @!p0 $0xFFFFF086;
	s6 =	sadd.s32 @!p0 s3, s7;
	s7 =	simm.s32 @!p0 $0x108  }
0x21: {  	s3 =	sadd.s32 s3, s9;
	s6 =	sadd.s32 @!p0 $0x88, s6;
	s7 =	simm.s32 @p2 $0x1082  }
0x22: {  	[simem:s7], [sflag:s8] =	dma.local @!p0 [hbm:s6], $0xF7A  }
0x23: {  	s9 =	sor.u32 $0xD0000000, s2;
	s6 =	simm.s32 $0x108;
	_ =	swait.ge @!p0 [sflag:s8], $0x0  }
0x24: {  	s3 =	sadd.s32 $0x88, s3;
	s6 =	simm.s32 @!p1 $0x1082;
	[sflag:s4] =	ssyncset.s32 $0xFFFFF086  }
0x25: {  	[simem:s6], [sflag:s4] =	dma.local [hbm:s3], $0xF7A  }
0x26: {  	[smem:$0x3F97] =	sst s1;
	(tag) =	ssettag s2;
	_ =	strace s9  }
0x27: {  	s1 =	sld [smem:$0x3FA7]  }
0x28: {  	s2 =	sld [smem:$0x3FA8]  }
0x29: {  	s4 =	sld [smem:$0x3FAA]  }
0x2a: {  	p0 =	seq.s32 s5, $0x0;
	s5 =	sld [smem:$0x3FAB]  }
0x2b: {  	s6 =	sld [smem:$0x3FAC]  }
0x2c: {  	s7 =	sld [smem:$0x3FAD]  }
0x2d: {  	s3 =	simm.s32 $0x108;
	s8 =	sld [smem:$0x3FAE]  }
0x2e: {  	s3 =	simm.s32 @!p0 $0x1082;
	s9 =	sld [smem:$0x3FAF]  }
0x2f: {  	lr =	sadd.s32 s0, s3;
	s0 =	sld [smem:$0x3FA6]  }
0x30: {  	s3 =	sld [smem:$0x3FA9]  }
0x31: {  	[smem:$0x3FB2] =	sst s10  }
0x32: {  	s10 =	sld [smem:$0x3FB0];
	_ =	sdelay $0x3  }
0x33: {  	p0 =	seq.s32 s10, $0x1;
	s10 =	sld [smem:$0x3FB2];
	_ =	sdelay $0x3  }
0x34: {  	[smem:$0x3FB2] =	sst s10  }
0x35: {  	s10 =	sld [smem:$0x3FB1];
	_ =	sdelay $0x3  }
0x36: {  	p1 =	seq.s32 s10, $0x1;
	s10 =	sld [smem:$0x3FB2];
	_ =	sdelay $0x3  }
0x37: {  	[smem:$0x3FB2] =	sst s10  }
0x38: {  	s10 =	sld [smem:$0x3FB3]  }
0x39: {  	_ = 	snop;
	(pc) =	sbr.ind lr, $3  }
0x3a: {  	_ = 	snop  }
0x3b: {  	_ = 	snop  }
0x3c: {  	p2 =	seq.s32 s10, $0x1;
	s10 =	sld [smem:$0x3FB2]  }
0x3d: {  	_ =	shalt  }
0x3e: {  	_ =	shalt  }
0x3f: {  	_ =	shalt  }
0x40: {  	_ =	shalt  }
0x41: {  	_ =	shalt  }
0x42: {  	_ =	shalt  }
0x43: {  	_ =	shalt  }
0x44: {  	_ =	shalt  }
0x45: {  	_ =	shalt  }
0x46: {  	_ =	shalt  }
0x47: {  	_ =	shalt  }
0x48: {  	_ =	shalt  }
0x49: {  	_ =	shalt  }
0x4a: {  	_ =	shalt  }
0x4b: {  	_ =	shalt  }
0x4c: {  	_ =	shalt  }
0x4d: {  	_ =	shalt  }
0x4e: {  	_ =	shalt  }
0x4f: {  	_ =	shalt  }
0x50: {  	_ =	shalt  }
0x51: {  	_ =	shalt  }
0x52: {  	_ =	shalt  }
0x53: {  	_ =	shalt  }
0x54: {  	_ =	shalt  }
0x55: {  	_ =	shalt  }
0x56: {  	_ =	shalt  }
0x57: {  	_ =	shalt  }
0x58: {  	_ =	shalt  }
0x59: {  	_ =	shalt  }
0x5a: {  	_ =	shalt  }
0x5b: {  	_ =	shalt  }
0x5c: {  	_ =	shalt  }
0x5d: {  	_ =	shalt  }
0x5e: {  	_ =	shalt  }
0x5f: {  	_ =	shalt  }
0x60: {  	_ =	shalt  }
0x61: {  	_ =	shalt  }
0x62: {  	_ =	shalt  }
0x63: {  	_ =	shalt  }
0x64: {  	_ =	shalt  }
0x65: {  	_ =	shalt  }
0x66: {  	_ =	shalt  }
0x67: {  	_ =	shalt  }
0x68: {  	_ =	shalt  }
0x69: {  	_ =	shalt  }
0x6a: {  	_ =	shalt  }
0x6b: {  	_ =	shalt  }
0x6c: {  	_ =	shalt  }
0x6d: {  	_ =	shalt  }
0x6e: {  	_ =	shalt  }
0x6f: {  	_ =	shalt  }
0x70: {  	_ =	shalt  }
0x71: {  	_ =	shalt  }
0x72: {  	_ =	shalt  }
0x73: {  	_ =	shalt  }
0x74: {  	_ =	shalt  }
0x75: {  	_ =	shalt  }
0x76: {  	_ =	shalt  }
0x77: {  	_ =	shalt  }
0x78: {  	_ =	shalt  }
0x79: {  	_ =	shalt  }
0x7a: {  	_ =	shalt  }
0x7b: {  	_ =	shalt  }
0x7c: {  	_ =	shalt  }
0x7d: {  	_ =	shalt  }
0x7e: {  	_ =	shalt  }
0x7f: {  	_ =	shalt  }
0x80: {  	_ =	shalt  }
0x81: {  	_ =	shalt  }
0x82: {  	_ =	shalt  }
0x83: {  	_ =	shalt  }
0x84: {  	_ =	shalt  }
0x85: {  	_ =	shalt  }
0x86: {  	_ =	shalt  }
0x87: {  	_ =	shalt  }
.Lfunc_end0:
.L_simem_size_0:
called_computation.4_lowered:
.L_overlay_start_0:
0x88: {  	s2 =	sld [smem:$0x3FD9]  }
0x89: {  	s3 =	sld [smem:$0x3FFE];
	_ =	sdelay $0x1  }
0x8a: {  	s1 =	srdreg.scid  }
0x8b: {  	s0 =	sand.u32 $0x1, s1  }
0x8c: {  	s14 =	sshll.u32 s0, $0xA;
	s2 =	sadd.s32 s3, s2  }
0x8d: {  	s2 =	sadd.s32 s2, s14  }
0x8e: {  	[smem:$0x3FBE] =	sst s2  }
0x8f: {  	_ = 	snop  }
0x90: {  	s2 =	sld [smem:$0x3FD0];
	_ =	sdelay $0x2  }
0x91: {  	s15 =	simm.s32 $0xA;
	s4 =	simm.s32 $0x10  }
0x92: {  	[smem:s4], [sflag:s15] =	dma.local [hbm:s2], $0x1  }
0x93: {  	_ =	swait.eq [sflag:s15], $0x1  }
0x94: {  	[sflag:s15] =	ssyncset.done $0x0  }
0x95: {  	[sflag:s15] =	ssyncadd.s32 $0xFFFFFFFF  }
0x96: {  	s16 =	sld [smem:$0x10];
	(tm) =	ssettm $0x1  }
0x97: {  	s17 =	sld [smem:$0x3FFB];
	_ =	sdelay $0x3  }
0x98: {  	_ =	strace s17  }
0x99: {  	s3 =	sld [smem:$0x3FFC];
	_ =	sdelay $0x3  }
0x9a: {  	_ =	strace s3  }
0x9b: {  	s3 =	sld [smem:$0x3FFD];
	_ =	sdelay $0x3  }
0x9c: {  	_ =	strace s3  }
0x9d: {  	_ =	strace $0x8FFFFFFF  }
0x9e: {  	s18 =	sld [smem:$0x3FDB];
	_ =	sdelay $0x1  }
0x9f: {  	s19 =	simm.s32 $_scs_section_size  }
0xa0: {  	s5 =	simm.s32 $_size__tile_overlayer_lowered;
	s6 =	simm.s32 $_tile_overlayer_lowered  }
0xa1: {  	s22 =	simm.s32 $0x1BFF;
	s21 =	sshll.u32 s6, $0x1;
	s3 =	sadd.s32 s19, s18  }
0xa2: {  	s7 =	simm.s32 $0x0;
	s20 =	sshll.u32 s5, $0x1;
	s5 =	sadd.s32 s21, s3  }
0xa3: {  	[timem:s7], [sflag:s22] =	dma.local [hbm:s5], s20  }
0xa4: {  	_ =	swait.ge [sflag:s22], s20  }
0xa5: {  	s4 =	ssub.s32 $0x0, s20;
	[sflag:s22] =	ssyncset.done $0x0  }
0xa6: {  	[sflag:s22] =	ssyncadd.s32 s4;
	_ =	sdelay $0x1  }
0xa7: {  	s23 =	simm.s32 $0x1B8B  }
0xa8: {  	_ =	swait.ge [sflag:s23], $0x1  }
0xa9: {  	[sflag:s23] =	ssyncset.done $0x0  }
0xaa: {  	s25 =	simm.s32 $0x1B8E;
	s24 =	sld [smem:$0x3FFE];
	[sflag:s23] =	ssyncadd.s32 $0xFFFFFFFF  }
0xab: {  	s26 =	simm.s32 $execute0_lowered;
	[smem:$0x3FD2] =	sst s25  }
0xac: {  	s5 =	sshll.u32 s26, $0x1;
	_ =	strace $0x80000052;
	[dreg:$0x1] =	wrdreg $0xFFFFFFFF  }
0xad: {  	s28 =	simm.s32 $_size_execute0_lowered;
	s3 =	sadd.s32 s3, s5;
	[dreg:$0x0] =	wrdreg $0x0  }
0xae: {  	s5 =	sshll.u32 s28, $0x1;
	[dreg:$0x2] =	wrdreg s3  }
0xaf: {  	[dreg:$0x3] =	wrdreg s5  }
0xb0: {  	[dreg:$0x4] =	wrdreg $0xC0  }
0xb1: {  	_ =	task [dreg:s7], $0x5FFFF  }
0xb2: {  	[dreg:$0x1] =	wrdreg $0xFFFFFFFF  }
0xb3: {  	[dreg:$0x0] =	wrdreg $0x60  }
0xb4: {  	[dreg:$0x2] =	wrdreg s24  }
0xb5: {  	[dreg:$0x3] =	wrdreg s16  }
0xb6: {  	[dreg:$0x4] =	wrdreg $0x41800  }
0xb7: {  	[dreg:$0x5] =	wrdreg $0x9  }
0xb8: {  	_ =	task.clear_ibuf [dreg:s7], $0x6FFFF;
	_ =	strace $0x90000052  }
0xb9: {  	s29 =	simm.s32 $0x9;
	_ =	strace $0x80000054  }
0xba: {  	_ =	swait.ge [sflag:s29], $0x1  }
0xbb: {  	[sflag:s29] =	ssyncadd.s32 $0xFFFFFFFF  }
0xbc: {  	_ =	strace $0x90000054  }
0xbd: {  	_ =	sfence  }
0xbe: {  	s30 =	sld [smem:$0x0];
	_ =	sdelay $0x2  }
0xbf: {  	s31 =	sshll.u32 s1, $0xD;
	s1 =	sshrl.u32 s1, $0x2  }
0xc0: {  	s3 =	sand.u32 $0x4000, s31;
	s1 =	sadd.s32 s1, s30  }
0xc1: {  	s0 =	sor.u32 s3, s0;
	s1 =	sshll.u32 s1, $0x11  }
0xc2: {  	s0 =	sor.u32 s1, s0  }
0xc3: {  	s0 =	sadd.s32 $0x8F2B, s0  }
0xc4: {  	[sflag:s0] =	ssyncadd.remote.s32 $0x1  }
0xc5: {  	_ =	sfence.sel $0xFFFF  }
0xc6: {  	[dreg:$0x0] =	wrdreg $0xFFFFFFFF;
	(pc) =	sbr.abs _section_cstart, $3  }
0xc7: {  	[dreg:$0x1] =	wrdreg $0xFFFFFFFF  }
0xc8: {  	_ =	task.clear_ibuf [dreg:s7], $0x2FFFF;
	_ =	strace $0x9FFFFFFF  }
0xc9: {  	(tm) =	ssettm $0x7FFFFFFF  }
tec
execute0_lowered:
.L_overlay_start_1:
0x0: {  	(tag) =	ssettag $0x1  }
0x1: {  	s6 =	rddreg [dreg:$0x0]  }
0x2: {  	s9 =	rddreg [dreg:$0x1]  }
0x3: {  	s2 =	rddreg [dreg:$0x2]  }
0x4: {  	s0 =	rddreg [dreg:$0x3];
	s1 =	stileid.u32  }
0x5: {  	s4 =	srdreg.scid;
	s3 =	simm.s32 $0x0;
	s16 =	simm.s32 $0x180  }
0x6: {  	s17 =	simm.s32 $0x1;
	s10 =	smul.u32 $0x9D0, s1;
	s7 =	sand.u32 $0x1, s4  }
0x7: {  	[smem:$0x7FF] =	sst s3;
	s4 =	sadd.s32 $0x4600, s6;
	s11 =	smul.u32 $0x4E000, s1  }
0x8: {  	s5 =	sadd.s32 $0x3200, s6;
	s31 =	sshll.u32 s1, $0x6;
	s20 =	smul.u32 $0x2700, s1  }
0x9: {  	s15 =	sadd.s32 $0x138000, s2;
	p0 =	sne.s32 s1, $0xF;
	s8 =	smul.u32 $0x27100, s7  }
0xa: {  	_ =	strace $0x80000053;
	s13 =	ssub.s32 $0x2, s7;
	s18 =	smul.u32 $0x2710, s7  }
0xb: {  	s12 =	sadd.s32 s10, s6;
	s30 =	sshrl.u32 s13, $0x1;
	s11 =	sshrl.u32 s11, $0x2  }
0xc: {  	s9 =	sadd.s32 s10, s9;
	s8 =	sadd.s32 s8, s6;
	s11 =	sadd.s32 s11, s2  }
0xd: {  	s13 =	ssub.s32 s13, s30;
	s6 =	sor.u32 $0x1C02, s31;
	s14 =	sadd.s32 $0x9C00, s11  }
0xe: {  	s19 =	sadd.s32 $0x1BC000, s8;
	s7 =	smax.u32 s13, $0x1;
	s8 =	sadd.s32 $0x79A00, s12  }
0xf: {  	s10 =	sshrl.u32 s11, $0x3;
	s11 =	simm.s32 $0x2;
	s13 =	sshrl.u32 @!p0 s15, $0x3  }
0x10: {  	s15 =	simm.s32 $0x100;
	s12 =	sshrl.u32 s14, $0x3;
	s14 =	simm.s32 $0x80  }
0x11: {  	v0 =	vmov s18;
	s18 =	sadd.s32 s20, s19;
	s19 =	sadd.s32 @!p0 $0x27000, s19;
	s20 =	simm.s32 $0x0  }
.LBB2_1:
0x12: {  	[spmem:s10], [sflag:s6] =	dma.local [hbm:s5], $0x1380  }
0x13: {  	_ =	swait.ge [sflag:s11], $0x1380  }
0x14: {  	[sflag:s11] =	ssyncset.done $0x0  }
0x15: {  	[sflag:s11] =	ssyncadd.s32 $0xFFFFEC80  }
0x16: {  	[spmem:s12], [sflag:s6] =	dma.local [hbm:s5], $0x1380  }
0x17: {  	_ =	swait.ge [sflag:s11], $0x1380  }
0x18: {  	[sflag:s11] =	ssyncset.done $0x0  }
0x19: {  	s21 =	simm.s32 @!p0 $0x2;
	[sflag:s11] =	ssyncadd.s32 $0xFFFFEC80  }
0x1a: {  	[spmem:s13], [sflag:s6] =	dma.local @!p0 [hbm:s5], $0x200  }
0x1b: {  	_ =	swait.ge @!p0 [sflag:s21], $0x200  }
0x1c: {  	[sflag:s21] =	ssyncset.done @!p0 $0x0  }
0x1d: {  	[sflag:s21] =	ssyncadd.s32 @!p0 $0xFFFFFE00  }
0x1e: {  	s30 =	sadd.s32 $0x0, s9;
	[bflag:$0x0] =	sbarrier.arrive $0xFFFF  }
0x1f: {  	[tilespmem:s3], [sflag:$0x2] =	stream.linear.gather [hbm4b:s30+s3], $0x80, $0x38;
	[tilespmem:$0x17A80] =	vst v63  }
0x20: {  	_ =	swait.ge [sflag:s11], $0x80  }
0x21: {  	[sflag:s11] =	ssyncset.done $0x0  }
0x22: {  	s31 =	sadd.s32 $0x0, s8;
	[sflag:s11] =	ssyncadd.s32 $0xFFFFFF80  }
0x23: {  	[tilespmem:s14], [sflag:$0x2] =	stream.linear.gather [hbm4b:s31+s3], $0x80, $0x38;
	[tilespmem:$0x17A80] =	vst v63  }
0x24: {  	_ =	swait.ge [sflag:s11], $0x80  }
0x25: {  	[sflag:s11] =	ssyncset.done $0x0  }
0x26: {  	[sflag:s11] =	ssyncadd.s32 $0xFFFFFF80  }
0x27: {  	v1 =	vld [tilespmem:$0x70]  }
0x28: {  	v2 =	vld [tilespmem:$0x30]  }
0x29: {  	v3 =	vld [tilespmem:$0x50]  }
0x2a: {  	v5 =	vld [tilespmem:$0x20]  }
0x2b: {  	v4 =	vld [tilespmem:$0x60]  }
0x2c: {  	v6 =	vld [tilespmem:$0x10];
	v1 =	vadd.s32 v0, v1  }
0x2d: {  	v7 =	vld [tilespmem:$0x40];
	v2 =	vadd.s32 v0, v2;
	[tilespmem:$0x170] =	vst v1  }
0x2e: {  	v1 =	vld [tilespmem:$0x0];
	[tilespmem:$0x130] =	vst v2;
	v2 =	vadd.s32 v0, v3  }
0x2f: {  	v3 =	vadd.s32 v0, v5;
	[tilespmem:$0x150] =	vst v2  }
0x30: {  	v2 =	vadd.s32 v0, v4;
	[tilespmem:$0x120] =	vst v3  }
0x31: {  	[tilespmem:$0x160] =	vst v2;
	v2 =	vadd.s32 v0, v6  }
0x32: {  	[tilespmem:$0x110] =	vst v2;
	v2 =	vadd.s32 v0, v7  }
0x33: {  	[tilespmem:$0x140] =	vst v2;
	v1 =	vadd.s32 v0, v1  }
0x34: {  	s21 =	simm.s32 $0x10;
	[tilespmem:$0x100] =	vst v1  }
.LBB2_2:
0x35: {  	[tilespmem:s16], [sflag:$0x1] =	stream.indirect.gather [hbm4b:s4+s14], $0x80, s15, s14, $0xb8;
	[tilespmem:$0x17A80] =	vst v63  }
0x36: {  	s22 =	smov.u32 s21  }
0x37: {  	p1 =	sne.s32 s21, $0x9C0;
	s21 =	sadd.s32 $0x10, s21;
	_ =	swait.ge [sflag:s17], $0x4000  }
0x38: {  	[sflag:s17] =	ssyncset.done $0x0  }
0x39: {  	[sflag:s17] =	ssyncadd.s32 $0xFFFFC000  }
0x3a: {  	[spmem:s2] =	stream.indirect.scatter.add.f32 [tilespmem:s16], [sflag:$0x2], $0x80, s14, s14, $0xb8;
	[tilespmem:$0x17A80] =	vst v63  }
0x3b: {  	_ =	swait.ge [sflag:s11], $0x4000  }
0x3c: {  	[sflag:s11] =	ssyncset.done $0x0  }
0x3d: {  	s23 =	sadd.s32 s22, s9;
	[sflag:s11] =	ssyncadd.s32 $0xFFFFC000  }
0x3e: {  	[tilespmem:s3], [sflag:$0x2] =	stream.linear.gather [hbm4b:s23+s3], $0x80, $0x38;
	[tilespmem:$0x17A80] =	vst v63  }
0x3f: {  	_ =	swait.ge [sflag:s11], $0x80  }
0x40: {  	[sflag:s11] =	ssyncset.done $0x0  }
0x41: {  	s22 =	sadd.s32 s22, s8;
	[sflag:s11] =	ssyncadd.s32 $0xFFFFFF80  }
0x42: {  	[tilespmem:s14], [sflag:$0x2] =	stream.linear.gather [hbm4b:s22+s3], $0x80, $0x38;
	[tilespmem:$0x17A80] =	vst v63  }
0x43: {  	_ =	swait.ge [sflag:s11], $0x80  }
0x44: {  	[sflag:s11] =	ssyncset.done $0x0  }
0x45: {  	[sflag:s11] =	ssyncadd.s32 $0xFFFFFF80  }
0x46: {  	v1 =	vld [tilespmem:$0x70]  }
0x47: {  	v2 =	vld [tilespmem:$0x30]  }
0x48: {  	v3 =	vld [tilespmem:$0x50]  }
0x49: {  	v4 =	vld [tilespmem:$0x60]  }
0x4a: {  	v5 =	vld [tilespmem:$0x20]  }
0x4b: {  	v6 =	vld [tilespmem:$0x10];
	v1 =	vadd.s32 v0, v1  }
0x4c: {  	v2 =	vadd.s32 v0, v2;
	v7 =	vld [tilespmem:$0x40];
	[tilespmem:$0x170] =	vst v1  }
0x4d: {  	v1 =	vld [tilespmem:$0x0];
	[tilespmem:$0x130] =	vst v2;
	v2 =	vadd.s32 v0, v3  }
0x4e: {  	[tilespmem:$0x150] =	vst v2;
	v2 =	vadd.s32 v0, v4  }
.Ltmp0:
0x4f: {  	v3 =	vadd.s32 v0, v5;
	[tilespmem:$0x160] =	vst v2;
	(pc) =	sbr.rel @p1 .LBB2_2-.Ltmp0, $4  }
0x50: {  	v2 =	vadd.s32 v0, v6;
	[tilespmem:$0x120] =	vst v3  }
0x51: {  	[tilespmem:$0x110] =	vst v2;
	v2 =	vadd.s32 v0, v7  }
0x52: {  	v1 =	vadd.s32 v0, v1;
	[tilespmem:$0x140] =	vst v2  }
0x53: {  	[tilespmem:$0x100] =	vst v1  }
0x54: {  	[tilespmem:s16], [sflag:$0x1] =	stream.indirect.gather [hbm4b:s4+s14], $0x80, s15, s14, $0xb8;
	[tilespmem:$0x17A80] =	vst v63  }
0x55: {  	_ =	swait.ge [sflag:s17], $0x4000  }
0x56: {  	[sflag:s17] =	ssyncset.done $0x0  }
0x57: {  	[sflag:s17] =	ssyncadd.s32 $0xFFFFC000  }
0x58: {  	[spmem:s2] =	stream.indirect.scatter.add.f32 [tilespmem:s16], [sflag:$0x2], $0x80, s14, s14, $0xb8;
	[tilespmem:$0x17A80] =	vst v63  }
0x59: {  	_ =	swait.ge [sflag:s11], $0x4000  }
0x5a: {  	[sflag:s11] =	ssyncset.done $0x0  }
0x5b: {  	[sflag:s11] =	ssyncadd.s32 $0xFFFFC000  }
0x5c: {  	[bflag:$0x0] =	sbarrier.arrive $0xFFFF  }
0x5d: {  	[hbm:s18], [sflag:s6] =	dma.local [spmem:s10], $0x2700  }
0x5e: {  	s20 =	sadd.s32 $0x1, s20;
	_ =	swait.ge [sflag:s11], $0x2700  }
0x5f: {  	p1 =	sne.s32 s20, s7;
	[sflag:s11] =	ssyncset.done $0x0  }
.Ltmp1:
0x60: {  	s21 =	simm.s32 @!p0 $0x2;
	[sflag:s11] =	ssyncadd.s32 $0xFFFFD900;
	(pc) =	sbr.rel @p1 .LBB2_1-.Ltmp1, $4  }
0x61: {  	[hbm:s19], [sflag:s6] =	dma.local @!p0 [spmem:s13], $0x100  }
0x62: {  	_ =	swait.ge @!p0 [sflag:s21], $0x100  }
0x63: {  	[sflag:s21] =	ssyncset.done @!p0 $0x0  }
0x64: {  	[sflag:s21] =	ssyncadd.s32 @!p0 $0xFFFFFF00  }
0x65: {  	_ =	sfence.sel $0x180000  }
0x66: {  	[bflag:$0x0] =	sbarrier.arrive $0xFFFF  }
0x67: {  	p0 =	sne.s32 s1, $0x0;
	_ =	strace $0x90000053  }
0x68: {  	s0 =	sadd.s32 @!p0 $0x100000, s0;
	[bflag:$0x2] =	sbarrier.arrive $0xFFFF  }
0x69: {  	[sflag:s0] =	ssyncadd.tile.s32 @!p0 $0x1;
	_ =	shalt  }
.Lfunc_end2:
_tile_overlayer_lowered:
.L_overlay_start_2:
0x6a: {  	(tag) =	ssettag $0x2  }
0x6b: {  	s0 =	rddreg [dreg:$0x0];
	s2 =	stileid.u32  }
0x6c: {  	s1 =	rddreg [dreg:$0x1];
	p0 =	sne.s32 s2, $0x0  }
0x6d: {  	s3 =	rddreg [dreg:$0x2];
	[bflag:$0x3] =	sbarrier.arrive $0xFFFF;
	s2 =	simm.s32 @!p0 $0x1C02  }
0x6e: {  	[timem:s3], [sflag:s2] =	dma.local @!p0 [hbm:s0], s1  }
0x6f: {  	s0 =	simm.s32 @!p0 $0x2  }
0x70: {  	_ =	swait.ge @!p0 [sflag:s0], s1  }
0x71: {  	s1 =	ssub.s32 @!p0 $0x0, s1;
	[sflag:s0] =	ssyncset.done @!p0 $0x0  }
0x72: {  	[sflag:s0] =	ssyncadd.s32 @!p0 s1  }
0x73: {  	[bflag:$0x3] =	sbarrier.arrive $0xFFFF  }
0x74: {  	_ =	shalt  }

// kernel: kernel.30.cloned.1.call-start
scs
__scs_entry_jumppad:
0x0: {  	(pc) =	sbr.rel $0x88, $3  }
0x1: {  	(tag) =	ssettag $0x0;
	lr =	simm.s32 $0x1  }
0x2: {  	[smem:$0x3F97] =	sst lr;
	_ =	strace $0xD0000000  }
0x3: {  	_ = 	snop  }
0x4: {  	_ = 	snop  }
0x5: {  	_ = 	snop  }
0x6: {  	_ = 	snop  }
0x7: {  	_ = 	snop  }
__scs_overlays_trampoline_lowered:
0x8: {  	[smem:$0x3FA6] =	sst s0  }
0x9: {  	[smem:$0x3FA7] =	sst s1  }
0xa: {  	[smem:$0x3FA8] =	sst s2  }
0xb: {  	[smem:$0x3FA9] =	sst s3  }
0xc: {  	[smem:$0x3FAA] =	sst s4  }
0xd: {  	[smem:$0x3FAB] =	sst s5  }
0xe: {  	[smem:$0x3FAC] =	sst s6  }
0xf: {  	[smem:$0x3FAD] =	sst s7  }
0x10: {  	[smem:$0x3FAE] =	sst s8  }
0x11: {  	[smem:$0x3FAF] =	sst s9;
	s0 =	simm.s32 @!p0 $0x0  }
0x12: {  	s1 =	sld [smem:$0x3F95];
	s0 =	simm.s32 @p0 $0x1  }
0x13: {  	[smem:$0x3FB0] =	sst s0;
	s0 =	simm.s32 @!p1 $0x0  }
0x14: {  	s2 =	sld [smem:$0x3F94];
	s0 =	simm.s32 @p1 $0x1  }
0x15: {  	[smem:$0x3FB1] =	sst s0;
	s0 =	simm.s32 @!p2 $0x0  }
0x16: {  	s3 =	sld [smem:$0x3FDB];
	s0 =	simm.s32 @p2 $0x1  }
0x17: {  	s4 =	simm.s32 $0x1BF5;
	[smem:$0x3FB3] =	sst s0  }
0x18: {  	s0 =	sld [smem:$0x3F96];
	_ =	swait.ge [sflag:s4], $0x0  }
0x19: {  	s7 =	sld [smem:$0x3F97]  }
0x1a: {  	s8 =	sadd.s32 $0xFFFFE003, lr  }
0x1b: {  	s9 =	sadd.s32 $0xFFFFFEF7, lr;
	s5 =	simm.s32 $0xFFFFFFFF;
	p2 =	slt.u32 s8, $0xFFFFF086  }
0x1c: {  	p1 =	slt.u32 s9, $0xF7A;
	s5 =	simm.s32 @!p2 $0x0  }
0x1d: {  	s5 =	simm.s32 @p1 $0x1;
	p0 =	seq.s32 s7, s2  }
0x1e: {  	s7 =	smul.u32 @!p0 $0xF7A, s2;
	p2 =	seq.s32 @!p0 s5, $0x0  }
0x1f: {  	s9 =	smul.u32 $0xF7A, s1;
	s8 =	simm.s32 @!p0 $0x1BF5;
	p2 =	por !p2, p0  }
0x20: {  	[sflag:s8] =	ssyncset.s32 @!p0 $0xFFFFF086;
	s6 =	sadd.s32 @!p0 s3, s7;
	s7 =	simm.s32 @!p0 $0x108  }
0x21: {  	s3 =	sadd.s32 s3, s9;
	s6 =	sadd.s32 @!p0 $0x88, s6;
	s7 =	simm.s32 @p2 $0x1082  }
0x22: {  	[simem:s7], [sflag:s8] =	dma.local @!p0 [hbm:s6], $0xF7A  }
0x23: {  	s9 =	sor.u32 $0xD0000000, s2;
	s6 =	simm.s32 $0x108;
	_ =	swait.ge @!p0 [sflag:s8], $0x0  }
0x24: {  	s3 =	sadd.s32 $0x88, s3;
	s6 =	simm.s32 @!p1 $0x1082;
	[sflag:s4] =	ssyncset.s32 $0xFFFFF086  }
0x25: {  	[simem:s6], [sflag:s4] =	dma.local [hbm:s3], $0xF7A  }
0x26: {  	[smem:$0x3F97] =	sst s1;
	(tag) =	ssettag s2;
	_ =	strace s9  }
0x27: {  	s1 =	sld [smem:$0x3FA7]  }
0x28: {  	s2 =	sld [smem:$0x3FA8]  }
0x29: {  	s4 =	sld [smem:$0x3FAA]  }
0x2a: {  	p0 =	seq.s32 s5, $0x0;
	s5 =	sld [smem:$0x3FAB]  }
0x2b: {  	s6 =	sld [smem:$0x3FAC]  }
0x2c: {  	s7 =	sld [smem:$0x3FAD]  }
0x2d: {  	s3 =	simm.s32 $0x108;
	s8 =	sld [smem:$0x3FAE]  }
0x2e: {  	s3 =	simm.s32 @!p0 $0x1082;
	s9 =	sld [smem:$0x3FAF]  }
0x2f: {  	lr =	sadd.s32 s0, s3;
	s0 =	sld [smem:$0x3FA6]  }
0x30: {  	s3 =	sld [smem:$0x3FA9]  }
0x31: {  	[smem:$0x3FB2] =	sst s10  }
0x32: {  	s10 =	sld [smem:$0x3FB0];
	_ =	sdelay $0x3  }
0x33: {  	p0 =	seq.s32 s10, $0x1;
	s10 =	sld [smem:$0x3FB2];
	_ =	sdelay $0x3  }
0x34: {  	[smem:$0x3FB2] =	sst s10  }
0x35: {  	s10 =	sld [smem:$0x3FB1];
	_ =	sdelay $0x3  }
0x36: {  	p1 =	seq.s32 s10, $0x1;
	s10 =	sld [smem:$0x3FB2];
	_ =	sdelay $0x3  }
0x37: {  	[smem:$0x3FB2] =	sst s10  }
0x38: {  	s10 =	sld [smem:$0x3FB3]  }
0x39: {  	_ = 	snop;
	(pc) =	sbr.ind lr, $3  }
0x3a: {  	_ = 	snop  }
0x3b: {  	_ = 	snop  }
0x3c: {  	p2 =	seq.s32 s10, $0x1;
	s10 =	sld [smem:$0x3FB2]  }
0x3d: {  	_ =	shalt  }
0x3e: {  	_ =	shalt  }
0x3f: {  	_ =	shalt  }
0x40: {  	_ =	shalt  }
0x41: {  	_ =	shalt  }
0x42: {  	_ =	shalt  }
0x43: {  	_ =	shalt  }
0x44: {  	_ =	shalt  }
0x45: {  	_ =	shalt  }
0x46: {  	_ =	shalt  }
0x47: {  	_ =	shalt  }
0x48: {  	_ =	shalt  }
0x49: {  	_ =	shalt  }
0x4a: {  	_ =	shalt  }
0x4b: {  	_ =	shalt  }
0x4c: {  	_ =	shalt  }
0x4d: {  	_ =	shalt  }
0x4e: {  	_ =	shalt  }
0x4f: {  	_ =	shalt  }
0x50: {  	_ =	shalt  }
0x51: {  	_ =	shalt  }
0x52: {  	_ =	shalt  }
0x53: {  	_ =	shalt  }
0x54: {  	_ =	shalt  }
0x55: {  	_ =	shalt  }
0x56: {  	_ =	shalt  }
0x57: {  	_ =	shalt  }
0x58: {  	_ =	shalt  }
0x59: {  	_ =	shalt  }
0x5a: {  	_ =	shalt  }
0x5b: {  	_ =	shalt  }
0x5c: {  	_ =	shalt  }
0x5d: {  	_ =	shalt  }
0x5e: {  	_ =	shalt  }
0x5f: {  	_ =	shalt  }
0x60: {  	_ =	shalt  }
0x61: {  	_ =	shalt  }
0x62: {  	_ =	shalt  }
0x63: {  	_ =	shalt  }
0x64: {  	_ =	shalt  }
0x65: {  	_ =	shalt  }
0x66: {  	_ =	shalt  }
0x67: {  	_ =	shalt  }
0x68: {  	_ =	shalt  }
0x69: {  	_ =	shalt  }
0x6a: {  	_ =	shalt  }
0x6b: {  	_ =	shalt  }
0x6c: {  	_ =	shalt  }
0x6d: {  	_ =	shalt  }
0x6e: {  	_ =	shalt  }
0x6f: {  	_ =	shalt  }
0x70: {  	_ =	shalt  }
0x71: {  	_ =	shalt  }
0x72: {  	_ =	shalt  }
0x73: {  	_ =	shalt  }
0x74: {  	_ =	shalt  }
0x75: {  	_ =	shalt  }
0x76: {  	_ =	shalt  }
0x77: {  	_ =	shalt  }
0x78: {  	_ =	shalt  }
0x79: {  	_ =	shalt  }
0x7a: {  	_ =	shalt  }
0x7b: {  	_ =	shalt  }
0x7c: {  	_ =	shalt  }
0x7d: {  	_ =	shalt  }
0x7e: {  	_ =	shalt  }
0x7f: {  	_ =	shalt  }
0x80: {  	_ =	shalt  }
0x81: {  	_ =	shalt  }
0x82: {  	_ =	shalt  }
0x83: {  	_ =	shalt  }
0x84: {  	_ =	shalt  }
0x85: {  	_ =	shalt  }
0x86: {  	_ =	shalt  }
0x87: {  	_ =	shalt  }
.Lfunc_end0:
.L_simem_size_0:
called_computation.5_lowered:
.L_overlay_start_0:
0x88: {  	s2 =	sld [smem:$0x3FD9]  }
0x89: {  	s3 =	sld [smem:$0x3FFE];
	_ =	sdelay $0x1  }
0x8a: {  	s1 =	srdreg.scid  }
0x8b: {  	s0 =	sand.u32 $0x1, s1  }
0x8c: {  	s14 =	sshll.u32 s0, $0xA;
	s2 =	sadd.s32 s3, s2  }
0x8d: {  	s2 =	sadd.s32 s2, s14  }
0x8e: {  	[smem:$0x3FBE] =	sst s2  }
0x8f: {  	_ = 	snop  }
0x90: {  	s2 =	sld [smem:$0x3FD0];
	_ =	sdelay $0x2  }
0x91: {  	s15 =	simm.s32 $0xA;
	s4 =	simm.s32 $0x10  }
0x92: {  	[smem:s4], [sflag:s15] =	dma.local [hbm:s2], $0x1  }
0x93: {  	_ =	swait.eq [sflag:s15], $0x1  }
0x94: {  	[sflag:s15] =	ssyncset.done $0x0  }
0x95: {  	[sflag:s15] =	ssyncadd.s32 $0xFFFFFFFF  }
0x96: {  	s16 =	sld [smem:$0x10];
	(tm) =	ssettm $0x1  }
0x97: {  	s17 =	sld [smem:$0x3FFB];
	_ =	sdelay $0x3  }
0x98: {  	_ =	strace s17  }
0x99: {  	s3 =	sld [smem:$0x3FFC];
	_ =	sdelay $0x3  }
0x9a: {  	_ =	strace s3  }
0x9b: {  	s3 =	sld [smem:$0x3FFD];
	_ =	sdelay $0x3  }
0x9c: {  	_ =	strace s3  }
0x9d: {  	_ =	strace $0x8FFFFFFF  }
0x9e: {  	s18 =	sld [smem:$0x3FDB];
	_ =	sdelay $0x1  }
0x9f: {  	s19 =	simm.s32 $_scs_section_size  }
0xa0: {  	s5 =	simm.s32 $_size__tile_overlayer_lowered;
	s6 =	simm.s32 $_tile_overlayer_lowered  }
0xa1: {  	s22 =	simm.s32 $0x1BFF;
	s21 =	sshll.u32 s6, $0x1;
	s3 =	sadd.s32 s19, s18  }
0xa2: {  	s7 =	simm.s32 $0x0;
	s20 =	sshll.u32 s5, $0x1;
	s5 =	sadd.s32 s21, s3  }
0xa3: {  	[timem:s7], [sflag:s22] =	dma.local [hbm:s5], s20  }
0xa4: {  	_ =	swait.ge [sflag:s22], s20  }
0xa5: {  	s4 =	ssub.s32 $0x0, s20;
	[sflag:s22] =	ssyncset.done $0x0  }
0xa6: {  	[sflag:s22] =	ssyncadd.s32 s4;
	_ =	sdelay $0x1  }
0xa7: {  	s23 =	simm.s32 $0x1B8B  }
0xa8: {  	_ =	swait.ge [sflag:s23], $0x1  }
0xa9: {  	[sflag:s23] =	ssyncset.done $0x0  }
0xaa: {  	s25 =	simm.s32 $0x1B8E;
	s24 =	sld [smem:$0x3FFE];
	[sflag:s23] =	ssyncadd.s32 $0xFFFFFFFF  }
0xab: {  	s26 =	simm.s32 $execute0_lowered;
	[smem:$0x3FD2] =	sst s25  }
0xac: {  	s5 =	sshll.u32 s26, $0x1;
	_ =	strace $0x80000055;
	[dreg:$0x1] =	wrdreg $0xFFFFFFFF  }
0xad: {  	s28 =	simm.s32 $_size_execute0_lowered;
	s3 =	sadd.s32 s3, s5;
	[dreg:$0x0] =	wrdreg $0x0  }
0xae: {  	s5 =	sshll.u32 s28, $0x1;
	[dreg:$0x2] =	wrdreg s3  }
0xaf: {  	[dreg:$0x3] =	wrdreg s5  }
0xb0: {  	[dreg:$0x4] =	wrdreg $0xC0  }
0xb1: {  	_ =	task [dreg:s7], $0x5FFFF  }
0xb2: {  	[dreg:$0x1] =	wrdreg $0xFFFFFFFF  }
0xb3: {  	[dreg:$0x0] =	wrdreg $0x60  }
0xb4: {  	[dreg:$0x2] =	wrdreg s24  }
0xb5: {  	[dreg:$0x3] =	wrdreg s16  }
0xb6: {  	[dreg:$0x4] =	wrdreg $0x41800  }
0xb7: {  	[dreg:$0x5] =	wrdreg $0x9  }
0xb8: {  	_ =	task.clear_ibuf [dreg:s7], $0x6FFFF;
	_ =	strace $0x90000055  }
0xb9: {  	s29 =	simm.s32 $0x9;
	_ =	strace $0x80000057  }
0xba: {  	_ =	swait.ge [sflag:s29], $0x1  }
0xbb: {  	[sflag:s29] =	ssyncadd.s32 $0xFFFFFFFF  }
0xbc: {  	_ =	strace $0x90000057  }
0xbd: {  	_ =	sfence  }
0xbe: {  	s30 =	sld [smem:$0x0];
	_ =	sdelay $0x2  }
0xbf: {  	s31 =	sshll.u32 s1, $0xD;
	s1 =	sshrl.u32 s1, $0x2  }
0xc0: {  	s3 =	sand.u32 $0x4000, s31;
	s1 =	sadd.s32 s1, s30  }
0xc1: {  	s0 =	sor.u32 s3, s0;
	s1 =	sshll.u32 s1, $0x11  }
0xc2: {  	s0 =	sor.u32 s1, s0  }
0xc3: {  	s0 =	sadd.s32 $0x8F2B, s0  }
0xc4: {  	[sflag:s0] =	ssyncadd.remote.s32 $0x1  }
0xc5: {  	_ =	sfence.sel $0xFFFF  }
0xc6: {  	[dreg:$0x0] =	wrdreg $0xFFFFFFFF;
	(pc) =	sbr.abs _section_cstart, $3  }
0xc7: {  	[dreg:$0x1] =	wrdreg $0xFFFFFFFF  }
0xc8: {  	_ =	task.clear_ibuf [dreg:s7], $0x2FFFF;
	_ =	strace $0x9FFFFFFF  }
0xc9: {  	(tm) =	ssettm $0x7FFFFFFF  }
tec
execute0_lowered:
.L_overlay_start_1:
0x0: {  	(tag) =	ssettag $0x1  }
0x1: {  	s6 =	rddreg [dreg:$0x0]  }
0x2: {  	s9 =	rddreg [dreg:$0x1]  }
0x3: {  	s2 =	rddreg [dreg:$0x2]  }
0x4: {  	s0 =	rddreg [dreg:$0x3];
	s1 =	stileid.u32  }
0x5: {  	s4 =	srdreg.scid;
	s3 =	simm.s32 $0x0;
	s16 =	simm.s32 $0x180  }
0x6: {  	s17 =	simm.s32 $0x1;
	s10 =	smul.u32 $0x9D0, s1;
	s7 =	sand.u32 $0x1, s4  }
0x7: {  	[smem:$0x7FF] =	sst s3;
	s4 =	sadd.s32 $0x4600, s6;
	s11 =	smul.u32 $0x4E000, s1  }
0x8: {  	s5 =	sadd.s32 $0x3200, s6;
	s31 =	sshll.u32 s1, $0x6;
	s20 =	smul.u32 $0x2700, s1  }
0x9: {  	s15 =	sadd.s32 $0x138000, s2;
	p0 =	sne.s32 s1, $0xF;
	s8 =	smul.u32 $0x27100, s7  }
0xa: {  	_ =	strace $0x80000056;
	s13 =	ssub.s32 $0x2, s7;
	s18 =	smul.u32 $0x2710, s7  }
0xb: {  	s12 =	sadd.s32 s10, s6;
	s30 =	sshrl.u32 s13, $0x1;
	s11 =	sshrl.u32 s11, $0x2  }
0xc: {  	s9 =	sadd.s32 s10, s9;
	s8 =	sadd.s32 s8, s6;
	s11 =	sadd.s32 s11, s2  }
0xd: {  	s13 =	ssub.s32 s13, s30;
	s6 =	sor.u32 $0x1C02, s31;
	s14 =	sadd.s32 $0x9C00, s11  }
0xe: {  	s19 =	sadd.s32 $0x1BC000, s8;
	s7 =	smax.u32 s13, $0x1;
	s8 =	sadd.s32 $0x79A00, s12  }
0xf: {  	s10 =	sshrl.u32 s11, $0x3;
	s11 =	simm.s32 $0x2;
	s13 =	sshrl.u32 @!p0 s15, $0x3  }
0x10: {  	s15 =	simm.s32 $0x100;
	s12 =	sshrl.u32 s14, $0x3;
	s14 =	simm.s32 $0x80  }
0x11: {  	v0 =	vmov s18;
	s18 =	sadd.s32 s20, s19;
	s19 =	sadd.s32 @!p0 $0x27000, s19;
	s20 =	simm.s32 $0x0  }
.LBB2_1:
0x12: {  	[spmem:s10], [sflag:s6] =	dma.local [hbm:s5], $0x1380  }
0x13: {  	_ =	swait.ge [sflag:s11], $0x1380  }
0x14: {  	[sflag:s11] =	ssyncset.done $0x0  }
0x15: {  	[sflag:s11] =	ssyncadd.s32 $0xFFFFEC80  }
0x16: {  	[spmem:s12], [sflag:s6] =	dma.local [hbm:s5], $0x1380  }
0x17: {  	_ =	swait.ge [sflag:s11], $0x1380  }
0x18: {  	[sflag:s11] =	ssyncset.done $0x0  }
0x19: {  	s21 =	simm.s32 @!p0 $0x2;
	[sflag:s11] =	ssyncadd.s32 $0xFFFFEC80  }
0x1a: {  	[spmem:s13], [sflag:s6] =	dma.local @!p0 [hbm:s5], $0x200  }
0x1b: {  	_ =	swait.ge @!p0 [sflag:s21], $0x200  }
0x1c: {  	[sflag:s21] =	ssyncset.done @!p0 $0x0  }
0x1d: {  	[sflag:s21] =	ssyncadd.s32 @!p0 $0xFFFFFE00  }
0x1e: {  	s30 =	sadd.s32 $0x0, s9;
	[bflag:$0x0] =	sbarrier.arrive $0xFFFF  }
0x1f: {  	[tilespmem:s3], [sflag:$0x2] =	stream.linear.gather [hbm4b:s30+s3], $0x80, $0x38;
	[tilespmem:$0x17A80] =	vst v63  }
0x20: {  	_ =	swait.ge [sflag:s11], $0x80  }
0x21: {  	[sflag:s11] =	ssyncset.done $0x0  }
0x22: {  	s31 =	sadd.s32 $0x0, s8;
	[sflag:s11] =	ssyncadd.s32 $0xFFFFFF80  }
0x23: {  	[tilespmem:s14], [sflag:$0x2] =	stream.linear.gather [hbm4b:s31+s3], $0x80, $0x38;
	[tilespmem:$0x17A80] =	vst v63  }
0x24: {  	_ =	swait.ge [sflag:s11], $0x80  }
0x25: {  	[sflag:s11] =	ssyncset.done $0x0  }
0x26: {  	[sflag:s11] =	ssyncadd.s32 $0xFFFFFF80  }
0x27: {  	v1 =	vld [tilespmem:$0x70]  }
0x28: {  	v2 =	vld [tilespmem:$0x30]  }
0x29: {  	v3 =	vld [tilespmem:$0x50]  }
0x2a: {  	v5 =	vld [tilespmem:$0x20]  }
0x2b: {  	v4 =	vld [tilespmem:$0x60]  }
0x2c: {  	v6 =	vld [tilespmem:$0x10];
	v1 =	vadd.s32 v0, v1  }
0x2d: {  	v7 =	vld [tilespmem:$0x40];
	v2 =	vadd.s32 v0, v2;
	[tilespmem:$0x170] =	vst v1  }
0x2e: {  	v1 =	vld [tilespmem:$0x0];
	[tilespmem:$0x130] =	vst v2;
	v2 =	vadd.s32 v0, v3  }
0x2f: {  	v3 =	vadd.s32 v0, v5;
	[tilespmem:$0x150] =	vst v2  }
0x30: {  	v2 =	vadd.s32 v0, v4;
	[tilespmem:$0x120] =	vst v3  }
0x31: {  	[tilespmem:$0x160] =	vst v2;
	v2 =	vadd.s32 v0, v6  }
0x32: {  	[tilespmem:$0x110] =	vst v2;
	v2 =	vadd.s32 v0, v7  }
0x33: {  	[tilespmem:$0x140] =	vst v2;
	v1 =	vadd.s32 v0, v1  }
0x34: {  	s21 =	simm.s32 $0x10;
	[tilespmem:$0x100] =	vst v1  }
.LBB2_2:
0x35: {  	[tilespmem:s16], [sflag:$0x1] =	stream.indirect.gather [hbm4b:s4+s14], $0x80, s15, s14, $0xb8;
	[tilespmem:$0x17A80] =	vst v63  }
0x36: {  	s22 =	smov.u32 s21  }
0x37: {  	p1 =	sne.s32 s21, $0x9C0;
	s21 =	sadd.s32 $0x10, s21;
	_ =	swait.ge [sflag:s17], $0x4000  }
0x38: {  	[sflag:s17] =	ssyncset.done $0x0  }
0x39: {  	[sflag:s17] =	ssyncadd.s32 $0xFFFFC000  }
0x3a: {  	[spmem:s2] =	stream.indirect.scatter.add.f32 [tilespmem:s16], [sflag:$0x2], $0x80, s14, s14, $0xb8;
	[tilespmem:$0x17A80] =	vst v63  }
0x3b: {  	_ =	swait.ge [sflag:s11], $0x4000  }
0x3c: {  	[sflag:s11] =	ssyncset.done $0x0  }
0x3d: {  	s23 =	sadd.s32 s22, s9;
	[sflag:s11] =	ssyncadd.s32 $0xFFFFC000  }
0x3e: {  	[tilespmem:s3], [sflag:$0x2] =	stream.linear.gather [hbm4b:s23+s3], $0x80, $0x38;
	[tilespmem:$0x17A80] =	vst v63  }
0x3f: {  	_ =	swait.ge [sflag:s11], $0x80  }
0x40: {  	[sflag:s11] =	ssyncset.done $0x0  }
0x41: {  	s22 =	sadd.s32 s22, s8;
	[sflag:s11] =	ssyncadd.s32 $0xFFFFFF80  }
0x42: {  	[tilespmem:s14], [sflag:$0x2] =	stream.linear.gather [hbm4b:s22+s3], $0x80, $0x38;
	[tilespmem:$0x17A80] =	vst v63  }
0x43: {  	_ =	swait.ge [sflag:s11], $0x80  }
0x44: {  	[sflag:s11] =	ssyncset.done $0x0  }
0x45: {  	[sflag:s11] =	ssyncadd.s32 $0xFFFFFF80  }
0x46: {  	v1 =	vld [tilespmem:$0x70]  }
0x47: {  	v2 =	vld [tilespmem:$0x30]  }
0x48: {  	v3 =	vld [tilespmem:$0x50]  }
0x49: {  	v4 =	vld [tilespmem:$0x60]  }
0x4a: {  	v5 =	vld [tilespmem:$0x20]  }
0x4b: {  	v6 =	vld [tilespmem:$0x10];
	v1 =	vadd.s32 v0, v1  }
0x4c: {  	v2 =	vadd.s32 v0, v2;
	v7 =	vld [tilespmem:$0x40];
	[tilespmem:$0x170] =	vst v1  }
0x4d: {  	v1 =	vld [tilespmem:$0x0];
	[tilespmem:$0x130] =	vst v2;
	v2 =	vadd.s32 v0, v3  }
0x4e: {  	[tilespmem:$0x150] =	vst v2;
	v2 =	vadd.s32 v0, v4  }
.Ltmp0:
0x4f: {  	v3 =	vadd.s32 v0, v5;
	[tilespmem:$0x160] =	vst v2;
	(pc) =	sbr.rel @p1 .LBB2_2-.Ltmp0, $4  }
0x50: {  	v2 =	vadd.s32 v0, v6;
	[tilespmem:$0x120] =	vst v3  }
0x51: {  	[tilespmem:$0x110] =	vst v2;
	v2 =	vadd.s32 v0, v7  }
0x52: {  	v1 =	vadd.s32 v0, v1;
	[tilespmem:$0x140] =	vst v2  }
0x53: {  	[tilespmem:$0x100] =	vst v1  }
0x54: {  	[tilespmem:s16], [sflag:$0x1] =	stream.indirect.gather [hbm4b:s4+s14], $0x80, s15, s14, $0xb8;
	[tilespmem:$0x17A80] =	vst v63  }
0x55: {  	_ =	swait.ge [sflag:s17], $0x4000  }
0x56: {  	[sflag:s17] =	ssyncset.done $0x0  }
0x57: {  	[sflag:s17] =	ssyncadd.s32 $0xFFFFC000  }
0x58: {  	[spmem:s2] =	stream.indirect.scatter.add.f32 [tilespmem:s16], [sflag:$0x2], $0x80, s14, s14, $0xb8;
	[tilespmem:$0x17A80] =	vst v63  }
0x59: {  	_ =	swait.ge [sflag:s11], $0x4000  }
0x5a: {  	[sflag:s11] =	ssyncset.done $0x0  }
0x5b: {  	[sflag:s11] =	ssyncadd.s32 $0xFFFFC000  }
0x5c: {  	[bflag:$0x0] =	sbarrier.arrive $0xFFFF  }
0x5d: {  	[hbm:s18], [sflag:s6] =	dma.local [spmem:s10], $0x2700  }
0x5e: {  	s20 =	sadd.s32 $0x1, s20;
	_ =	swait.ge [sflag:s11], $0x2700  }
0x5f: {  	p1 =	sne.s32 s20, s7;
	[sflag:s11] =	ssyncset.done $0x0  }
.Ltmp1:
0x60: {  	s21 =	simm.s32 @!p0 $0x2;
	[sflag:s11] =	ssyncadd.s32 $0xFFFFD900;
	(pc) =	sbr.rel @p1 .LBB2_1-.Ltmp1, $4  }
0x61: {  	[hbm:s19], [sflag:s6] =	dma.local @!p0 [spmem:s13], $0x100  }
0x62: {  	_ =	swait.ge @!p0 [sflag:s21], $0x100  }
0x63: {  	[sflag:s21] =	ssyncset.done @!p0 $0x0  }
0x64: {  	[sflag:s21] =	ssyncadd.s32 @!p0 $0xFFFFFF00  }
0x65: {  	_ =	sfence.sel $0x180000  }
0x66: {  	[bflag:$0x0] =	sbarrier.arrive $0xFFFF  }
0x67: {  	p0 =	sne.s32 s1, $0x0;
	_ =	strace $0x90000056  }
0x68: {  	s0 =	sadd.s32 @!p0 $0x100000, s0;
	[bflag:$0x2] =	sbarrier.arrive $0xFFFF  }
0x69: {  	[sflag:s0] =	ssyncadd.tile.s32 @!p0 $0x1;
	_ =	shalt  }
.Lfunc_end2:
_tile_overlayer_lowered:
.L_overlay_start_2:
0x6a: {  	(tag) =	ssettag $0x2  }
0x6b: {  	s0 =	rddreg [dreg:$0x0];
	s2 =	stileid.u32  }
0x6c: {  	s1 =	rddreg [dreg:$0x1];
	p0 =	sne.s32 s2, $0x0  }
0x6d: {  	s3 =	rddreg [dreg:$0x2];
	[bflag:$0x3] =	sbarrier.arrive $0xFFFF;
	s2 =	simm.s32 @!p0 $0x1C02  }
0x6e: {  	[timem:s3], [sflag:s2] =	dma.local @!p0 [hbm:s0], s1  }
0x6f: {  	s0 =	simm.s32 @!p0 $0x2  }
0x70: {  	_ =	swait.ge @!p0 [sflag:s0], s1  }
0x71: {  	s1 =	ssub.s32 @!p0 $0x0, s1;
	[sflag:s0] =	ssyncset.done @!p0 $0x0  }
0x72: {  	[sflag:s0] =	ssyncadd.s32 @!p0 s1  }
0x73: {  	[bflag:$0x3] =	sbarrier.arrive $0xFFFF  }
0x74: {  	_ =	shalt  }

// kernel: kernel.33.cloned.1.call-start
scs
__scs_entry_jumppad:
0x0: {  	(pc) =	sbr.rel $0x88, $3  }
0x1: {  	(tag) =	ssettag $0x0;
	lr =	simm.s32 $0x1  }
0x2: {  	[smem:$0x3F97] =	sst lr;
	_ =	strace $0xD0000000  }
0x3: {  	_ = 	snop  }
0x4: {  	_ = 	snop  }
0x5: {  	_ = 	snop  }
0x6: {  	_ = 	snop  }
0x7: {  	_ = 	snop  }
__scs_overlays_trampoline_lowered:
0x8: {  	[smem:$0x3FA6] =	sst s0  }
0x9: {  	[smem:$0x3FA7] =	sst s1  }
0xa: {  	[smem:$0x3FA8] =	sst s2  }
0xb: {  	[smem:$0x3FA9] =	sst s3  }
0xc: {  	[smem:$0x3FAA] =	sst s4  }
0xd: {  	[smem:$0x3FAB] =	sst s5  }
0xe: {  	[smem:$0x3FAC] =	sst s6  }
0xf: {  	[smem:$0x3FAD] =	sst s7  }
0x10: {  	[smem:$0x3FAE] =	sst s8  }
0x11: {  	[smem:$0x3FAF] =	sst s9;
	s0 =	simm.s32 @!p0 $0x0  }
0x12: {  	s1 =	sld [smem:$0x3F95];
	s0 =	simm.s32 @p0 $0x1  }
0x13: {  	[smem:$0x3FB0] =	sst s0;
	s0 =	simm.s32 @!p1 $0x0  }
0x14: {  	s2 =	sld [smem:$0x3F94];
	s0 =	simm.s32 @p1 $0x1  }
0x15: {  	[smem:$0x3FB1] =	sst s0;
	s0 =	simm.s32 @!p2 $0x0  }
0x16: {  	s3 =	sld [smem:$0x3FDB];
	s0 =	simm.s32 @p2 $0x1  }
0x17: {  	s4 =	simm.s32 $0x1BF5;
	[smem:$0x3FB3] =	sst s0  }
0x18: {  	s0 =	sld [smem:$0x3F96];
	_ =	swait.ge [sflag:s4], $0x0  }
0x19: {  	s7 =	sld [smem:$0x3F97]  }
0x1a: {  	s8 =	sadd.s32 $0xFFFFE003, lr  }
0x1b: {  	s9 =	sadd.s32 $0xFFFFFEF7, lr;
	s5 =	simm.s32 $0xFFFFFFFF;
	p2 =	slt.u32 s8, $0xFFFFF086  }
0x1c: {  	p1 =	slt.u32 s9, $0xF7A;
	s5 =	simm.s32 @!p2 $0x0  }
0x1d: {  	s5 =	simm.s32 @p1 $0x1;
	p0 =	seq.s32 s7, s2  }
0x1e: {  	s7 =	smul.u32 @!p0 $0xF7A, s2;
	p2 =	seq.s32 @!p0 s5, $0x0  }
0x1f: {  	s9 =	smul.u32 $0xF7A, s1;
	s8 =	simm.s32 @!p0 $0x1BF5;
	p2 =	por !p2, p0  }
0x20: {  	[sflag:s8] =	ssyncset.s32 @!p0 $0xFFFFF086;
	s6 =	sadd.s32 @!p0 s3, s7;
	s7 =	simm.s32 @!p0 $0x108  }
0x21: {  	s3 =	sadd.s32 s3, s9;
	s6 =	sadd.s32 @!p0 $0x88, s6;
	s7 =	simm.s32 @p2 $0x1082  }
0x22: {  	[simem:s7], [sflag:s8] =	dma.local @!p0 [hbm:s6], $0xF7A  }
0x23: {  	s9 =	sor.u32 $0xD0000000, s2;
	s6 =	simm.s32 $0x108;
	_ =	swait.ge @!p0 [sflag:s8], $0x0  }
0x24: {  	s3 =	sadd.s32 $0x88, s3;
	s6 =	simm.s32 @!p1 $0x1082;
	[sflag:s4] =	ssyncset.s32 $0xFFFFF086  }
0x25: {  	[simem:s6], [sflag:s4] =	dma.local [hbm:s3], $0xF7A  }
0x26: {  	[smem:$0x3F97] =	sst s1;
	(tag) =	ssettag s2;
	_ =	strace s9  }
0x27: {  	s1 =	sld [smem:$0x3FA7]  }
0x28: {  	s2 =	sld [smem:$0x3FA8]  }
0x29: {  	s4 =	sld [smem:$0x3FAA]  }
0x2a: {  	p0 =	seq.s32 s5, $0x0;
	s5 =	sld [smem:$0x3FAB]  }
0x2b: {  	s6 =	sld [smem:$0x3FAC]  }
0x2c: {  	s7 =	sld [smem:$0x3FAD]  }
0x2d: {  	s3 =	simm.s32 $0x108;
	s8 =	sld [smem:$0x3FAE]  }
0x2e: {  	s3 =	simm.s32 @!p0 $0x1082;
	s9 =	sld [smem:$0x3FAF]  }
0x2f: {  	lr =	sadd.s32 s0, s3;
	s0 =	sld [smem:$0x3FA6]  }
0x30: {  	s3 =	sld [smem:$0x3FA9]  }
0x31: {  	[smem:$0x3FB2] =	sst s10  }
0x32: {  	s10 =	sld [smem:$0x3FB0];
	_ =	sdelay $0x3  }
0x33: {  	p0 =	seq.s32 s10, $0x1;
	s10 =	sld [smem:$0x3FB2];
	_ =	sdelay $0x3  }
0x34: {  	[smem:$0x3FB2] =	sst s10  }
0x35: {  	s10 =	sld [smem:$0x3FB1];
	_ =	sdelay $0x3  }
0x36: {  	p1 =	seq.s32 s10, $0x1;
	s10 =	sld [smem:$0x3FB2];
	_ =	sdelay $0x3  }
0x37: {  	[smem:$0x3FB2] =	sst s10  }
0x38: {  	s10 =	sld [smem:$0x3FB3]  }
0x39: {  	_ = 	snop;
	(pc) =	sbr.ind lr, $3  }
0x3a: {  	_ = 	snop  }
0x3b: {  	_ = 	snop  }
0x3c: {  	p2 =	seq.s32 s10, $0x1;
	s10 =	sld [smem:$0x3FB2]  }
0x3d: {  	_ =	shalt  }
0x3e: {  	_ =	shalt  }
0x3f: {  	_ =	shalt  }
0x40: {  	_ =	shalt  }
0x41: {  	_ =	shalt  }
0x42: {  	_ =	shalt  }
0x43: {  	_ =	shalt  }
0x44: {  	_ =	shalt  }
0x45: {  	_ =	shalt  }
0x46: {  	_ =	shalt  }
0x47: {  	_ =	shalt  }
0x48: {  	_ =	shalt  }
0x49: {  	_ =	shalt  }
0x4a: {  	_ =	shalt  }
0x4b: {  	_ =	shalt  }
0x4c: {  	_ =	shalt  }
0x4d: {  	_ =	shalt  }
0x4e: {  	_ =	shalt  }
0x4f: {  	_ =	shalt  }
0x50: {  	_ =	shalt  }
0x51: {  	_ =	shalt  }
0x52: {  	_ =	shalt  }
0x53: {  	_ =	shalt  }
0x54: {  	_ =	shalt  }
0x55: {  	_ =	shalt  }
0x56: {  	_ =	shalt  }
0x57: {  	_ =	shalt  }
0x58: {  	_ =	shalt  }
0x59: {  	_ =	shalt  }
0x5a: {  	_ =	shalt  }
0x5b: {  	_ =	shalt  }
0x5c: {  	_ =	shalt  }
0x5d: {  	_ =	shalt  }
0x5e: {  	_ =	shalt  }
0x5f: {  	_ =	shalt  }
0x60: {  	_ =	shalt  }
0x61: {  	_ =	shalt  }
0x62: {  	_ =	shalt  }
0x63: {  	_ =	shalt  }
0x64: {  	_ =	shalt  }
0x65: {  	_ =	shalt  }
0x66: {  	_ =	shalt  }
0x67: {  	_ =	shalt  }
0x68: {  	_ =	shalt  }
0x69: {  	_ =	shalt  }
0x6a: {  	_ =	shalt  }
0x6b: {  	_ =	shalt  }
0x6c: {  	_ =	shalt  }
0x6d: {  	_ =	shalt  }
0x6e: {  	_ =	shalt  }
0x6f: {  	_ =	shalt  }
0x70: {  	_ =	shalt  }
0x71: {  	_ =	shalt  }
0x72: {  	_ =	shalt  }
0x73: {  	_ =	shalt  }
0x74: {  	_ =	shalt  }
0x75: {  	_ =	shalt  }
0x76: {  	_ =	shalt  }
0x77: {  	_ =	shalt  }
0x78: {  	_ =	shalt  }
0x79: {  	_ =	shalt  }
0x7a: {  	_ =	shalt  }
0x7b: {  	_ =	shalt  }
0x7c: {  	_ =	shalt  }
0x7d: {  	_ =	shalt  }
0x7e: {  	_ =	shalt  }
0x7f: {  	_ =	shalt  }
0x80: {  	_ =	shalt  }
0x81: {  	_ =	shalt  }
0x82: {  	_ =	shalt  }
0x83: {  	_ =	shalt  }
0x84: {  	_ =	shalt  }
0x85: {  	_ =	shalt  }
0x86: {  	_ =	shalt  }
0x87: {  	_ =	shalt  }
.Lfunc_end0:
.L_simem_size_0:
called_computation.6_lowered:
.L_overlay_start_0:
0x88: {  	s2 =	sld [smem:$0x3FD9]  }
0x89: {  	s3 =	sld [smem:$0x3FFE];
	_ =	sdelay $0x1  }
0x8a: {  	s1 =	srdreg.scid  }
0x8b: {  	s0 =	sand.u32 $0x1, s1  }
0x8c: {  	s14 =	sshll.u32 s0, $0xA;
	s2 =	sadd.s32 s3, s2  }
0x8d: {  	s2 =	sadd.s32 s2, s14  }
0x8e: {  	[smem:$0x3FBE] =	sst s2  }
0x8f: {  	_ = 	snop  }
0x90: {  	s2 =	sld [smem:$0x3FD0];
	_ =	sdelay $0x2  }
0x91: {  	s15 =	simm.s32 $0xA;
	s4 =	simm.s32 $0x10  }
0x92: {  	[smem:s4], [sflag:s15] =	dma.local [hbm:s2], $0x1  }
0x93: {  	_ =	swait.eq [sflag:s15], $0x1  }
0x94: {  	[sflag:s15] =	ssyncset.done $0x0  }
0x95: {  	[sflag:s15] =	ssyncadd.s32 $0xFFFFFFFF  }
0x96: {  	s16 =	sld [smem:$0x10];
	(tm) =	ssettm $0x1  }
0x97: {  	s17 =	sld [smem:$0x3FFB];
	_ =	sdelay $0x3  }
0x98: {  	_ =	strace s17  }
0x99: {  	s3 =	sld [smem:$0x3FFC];
	_ =	sdelay $0x3  }
0x9a: {  	_ =	strace s3  }
0x9b: {  	s3 =	sld [smem:$0x3FFD];
	_ =	sdelay $0x3  }
0x9c: {  	_ =	strace s3  }
0x9d: {  	_ =	strace $0x8FFFFFFF  }
0x9e: {  	s18 =	sld [smem:$0x3FDB];
	_ =	sdelay $0x1  }
0x9f: {  	s19 =	simm.s32 $_scs_section_size  }
0xa0: {  	s5 =	simm.s32 $_size__tile_overlayer_lowered;
	s6 =	simm.s32 $_tile_overlayer_lowered  }
0xa1: {  	s22 =	simm.s32 $0x1BFF;
	s21 =	sshll.u32 s6, $0x1;
	s3 =	sadd.s32 s19, s18  }
0xa2: {  	s7 =	simm.s32 $0x0;
	s20 =	sshll.u32 s5, $0x1;
	s5 =	sadd.s32 s21, s3  }
0xa3: {  	[timem:s7], [sflag:s22] =	dma.local [hbm:s5], s20  }
0xa4: {  	_ =	swait.ge [sflag:s22], s20  }
0xa5: {  	s4 =	ssub.s32 $0x0, s20;
	[sflag:s22] =	ssyncset.done $0x0  }
0xa6: {  	[sflag:s22] =	ssyncadd.s32 s4;
	_ =	sdelay $0x1  }
0xa7: {  	s23 =	simm.s32 $0x1B8B  }
0xa8: {  	_ =	swait.ge [sflag:s23], $0x1  }
0xa9: {  	[sflag:s23] =	ssyncset.done $0x0  }
0xaa: {  	s25 =	simm.s32 $0x1B8E;
	s24 =	sld [smem:$0x3FFE];
	[sflag:s23] =	ssyncadd.s32 $0xFFFFFFFF  }
0xab: {  	s26 =	simm.s32 $execute0_lowered;
	[smem:$0x3FD2] =	sst s25  }
0xac: {  	s5 =	sshll.u32 s26, $0x1;
	_ =	strace $0x80000058;
	[dreg:$0x1] =	wrdreg $0xFFFFFFFF  }
0xad: {  	s28 =	simm.s32 $_size_execute0_lowered;
	s3 =	sadd.s32 s3, s5;
	[dreg:$0x0] =	wrdreg $0x0  }
0xae: {  	s5 =	sshll.u32 s28, $0x1;
	[dreg:$0x2] =	wrdreg s3  }
0xaf: {  	[dreg:$0x3] =	wrdreg s5  }
0xb0: {  	[dreg:$0x4] =	wrdreg $0xC0  }
0xb1: {  	_ =	task [dreg:s7], $0x5FFFF  }
0xb2: {  	[dreg:$0x1] =	wrdreg $0xFFFFFFFF  }
0xb3: {  	[dreg:$0x0] =	wrdreg $0x60  }
0xb4: {  	[dreg:$0x2] =	wrdreg s24  }
0xb5: {  	[dreg:$0x3] =	wrdreg s16  }
0xb6: {  	[dreg:$0x4] =	wrdreg $0x41800  }
0xb7: {  	[dreg:$0x5] =	wrdreg $0x9  }
0xb8: {  	_ =	task.clear_ibuf [dreg:s7], $0x6FFFF;
	_ =	strace $0x90000058  }
0xb9: {  	s29 =	simm.s32 $0x9;
	_ =	strace $0x8000005A  }
0xba: {  	_ =	swait.ge [sflag:s29], $0x1  }
0xbb: {  	[sflag:s29] =	ssyncadd.s32 $0xFFFFFFFF  }
0xbc: {  	_ =	strace $0x9000005A  }
0xbd: {  	_ =	sfence  }
0xbe: {  	s30 =	sld [smem:$0x0];
	_ =	sdelay $0x2  }
0xbf: {  	s31 =	sshll.u32 s1, $0xD;
	s1 =	sshrl.u32 s1, $0x2  }
0xc0: {  	s3 =	sand.u32 $0x4000, s31;
	s1 =	sadd.s32 s1, s30  }
0xc1: {  	s0 =	sor.u32 s3, s0;
	s1 =	sshll.u32 s1, $0x11  }
0xc2: {  	s0 =	sor.u32 s1, s0  }
0xc3: {  	s0 =	sadd.s32 $0x8F2B, s0  }
0xc4: {  	[sflag:s0] =	ssyncadd.remote.s32 $0x1  }
0xc5: {  	_ =	sfence.sel $0xFFFF  }
0xc6: {  	[dreg:$0x0] =	wrdreg $0xFFFFFFFF;
	(pc) =	sbr.abs _section_cstart, $3  }
0xc7: {  	[dreg:$0x1] =	wrdreg $0xFFFFFFFF  }
0xc8: {  	_ =	task.clear_ibuf [dreg:s7], $0x2FFFF;
	_ =	strace $0x9FFFFFFF  }
0xc9: {  	(tm) =	ssettm $0x7FFFFFFF  }
tec
execute0_lowered:
.L_overlay_start_1:
0x0: {  	(tag) =	ssettag $0x1  }
0x1: {  	s6 =	rddreg [dreg:$0x0]  }
0x2: {  	s9 =	rddreg [dreg:$0x1]  }
0x3: {  	s2 =	rddreg [dreg:$0x2]  }
0x4: {  	s0 =	rddreg [dreg:$0x3];
	s1 =	stileid.u32  }
0x5: {  	s4 =	srdreg.scid;
	s3 =	simm.s32 $0x0;
	s16 =	simm.s32 $0x180  }
0x6: {  	s17 =	simm.s32 $0x1;
	s10 =	smul.u32 $0x9D0, s1;
	s7 =	sand.u32 $0x1, s4  }
0x7: {  	[smem:$0x7FF] =	sst s3;
	s4 =	sadd.s32 $0x4600, s6;
	s11 =	smul.u32 $0x4E000, s1  }
0x8: {  	s5 =	sadd.s32 $0x3200, s6;
	s31 =	sshll.u32 s1, $0x6;
	s20 =	smul.u32 $0x2700, s1  }
0x9: {  	s15 =	sadd.s32 $0x138000, s2;
	p0 =	sne.s32 s1, $0xF;
	s8 =	smul.u32 $0x27100, s7  }
0xa: {  	_ =	strace $0x80000059;
	s13 =	ssub.s32 $0x2, s7;
	s18 =	smul.u32 $0x2710, s7  }
0xb: {  	s12 =	sadd.s32 s10, s6;
	s30 =	sshrl.u32 s13, $0x1;
	s11 =	sshrl.u32 s11, $0x2  }
0xc: {  	s9 =	sadd.s32 s10, s9;
	s8 =	sadd.s32 s8, s6;
	s11 =	sadd.s32 s11, s2  }
0xd: {  	s13 =	ssub.s32 s13, s30;
	s6 =	sor.u32 $0x1C02, s31;
	s14 =	sadd.s32 $0x9C00, s11  }
0xe: {  	s19 =	sadd.s32 $0x1BC000, s8;
	s7 =	smax.u32 s13, $0x1;
	s8 =	sadd.s32 $0x79A00, s12  }
0xf: {  	s10 =	sshrl.u32 s11, $0x3;
	s11 =	simm.s32 $0x2;
	s13 =	sshrl.u32 @!p0 s15, $0x3  }
0x10: {  	s15 =	simm.s32 $0x100;
	s12 =	sshrl.u32 s14, $0x3;
	s14 =	simm.s32 $0x80  }
0x11: {  	v0 =	vmov s18;
	s18 =	sadd.s32 s20, s19;
	s19 =	sadd.s32 @!p0 $0x27000, s19;
	s20 =	simm.s32 $0x0  }
.LBB2_1:
0x12: {  	[spmem:s10], [sflag:s6] =	dma.local [hbm:s5], $0x1380  }
0x13: {  	_ =	swait.ge [sflag:s11], $0x1380  }
0x14: {  	[sflag:s11] =	ssyncset.done $0x0  }
0x15: {  	[sflag:s11] =	ssyncadd.s32 $0xFFFFEC80  }
0x16: {  	[spmem:s12], [sflag:s6] =	dma.local [hbm:s5], $0x1380  }
0x17: {  	_ =	swait.ge [sflag:s11], $0x1380  }
0x18: {  	[sflag:s11] =	ssyncset.done $0x0  }
0x19: {  	s21 =	simm.s32 @!p0 $0x2;
	[sflag:s11] =	ssyncadd.s32 $0xFFFFEC80  }
0x1a: {  	[spmem:s13], [sflag:s6] =	dma.local @!p0 [hbm:s5], $0x200  }
0x1b: {  	_ =	swait.ge @!p0 [sflag:s21], $0x200  }
0x1c: {  	[sflag:s21] =	ssyncset.done @!p0 $0x0  }
0x1d: {  	[sflag:s21] =	ssyncadd.s32 @!p0 $0xFFFFFE00  }
0x1e: {  	s30 =	sadd.s32 $0x0, s9;
	[bflag:$0x0] =	sbarrier.arrive $0xFFFF  }
0x1f: {  	[tilespmem:s3], [sflag:$0x2] =	stream.linear.gather [hbm4b:s30+s3], $0x80, $0x38;
	[tilespmem:$0x17A80] =	vst v63  }
0x20: {  	_ =	swait.ge [sflag:s11], $0x80  }
0x21: {  	[sflag:s11] =	ssyncset.done $0x0  }
0x22: {  	s31 =	sadd.s32 $0x0, s8;
	[sflag:s11] =	ssyncadd.s32 $0xFFFFFF80  }
0x23: {  	[tilespmem:s14], [sflag:$0x2] =	stream.linear.gather [hbm4b:s31+s3], $0x80, $0x38;
	[tilespmem:$0x17A80] =	vst v63  }
0x24: {  	_ =	swait.ge [sflag:s11], $0x80  }
0x25: {  	[sflag:s11] =	ssyncset.done $0x0  }
0x26: {  	[sflag:s11] =	ssyncadd.s32 $0xFFFFFF80  }
0x27: {  	v1 =	vld [tilespmem:$0x70]  }
0x28: {  	v2 =	vld [tilespmem:$0x30]  }
0x29: {  	v3 =	vld [tilespmem:$0x50]  }
0x2a: {  	v5 =	vld [tilespmem:$0x20]  }
0x2b: {  	v4 =	vld [tilespmem:$0x60]  }
0x2c: {  	v6 =	vld [tilespmem:$0x10];
	v1 =	vadd.s32 v0, v1  }
0x2d: {  	v7 =	vld [tilespmem:$0x40];
	v2 =	vadd.s32 v0, v2;
	[tilespmem:$0x170] =	vst v1  }
0x2e: {  	v1 =	vld [tilespmem:$0x0];
	[tilespmem:$0x130] =	vst v2;
	v2 =	vadd.s32 v0, v3  }
0x2f: {  	v3 =	vadd.s32 v0, v5;
	[tilespmem:$0x150] =	vst v2  }
0x30: {  	v2 =	vadd.s32 v0, v4;
	[tilespmem:$0x120] =	vst v3  }
0x31: {  	[tilespmem:$0x160] =	vst v2;
	v2 =	vadd.s32 v0, v6  }
0x32: {  	[tilespmem:$0x110] =	vst v2;
	v2 =	vadd.s32 v0, v7  }
0x33: {  	[tilespmem:$0x140] =	vst v2;
	v1 =	vadd.s32 v0, v1  }
0x34: {  	s21 =	simm.s32 $0x10;
	[tilespmem:$0x100] =	vst v1  }
.LBB2_2:
0x35: {  	[tilespmem:s16], [sflag:$0x1] =	stream.indirect.gather [hbm4b:s4+s14], $0x80, s15, s14, $0xb8;
	[tilespmem:$0x17A80] =	vst v63  }
0x36: {  	s22 =	smov.u32 s21  }
0x37: {  	p1 =	sne.s32 s21, $0x9C0;
	s21 =	sadd.s32 $0x10, s21;
	_ =	swait.ge [sflag:s17], $0x4000  }
0x38: {  	[sflag:s17] =	ssyncset.done $0x0  }
0x39: {  	[sflag:s17] =	ssyncadd.s32 $0xFFFFC000  }
0x3a: {  	[spmem:s2] =	stream.indirect.scatter.add.f32 [tilespmem:s16], [sflag:$0x2], $0x80, s14, s14, $0xb8;
	[tilespmem:$0x17A80] =	vst v63  }
0x3b: {  	_ =	swait.ge [sflag:s11], $0x4000  }
0x3c: {  	[sflag:s11] =	ssyncset.done $0x0  }
0x3d: {  	s23 =	sadd.s32 s22, s9;
	[sflag:s11] =	ssyncadd.s32 $0xFFFFC000  }
0x3e: {  	[tilespmem:s3], [sflag:$0x2] =	stream.linear.gather [hbm4b:s23+s3], $0x80, $0x38;
	[tilespmem:$0x17A80] =	vst v63  }
0x3f: {  	_ =	swait.ge [sflag:s11], $0x80  }
0x40: {  	[sflag:s11] =	ssyncset.done $0x0  }
0x41: {  	s22 =	sadd.s32 s22, s8;
	[sflag:s11] =	ssyncadd.s32 $0xFFFFFF80  }
0x42: {  	[tilespmem:s14], [sflag:$0x2] =	stream.linear.gather [hbm4b:s22+s3], $0x80, $0x38;
	[tilespmem:$0x17A80] =	vst v63  }
0x43: {  	_ =	swait.ge [sflag:s11], $0x80  }
0x44: {  	[sflag:s11] =	ssyncset.done $0x0  }
0x45: {  	[sflag:s11] =	ssyncadd.s32 $0xFFFFFF80  }
0x46: {  	v1 =	vld [tilespmem:$0x70]  }
0x47: {  	v2 =	vld [tilespmem:$0x30]  }
0x48: {  	v3 =	vld [tilespmem:$0x50]  }
0x49: {  	v4 =	vld [tilespmem:$0x60]  }
0x4a: {  	v5 =	vld [tilespmem:$0x20]  }
0x4b: {  	v6 =	vld [tilespmem:$0x10];
	v1 =	vadd.s32 v0, v1  }
0x4c: {  	v2 =	vadd.s32 v0, v2;
	v7 =	vld [tilespmem:$0x40];
	[tilespmem:$0x170] =	vst v1  }
0x4d: {  	v1 =	vld [tilespmem:$0x0];
	[tilespmem:$0x130] =	vst v2;
	v2 =	vadd.s32 v0, v3  }
0x4e: {  	[tilespmem:$0x150] =	vst v2;
	v2 =	vadd.s32 v0, v4  }
.Ltmp0:
0x4f: {  	v3 =	vadd.s32 v0, v5;
	[tilespmem:$0x160] =	vst v2;
	(pc) =	sbr.rel @p1 .LBB2_2-.Ltmp0, $4  }
0x50: {  	v2 =	vadd.s32 v0, v6;
	[tilespmem:$0x120] =	vst v3  }
0x51: {  	[tilespmem:$0x110] =	vst v2;
	v2 =	vadd.s32 v0, v7  }
0x52: {  	v1 =	vadd.s32 v0, v1;
	[tilespmem:$0x140] =	vst v2  }
0x53: {  	[tilespmem:$0x100] =	vst v1  }
0x54: {  	[tilespmem:s16], [sflag:$0x1] =	stream.indirect.gather [hbm4b:s4+s14], $0x80, s15, s14, $0xb8;
	[tilespmem:$0x17A80] =	vst v63  }
0x55: {  	_ =	swait.ge [sflag:s17], $0x4000  }
0x56: {  	[sflag:s17] =	ssyncset.done $0x0  }
0x57: {  	[sflag:s17] =	ssyncadd.s32 $0xFFFFC000  }
0x58: {  	[spmem:s2] =	stream.indirect.scatter.add.f32 [tilespmem:s16], [sflag:$0x2], $0x80, s14, s14, $0xb8;
	[tilespmem:$0x17A80] =	vst v63  }
0x59: {  	_ =	swait.ge [sflag:s11], $0x4000  }
0x5a: {  	[sflag:s11] =	ssyncset.done $0x0  }
0x5b: {  	[sflag:s11] =	ssyncadd.s32 $0xFFFFC000  }
0x5c: {  	[bflag:$0x0] =	sbarrier.arrive $0xFFFF  }
0x5d: {  	[hbm:s18], [sflag:s6] =	dma.local [spmem:s10], $0x2700  }
0x5e: {  	s20 =	sadd.s32 $0x1, s20;
	_ =	swait.ge [sflag:s11], $0x2700  }
0x5f: {  	p1 =	sne.s32 s20, s7;
	[sflag:s11] =	ssyncset.done $0x0  }
.Ltmp1:
0x60: {  	s21 =	simm.s32 @!p0 $0x2;
	[sflag:s11] =	ssyncadd.s32 $0xFFFFD900;
	(pc) =	sbr.rel @p1 .LBB2_1-.Ltmp1, $4  }
0x61: {  	[hbm:s19], [sflag:s6] =	dma.local @!p0 [spmem:s13], $0x100  }
0x62: {  	_ =	swait.ge @!p0 [sflag:s21], $0x100  }
0x63: {  	[sflag:s21] =	ssyncset.done @!p0 $0x0  }
0x64: {  	[sflag:s21] =	ssyncadd.s32 @!p0 $0xFFFFFF00  }
0x65: {  	_ =	sfence.sel $0x180000  }
0x66: {  	[bflag:$0x0] =	sbarrier.arrive $0xFFFF  }
0x67: {  	p0 =	sne.s32 s1, $0x0;
	_ =	strace $0x90000059  }
0x68: {  	s0 =	sadd.s32 @!p0 $0x100000, s0;
	[bflag:$0x2] =	sbarrier.arrive $0xFFFF  }
0x69: {  	[sflag:s0] =	ssyncadd.tile.s32 @!p0 $0x1;
	_ =	shalt  }
.Lfunc_end2:
_tile_overlayer_lowered:
.L_overlay_start_2:
0x6a: {  	(tag) =	ssettag $0x2  }
0x6b: {  	s0 =	rddreg [dreg:$0x0];
	s2 =	stileid.u32  }
0x6c: {  	s1 =	rddreg [dreg:$0x1];
	p0 =	sne.s32 s2, $0x0  }
0x6d: {  	s3 =	rddreg [dreg:$0x2];
	[bflag:$0x3] =	sbarrier.arrive $0xFFFF;
	s2 =	simm.s32 @!p0 $0x1C02  }
0x6e: {  	[timem:s3], [sflag:s2] =	dma.local @!p0 [hbm:s0], s1  }
0x6f: {  	s0 =	simm.s32 @!p0 $0x2  }
0x70: {  	_ =	swait.ge @!p0 [sflag:s0], s1  }
0x71: {  	s1 =	ssub.s32 @!p0 $0x0, s1;
	[sflag:s0] =	ssyncset.done @!p0 $0x0  }
0x72: {  	[sflag:s0] =	ssyncadd.s32 @!p0 s1  }
0x73: {  	[bflag:$0x3] =	sbarrier.arrive $0xFFFF  }
0x74: {  	_ =	shalt  }

// kernel: kernel.36.cloned.1.call-start
scs
__scs_entry_jumppad:
0x0: {  	(pc) =	sbr.rel $0x88, $3  }
0x1: {  	(tag) =	ssettag $0x0;
	lr =	simm.s32 $0x1  }
0x2: {  	[smem:$0x3F97] =	sst lr;
	_ =	strace $0xD0000000  }
0x3: {  	_ = 	snop  }
0x4: {  	_ = 	snop  }
0x5: {  	_ = 	snop  }
0x6: {  	_ = 	snop  }
0x7: {  	_ = 	snop  }
__scs_overlays_trampoline_lowered:
0x8: {  	[smem:$0x3FA6] =	sst s0  }
0x9: {  	[smem:$0x3FA7] =	sst s1  }
0xa: {  	[smem:$0x3FA8] =	sst s2  }
0xb: {  	[smem:$0x3FA9] =	sst s3  }
0xc: {  	[smem:$0x3FAA] =	sst s4  }
0xd: {  	[smem:$0x3FAB] =	sst s5  }
0xe: {  	[smem:$0x3FAC] =	sst s6  }
0xf: {  	[smem:$0x3FAD] =	sst s7  }
0x10: {  	[smem:$0x3FAE] =	sst s8  }
0x11: {  	[smem:$0x3FAF] =	sst s9;
	s0 =	simm.s32 @!p0 $0x0  }
0x12: {  	s1 =	sld [smem:$0x3F95];
	s0 =	simm.s32 @p0 $0x1  }
0x13: {  	[smem:$0x3FB0] =	sst s0;
	s0 =	simm.s32 @!p1 $0x0  }
0x14: {  	s2 =	sld [smem:$0x3F94];
	s0 =	simm.s32 @p1 $0x1  }
0x15: {  	[smem:$0x3FB1] =	sst s0;
	s0 =	simm.s32 @!p2 $0x0  }
0x16: {  	s3 =	sld [smem:$0x3FDB];
	s0 =	simm.s32 @p2 $0x1  }
0x17: {  	s4 =	simm.s32 $0x1BF5;
	[smem:$0x3FB3] =	sst s0  }
0x18: {  	s0 =	sld [smem:$0x3F96];
	_ =	swait.ge [sflag:s4], $0x0  }
0x19: {  	s7 =	sld [smem:$0x3F97]  }
0x1a: {  	s8 =	sadd.s32 $0xFFFFE003, lr  }
0x1b: {  	s9 =	sadd.s32 $0xFFFFFEF7, lr;
	s5 =	simm.s32 $0xFFFFFFFF;
	p2 =	slt.u32 s8, $0xFFFFF086  }
0x1c: {  	p1 =	slt.u32 s9, $0xF7A;
	s5 =	simm.s32 @!p2 $0x0  }
0x1d: {  	s5 =	simm.s32 @p1 $0x1;
	p0 =	seq.s32 s7, s2  }
0x1e: {  	s7 =	smul.u32 @!p0 $0xF7A, s2;
	p2 =	seq.s32 @!p0 s5, $0x0  }
0x1f: {  	s9 =	smul.u32 $0xF7A, s1;
	s8 =	simm.s32 @!p0 $0x1BF5;
	p2 =	por !p2, p0  }
0x20: {  	[sflag:s8] =	ssyncset.s32 @!p0 $0xFFFFF086;
	s6 =	sadd.s32 @!p0 s3, s7;
	s7 =	simm.s32 @!p0 $0x108  }
0x21: {  	s3 =	sadd.s32 s3, s9;
	s6 =	sadd.s32 @!p0 $0x88, s6;
	s7 =	simm.s32 @p2 $0x1082  }
0x22: {  	[simem:s7], [sflag:s8] =	dma.local @!p0 [hbm:s6], $0xF7A  }
0x23: {  	s9 =	sor.u32 $0xD0000000, s2;
	s6 =	simm.s32 $0x108;
	_ =	swait.ge @!p0 [sflag:s8], $0x0  }
0x24: {  	s3 =	sadd.s32 $0x88, s3;
	s6 =	simm.s32 @!p1 $0x1082;
	[sflag:s4] =	ssyncset.s32 $0xFFFFF086  }
0x25: {  	[simem:s6], [sflag:s4] =	dma.local [hbm:s3], $0xF7A  }
0x26: {  	[smem:$0x3F97] =	sst s1;
	(tag) =	ssettag s2;
	_ =	strace s9  }
0x27: {  	s1 =	sld [smem:$0x3FA7]  }
0x28: {  	s2 =	sld [smem:$0x3FA8]  }
0x29: {  	s4 =	sld [smem:$0x3FAA]  }
0x2a: {  	p0 =	seq.s32 s5, $0x0;
	s5 =	sld [smem:$0x3FAB]  }
0x2b: {  	s6 =	sld [smem:$0x3FAC]  }
0x2c: {  	s7 =	sld [smem:$0x3FAD]  }
0x2d: {  	s3 =	simm.s32 $0x108;
	s8 =	sld [smem:$0x3FAE]  }
0x2e: {  	s3 =	simm.s32 @!p0 $0x1082;
	s9 =	sld [smem:$0x3FAF]  }
0x2f: {  	lr =	sadd.s32 s0, s3;
	s0 =	sld [smem:$0x3FA6]  }
0x30: {  	s3 =	sld [smem:$0x3FA9]  }
0x31: {  	[smem:$0x3FB2] =	sst s10  }
0x32: {  	s10 =	sld [smem:$0x3FB0];
	_ =	sdelay $0x3  }
0x33: {  	p0 =	seq.s32 s10, $0x1;
	s10 =	sld [smem:$0x3FB2];
	_ =	sdelay $0x3  }
0x34: {  	[smem:$0x3FB2] =	sst s10  }
0x35: {  	s10 =	sld [smem:$0x3FB1];
	_ =	sdelay $0x3  }
0x36: {  	p1 =	seq.s32 s10, $0x1;
	s10 =	sld [smem:$0x3FB2];
	_ =	sdelay $0x3  }
0x37: {  	[smem:$0x3FB2] =	sst s10  }
0x38: {  	s10 =	sld [smem:$0x3FB3]  }
0x39: {  	_ = 	snop;
	(pc) =	sbr.ind lr, $3  }
0x3a: {  	_ = 	snop  }
0x3b: {  	_ = 	snop  }
0x3c: {  	p2 =	seq.s32 s10, $0x1;
	s10 =	sld [smem:$0x3FB2]  }
0x3d: {  	_ =	shalt  }
0x3e: {  	_ =	shalt  }
0x3f: {  	_ =	shalt  }
0x40: {  	_ =	shalt  }
0x41: {  	_ =	shalt  }
0x42: {  	_ =	shalt  }
0x43: {  	_ =	shalt  }
0x44: {  	_ =	shalt  }
0x45: {  	_ =	shalt  }
0x46: {  	_ =	shalt  }
0x47: {  	_ =	shalt  }
0x48: {  	_ =	shalt  }
0x49: {  	_ =	shalt  }
0x4a: {  	_ =	shalt  }
0x4b: {  	_ =	shalt  }
0x4c: {  	_ =	shalt  }
0x4d: {  	_ =	shalt  }
0x4e: {  	_ =	shalt  }
0x4f: {  	_ =	shalt  }
0x50: {  	_ =	shalt  }
0x51: {  	_ =	shalt  }
0x52: {  	_ =	shalt  }
0x53: {  	_ =	shalt  }
0x54: {  	_ =	shalt  }
0x55: {  	_ =	shalt  }
0x56: {  	_ =	shalt  }
0x57: {  	_ =	shalt  }
0x58: {  	_ =	shalt  }
0x59: {  	_ =	shalt  }
0x5a: {  	_ =	shalt  }
0x5b: {  	_ =	shalt  }
0x5c: {  	_ =	shalt  }
0x5d: {  	_ =	shalt  }
0x5e: {  	_ =	shalt  }
0x5f: {  	_ =	shalt  }
0x60: {  	_ =	shalt  }
0x61: {  	_ =	shalt  }
0x62: {  	_ =	shalt  }
0x63: {  	_ =	shalt  }
0x64: {  	_ =	shalt  }
0x65: {  	_ =	shalt  }
0x66: {  	_ =	shalt  }
0x67: {  	_ =	shalt  }
0x68: {  	_ =	shalt  }
0x69: {  	_ =	shalt  }
0x6a: {  	_ =	shalt  }
0x6b: {  	_ =	shalt  }
0x6c: {  	_ =	shalt  }
0x6d: {  	_ =	shalt  }
0x6e: {  	_ =	shalt  }
0x6f: {  	_ =	shalt  }
0x70: {  	_ =	shalt  }
0x71: {  	_ =	shalt  }
0x72: {  	_ =	shalt  }
0x73: {  	_ =	shalt  }
0x74: {  	_ =	shalt  }
0x75: {  	_ =	shalt  }
0x76: {  	_ =	shalt  }
0x77: {  	_ =	shalt  }
0x78: {  	_ =	shalt  }
0x79: {  	_ =	shalt  }
0x7a: {  	_ =	shalt  }
0x7b: {  	_ =	shalt  }
0x7c: {  	_ =	shalt  }
0x7d: {  	_ =	shalt  }
0x7e: {  	_ =	shalt  }
0x7f: {  	_ =	shalt  }
0x80: {  	_ =	shalt  }
0x81: {  	_ =	shalt  }
0x82: {  	_ =	shalt  }
0x83: {  	_ =	shalt  }
0x84: {  	_ =	shalt  }
0x85: {  	_ =	shalt  }
0x86: {  	_ =	shalt  }
0x87: {  	_ =	shalt  }
.Lfunc_end0:
.L_simem_size_0:
called_computation.7_lowered:
.L_overlay_start_0:
0x88: {  	s2 =	sld [smem:$0x3FD9]  }
0x89: {  	s3 =	sld [smem:$0x3FFE];
	_ =	sdelay $0x1  }
0x8a: {  	s1 =	srdreg.scid  }
0x8b: {  	s0 =	sand.u32 $0x1, s1  }
0x8c: {  	s14 =	sshll.u32 s0, $0xA;
	s2 =	sadd.s32 s3, s2  }
0x8d: {  	s2 =	sadd.s32 s2, s14  }
0x8e: {  	[smem:$0x3FBE] =	sst s2  }
0x8f: {  	_ = 	snop  }
0x90: {  	s2 =	sld [smem:$0x3FD0];
	_ =	sdelay $0x2  }
0x91: {  	s15 =	simm.s32 $0xA;
	s4 =	simm.s32 $0x10  }
0x92: {  	[smem:s4], [sflag:s15] =	dma.local [hbm:s2], $0x1  }
0x93: {  	_ =	swait.eq [sflag:s15], $0x1  }
0x94: {  	[sflag:s15] =	ssyncset.done $0x0  }
0x95: {  	s16 =	sld [smem:$0x11];
	[sflag:s15] =	ssyncadd.s32 $0xFFFFFFFF  }
0x96: {  	s17 =	sld [smem:$0x12];
	(tm) =	ssettm $0x1  }
0x97: {  	s18 =	sld [smem:$0x3FFB];
	_ =	sdelay $0x3  }
0x98: {  	_ =	strace s18  }
0x99: {  	s4 =	sld [smem:$0x3FFC];
	_ =	sdelay $0x3  }
0x9a: {  	_ =	strace s4  }
0x9b: {  	s4 =	sld [smem:$0x3FFD];
	_ =	sdelay $0x3  }
0x9c: {  	_ =	strace s4  }
0x9d: {  	_ =	strace $0x8FFFFFFF  }
0x9e: {  	s19 =	sld [smem:$0x3FDB];
	_ =	sdelay $0x1  }
0x9f: {  	s5 =	simm.s32 $_scs_section_size  }
0xa0: {  	s6 =	simm.s32 $_size__tile_overlayer_lowered;
	s7 =	simm.s32 $_tile_overlayer_lowered  }
0xa1: {  	s22 =	simm.s32 $0x1BFF;
	s21 =	sshll.u32 s7, $0x1;
	s4 =	sadd.s32 s5, s19  }
0xa2: {  	s8 =	simm.s32 $0x0;
	s20 =	sshll.u32 s6, $0x1;
	s6 =	sadd.s32 s21, s4  }
0xa3: {  	[timem:s8], [sflag:s22] =	dma.local [hbm:s6], s20  }
0xa4: {  	_ =	swait.ge [sflag:s22], s20  }
0xa5: {  	s5 =	ssub.s32 $0x0, s20;
	[sflag:s22] =	ssyncset.done $0x0  }
0xa6: {  	[sflag:s22] =	ssyncadd.s32 s5;
	_ =	sdelay $0x1  }
0xa7: {  	s23 =	simm.s32 $0x1B8B  }
0xa8: {  	_ =	swait.ge [sflag:s23], $0x1  }
0xa9: {  	[sflag:s23] =	ssyncset.done $0x0  }
0xaa: {  	s25 =	simm.s32 $0x1B8E;
	s24 =	sld [smem:$0x3FFE];
	[sflag:s23] =	ssyncadd.s32 $0xFFFFFFFF  }
0xab: {  	s26 =	simm.s32 $execute0_lowered;
	[smem:$0x3FD2] =	sst s25  }
0xac: {  	s6 =	sshll.u32 s26, $0x1;
	_ =	strace $0x8000005B;
	[dreg:$0x1] =	wrdreg $0xFFFFFFFF  }
0xad: {  	s28 =	simm.s32 $_size_execute0_lowered;
	s4 =	sadd.s32 s4, s6;
	[dreg:$0x0] =	wrdreg $0x0  }
0xae: {  	s6 =	sshll.u32 s28, $0x1;
	[dreg:$0x2] =	wrdreg s4  }
0xaf: {  	[dreg:$0x3] =	wrdreg s6  }
0xb0: {  	[dreg:$0x4] =	wrdreg $0xC0  }
0xb1: {  	_ =	task [dreg:s8], $0x5FFFF  }
0xb2: {  	[dreg:$0x1] =	wrdreg $0xFFFFFFFF  }
0xb3: {  	[dreg:$0x0] =	wrdreg $0x60  }
0xb4: {  	[dreg:$0x2] =	wrdreg s24  }
0xb5: {  	[dreg:$0x3] =	wrdreg s16  }
0xb6: {  	[dreg:$0x4] =	wrdreg s17  }
0xb7: {  	[dreg:$0x5] =	wrdreg $0x41000  }
0xb8: {  	[dreg:$0x6] =	wrdreg $0x9  }
0xb9: {  	_ =	task.clear_ibuf [dreg:s8], $0x7FFFF;
	_ =	strace $0x9000005B  }
0xba: {  	s29 =	simm.s32 $0x9;
	_ =	strace $0x8000005D  }
0xbb: {  	_ =	swait.ge [sflag:s29], $0x1  }
0xbc: {  	[sflag:s29] =	ssyncadd.s32 $0xFFFFFFFF  }
0xbd: {  	_ =	strace $0x9000005D  }
0xbe: {  	_ =	sfence  }
0xbf: {  	s30 =	sld [smem:$0x0];
	_ =	sdelay $0x2  }
0xc0: {  	s31 =	sshll.u32 s1, $0xD;
	s1 =	sshrl.u32 s1, $0x2  }
0xc1: {  	s3 =	sand.u32 $0x4000, s31;
	s1 =	sadd.s32 s1, s30  }
0xc2: {  	s0 =	sor.u32 s3, s0;
	s1 =	sshll.u32 s1, $0x11  }
0xc3: {  	s0 =	sor.u32 s1, s0  }
0xc4: {  	s0 =	sadd.s32 $0x8F2B, s0  }
0xc5: {  	[sflag:s0] =	ssyncadd.remote.s32 $0x1  }
0xc6: {  	_ =	sfence.sel $0xFFFF  }
0xc7: {  	[dreg:$0x0] =	wrdreg $0xFFFFFFFF;
	(pc) =	sbr.abs _section_cstart, $3  }
0xc8: {  	[dreg:$0x1] =	wrdreg $0xFFFFFFFF  }
0xc9: {  	_ =	task.clear_ibuf [dreg:s8], $0x2FFFF;
	_ =	strace $0x9FFFFFFF  }
0xca: {  	(tm) =	ssettm $0x7FFFFFFF  }
0xcb: {  	_ =	shalt  }
tec
execute0_lowered:
.L_overlay_start_1:
0x0: {  	(tag) =	ssettag $0x1  }
0x1: {  	s6 =	rddreg [dreg:$0x0]  }
0x2: {  	s9 =	rddreg [dreg:$0x1]  }
0x3: {  	s7 =	rddreg [dreg:$0x2]  }
0x4: {  	s1 =	rddreg [dreg:$0x3]  }
0x5: {  	s0 =	rddreg [dreg:$0x4];
	s2 =	simm.s32 $0x0;
	s3 =	srdreg.scid  }
0x6: {  	[smem:$0x7FF] =	sst s2;
	s8 =	sand.u32 $0x1, s3  }
0x7: {  	s19 =	simm.s32 $0x0;
	s3 =	stileid.u32;
	s10 =	smul.u32 $0x27100, s8  }
0x8: {  	s4 =	sadd.s32 $0xA0A00, s6;
	s5 =	sadd.s32 $0x3200, s6;
	s12 =	smul.u32 $0x4E000, s3  }
0x9: {  	s15 =	sadd.s32 $0x138000, s1;
	_ =	strace $0x8000005C;
	s31 =	smul.u32 $0x4F00, s8  }
0xa: {  	s11 =	ssub.s32 $0x2, s8;
	s30 =	sshll.u32 s3, $0x6;
	s16 =	smul.u32 $0x4F0, s3  }
0xb: {  	s17 =	smul.u32 $0x2700, s3;
	p0 =	sne.s32 s3, $0xF;
	s28 =	sshrl.u32 s11, $0x1  }
0xc: {  	s10 =	sadd.s32 s10, s6;
	s11 =	ssub.s32 s11, s28;
	s29 =	sshrl.u32 s12, $0x2  }
0xd: {  	s6 =	sor.u32 $0x1C02, s30;
	s8 =	sadd.s32 s31, s7;
	s9 =	sadd.s32 s31, s9  }
0xe: {  	s13 =	sadd.s32 s29, s1;
	s18 =	sadd.s32 $0xC7C00, s10;
	s7 =	smax.u32 s11, $0x1  }
0xf: {  	s8 =	sadd.s32 s16, s8;
	s9 =	sadd.s32 s16, s9;
	s11 =	simm.s32 $0x2  }
0x10: {  	s16 =	simm.s32 $0x1;
	s14 =	sadd.s32 $0x9C00, s13;
	s10 =	sshrl.u32 s13, $0x3  }
0x11: {  	s13 =	sshrl.u32 @!p0 s15, $0x3;
	s15 =	simm.s32 $0x100;
	s17 =	sadd.s32 s17, s18  }
0x12: {  	s18 =	sadd.s32 @!p0 $0x27000, s18;
	s12 =	sshrl.u32 s14, $0x3;
	s14 =	simm.s32 $0x80  }
.LBB2_1:
0x13: {  	[spmem:s10], [sflag:s6] =	dma.local [hbm:s5], $0x1380  }
0x14: {  	_ =	swait.ge [sflag:s11], $0x1380  }
0x15: {  	[sflag:s11] =	ssyncset.done $0x0  }
0x16: {  	[sflag:s11] =	ssyncadd.s32 $0xFFFFEC80  }
0x17: {  	[spmem:s12], [sflag:s6] =	dma.local [hbm:s5], $0x1380  }
0x18: {  	_ =	swait.ge [sflag:s11], $0x1380  }
0x19: {  	[sflag:s11] =	ssyncset.done $0x0  }
0x1a: {  	s20 =	simm.s32 @!p0 $0x2;
	[sflag:s11] =	ssyncadd.s32 $0xFFFFEC80  }
0x1b: {  	[spmem:s13], [sflag:s6] =	dma.local @!p0 [hbm:s5], $0x200  }
0x1c: {  	_ =	swait.ge @!p0 [sflag:s20], $0x200  }
0x1d: {  	[sflag:s20] =	ssyncset.done @!p0 $0x0  }
0x1e: {  	[sflag:s20] =	ssyncadd.s32 @!p0 $0xFFFFFE00  }
0x1f: {  	s30 =	sadd.s32 $0x0, s9;
	[bflag:$0x0] =	sbarrier.arrive $0xFFFF  }
0x20: {  	[tilespmem:s2], [sflag:$0x2] =	stream.linear.gather [hbm4b:s30+s2], $0x80, $0x38;
	[tilespmem:$0x17A00] =	vst v63  }
0x21: {  	_ =	swait.ge [sflag:s11], $0x80  }
0x22: {  	[sflag:s11] =	ssyncset.done $0x0  }
0x23: {  	s31 =	sadd.s32 $0x0, s8;
	[sflag:s11] =	ssyncadd.s32 $0xFFFFFF80  }
0x24: {  	[tilespmem:s14], [sflag:$0x2] =	stream.linear.gather [hbm4b:s31+s2], $0x80, $0x38;
	[tilespmem:$0x17A00] =	vst v63  }
0x25: {  	_ =	swait.ge [sflag:s11], $0x80  }
0x26: {  	[sflag:s11] =	ssyncset.done $0x0  }
0x27: {  	[sflag:s11] =	ssyncadd.s32 $0xFFFFFF80  }
0x28: {  	[tilespmem:s15], [sflag:$0x1] =	stream.indirect.gather [hbm4b:s4+s14], $0x80, s2, s14, $0xb8;
	[tilespmem:$0x17A00] =	vst v63  }
0x29: {  	_ =	swait.ge [sflag:s16], $0x4000  }
0x2a: {  	[sflag:s16] =	ssyncset.done $0x0  }
0x2b: {  	[sflag:s16] =	ssyncadd.s32 $0xFFFFC000  }
0x2c: {  	[spmem:s1] =	stream.indirect.scatter.add.f32 [tilespmem:s15], [sflag:$0x2], $0x80, s14, s14, $0xb8;
	[tilespmem:$0x17A00] =	vst v63  }
0x2d: {  	_ =	swait.ge [sflag:s11], $0x4000  }
0x2e: {  	s21 =	simm.s32 $0x20;
	s20 =	simm.s32 $0x10;
	[sflag:s11] =	ssyncset.done $0x0  }
.LBB2_2:
0x2f: {  	s22 =	sadd.s32 s20, s9  }
0x30: {  	[sflag:s11] =	ssyncadd.s32 $0xFFFFC000;
	s23 =	smov.u32 s21;
	s24 =	sadd.s32 $0x10, s21  }
0x31: {  	[tilespmem:s2], [sflag:$0x2] =	stream.linear.gather [hbm4b:s22+s2], $0x80, $0x38;
	[tilespmem:$0x17A00] =	vst v63  }
0x32: {  	p1 =	sne.s32 s21, $0x4E0;
	_ =	swait.ge [sflag:s11], $0x80  }
0x33: {  	[sflag:s11] =	ssyncset.done $0x0  }
0x34: {  	s21 =	sadd.s32 s20, s8;
	s20 =	smov.u32 s23;
	[sflag:s11] =	ssyncadd.s32 $0xFFFFFF80  }
0x35: {  	[tilespmem:s14], [sflag:$0x2] =	stream.linear.gather [hbm4b:s21+s2], $0x80, $0x38;
	[tilespmem:$0x17A00] =	vst v63  }
0x36: {  	_ =	swait.ge [sflag:s11], $0x80  }
0x37: {  	[sflag:s11] =	ssyncset.done $0x0  }
0x38: {  	[sflag:s11] =	ssyncadd.s32 $0xFFFFFF80  }
0x39: {  	[tilespmem:s15], [sflag:$0x1] =	stream.indirect.gather [hbm4b:s4+s14], $0x80, s2, s14, $0xb8;
	[tilespmem:$0x17A00] =	vst v63  }
0x3a: {  	_ =	swait.ge [sflag:s16], $0x4000  }
.Ltmp0:
0x3b: {  	[sflag:s16] =	ssyncset.done $0x0;
	(pc) =	sbr.rel @p1 .LBB2_2-.Ltmp0, $4  }
0x3c: {  	[sflag:s16] =	ssyncadd.s32 $0xFFFFC000  }
0x3d: {  	[spmem:s1] =	stream.indirect.scatter.add.f32 [tilespmem:s15], [sflag:$0x2], $0x80, s14, s14, $0xb8;
	[tilespmem:$0x17A00] =	vst v63  }
0x3e: {  	_ =	swait.ge [sflag:s11], $0x4000  }
0x3f: {  	s21 =	smov.u32 s24;
	[sflag:s11] =	ssyncset.done $0x0  }
0x40: {  	s21 =	sadd.s32 s20, s9;
	[sflag:s11] =	ssyncadd.s32 $0xFFFFC000  }
0x41: {  	[tilespmem:s2], [sflag:$0x2] =	stream.linear.gather [hbm4b:s21+s2], $0x80, $0x38;
	[tilespmem:$0x17A00] =	vst v63  }
0x42: {  	_ =	swait.ge [sflag:s11], $0x80  }
0x43: {  	[sflag:s11] =	ssyncset.done $0x0  }
0x44: {  	s31 =	sadd.s32 s20, s8;
	[sflag:s11] =	ssyncadd.s32 $0xFFFFFF80  }
0x45: {  	[tilespmem:s14], [sflag:$0x2] =	stream.linear.gather [hbm4b:s31+s2], $0x80, $0x38;
	[tilespmem:$0x17A00] =	vst v63  }
0x46: {  	_ =	swait.ge [sflag:s11], $0x80  }
0x47: {  	[sflag:s11] =	ssyncset.done $0x0  }
0x48: {  	[sflag:s11] =	ssyncadd.s32 $0xFFFFFF80  }
0x49: {  	[tilespmem:s15], [sflag:$0x1] =	stream.indirect.gather [hbm4b:s4+s14], $0x80, s2, s14, $0xb8;
	[tilespmem:$0x17A00] =	vst v63  }
0x4a: {  	_ =	swait.ge [sflag:s16], $0x4000  }
0x4b: {  	[sflag:s16] =	ssyncset.done $0x0  }
0x4c: {  	[sflag:s16] =	ssyncadd.s32 $0xFFFFC000  }
0x4d: {  	[spmem:s1] =	stream.indirect.scatter.add.f32 [tilespmem:s15], [sflag:$0x2], $0x80, s14, s14, $0xb8;
	[tilespmem:$0x17A00] =	vst v63  }
0x4e: {  	_ =	swait.ge [sflag:s11], $0x4000  }
0x4f: {  	[sflag:s11] =	ssyncset.done $0x0  }
0x50: {  	[sflag:s11] =	ssyncadd.s32 $0xFFFFC000  }
0x51: {  	[bflag:$0x0] =	sbarrier.arrive $0xFFFF  }
0x52: {  	[hbm:s17], [sflag:s6] =	dma.local [spmem:s10], $0x2700  }
0x53: {  	s19 =	sadd.s32 $0x1, s19;
	_ =	swait.ge [sflag:s11], $0x2700  }
0x54: {  	p1 =	sne.s32 s19, s7;
	[sflag:s11] =	ssyncset.done $0x0  }
.Ltmp1:
0x55: {  	s20 =	simm.s32 @!p0 $0x2;
	[sflag:s11] =	ssyncadd.s32 $0xFFFFD900;
	(pc) =	sbr.rel @p1 .LBB2_1-.Ltmp1, $4  }
0x56: {  	[hbm:s18], [sflag:s6] =	dma.local @!p0 [spmem:s13], $0x100  }
0x57: {  	_ =	swait.ge @!p0 [sflag:s20], $0x100  }
0x58: {  	[sflag:s20] =	ssyncset.done @!p0 $0x0  }
0x59: {  	[sflag:s20] =	ssyncadd.s32 @!p0 $0xFFFFFF00  }
0x5a: {  	_ =	sfence.sel $0x180000  }
0x5b: {  	[bflag:$0x0] =	sbarrier.arrive $0xFFFF  }
0x5c: {  	p0 =	sne.s32 s3, $0x0;
	_ =	strace $0x9000005C  }
0x5d: {  	s0 =	sadd.s32 @!p0 $0x100000, s0;
	[bflag:$0x2] =	sbarrier.arrive $0xFFFF  }
0x5e: {  	[sflag:s0] =	ssyncadd.tile.s32 @!p0 $0x1;
	_ =	shalt  }
.Lfunc_end2:
_tile_overlayer_lowered:
.L_overlay_start_2:
0x5f: {  	(tag) =	ssettag $0x2  }
0x60: {  	s0 =	rddreg [dreg:$0x0];
	s2 =	stileid.u32  }
0x61: {  	s1 =	rddreg [dreg:$0x1];
	p0 =	sne.s32 s2, $0x0  }
0x62: {  	s3 =	rddreg [dreg:$0x2];
	[bflag:$0x3] =	sbarrier.arrive $0xFFFF;
	s2 =	simm.s32 @!p0 $0x1C02  }
0x63: {  	[timem:s3], [sflag:s2] =	dma.local @!p0 [hbm:s0], s1  }
0x64: {  	s0 =	simm.s32 @!p0 $0x2  }
0x65: {  	_ =	swait.ge @!p0 [sflag:s0], s1  }
0x66: {  	s1 =	ssub.s32 @!p0 $0x0, s1;
	[sflag:s0] =	ssyncset.done @!p0 $0x0  }
0x67: {  	[sflag:s0] =	ssyncadd.s32 @!p0 s1  }
0x68: {  	[bflag:$0x3] =	sbarrier.arrive $0xFFFF  }
0x69: {  	_ =	shalt  }

// kernel: kernel.39.cloned.1.call-start
scs
__scs_entry_jumppad:
0x0: {  	(pc) =	sbr.rel $0x88, $3  }
0x1: {  	(tag) =	ssettag $0x0;
	lr =	simm.s32 $0x1  }
0x2: {  	[smem:$0x3F97] =	sst lr;
	_ =	strace $0xD0000000  }
0x3: {  	_ = 	snop  }
0x4: {  	_ = 	snop  }
0x5: {  	_ = 	snop  }
0x6: {  	_ = 	snop  }
0x7: {  	_ = 	snop  }
__scs_overlays_trampoline_lowered:
0x8: {  	[smem:$0x3FA6] =	sst s0  }
0x9: {  	[smem:$0x3FA7] =	sst s1  }
0xa: {  	[smem:$0x3FA8] =	sst s2  }
0xb: {  	[smem:$0x3FA9] =	sst s3  }
0xc: {  	[smem:$0x3FAA] =	sst s4  }
0xd: {  	[smem:$0x3FAB] =	sst s5  }
0xe: {  	[smem:$0x3FAC] =	sst s6  }
0xf: {  	[smem:$0x3FAD] =	sst s7  }
0x10: {  	[smem:$0x3FAE] =	sst s8  }
0x11: {  	[smem:$0x3FAF] =	sst s9;
	s0 =	simm.s32 @!p0 $0x0  }
0x12: {  	s1 =	sld [smem:$0x3F95];
	s0 =	simm.s32 @p0 $0x1  }
0x13: {  	[smem:$0x3FB0] =	sst s0;
	s0 =	simm.s32 @!p1 $0x0  }
0x14: {  	s2 =	sld [smem:$0x3F94];
	s0 =	simm.s32 @p1 $0x1  }
0x15: {  	[smem:$0x3FB1] =	sst s0;
	s0 =	simm.s32 @!p2 $0x0  }
0x16: {  	s3 =	sld [smem:$0x3FDB];
	s0 =	simm.s32 @p2 $0x1  }
0x17: {  	s4 =	simm.s32 $0x1BF5;
	[smem:$0x3FB3] =	sst s0  }
0x18: {  	s0 =	sld [smem:$0x3F96];
	_ =	swait.ge [sflag:s4], $0x0  }
0x19: {  	s7 =	sld [smem:$0x3F97]  }
0x1a: {  	s8 =	sadd.s32 $0xFFFFE003, lr  }
0x1b: {  	s9 =	sadd.s32 $0xFFFFFEF7, lr;
	s5 =	simm.s32 $0xFFFFFFFF;
	p2 =	slt.u32 s8, $0xFFFFF086  }
0x1c: {  	p1 =	slt.u32 s9, $0xF7A;
	s5 =	simm.s32 @!p2 $0x0  }
0x1d: {  	s5 =	simm.s32 @p1 $0x1;
	p0 =	seq.s32 s7, s2  }
0x1e: {  	s7 =	smul.u32 @!p0 $0xF7A, s2;
	p2 =	seq.s32 @!p0 s5, $0x0  }
0x1f: {  	s9 =	smul.u32 $0xF7A, s1;
	s8 =	simm.s32 @!p0 $0x1BF5;
	p2 =	por !p2, p0  }
0x20: {  	[sflag:s8] =	ssyncset.s32 @!p0 $0xFFFFF086;
	s6 =	sadd.s32 @!p0 s3, s7;
	s7 =	simm.s32 @!p0 $0x108  }
0x21: {  	s3 =	sadd.s32 s3, s9;
	s6 =	sadd.s32 @!p0 $0x88, s6;
	s7 =	simm.s32 @p2 $0x1082  }
0x22: {  	[simem:s7], [sflag:s8] =	dma.local @!p0 [hbm:s6], $0xF7A  }
0x23: {  	s9 =	sor.u32 $0xD0000000, s2;
	s6 =	simm.s32 $0x108;
	_ =	swait.ge @!p0 [sflag:s8], $0x0  }
0x24: {  	s3 =	sadd.s32 $0x88, s3;
	s6 =	simm.s32 @!p1 $0x1082;
	[sflag:s4] =	ssyncset.s32 $0xFFFFF086  }
0x25: {  	[simem:s6], [sflag:s4] =	dma.local [hbm:s3], $0xF7A  }
0x26: {  	[smem:$0x3F97] =	sst s1;
	(tag) =	ssettag s2;
	_ =	strace s9  }
0x27: {  	s1 =	sld [smem:$0x3FA7]  }
0x28: {  	s2 =	sld [smem:$0x3FA8]  }
0x29: {  	s4 =	sld [smem:$0x3FAA]  }
0x2a: {  	p0 =	seq.s32 s5, $0x0;
	s5 =	sld [smem:$0x3FAB]  }
0x2b: {  	s6 =	sld [smem:$0x3FAC]  }
0x2c: {  	s7 =	sld [smem:$0x3FAD]  }
0x2d: {  	s3 =	simm.s32 $0x108;
	s8 =	sld [smem:$0x3FAE]  }
0x2e: {  	s3 =	simm.s32 @!p0 $0x1082;
	s9 =	sld [smem:$0x3FAF]  }
0x2f: {  	lr =	sadd.s32 s0, s3;
	s0 =	sld [smem:$0x3FA6]  }
0x30: {  	s3 =	sld [smem:$0x3FA9]  }
0x31: {  	[smem:$0x3FB2] =	sst s10  }
0x32: {  	s10 =	sld [smem:$0x3FB0];
	_ =	sdelay $0x3  }
0x33: {  	p0 =	seq.s32 s10, $0x1;
	s10 =	sld [smem:$0x3FB2];
	_ =	sdelay $0x3  }
0x34: {  	[smem:$0x3FB2] =	sst s10  }
0x35: {  	s10 =	sld [smem:$0x3FB1];
	_ =	sdelay $0x3  }
0x36: {  	p1 =	seq.s32 s10, $0x1;
	s10 =	sld [smem:$0x3FB2];
	_ =	sdelay $0x3  }
0x37: {  	[smem:$0x3FB2] =	sst s10  }
0x38: {  	s10 =	sld [smem:$0x3FB3]  }
0x39: {  	_ = 	snop;
	(pc) =	sbr.ind lr, $3  }
0x3a: {  	_ = 	snop  }
0x3b: {  	_ = 	snop  }
0x3c: {  	p2 =	seq.s32 s10, $0x1;
	s10 =	sld [smem:$0x3FB2]  }
0x3d: {  	_ =	shalt  }
0x3e: {  	_ =	shalt  }
0x3f: {  	_ =	shalt  }
0x40: {  	_ =	shalt  }
0x41: {  	_ =	shalt  }
0x42: {  	_ =	shalt  }
0x43: {  	_ =	shalt  }
0x44: {  	_ =	shalt  }
0x45: {  	_ =	shalt  }
0x46: {  	_ =	shalt  }
0x47: {  	_ =	shalt  }
0x48: {  	_ =	shalt  }
0x49: {  	_ =	shalt  }
0x4a: {  	_ =	shalt  }
0x4b: {  	_ =	shalt  }
0x4c: {  	_ =	shalt  }
0x4d: {  	_ =	shalt  }
0x4e: {  	_ =	shalt  }
0x4f: {  	_ =	shalt  }
0x50: {  	_ =	shalt  }
0x51: {  	_ =	shalt  }
0x52: {  	_ =	shalt  }
0x53: {  	_ =	shalt  }
0x54: {  	_ =	shalt  }
0x55: {  	_ =	shalt  }
0x56: {  	_ =	shalt  }
0x57: {  	_ =	shalt  }
0x58: {  	_ =	shalt  }
0x59: {  	_ =	shalt  }
0x5a: {  	_ =	shalt  }
0x5b: {  	_ =	shalt  }
0x5c: {  	_ =	shalt  }
0x5d: {  	_ =	shalt  }
0x5e: {  	_ =	shalt  }
0x5f: {  	_ =	shalt  }
0x60: {  	_ =	shalt  }
0x61: {  	_ =	shalt  }
0x62: {  	_ =	shalt  }
0x63: {  	_ =	shalt  }
0x64: {  	_ =	shalt  }
0x65: {  	_ =	shalt  }
0x66: {  	_ =	shalt  }
0x67: {  	_ =	shalt  }
0x68: {  	_ =	shalt  }
0x69: {  	_ =	shalt  }
0x6a: {  	_ =	shalt  }
0x6b: {  	_ =	shalt  }
0x6c: {  	_ =	shalt  }
0x6d: {  	_ =	shalt  }
0x6e: {  	_ =	shalt  }
0x6f: {  	_ =	shalt  }
0x70: {  	_ =	shalt  }
0x71: {  	_ =	shalt  }
0x72: {  	_ =	shalt  }
0x73: {  	_ =	shalt  }
0x74: {  	_ =	shalt  }
0x75: {  	_ =	shalt  }
0x76: {  	_ =	shalt  }
0x77: {  	_ =	shalt  }
0x78: {  	_ =	shalt  }
0x79: {  	_ =	shalt  }
0x7a: {  	_ =	shalt  }
0x7b: {  	_ =	shalt  }
0x7c: {  	_ =	shalt  }
0x7d: {  	_ =	shalt  }
0x7e: {  	_ =	shalt  }
0x7f: {  	_ =	shalt  }
0x80: {  	_ =	shalt  }
0x81: {  	_ =	shalt  }
0x82: {  	_ =	shalt  }
0x83: {  	_ =	shalt  }
0x84: {  	_ =	shalt  }
0x85: {  	_ =	shalt  }
0x86: {  	_ =	shalt  }
0x87: {  	_ =	shalt  }
.Lfunc_end0:
.L_simem_size_0:
called_computation.8_lowered:
.L_overlay_start_0:
0x88: {  	s2 =	sld [smem:$0x3FD9]  }
0x89: {  	s3 =	sld [smem:$0x3FFE];
	_ =	sdelay $0x1  }
0x8a: {  	s1 =	srdreg.scid  }
0x8b: {  	s0 =	sand.u32 $0x1, s1  }
0x8c: {  	s14 =	sshll.u32 s0, $0xA;
	s2 =	sadd.s32 s3, s2  }
0x8d: {  	s2 =	sadd.s32 s2, s14  }
0x8e: {  	[smem:$0x3FBE] =	sst s2  }
0x8f: {  	_ = 	snop  }
0x90: {  	s2 =	sld [smem:$0x3FD0];
	_ =	sdelay $0x2  }
0x91: {  	s15 =	simm.s32 $0xA;
	s4 =	simm.s32 $0x10  }
0x92: {  	[smem:s4], [sflag:s15] =	dma.local [hbm:s2], $0x1  }
0x93: {  	_ =	swait.eq [sflag:s15], $0x1  }
0x94: {  	[sflag:s15] =	ssyncset.done $0x0  }
0x95: {  	s16 =	sld [smem:$0x11];
	[sflag:s15] =	ssyncadd.s32 $0xFFFFFFFF  }
0x96: {  	s17 =	sld [smem:$0x12];
	(tm) =	ssettm $0x1  }
0x97: {  	s18 =	sld [smem:$0x3FFB];
	_ =	sdelay $0x3  }
0x98: {  	_ =	strace s18  }
0x99: {  	s4 =	sld [smem:$0x3FFC];
	_ =	sdelay $0x3  }
0x9a: {  	_ =	strace s4  }
0x9b: {  	s4 =	sld [smem:$0x3FFD];
	_ =	sdelay $0x3  }
0x9c: {  	_ =	strace s4  }
0x9d: {  	_ =	strace $0x8FFFFFFF  }
0x9e: {  	s19 =	sld [smem:$0x3FDB];
	_ =	sdelay $0x1  }
0x9f: {  	s5 =	simm.s32 $_scs_section_size  }
0xa0: {  	s6 =	simm.s32 $_size__tile_overlayer_lowered;
	s7 =	simm.s32 $_tile_overlayer_lowered  }
0xa1: {  	s22 =	simm.s32 $0x1BFF;
	s21 =	sshll.u32 s7, $0x1;
	s4 =	sadd.s32 s5, s19  }
0xa2: {  	s8 =	simm.s32 $0x0;
	s20 =	sshll.u32 s6, $0x1;
	s6 =	sadd.s32 s21, s4  }
0xa3: {  	[timem:s8], [sflag:s22] =	dma.local [hbm:s6], s20  }
0xa4: {  	_ =	swait.ge [sflag:s22], s20  }
0xa5: {  	s5 =	ssub.s32 $0x0, s20;
	[sflag:s22] =	ssyncset.done $0x0  }
0xa6: {  	[sflag:s22] =	ssyncadd.s32 s5;
	_ =	sdelay $0x1  }
0xa7: {  	s23 =	simm.s32 $0x1B8B  }
0xa8: {  	_ =	swait.ge [sflag:s23], $0x1  }
0xa9: {  	[sflag:s23] =	ssyncset.done $0x0  }
0xaa: {  	s25 =	simm.s32 $0x1B8E;
	s24 =	sld [smem:$0x3FFE];
	[sflag:s23] =	ssyncadd.s32 $0xFFFFFFFF  }
0xab: {  	s26 =	simm.s32 $execute0_lowered;
	[smem:$0x3FD2] =	sst s25  }
0xac: {  	s6 =	sshll.u32 s26, $0x1;
	_ =	strace $0x8000005E;
	[dreg:$0x1] =	wrdreg $0xFFFFFFFF  }
0xad: {  	s28 =	simm.s32 $_size_execute0_lowered;
	s4 =	sadd.s32 s4, s6;
	[dreg:$0x0] =	wrdreg $0x0  }
0xae: {  	s6 =	sshll.u32 s28, $0x1;
	[dreg:$0x2] =	wrdreg s4  }
0xaf: {  	[dreg:$0x3] =	wrdreg s6  }
0xb0: {  	[dreg:$0x4] =	wrdreg $0xC0  }
0xb1: {  	_ =	task [dreg:s8], $0x5FFFF  }
0xb2: {  	[dreg:$0x1] =	wrdreg $0xFFFFFFFF  }
0xb3: {  	[dreg:$0x0] =	wrdreg $0x60  }
0xb4: {  	[dreg:$0x2] =	wrdreg s24  }
0xb5: {  	[dreg:$0x3] =	wrdreg s16  }
0xb6: {  	[dreg:$0x4] =	wrdreg s17  }
0xb7: {  	[dreg:$0x5] =	wrdreg $0x41000  }
0xb8: {  	[dreg:$0x6] =	wrdreg $0x9  }
0xb9: {  	_ =	task.clear_ibuf [dreg:s8], $0x7FFFF;
	_ =	strace $0x9000005E  }
0xba: {  	s29 =	simm.s32 $0x9;
	_ =	strace $0x80000060  }
0xbb: {  	_ =	swait.ge [sflag:s29], $0x1  }
0xbc: {  	[sflag:s29] =	ssyncadd.s32 $0xFFFFFFFF  }
0xbd: {  	_ =	strace $0x90000060  }
0xbe: {  	_ =	sfence  }
0xbf: {  	s30 =	sld [smem:$0x0];
	_ =	sdelay $0x2  }
0xc0: {  	s31 =	sshll.u32 s1, $0xD;
	s1 =	sshrl.u32 s1, $0x2  }
0xc1: {  	s3 =	sand.u32 $0x4000, s31;
	s1 =	sadd.s32 s1, s30  }
0xc2: {  	s0 =	sor.u32 s3, s0;
	s1 =	sshll.u32 s1, $0x11  }
0xc3: {  	s0 =	sor.u32 s1, s0  }
0xc4: {  	s0 =	sadd.s32 $0x8F2B, s0  }
0xc5: {  	[sflag:s0] =	ssyncadd.remote.s32 $0x1  }
0xc6: {  	_ =	sfence.sel $0xFFFF  }
0xc7: {  	[dreg:$0x0] =	wrdreg $0xFFFFFFFF;
	(pc) =	sbr.abs _section_cstart, $3  }
0xc8: {  	[dreg:$0x1] =	wrdreg $0xFFFFFFFF  }
0xc9: {  	_ =	task.clear_ibuf [dreg:s8], $0x2FFFF;
	_ =	strace $0x9FFFFFFF  }
0xca: {  	(tm) =	ssettm $0x7FFFFFFF  }
0xcb: {  	_ =	shalt  }
tec
execute0_lowered:
.L_overlay_start_1:
0x0: {  	(tag) =	ssettag $0x1  }
0x1: {  	s6 =	rddreg [dreg:$0x0]  }
0x2: {  	s9 =	rddreg [dreg:$0x1]  }
0x3: {  	s7 =	rddreg [dreg:$0x2]  }
0x4: {  	s1 =	rddreg [dreg:$0x3]  }
0x5: {  	s0 =	rddreg [dreg:$0x4];
	s2 =	simm.s32 $0x0;
	s3 =	srdreg.scid  }
0x6: {  	[smem:$0x7FF] =	sst s2;
	s8 =	sand.u32 $0x1, s3  }
0x7: {  	s19 =	simm.s32 $0x0;
	s3 =	stileid.u32;
	s10 =	smul.u32 $0x27100, s8  }
0x8: {  	s4 =	sadd.s32 $0x4600, s6;
	s5 =	sadd.s32 $0x3200, s6;
	s12 =	smul.u32 $0x4E000, s3  }
0x9: {  	s15 =	sadd.s32 $0x138000, s1;
	_ =	strace $0x8000005F;
	s31 =	smul.u32 $0x4F00, s8  }
0xa: {  	s11 =	ssub.s32 $0x2, s8;
	s30 =	sshll.u32 s3, $0x6;
	s16 =	smul.u32 $0x4F0, s3  }
0xb: {  	s17 =	smul.u32 $0x2700, s3;
	p0 =	sne.s32 s3, $0xF;
	s28 =	sshrl.u32 s11, $0x1  }
0xc: {  	s10 =	sadd.s32 s10, s6;
	s11 =	ssub.s32 s11, s28;
	s29 =	sshrl.u32 s12, $0x2  }
0xd: {  	s6 =	sor.u32 $0x1C02, s30;
	s8 =	sadd.s32 s31, s7;
	s9 =	sadd.s32 s31, s9  }
0xe: {  	s13 =	sadd.s32 s29, s1;
	s18 =	sadd.s32 $0x2B800, s10;
	s7 =	smax.u32 s11, $0x1  }
0xf: {  	s8 =	sadd.s32 s16, s8;
	s9 =	sadd.s32 s16, s9;
	s11 =	simm.s32 $0x2  }
0x10: {  	s16 =	simm.s32 $0x1;
	s14 =	sadd.s32 $0x9C00, s13;
	s10 =	sshrl.u32 s13, $0x3  }
0x11: {  	s13 =	sshrl.u32 @!p0 s15, $0x3;
	s15 =	simm.s32 $0x100;
	s17 =	sadd.s32 s17, s18  }
0x12: {  	s18 =	sadd.s32 @!p0 $0x27000, s18;
	s12 =	sshrl.u32 s14, $0x3;
	s14 =	simm.s32 $0x80  }
.LBB2_1:
0x13: {  	[spmem:s10], [sflag:s6] =	dma.local [hbm:s5], $0x1380  }
0x14: {  	_ =	swait.ge [sflag:s11], $0x1380  }
0x15: {  	[sflag:s11] =	ssyncset.done $0x0  }
0x16: {  	[sflag:s11] =	ssyncadd.s32 $0xFFFFEC80  }
0x17: {  	[spmem:s12], [sflag:s6] =	dma.local [hbm:s5], $0x1380  }
0x18: {  	_ =	swait.ge [sflag:s11], $0x1380  }
0x19: {  	[sflag:s11] =	ssyncset.done $0x0  }
0x1a: {  	s20 =	simm.s32 @!p0 $0x2;
	[sflag:s11] =	ssyncadd.s32 $0xFFFFEC80  }
0x1b: {  	[spmem:s13], [sflag:s6] =	dma.local @!p0 [hbm:s5], $0x200  }
0x1c: {  	_ =	swait.ge @!p0 [sflag:s20], $0x200  }
0x1d: {  	[sflag:s20] =	ssyncset.done @!p0 $0x0  }
0x1e: {  	[sflag:s20] =	ssyncadd.s32 @!p0 $0xFFFFFE00  }
0x1f: {  	s30 =	sadd.s32 $0x0, s9;
	[bflag:$0x0] =	sbarrier.arrive $0xFFFF  }
0x20: {  	[tilespmem:s2], [sflag:$0x2] =	stream.linear.gather [hbm4b:s30+s2], $0x80, $0x38;
	[tilespmem:$0x17A00] =	vst v63  }
0x21: {  	_ =	swait.ge [sflag:s11], $0x80  }
0x22: {  	[sflag:s11] =	ssyncset.done $0x0  }
0x23: {  	s31 =	sadd.s32 $0x0, s8;
	[sflag:s11] =	ssyncadd.s32 $0xFFFFFF80  }
0x24: {  	[tilespmem:s14], [sflag:$0x2] =	stream.linear.gather [hbm4b:s31+s2], $0x80, $0x38;
	[tilespmem:$0x17A00] =	vst v63  }
0x25: {  	_ =	swait.ge [sflag:s11], $0x80  }
0x26: {  	[sflag:s11] =	ssyncset.done $0x0  }
0x27: {  	[sflag:s11] =	ssyncadd.s32 $0xFFFFFF80  }
0x28: {  	[tilespmem:s15], [sflag:$0x1] =	stream.indirect.gather [hbm4b:s4+s14], $0x80, s2, s14, $0xb8;
	[tilespmem:$0x17A00] =	vst v63  }
0x29: {  	_ =	swait.ge [sflag:s16], $0x4000  }
0x2a: {  	[sflag:s16] =	ssyncset.done $0x0  }
0x2b: {  	[sflag:s16] =	ssyncadd.s32 $0xFFFFC000  }
0x2c: {  	[spmem:s1] =	stream.indirect.scatter.add.f32 [tilespmem:s15], [sflag:$0x2], $0x80, s14, s14, $0xb8;
	[tilespmem:$0x17A00] =	vst v63  }
0x2d: {  	_ =	swait.ge [sflag:s11], $0x4000  }
0x2e: {  	s21 =	simm.s32 $0x20;
	s20 =	simm.s32 $0x10;
	[sflag:s11] =	ssyncset.done $0x0  }
.LBB2_2:
0x2f: {  	s22 =	sadd.s32 s20, s9  }
0x30: {  	[sflag:s11] =	ssyncadd.s32 $0xFFFFC000;
	s23 =	smov.u32 s21;
	s24 =	sadd.s32 $0x10, s21  }
0x31: {  	[tilespmem:s2], [sflag:$0x2] =	stream.linear.gather [hbm4b:s22+s2], $0x80, $0x38;
	[tilespmem:$0x17A00] =	vst v63  }
0x32: {  	p1 =	sne.s32 s21, $0x4E0;
	_ =	swait.ge [sflag:s11], $0x80  }
0x33: {  	[sflag:s11] =	ssyncset.done $0x0  }
0x34: {  	s21 =	sadd.s32 s20, s8;
	s20 =	smov.u32 s23;
	[sflag:s11] =	ssyncadd.s32 $0xFFFFFF80  }
0x35: {  	[tilespmem:s14], [sflag:$0x2] =	stream.linear.gather [hbm4b:s21+s2], $0x80, $0x38;
	[tilespmem:$0x17A00] =	vst v63  }
0x36: {  	_ =	swait.ge [sflag:s11], $0x80  }
0x37: {  	[sflag:s11] =	ssyncset.done $0x0  }
0x38: {  	[sflag:s11] =	ssyncadd.s32 $0xFFFFFF80  }
0x39: {  	[tilespmem:s15], [sflag:$0x1] =	stream.indirect.gather [hbm4b:s4+s14], $0x80, s2, s14, $0xb8;
	[tilespmem:$0x17A00] =	vst v63  }
0x3a: {  	_ =	swait.ge [sflag:s16], $0x4000  }
.Ltmp0:
0x3b: {  	[sflag:s16] =	ssyncset.done $0x0;
	(pc) =	sbr.rel @p1 .LBB2_2-.Ltmp0, $4  }
0x3c: {  	[sflag:s16] =	ssyncadd.s32 $0xFFFFC000  }
0x3d: {  	[spmem:s1] =	stream.indirect.scatter.add.f32 [tilespmem:s15], [sflag:$0x2], $0x80, s14, s14, $0xb8;
	[tilespmem:$0x17A00] =	vst v63  }
0x3e: {  	_ =	swait.ge [sflag:s11], $0x4000  }
0x3f: {  	s21 =	smov.u32 s24;
	[sflag:s11] =	ssyncset.done $0x0  }
0x40: {  	s21 =	sadd.s32 s20, s9;
	[sflag:s11] =	ssyncadd.s32 $0xFFFFC000  }
0x41: {  	[tilespmem:s2], [sflag:$0x2] =	stream.linear.gather [hbm4b:s21+s2], $0x80, $0x38;
	[tilespmem:$0x17A00] =	vst v63  }
0x42: {  	_ =	swait.ge [sflag:s11], $0x80  }
0x43: {  	[sflag:s11] =	ssyncset.done $0x0  }
0x44: {  	s31 =	sadd.s32 s20, s8;
	[sflag:s11] =	ssyncadd.s32 $0xFFFFFF80  }
0x45: {  	[tilespmem:s14], [sflag:$0x2] =	stream.linear.gather [hbm4b:s31+s2], $0x80, $0x38;
	[tilespmem:$0x17A00] =	vst v63  }
0x46: {  	_ =	swait.ge [sflag:s11], $0x80  }
0x47: {  	[sflag:s11] =	ssyncset.done $0x0  }
0x48: {  	[sflag:s11] =	ssyncadd.s32 $0xFFFFFF80  }
0x49: {  	[tilespmem:s15], [sflag:$0x1] =	stream.indirect.gather [hbm4b:s4+s14], $0x80, s2, s14, $0xb8;
	[tilespmem:$0x17A00] =	vst v63  }
0x4a: {  	_ =	swait.ge [sflag:s16], $0x4000  }
0x4b: {  	[sflag:s16] =	ssyncset.done $0x0  }
0x4c: {  	[sflag:s16] =	ssyncadd.s32 $0xFFFFC000  }
0x4d: {  	[spmem:s1] =	stream.indirect.scatter.add.f32 [tilespmem:s15], [sflag:$0x2], $0x80, s14, s14, $0xb8;
	[tilespmem:$0x17A00] =	vst v63  }
0x4e: {  	_ =	swait.ge [sflag:s11], $0x4000  }
0x4f: {  	[sflag:s11] =	ssyncset.done $0x0  }
0x50: {  	[sflag:s11] =	ssyncadd.s32 $0xFFFFC000  }
0x51: {  	[bflag:$0x0] =	sbarrier.arrive $0xFFFF  }
0x52: {  	[hbm:s17], [sflag:s6] =	dma.local [spmem:s10], $0x2700  }
0x53: {  	s19 =	sadd.s32 $0x1, s19;
	_ =	swait.ge [sflag:s11], $0x2700  }
0x54: {  	p1 =	sne.s32 s19, s7;
	[sflag:s11] =	ssyncset.done $0x0  }
.Ltmp1:
0x55: {  	s20 =	simm.s32 @!p0 $0x2;
	[sflag:s11] =	ssyncadd.s32 $0xFFFFD900;
	(pc) =	sbr.rel @p1 .LBB2_1-.Ltmp1, $4  }
0x56: {  	[hbm:s18], [sflag:s6] =	dma.local @!p0 [spmem:s13], $0x100  }
0x57: {  	_ =	swait.ge @!p0 [sflag:s20], $0x100  }
0x58: {  	[sflag:s20] =	ssyncset.done @!p0 $0x0  }
0x59: {  	[sflag:s20] =	ssyncadd.s32 @!p0 $0xFFFFFF00  }
0x5a: {  	_ =	sfence.sel $0x180000  }
0x5b: {  	[bflag:$0x0] =	sbarrier.arrive $0xFFFF  }
0x5c: {  	p0 =	sne.s32 s3, $0x0;
	_ =	strace $0x9000005F  }
0x5d: {  	s0 =	sadd.s32 @!p0 $0x100000, s0;
	[bflag:$0x2] =	sbarrier.arrive $0xFFFF  }
0x5e: {  	[sflag:s0] =	ssyncadd.tile.s32 @!p0 $0x1;
	_ =	shalt  }
.Lfunc_end2:
_tile_overlayer_lowered:
.L_overlay_start_2:
0x5f: {  	(tag) =	ssettag $0x2  }
0x60: {  	s0 =	rddreg [dreg:$0x0];
	s2 =	stileid.u32  }
0x61: {  	s1 =	rddreg [dreg:$0x1];
	p0 =	sne.s32 s2, $0x0  }
0x62: {  	s3 =	rddreg [dreg:$0x2];
	[bflag:$0x3] =	sbarrier.arrive $0xFFFF;
	s2 =	simm.s32 @!p0 $0x1C02  }
0x63: {  	[timem:s3], [sflag:s2] =	dma.local @!p0 [hbm:s0], s1  }
0x64: {  	s0 =	simm.s32 @!p0 $0x2  }
0x65: {  	_ =	swait.ge @!p0 [sflag:s0], s1  }
0x66: {  	s1 =	ssub.s32 @!p0 $0x0, s1;
	[sflag:s0] =	ssyncset.done @!p0 $0x0  }
0x67: {  	[sflag:s0] =	ssyncadd.s32 @!p0 s1  }
0x68: {  	[bflag:$0x3] =	sbarrier.arrive $0xFFFF  }
0x69: {  	_ =	shalt  }

// kernel: kernel.42.cloned.1.call-start
scs
__scs_entry_jumppad:
0x0: {  	(pc) =	sbr.rel $0x88, $3  }
0x1: {  	(tag) =	ssettag $0x0;
	lr =	simm.s32 $0x1  }
0x2: {  	[smem:$0x3F97] =	sst lr;
	_ =	strace $0xD0000000  }
0x3: {  	_ = 	snop  }
0x4: {  	_ = 	snop  }
0x5: {  	_ = 	snop  }
0x6: {  	_ = 	snop  }
0x7: {  	_ = 	snop  }
__scs_overlays_trampoline_lowered:
0x8: {  	[smem:$0x3FA6] =	sst s0  }
0x9: {  	[smem:$0x3FA7] =	sst s1  }
0xa: {  	[smem:$0x3FA8] =	sst s2  }
0xb: {  	[smem:$0x3FA9] =	sst s3  }
0xc: {  	[smem:$0x3FAA] =	sst s4  }
0xd: {  	[smem:$0x3FAB] =	sst s5  }
0xe: {  	[smem:$0x3FAC] =	sst s6  }
0xf: {  	[smem:$0x3FAD] =	sst s7  }
0x10: {  	[smem:$0x3FAE] =	sst s8  }
0x11: {  	[smem:$0x3FAF] =	sst s9;
	s0 =	simm.s32 @!p0 $0x0  }
0x12: {  	s1 =	sld [smem:$0x3F95];
	s0 =	simm.s32 @p0 $0x1  }
0x13: {  	[smem:$0x3FB0] =	sst s0;
	s0 =	simm.s32 @!p1 $0x0  }
0x14: {  	s2 =	sld [smem:$0x3F94];
	s0 =	simm.s32 @p1 $0x1  }
0x15: {  	[smem:$0x3FB1] =	sst s0;
	s0 =	simm.s32 @!p2 $0x0  }
0x16: {  	s3 =	sld [smem:$0x3FDB];
	s0 =	simm.s32 @p2 $0x1  }
0x17: {  	s4 =	simm.s32 $0x1BF5;
	[smem:$0x3FB3] =	sst s0  }
0x18: {  	s0 =	sld [smem:$0x3F96];
	_ =	swait.ge [sflag:s4], $0x0  }
0x19: {  	s7 =	sld [smem:$0x3F97]  }
0x1a: {  	s8 =	sadd.s32 $0xFFFFE003, lr  }
0x1b: {  	s9 =	sadd.s32 $0xFFFFFEF7, lr;
	s5 =	simm.s32 $0xFFFFFFFF;
	p2 =	slt.u32 s8, $0xFFFFF086  }
0x1c: {  	p1 =	slt.u32 s9, $0xF7A;
	s5 =	simm.s32 @!p2 $0x0  }
0x1d: {  	s5 =	simm.s32 @p1 $0x1;
	p0 =	seq.s32 s7, s2  }
0x1e: {  	s7 =	smul.u32 @!p0 $0xF7A, s2;
	p2 =	seq.s32 @!p0 s5, $0x0  }
0x1f: {  	s9 =	smul.u32 $0xF7A, s1;
	s8 =	simm.s32 @!p0 $0x1BF5;
	p2 =	por !p2, p0  }
0x20: {  	[sflag:s8] =	ssyncset.s32 @!p0 $0xFFFFF086;
	s6 =	sadd.s32 @!p0 s3, s7;
	s7 =	simm.s32 @!p0 $0x108  }
0x21: {  	s3 =	sadd.s32 s3, s9;
	s6 =	sadd.s32 @!p0 $0x88, s6;
	s7 =	simm.s32 @p2 $0x1082  }
0x22: {  	[simem:s7], [sflag:s8] =	dma.local @!p0 [hbm:s6], $0xF7A  }
0x23: {  	s9 =	sor.u32 $0xD0000000, s2;
	s6 =	simm.s32 $0x108;
	_ =	swait.ge @!p0 [sflag:s8], $0x0  }
0x24: {  	s3 =	sadd.s32 $0x88, s3;
	s6 =	simm.s32 @!p1 $0x1082;
	[sflag:s4] =	ssyncset.s32 $0xFFFFF086  }
0x25: {  	[simem:s6], [sflag:s4] =	dma.local [hbm:s3], $0xF7A  }
0x26: {  	[smem:$0x3F97] =	sst s1;
	(tag) =	ssettag s2;
	_ =	strace s9  }
0x27: {  	s1 =	sld [smem:$0x3FA7]  }
0x28: {  	s2 =	sld [smem:$0x3FA8]  }
0x29: {  	s4 =	sld [smem:$0x3FAA]  }
0x2a: {  	p0 =	seq.s32 s5, $0x0;
	s5 =	sld [smem:$0x3FAB]  }
0x2b: {  	s6 =	sld [smem:$0x3FAC]  }
0x2c: {  	s7 =	sld [smem:$0x3FAD]  }
0x2d: {  	s3 =	simm.s32 $0x108;
	s8 =	sld [smem:$0x3FAE]  }
0x2e: {  	s3 =	simm.s32 @!p0 $0x1082;
	s9 =	sld [smem:$0x3FAF]  }
0x2f: {  	lr =	sadd.s32 s0, s3;
	s0 =	sld [smem:$0x3FA6]  }
0x30: {  	s3 =	sld [smem:$0x3FA9]  }
0x31: {  	[smem:$0x3FB2] =	sst s10  }
0x32: {  	s10 =	sld [smem:$0x3FB0];
	_ =	sdelay $0x3  }
0x33: {  	p0 =	seq.s32 s10, $0x1;
	s10 =	sld [smem:$0x3FB2];
	_ =	sdelay $0x3  }
0x34: {  	[smem:$0x3FB2] =	sst s10  }
0x35: {  	s10 =	sld [smem:$0x3FB1];
	_ =	sdelay $0x3  }
0x36: {  	p1 =	seq.s32 s10, $0x1;
	s10 =	sld [smem:$0x3FB2];
	_ =	sdelay $0x3  }
0x37: {  	[smem:$0x3FB2] =	sst s10  }
0x38: {  	s10 =	sld [smem:$0x3FB3]  }
0x39: {  	_ = 	snop;
	(pc) =	sbr.ind lr, $3  }
0x3a: {  	_ = 	snop  }
0x3b: {  	_ = 	snop  }
0x3c: {  	p2 =	seq.s32 s10, $0x1;
	s10 =	sld [smem:$0x3FB2]  }
0x3d: {  	_ =	shalt  }
0x3e: {  	_ =	shalt  }
0x3f: {  	_ =	shalt  }
0x40: {  	_ =	shalt  }
0x41: {  	_ =	shalt  }
0x42: {  	_ =	shalt  }
0x43: {  	_ =	shalt  }
0x44: {  	_ =	shalt  }
0x45: {  	_ =	shalt  }
0x46: {  	_ =	shalt  }
0x47: {  	_ =	shalt  }
0x48: {  	_ =	shalt  }
0x49: {  	_ =	shalt  }
0x4a: {  	_ =	shalt  }
0x4b: {  	_ =	shalt  }
0x4c: {  	_ =	shalt  }
0x4d: {  	_ =	shalt  }
0x4e: {  	_ =	shalt  }
0x4f: {  	_ =	shalt  }
0x50: {  	_ =	shalt  }
0x51: {  	_ =	shalt  }
0x52: {  	_ =	shalt  }
0x53: {  	_ =	shalt  }
0x54: {  	_ =	shalt  }
0x55: {  	_ =	shalt  }
0x56: {  	_ =	shalt  }
0x57: {  	_ =	shalt  }
0x58: {  	_ =	shalt  }
0x59: {  	_ =	shalt  }
0x5a: {  	_ =	shalt  }
0x5b: {  	_ =	shalt  }
0x5c: {  	_ =	shalt  }
0x5d: {  	_ =	shalt  }
0x5e: {  	_ =	shalt  }
0x5f: {  	_ =	shalt  }
0x60: {  	_ =	shalt  }
0x61: {  	_ =	shalt  }
0x62: {  	_ =	shalt  }
0x63: {  	_ =	shalt  }
0x64: {  	_ =	shalt  }
0x65: {  	_ =	shalt  }
0x66: {  	_ =	shalt  }
0x67: {  	_ =	shalt  }
0x68: {  	_ =	shalt  }
0x69: {  	_ =	shalt  }
0x6a: {  	_ =	shalt  }
0x6b: {  	_ =	shalt  }
0x6c: {  	_ =	shalt  }
0x6d: {  	_ =	shalt  }
0x6e: {  	_ =	shalt  }
0x6f: {  	_ =	shalt  }
0x70: {  	_ =	shalt  }
0x71: {  	_ =	shalt  }
0x72: {  	_ =	shalt  }
0x73: {  	_ =	shalt  }
0x74: {  	_ =	shalt  }
0x75: {  	_ =	shalt  }
0x76: {  	_ =	shalt  }
0x77: {  	_ =	shalt  }
0x78: {  	_ =	shalt  }
0x79: {  	_ =	shalt  }
0x7a: {  	_ =	shalt  }
0x7b: {  	_ =	shalt  }
0x7c: {  	_ =	shalt  }
0x7d: {  	_ =	shalt  }
0x7e: {  	_ =	shalt  }
0x7f: {  	_ =	shalt  }
0x80: {  	_ =	shalt  }
0x81: {  	_ =	shalt  }
0x82: {  	_ =	shalt  }
0x83: {  	_ =	shalt  }
0x84: {  	_ =	shalt  }
0x85: {  	_ =	shalt  }
0x86: {  	_ =	shalt  }
0x87: {  	_ =	shalt  }
.Lfunc_end0:
.L_simem_size_0:
called_computation.9_lowered:
.L_overlay_start_0:
0x88: {  	s2 =	sld [smem:$0x3FD9]  }
0x89: {  	s3 =	sld [smem:$0x3FFE];
	_ =	sdelay $0x1  }
0x8a: {  	s1 =	srdreg.scid  }
0x8b: {  	s0 =	sand.u32 $0x1, s1  }
0x8c: {  	s14 =	sshll.u32 s0, $0xA;
	s2 =	sadd.s32 s3, s2  }
0x8d: {  	s2 =	sadd.s32 s2, s14  }
0x8e: {  	[smem:$0x3FBE] =	sst s2  }
0x8f: {  	_ = 	snop  }
0x90: {  	s2 =	sld [smem:$0x3FD0];
	_ =	sdelay $0x2  }
0x91: {  	s15 =	simm.s32 $0xA;
	s4 =	simm.s32 $0x10  }
0x92: {  	[smem:s4], [sflag:s15] =	dma.local [hbm:s2], $0x1  }
0x93: {  	_ =	swait.eq [sflag:s15], $0x1  }
0x94: {  	[sflag:s15] =	ssyncset.done $0x0  }
0x95: {  	s16 =	sld [smem:$0x11];
	[sflag:s15] =	ssyncadd.s32 $0xFFFFFFFF  }
0x96: {  	s17 =	sld [smem:$0x12];
	(tm) =	ssettm $0x1  }
0x97: {  	s18 =	sld [smem:$0x3FFB];
	_ =	sdelay $0x3  }
0x98: {  	_ =	strace s18  }
0x99: {  	s4 =	sld [smem:$0x3FFC];
	_ =	sdelay $0x3  }
0x9a: {  	_ =	strace s4  }
0x9b: {  	s4 =	sld [smem:$0x3FFD];
	_ =	sdelay $0x3  }
0x9c: {  	_ =	strace s4  }
0x9d: {  	_ =	strace $0x8FFFFFFF  }
0x9e: {  	s19 =	sld [smem:$0x3FDB];
	_ =	sdelay $0x1  }
0x9f: {  	s5 =	simm.s32 $_scs_section_size  }
0xa0: {  	s6 =	simm.s32 $_size__tile_overlayer_lowered;
	s7 =	simm.s32 $_tile_overlayer_lowered  }
0xa1: {  	s22 =	simm.s32 $0x1BFF;
	s21 =	sshll.u32 s7, $0x1;
	s4 =	sadd.s32 s5, s19  }
0xa2: {  	s8 =	simm.s32 $0x0;
	s20 =	sshll.u32 s6, $0x1;
	s6 =	sadd.s32 s21, s4  }
0xa3: {  	[timem:s8], [sflag:s22] =	dma.local [hbm:s6], s20  }
0xa4: {  	_ =	swait.ge [sflag:s22], s20  }
0xa5: {  	s5 =	ssub.s32 $0x0, s20;
	[sflag:s22] =	ssyncset.done $0x0  }
0xa6: {  	[sflag:s22] =	ssyncadd.s32 s5;
	_ =	sdelay $0x1  }
0xa7: {  	s23 =	simm.s32 $0x1B8B  }
0xa8: {  	_ =	swait.ge [sflag:s23], $0x1  }
0xa9: {  	[sflag:s23] =	ssyncset.done $0x0  }
0xaa: {  	s25 =	simm.s32 $0x1B8E;
	s24 =	sld [smem:$0x3FFE];
	[sflag:s23] =	ssyncadd.s32 $0xFFFFFFFF  }
0xab: {  	s26 =	simm.s32 $execute0_lowered;
	[smem:$0x3FD2] =	sst s25  }
0xac: {  	s6 =	sshll.u32 s26, $0x1;
	_ =	strace $0x80000061;
	[dreg:$0x1] =	wrdreg $0xFFFFFFFF  }
0xad: {  	s28 =	simm.s32 $_size_execute0_lowered;
	s4 =	sadd.s32 s4, s6;
	[dreg:$0x0] =	wrdreg $0x0  }
0xae: {  	s6 =	sshll.u32 s28, $0x1;
	[dreg:$0x2] =	wrdreg s4  }
0xaf: {  	[dreg:$0x3] =	wrdreg s6  }
0xb0: {  	[dreg:$0x4] =	wrdreg $0xC0  }
0xb1: {  	_ =	task [dreg:s8], $0x5FFFF  }
0xb2: {  	[dreg:$0x1] =	wrdreg $0xFFFFFFFF  }
0xb3: {  	[dreg:$0x0] =	wrdreg $0x60  }
0xb4: {  	[dreg:$0x2] =	wrdreg s24  }
0xb5: {  	[dreg:$0x3] =	wrdreg s16  }
0xb6: {  	[dreg:$0x4] =	wrdreg s17  }
0xb7: {  	[dreg:$0x5] =	wrdreg $0x41000  }
0xb8: {  	[dreg:$0x6] =	wrdreg $0x9  }
0xb9: {  	_ =	task.clear_ibuf [dreg:s8], $0x7FFFF;
	_ =	strace $0x90000061  }
0xba: {  	s29 =	simm.s32 $0x9;
	_ =	strace $0x80000063  }
0xbb: {  	_ =	swait.ge [sflag:s29], $0x1  }
0xbc: {  	[sflag:s29] =	ssyncadd.s32 $0xFFFFFFFF  }
0xbd: {  	_ =	strace $0x90000063  }
0xbe: {  	_ =	sfence  }
0xbf: {  	s30 =	sld [smem:$0x0];
	_ =	sdelay $0x2  }
0xc0: {  	s31 =	sshll.u32 s1, $0xD;
	s1 =	sshrl.u32 s1, $0x2  }
0xc1: {  	s3 =	sand.u32 $0x4000, s31;
	s1 =	sadd.s32 s1, s30  }
0xc2: {  	s0 =	sor.u32 s3, s0;
	s1 =	sshll.u32 s1, $0x11  }
0xc3: {  	s0 =	sor.u32 s1, s0  }
0xc4: {  	s0 =	sadd.s32 $0x8F2B, s0  }
0xc5: {  	[sflag:s0] =	ssyncadd.remote.s32 $0x1  }
0xc6: {  	_ =	sfence.sel $0xFFFF  }
0xc7: {  	[dreg:$0x0] =	wrdreg $0xFFFFFFFF;
	(pc) =	sbr.abs _section_cstart, $3  }
0xc8: {  	[dreg:$0x1] =	wrdreg $0xFFFFFFFF  }
0xc9: {  	_ =	task.clear_ibuf [dreg:s8], $0x2FFFF;
	_ =	strace $0x9FFFFFFF  }
0xca: {  	(tm) =	ssettm $0x7FFFFFFF  }
0xcb: {  	_ =	shalt  }
tec
execute0_lowered:
.L_overlay_start_1:
0x0: {  	(tag) =	ssettag $0x1  }
0x1: {  	s6 =	rddreg [dreg:$0x0]  }
0x2: {  	s9 =	rddreg [dreg:$0x1]  }
0x3: {  	s7 =	rddreg [dreg:$0x2]  }
0x4: {  	s1 =	rddreg [dreg:$0x3]  }
0x5: {  	s0 =	rddreg [dreg:$0x4];
	s2 =	simm.s32 $0x0;
	s3 =	srdreg.scid  }
0x6: {  	[smem:$0x7FF] =	sst s2;
	s8 =	sand.u32 $0x1, s3  }
0x7: {  	s19 =	simm.s32 $0x0;
	s3 =	stileid.u32;
	s10 =	smul.u32 $0x27100, s8  }
0x8: {  	s4 =	sadd.s32 $0x4600, s6;
	s5 =	sadd.s32 $0x3200, s6;
	s12 =	smul.u32 $0x4E000, s3  }
0x9: {  	s15 =	sadd.s32 $0x138000, s1;
	_ =	strace $0x80000062;
	s31 =	smul.u32 $0x4F00, s8  }
0xa: {  	s11 =	ssub.s32 $0x2, s8;
	s30 =	sshll.u32 s3, $0x6;
	s16 =	smul.u32 $0x4F0, s3  }
0xb: {  	s17 =	smul.u32 $0x2700, s3;
	p0 =	sne.s32 s3, $0xF;
	s28 =	sshrl.u32 s11, $0x1  }
0xc: {  	s10 =	sadd.s32 s10, s6;
	s11 =	ssub.s32 s11, s28;
	s29 =	sshrl.u32 s12, $0x2  }
0xd: {  	s6 =	sor.u32 $0x1C02, s30;
	s8 =	sadd.s32 s31, s7;
	s9 =	sadd.s32 s31, s9  }
0xe: {  	s13 =	sadd.s32 s29, s1;
	s18 =	sadd.s32 $0x2B800, s10;
	s7 =	smax.u32 s11, $0x1  }
0xf: {  	s8 =	sadd.s32 s16, s8;
	s9 =	sadd.s32 s16, s9;
	s11 =	simm.s32 $0x2  }
0x10: {  	s16 =	simm.s32 $0x1;
	s14 =	sadd.s32 $0x9C00, s13;
	s10 =	sshrl.u32 s13, $0x3  }
0x11: {  	s13 =	sshrl.u32 @!p0 s15, $0x3;
	s15 =	simm.s32 $0x100;
	s17 =	sadd.s32 s17, s18  }
0x12: {  	s18 =	sadd.s32 @!p0 $0x27000, s18;
	s12 =	sshrl.u32 s14, $0x3;
	s14 =	simm.s32 $0x80  }
.LBB2_1:
0x13: {  	[spmem:s10], [sflag:s6] =	dma.local [hbm:s5], $0x1380  }
0x14: {  	_ =	swait.ge [sflag:s11], $0x1380  }
0x15: {  	[sflag:s11] =	ssyncset.done $0x0  }
0x16: {  	[sflag:s11] =	ssyncadd.s32 $0xFFFFEC80  }
0x17: {  	[spmem:s12], [sflag:s6] =	dma.local [hbm:s5], $0x1380  }
0x18: {  	_ =	swait.ge [sflag:s11], $0x1380  }
0x19: {  	[sflag:s11] =	ssyncset.done $0x0  }
0x1a: {  	s20 =	simm.s32 @!p0 $0x2;
	[sflag:s11] =	ssyncadd.s32 $0xFFFFEC80  }
0x1b: {  	[spmem:s13], [sflag:s6] =	dma.local @!p0 [hbm:s5], $0x200  }
0x1c: {  	_ =	swait.ge @!p0 [sflag:s20], $0x200  }
0x1d: {  	[sflag:s20] =	ssyncset.done @!p0 $0x0  }
0x1e: {  	[sflag:s20] =	ssyncadd.s32 @!p0 $0xFFFFFE00  }
0x1f: {  	s30 =	sadd.s32 $0x0, s9;
	[bflag:$0x0] =	sbarrier.arrive $0xFFFF  }
0x20: {  	[tilespmem:s2], [sflag:$0x2] =	stream.linear.gather [hbm4b:s30+s2], $0x80, $0x38;
	[tilespmem:$0x17A00] =	vst v63  }
0x21: {  	_ =	swait.ge [sflag:s11], $0x80  }
0x22: {  	[sflag:s11] =	ssyncset.done $0x0  }
0x23: {  	s31 =	sadd.s32 $0x0, s8;
	[sflag:s11] =	ssyncadd.s32 $0xFFFFFF80  }
0x24: {  	[tilespmem:s14], [sflag:$0x2] =	stream.linear.gather [hbm4b:s31+s2], $0x80, $0x38;
	[tilespmem:$0x17A00] =	vst v63  }
0x25: {  	_ =	swait.ge [sflag:s11], $0x80  }
0x26: {  	[sflag:s11] =	ssyncset.done $0x0  }
0x27: {  	[sflag:s11] =	ssyncadd.s32 $0xFFFFFF80  }
0x28: {  	[tilespmem:s15], [sflag:$0x1] =	stream.indirect.gather [hbm4b:s4+s14], $0x80, s2, s14, $0xb8;
	[tilespmem:$0x17A00] =	vst v63  }
0x29: {  	_ =	swait.ge [sflag:s16], $0x4000  }
0x2a: {  	[sflag:s16] =	ssyncset.done $0x0  }
0x2b: {  	[sflag:s16] =	ssyncadd.s32 $0xFFFFC000  }
0x2c: {  	[spmem:s1] =	stream.indirect.scatter.add.f32 [tilespmem:s15], [sflag:$0x2], $0x80, s14, s14, $0xb8;
	[tilespmem:$0x17A00] =	vst v63  }
0x2d: {  	_ =	swait.ge [sflag:s11], $0x4000  }
0x2e: {  	s21 =	simm.s32 $0x20;
	s20 =	simm.s32 $0x10;
	[sflag:s11] =	ssyncset.done $0x0  }
.LBB2_2:
0x2f: {  	s22 =	sadd.s32 s20, s9  }
0x30: {  	[sflag:s11] =	ssyncadd.s32 $0xFFFFC000;
	s23 =	smov.u32 s21;
	s24 =	sadd.s32 $0x10, s21  }
0x31: {  	[tilespmem:s2], [sflag:$0x2] =	stream.linear.gather [hbm4b:s22+s2], $0x80, $0x38;
	[tilespmem:$0x17A00] =	vst v63  }
0x32: {  	p1 =	sne.s32 s21, $0x4E0;
	_ =	swait.ge [sflag:s11], $0x80  }
0x33: {  	[sflag:s11] =	ssyncset.done $0x0  }
0x34: {  	s21 =	sadd.s32 s20, s8;
	s20 =	smov.u32 s23;
	[sflag:s11] =	ssyncadd.s32 $0xFFFFFF80  }
0x35: {  	[tilespmem:s14], [sflag:$0x2] =	stream.linear.gather [hbm4b:s21+s2], $0x80, $0x38;
	[tilespmem:$0x17A00] =	vst v63  }
0x36: {  	_ =	swait.ge [sflag:s11], $0x80  }
0x37: {  	[sflag:s11] =	ssyncset.done $0x0  }
0x38: {  	[sflag:s11] =	ssyncadd.s32 $0xFFFFFF80  }
0x39: {  	[tilespmem:s15], [sflag:$0x1] =	stream.indirect.gather [hbm4b:s4+s14], $0x80, s2, s14, $0xb8;
	[tilespmem:$0x17A00] =	vst v63  }
0x3a: {  	_ =	swait.ge [sflag:s16], $0x4000  }
.Ltmp0:
0x3b: {  	[sflag:s16] =	ssyncset.done $0x0;
	(pc) =	sbr.rel @p1 .LBB2_2-.Ltmp0, $4  }
0x3c: {  	[sflag:s16] =	ssyncadd.s32 $0xFFFFC000  }
0x3d: {  	[spmem:s1] =	stream.indirect.scatter.add.f32 [tilespmem:s15], [sflag:$0x2], $0x80, s14, s14, $0xb8;
	[tilespmem:$0x17A00] =	vst v63  }
0x3e: {  	_ =	swait.ge [sflag:s11], $0x4000  }
0x3f: {  	s21 =	smov.u32 s24;
	[sflag:s11] =	ssyncset.done $0x0  }
0x40: {  	s21 =	sadd.s32 s20, s9;
	[sflag:s11] =	ssyncadd.s32 $0xFFFFC000  }
0x41: {  	[tilespmem:s2], [sflag:$0x2] =	stream.linear.gather [hbm4b:s21+s2], $0x80, $0x38;
	[tilespmem:$0x17A00] =	vst v63  }
0x42: {  	_ =	swait.ge [sflag:s11], $0x80  }
0x43: {  	[sflag:s11] =	ssyncset.done $0x0  }
0x44: {  	s31 =	sadd.s32 s20, s8;
	[sflag:s11] =	ssyncadd.s32 $0xFFFFFF80  }
0x45: {  	[tilespmem:s14], [sflag:$0x2] =	stream.linear.gather [hbm4b:s31+s2], $0x80, $0x38;
	[tilespmem:$0x17A00] =	vst v63  }
0x46: {  	_ =	swait.ge [sflag:s11], $0x80  }
0x47: {  	[sflag:s11] =	ssyncset.done $0x0  }
0x48: {  	[sflag:s11] =	ssyncadd.s32 $0xFFFFFF80  }
0x49: {  	[tilespmem:s15], [sflag:$0x1] =	stream.indirect.gather [hbm4b:s4+s14], $0x80, s2, s14, $0xb8;
	[tilespmem:$0x17A00] =	vst v63  }
0x4a: {  	_ =	swait.ge [sflag:s16], $0x4000  }
0x4b: {  	[sflag:s16] =	ssyncset.done $0x0  }
0x4c: {  	[sflag:s16] =	ssyncadd.s32 $0xFFFFC000  }
0x4d: {  	[spmem:s1] =	stream.indirect.scatter.add.f32 [tilespmem:s15], [sflag:$0x2], $0x80, s14, s14, $0xb8;
	[tilespmem:$0x17A00] =	vst v63  }
0x4e: {  	_ =	swait.ge [sflag:s11], $0x4000  }
0x4f: {  	[sflag:s11] =	ssyncset.done $0x0  }
0x50: {  	[sflag:s11] =	ssyncadd.s32 $0xFFFFC000  }
0x51: {  	[bflag:$0x0] =	sbarrier.arrive $0xFFFF  }
0x52: {  	[hbm:s17], [sflag:s6] =	dma.local [spmem:s10], $0x2700  }
0x53: {  	s19 =	sadd.s32 $0x1, s19;
	_ =	swait.ge [sflag:s11], $0x2700  }
0x54: {  	p1 =	sne.s32 s19, s7;
	[sflag:s11] =	ssyncset.done $0x0  }
.Ltmp1:
0x55: {  	s20 =	simm.s32 @!p0 $0x2;
	[sflag:s11] =	ssyncadd.s32 $0xFFFFD900;
	(pc) =	sbr.rel @p1 .LBB2_1-.Ltmp1, $4  }
0x56: {  	[hbm:s18], [sflag:s6] =	dma.local @!p0 [spmem:s13], $0x100  }
0x57: {  	_ =	swait.ge @!p0 [sflag:s20], $0x100  }
0x58: {  	[sflag:s20] =	ssyncset.done @!p0 $0x0  }
0x59: {  	[sflag:s20] =	ssyncadd.s32 @!p0 $0xFFFFFF00  }
0x5a: {  	_ =	sfence.sel $0x180000  }
0x5b: {  	[bflag:$0x0] =	sbarrier.arrive $0xFFFF  }
0x5c: {  	p0 =	sne.s32 s3, $0x0;
	_ =	strace $0x90000062  }
0x5d: {  	s0 =	sadd.s32 @!p0 $0x100000, s0;
	[bflag:$0x2] =	sbarrier.arrive $0xFFFF  }
0x5e: {  	[sflag:s0] =	ssyncadd.tile.s32 @!p0 $0x1;
	_ =	shalt  }
.Lfunc_end2:
_tile_overlayer_lowered:
.L_overlay_start_2:
0x5f: {  	(tag) =	ssettag $0x2  }
0x60: {  	s0 =	rddreg [dreg:$0x0];
	s2 =	stileid.u32  }
0x61: {  	s1 =	rddreg [dreg:$0x1];
	p0 =	sne.s32 s2, $0x0  }
0x62: {  	s3 =	rddreg [dreg:$0x2];
	[bflag:$0x3] =	sbarrier.arrive $0xFFFF;
	s2 =	simm.s32 @!p0 $0x1C02  }
0x63: {  	[timem:s3], [sflag:s2] =	dma.local @!p0 [hbm:s0], s1  }
0x64: {  	s0 =	simm.s32 @!p0 $0x2  }
0x65: {  	_ =	swait.ge @!p0 [sflag:s0], s1  }
0x66: {  	s1 =	ssub.s32 @!p0 $0x0, s1;
	[sflag:s0] =	ssyncset.done @!p0 $0x0  }
0x67: {  	[sflag:s0] =	ssyncadd.s32 @!p0 s1  }
0x68: {  	[bflag:$0x3] =	sbarrier.arrive $0xFFFF  }
0x69: {  	_ =	shalt  }

</sc_bundles>
